<compile_context>
chip_gen: v7x
topology: tpu7x:2x2x1
jax: 0.10.2.dev20260603
libtpu: 0.0.44.dev20260713+nightly
codegen_flags: <defaults>
</compile_context>

<pallas_src>
import functools

import jax
import jax.numpy as jnp
from jax import lax
from jax.experimental import pallas as pl
from jax.experimental.pallas import tpu as pltpu
from jax.experimental.pallas import tpu_sc as plsc

N = 10000
E = 160000
EP2 = 163840
NROW2 = 10256
DROWS2 = 648
B1 = 80
B2 = 80
BLK = 1000


def _leaky(z):
    return jnp.maximum(z, 0.2 * z)


def _prep1_body(x_ref, wl_ref, bl_ref, wr_ref, br_ref, wres_ref, bres_ref,
                att_ref, xl_ref, xr_ref, res_ref, init_ref, sden_ref):
    x = x_ref[...]
    xl = x @ wl_ref[...] + bl_ref[...]
    xr = x @ wr_ref[...] + br_ref[...]
    res_ref[...] = x @ wres_ref[...] + bres_ref[...]
    s = _leaky(xl + xr) * att_ref[...]
    dens = []
    for c in range(2):
        xl_ref[c] = xl[:, c * 128:(c + 1) * 128]
        xr_ref[c] = xr[:, c * 128:(c + 1) * 128]
        cols = []
        for h in range(4):
            hh = 4 * c + h
            ex = jnp.exp(jnp.sum(s[:, hh * 32:(hh + 1) * 32], axis=1,
                                 keepdims=True))
            cols.append(ex * xl[:, hh * 32:(hh + 1) * 32])
            dens.append(ex)
        init_ref[c] = jnp.concatenate(cols, axis=1)
    sden_ref[...] = jnp.concatenate(dens, axis=1)


def _prep1(x, Wl1, bl1, Wr1, br1, Wres1, bres1, att1f):
    full = lambda shape: pl.BlockSpec(shape, lambda i: (0,) * len(shape))
    return pl.pallas_call(
        _prep1_body,
        grid=(N // BLK,),
        in_specs=[
            pl.BlockSpec((BLK, 128), lambda i: (i, 0)),
            full((128, 256)), full((1, 256)),
            full((128, 256)), full((1, 256)),
            full((128, 256)), full((1, 256)),
            full((1, 256)),
        ],
        out_specs=[
            pl.BlockSpec((2, BLK, 128), lambda i: (0, i, 0)),
            pl.BlockSpec((2, BLK, 128), lambda i: (0, i, 0)),
            pl.BlockSpec((BLK, 256), lambda i: (i, 0)),
            pl.BlockSpec((2, BLK, 128), lambda i: (0, i, 0)),
            pl.BlockSpec((BLK, 8), lambda i: (i, 0)),
        ],
        out_shape=[
            jax.ShapeDtypeStruct((2, N, 128), jnp.float32),
            jax.ShapeDtypeStruct((2, N, 128), jnp.float32),
            jax.ShapeDtypeStruct((N, 256), jnp.float32),
            jax.ShapeDtypeStruct((2, N, 128), jnp.float32),
            jax.ShapeDtypeStruct((N, 8), jnp.float32),
        ],
    )(x, Wl1, bl1, Wr1, br1, Wres1, bres1, att1f)


_MESH = plsc.VectorSubcoreMesh(core_axis_name="c", subcore_axis_name="s")
_LANE0 = None


DROWS = 632


def _edge1_body(xl_hbm, xr_hbm, src_hbm, dst_hbm, init_hbm, att_hbm,
                out_hbm, outden_hbm,
                acc, accden, idxs, idxd, idxg, idxg2, idxdp, idxden, lb, rb,
                wb, wbden, attv, sem1, sem2):
    c = lax.axis_index("c")
    s = lax.axis_index("s")
    coff = c * N
    pltpu.sync_copy(att_hbm.at[pl.ds(c * 128, 128)], attv)

    @pl.when(s < 15)
    def _():
        pltpu.sync_copy(init_hbm.at[pl.ds(coff + s * 640, 640)],
                        acc.at[pl.ds(s * 640, 640)])

    @pl.when(s == 15)
    def _():
        pltpu.sync_copy(init_hbm.at[pl.ds(coff + 9600, 400)],
                        acc.at[pl.ds(9600, 400)])

    zero16 = jnp.zeros((16,), jnp.float32)

    def zero_wb_all(i, carry):
        for j in range(8):
            wb[i, pl.ds(j * 16, 16)] = zero16
        return carry

    def zero_wbden(i, carry):
        for j in range(8):
            wbden[i, pl.ds(j * 16, 16)] = zero16
        return carry

    lax.fori_loop(0, B1, zero_wb_all, 0)
    lax.fori_loop(0, B1, zero_wbden, 0)

    @pl.when(s < 7)
    def _():
        pltpu.sync_copy(wb, accden.at[pl.ds(s * 80, 80)])

    @pl.when(s == 7)
    def _():
        pltpu.sync_copy(wb.at[pl.ds(0, 72)], accden.at[pl.ds(560, 72)])

    plsc.subcore_barrier()
    attvecs = [attv[pl.ds(j * 16, 16)] for j in range(8)]
    lane0 = jnp.arange(16) == 0

    def chunk(k, carry):
        base = s * 10000 + k * B1
        ci = pltpu.async_copy(src_hbm.at[pl.ds(base, B1)], idxs, sem1)
        cj = pltpu.async_copy(dst_hbm.at[pl.ds(base, B1)],
                              idxdp.at[pl.ds(0, B1)], sem2)
        offv = jnp.full((16,), coff, jnp.int32)
        ci.wait()
        for j in range(B1 // 16):
            sl = pl.ds(j * 16, 16)
            idxg[sl] = idxs[sl] + offv
        cpl = pltpu.async_copy(xl_hbm.at[idxg], lb, sem1)
        cj.wait()
        for j in range(B1 // 16):
            sl = pl.ds(j * 16, 16)
            dv = idxdp[sl]
            idxd[sl] = dv
            idxg2[sl] = dv + offv
            idxden[sl] = lax.shift_right_logical(dv, 4)
        cpr = pltpu.async_copy(xr_hbm.at[idxg2], rb, sem2)
        cpl.wait()
        cpr.wait()

        @plsc.parallel_loop(0, B1, 1, unroll=4)
        def edge(e):
            de = idxdp[pl.ds(e, 16)][0]
            col0 = lax.shift_left(de & 15, 3)
            ev = jnp.full((16,), e, jnp.int32)
            for h in range(4):
                lv = [lb[e, pl.ds(h * 32 + j * 16, 16)] for j in range(2)]
                acc_v = None
                for j in range(2):
                    z = lv[j] + rb[e, pl.ds(h * 32 + j * 16, 16)]
                    t = _leaky(z) * attvecs[2 * h + j]
                    acc_v = t if acc_v is None else acc_v + t
                exv = jnp.exp(jnp.full((16,), jnp.sum(acc_v), jnp.float32))
                for j in range(2):
                    wb[e, pl.ds(h * 32 + j * 16, 16)] = exv * lv[j]
                plsc.addupdate_scatter(
                    wbden, [ev, jnp.full((16,), col0 + h, jnp.int32)],
                    exv, mask=lane0)
        pltpu.sync_copy(wb, acc.at[idxd], add=True)
        pltpu.sync_copy(wbden, accden.at[idxden], add=True)
        lax.fori_loop(0, B1, zero_wbden, 0)
        return carry

    lax.fori_loop(0, 10000 // B1, chunk, 0)
    plsc.subcore_barrier()

    @pl.when(s == 0)
    def _():
        pltpu.sync_copy(accden, outden_hbm.at[pl.ds(c * DROWS, DROWS)])

    @pl.when(s < 15)
    def _():
        pltpu.sync_copy(acc.at[pl.ds(s * 640, 640)],
                        out_hbm.at[pl.ds(coff + s * 640, 640)])

    @pl.when(s == 15)
    def _():
        pltpu.sync_copy(acc.at[pl.ds(9600, 400)],
                        out_hbm.at[pl.ds(9600 + coff, 400)])


_edge1 = pl.kernel(
    _edge1_body,
    out_type=[jax.ShapeDtypeStruct((2 * N, 128), jnp.float32),
              jax.ShapeDtypeStruct((2 * DROWS, 128), jnp.float32)],
    mesh=_MESH,
    compiler_params=pltpu.CompilerParams(needs_layout_passes=False),
    scratch_types=[
        pltpu.VMEM_SHARED((N, 128), jnp.float32),
        pltpu.VMEM_SHARED((DROWS, 128), jnp.float32),
        pltpu.VMEM((B1,), jnp.int32),
        pltpu.VMEM((B1,), jnp.int32),
        pltpu.VMEM((B1,), jnp.int32),
        pltpu.VMEM((B1,), jnp.int32),
        pltpu.VMEM((B1 + 16,), jnp.int32),
        pltpu.VMEM((B1,), jnp.int32),
        pltpu.VMEM((B1, 128), jnp.float32),
        pltpu.VMEM((B1, 128), jnp.float32),
        pltpu.VMEM((B1, 128), jnp.float32),
        pltpu.VMEM((B1, 128), jnp.float32),
        pltpu.VMEM((128,), jnp.float32),
        pltpu.SemaphoreType.DMA,
        pltpu.SemaphoreType.DMA,
    ],
)


def _post1_body(o_ref, d_ref, sd_ref, res_ref, b1_ref, g1_ref, be1_ref,
                wl2_ref, bl2_ref, wr2_ref, br2_ref, wres2_ref, bres2_ref,
                wskip_ref, bskip_ref, att2_ref,
                tab2_ref, res2_ref, skipo_ref, si2_ref, sden2_ref):
    o = o_ref[...]
    d = d_ref[...]
    sd = sd_ref[...]
    pieces = []
    for c in range(2):
        for h in range(4):
            hh = 4 * c + h
            den = d[c, :, h:h + 1] + sd[:, hh:hh + 1]
            pieces.append(o[c, :, h * 32:(h + 1) * 32] / den)
    h1 = jnp.concatenate(pieces, axis=1) + b1_ref[...]
    mu = jnp.mean(h1, axis=1, keepdims=True)
    var = jnp.mean((h1 - mu) * (h1 - mu), axis=1, keepdims=True)
    h1 = (h1 - mu) / jnp.sqrt(var + 1e-5) * g1_ref[...] + be1_ref[...]
    h1 = h1 + res_ref[...]
    h1 = jnp.where(h1 > 0, h1, jnp.exp(jnp.minimum(h1, 0.0)) - 1.0)
    xl2 = h1 @ wl2_ref[...] + bl2_ref[...]
    xr2 = h1 @ wr2_ref[...] + br2_ref[...]
    tab2_ref[...] = jnp.concatenate(
        [xl2, xr2, jnp.zeros((BLK, 64), jnp.float32)], axis=1)
    res2_ref[...] = h1 @ wres2_ref[...] + bres2_ref[...]
    skipo_ref[...] = h1 @ wskip_ref[...] + bskip_ref[...]
    ex2 = jnp.exp(jnp.sum(_leaky(xl2 + xr2) * att2_ref[...], axis=1,
                          keepdims=True))
    si2_ref[...] = ex2 * xl2
    sden2_ref[...] = ex2


def _post1(out1, den1, sden1, res1, bias1, g1, be1, Wl2, bl2, Wr2, br2,
           Wres2, bres2, Wskip, bskip, att2f):
    full = lambda shape: pl.BlockSpec(shape, lambda i: (0,) * len(shape))
    blk32 = pl.BlockSpec((BLK, 32), lambda i: (i, 0))
    blk128 = pl.BlockSpec((BLK, 128), lambda i: (i, 0))
    return pl.pallas_call(
        _post1_body,
        grid=(N // BLK,),
        in_specs=[
            pl.BlockSpec((2, BLK, 128), lambda i: (0, i, 0)),
            pl.BlockSpec((2, BLK, 8), lambda i: (0, i, 0)),
            pl.BlockSpec((BLK, 8), lambda i: (i, 0)),
            pl.BlockSpec((BLK, 256), lambda i: (i, 0)),
            full((1, 256)), full((1, 256)), full((1, 256)),
            full((256, 32)), full((1, 32)),
            full((256, 32)), full((1, 32)),
            full((256, 32)), full((1, 32)),
            full((256, 32)), full((1, 32)),
            full((1, 32)),
        ],
        out_specs=[blk128, blk32, blk32, blk32,
                   pl.BlockSpec((BLK, 1), lambda i: (i, 0))],
        out_shape=[
            jax.ShapeDtypeStruct((N, 128), jnp.float32),
            jax.ShapeDtypeStruct((N, 32), jnp.float32),
            jax.ShapeDtypeStruct((N, 32), jnp.float32),
            jax.ShapeDtypeStruct((N, 32), jnp.float32),
            jax.ShapeDtypeStruct((N, 1), jnp.float32),
        ],
    )(out1, den1, sden1, res1, bias1, g1, be1, Wl2, bl2, Wr2, br2,
      Wres2, bres2, Wskip, bskip, att2f)


def _edge2_body(tab_hbm, src_hbm, dst_hbm, init_hbm, att_hbm,
                out_hbm, outden_hbm,
                acc, accden, idxs, idxd, idxdp, idxden, lb, rb, wb, wbden,
                attv, sem1, sem2):
    c = lax.axis_index("c")
    s = lax.axis_index("s")
    w = c * 16 + s

    pltpu.sync_copy(att_hbm, attv)

    @pl.when(s < 15)
    def _():
        pltpu.sync_copy(init_hbm.at[pl.ds(c * NROW2 + s * 640, 640)],
                        acc.at[pl.ds(s * 640, 640)])

    @pl.when(s == 15)
    def _():
        pltpu.sync_copy(init_hbm.at[pl.ds(c * NROW2 + 9600, NROW2 - 9600)],
                        acc.at[pl.ds(9600, NROW2 - 9600)])

    zero16 = jnp.zeros((16,), jnp.float32)

    def zero_wb_all(i, carry):
        for j in range(8):
            wb[i, pl.ds(j * 16, 16)] = zero16
        return carry

    def zero_wbden(i, carry):
        for j in range(8):
            wbden[i, pl.ds(j * 16, 16)] = zero16
        return carry

    lax.fori_loop(0, B2, zero_wb_all, 0)
    lax.fori_loop(0, B2, zero_wbden, 0)

    @pl.when(s < 8)
    def _():
        pltpu.sync_copy(wbden, accden.at[pl.ds(s * 80, 80)])

    @pl.when(s == 8)
    def _():
        pltpu.sync_copy(wbden.at[pl.ds(0, 8)], accden.at[pl.ds(640, 8)])

    plsc.subcore_barrier()
    att0 = attv[pl.ds(0, 16)]
    att1v = attv[pl.ds(16, 16)]
    lane0 = jnp.arange(16) == 0

    def chunk(k, carry):
        base = w * (EP2 // 32) + k * B2
        ci = pltpu.async_copy(src_hbm.at[pl.ds(base, B2)], idxs, sem1)
        cj = pltpu.async_copy(dst_hbm.at[pl.ds(base, B2)],
                              idxdp.at[pl.ds(0, B2)], sem2)
        ci.wait()
        cj.wait()
        for j in range(B2 // 16):
            sl = pl.ds(j * 16, 16)
            dv = idxdp[sl]
            idxd[sl] = dv
            idxden[sl] = lax.shift_right_logical(dv, 4)
        cpl = pltpu.async_copy(tab_hbm.at[idxs], lb, sem1)
        cpr = pltpu.async_copy(tab_hbm.at[idxd], rb, sem2)
        cpl.wait()
        cpr.wait()

        @plsc.parallel_loop(0, B2, 1, unroll=4)
        def edge(e):
            de = idxdp[pl.ds(e, 16)][0]
            col0 = lax.shift_left(de & 15, 3)
            l0 = lb[e, pl.ds(0, 16)]
            l1 = lb[e, pl.ds(16, 16)]
            z0 = l0 + rb[e, pl.ds(32, 16)]
            z1 = l1 + rb[e, pl.ds(48, 16)]
            al = jnp.sum(_leaky(z0) * att0 + _leaky(z1) * att1v)
            exv = jnp.exp(jnp.full((16,), al, jnp.float32))
            wb[e, pl.ds(0, 16)] = exv * l0
            wb[e, pl.ds(16, 16)] = exv * l1
            plsc.addupdate_scatter(
                wbden, [jnp.full((16,), e, jnp.int32),
                        jnp.full((16,), col0, jnp.int32)],
                exv, mask=lane0)
        pltpu.sync_copy(wb, acc.at[idxd], add=True)
        pltpu.sync_copy(wbden, accden.at[idxden], add=True)
        lax.fori_loop(0, B2, zero_wbden, 0)
        return carry

    lax.fori_loop(0, EP2 // 32 // B2, chunk, 0)
    plsc.subcore_barrier()

    @pl.when(s == 0)
    def _():
        pltpu.sync_copy(accden, outden_hbm.at[pl.ds(c * DROWS2, DROWS2)])

    @pl.when(s < 15)
    def _():
        pltpu.sync_copy(acc.at[pl.ds(s * 640, 640)],
                        out_hbm.at[pl.ds(c * NROW2 + s * 640, 640)])

    @pl.when(s == 15)
    def _():
        pltpu.sync_copy(acc.at[pl.ds(9600, NROW2 - 9600)],
                        out_hbm.at[pl.ds(c * NROW2 + 9600, NROW2 - 9600)])


_edge2 = pl.kernel(
    _edge2_body,
    out_type=[jax.ShapeDtypeStruct((2 * NROW2, 128), jnp.float32),
              jax.ShapeDtypeStruct((2 * DROWS2, 128), jnp.float32)],
    mesh=_MESH,
    compiler_params=pltpu.CompilerParams(needs_layout_passes=False),
    scratch_types=[
        pltpu.VMEM_SHARED((NROW2, 128), jnp.float32),
        pltpu.VMEM_SHARED((DROWS2, 128), jnp.float32),
        pltpu.VMEM((B2,), jnp.int32),
        pltpu.VMEM((B2,), jnp.int32),
        pltpu.VMEM((B2 + 16,), jnp.int32),
        pltpu.VMEM((B2,), jnp.int32),
        pltpu.VMEM((B2, 128), jnp.float32),
        pltpu.VMEM((B2, 128), jnp.float32),
        pltpu.VMEM((B2, 128), jnp.float32),
        pltpu.VMEM((B2, 128), jnp.float32),
        pltpu.VMEM((32,), jnp.float32),
        pltpu.SemaphoreType.DMA,
        pltpu.SemaphoreType.DMA,
    ],
)


def _post2_body(o_ref, d_ref, sd_ref, res2_ref, skipo_ref, b2_ref, g2_ref,
                be2_ref, wout_ref, bout_ref, out_ref):
    num = o_ref[0, :, :32] + o_ref[1, :, :32]
    d = d_ref[...]
    den = d[0, :, 0:1] + d[1, :, 0:1] + sd_ref[...]
    h2 = num / den + b2_ref[...]
    mu = jnp.mean(h2, axis=1, keepdims=True)
    var = jnp.mean((h2 - mu) * (h2 - mu), axis=1, keepdims=True)
    h2 = (h2 - mu) / jnp.sqrt(var + 1e-5) * g2_ref[...] + be2_ref[...]
    h2 = h2 + res2_ref[...]
    h2 = jnp.where(h2 > 0, h2, jnp.exp(jnp.minimum(h2, 0.0)) - 1.0)
    h2 = h2 + skipo_ref[...]
    out_ref[...] = h2 @ wout_ref[...] + bout_ref[...]


def _post2(out2, den2, sden2, res2, skipo, bias2, g2, be2, Wout, bout):
    full = lambda shape: pl.BlockSpec(shape, lambda i: (0,) * len(shape))
    blk32 = pl.BlockSpec((BLK, 32), lambda i: (i, 0))
    return pl.pallas_call(
        _post2_body,
        grid=(N // BLK,),
        in_specs=[
            pl.BlockSpec((2, BLK, 128), lambda i: (0, i, 0)),
            pl.BlockSpec((2, BLK, 8), lambda i: (0, i, 0)),
            pl.BlockSpec((BLK, 1), lambda i: (i, 0)),
            blk32, blk32,
            full((1, 32)), full((1, 32)), full((1, 32)),
            full((32, 64)), full((1, 64)),
        ],
        out_specs=pl.BlockSpec((BLK, 64), lambda i: (i, 0)),
        out_shape=jax.ShapeDtypeStruct((N, 64), jnp.float32),
    )(out2, den2, sden2, res2, skipo, bias2, g2, be2, Wout, bout)


def kernel(x, edge_index, Wl1, bl1, Wr1, br1, att1, bias1, Wl2, bl2, Wr2, br2,
           att2, bias2, g1, be1, g2, be2, Wres1, bres1, Wres2, bres2, Wskip,
           bskip, Wout, bout):
    src = edge_index[0]
    dst = edge_index[1]
    xl_sp, xr_sp, res1, init1, sden1 = _prep1(
        x, Wl1, bl1.reshape(1, -1), Wr1, br1.reshape(1, -1),
        Wres1, bres1.reshape(1, -1), att1.reshape(1, 256))
    out1, den1 = _edge1(xl_sp.reshape(2 * N, 128), xr_sp.reshape(2 * N, 128),
                        src, dst, init1.reshape(2 * N, 128),
                        att1.reshape(256))
    tab2, res2, skipo, si2, sden2 = _post1(
        out1.reshape(2, N, 128), den1.reshape(2, 16 * DROWS, 8), sden1, res1,
        bias1.reshape(1, -1), g1.reshape(1, -1), be1.reshape(1, -1),
        Wl2, bl2.reshape(1, -1), Wr2, br2.reshape(1, -1),
        Wres2, bres2.reshape(1, -1), Wskip, bskip.reshape(1, -1),
        att2.reshape(1, 32))
    i = jnp.arange(EP2 - E, dtype=jnp.int32)
    dpad = N + ((i % 16) * 16 + (i // 16) % 16)
    src2 = jnp.concatenate([src, i])
    dst2 = jnp.concatenate([dst, dpad])
    si2p = jnp.concatenate(
        [si2, jnp.zeros((N, 96), jnp.float32)], axis=1)
    init2 = jnp.concatenate(
        [si2p, jnp.zeros((NROW2 - N, 128), jnp.float32),
         jnp.zeros((NROW2, 128), jnp.float32)], axis=0)
    tab2p = jnp.concatenate(
        [tab2, jnp.zeros((NROW2 - N, 128), jnp.float32)], axis=0)
    out2, den2 = _edge2(tab2p, src2, dst2, init2, att2.reshape(32))
    return _post2(out2.reshape(2, NROW2, 128),
                  den2.reshape(2, 16 * DROWS2, 8),
                  sden2, res2, skipo, bias2.reshape(1, -1),
                  g2.reshape(1, -1), be2.reshape(1, -1), Wout,
                  bout.reshape(1, -1))

# --- scband reference (transcript-rebuilt; emitter-appended) ---
"""Pipeline reference for scband-gatmodel-34265249087668 (READ-ONLY COPY).

The authoritative reference and input builder live on the scoring server;
editing this copy changes nothing except your own understanding.
"""

import jax, jax.numpy as jnp
import numpy as np

N = 10000
E = 160000
IN = 128
HID = 32
HEADS = 8
OUT = 64
HC = HID * HEADS

def _dense(k, fi, fo):
    return jax.random.normal(k, (fi, fo), jnp.float32) / jnp.sqrt(fi)

def setup_inputs(seed: int = 0):
    key = jax.random.key(seed)
    ks = jax.random.split(key, 16)
    inp = {}
    inp['x'] = jax.random.normal(ks[0], (N, IN), jnp.float32)
    inp['edge_index'] = jax.random.randint(ks[1], (2, E), 0, N, dtype=jnp.int32)
    inp['Wl1'] = _dense(ks[2], IN, HC); inp['bl1'] = jnp.zeros((HC,), jnp.float32)
    inp['Wr1'] = _dense(ks[3], IN, HC); inp['br1'] = jnp.zeros((HC,), jnp.float32)
    inp['att1'] = jax.random.normal(ks[4], (HEADS, HID), jnp.float32) / jnp.sqrt(HID)
    inp['bias1'] = jnp.zeros((HC,), jnp.float32)
    inp['Wl2'] = _dense(ks[5], HC, HID); inp['bl2'] = jnp.zeros((HID,), jnp.float32)
    inp['Wr2'] = _dense(ks[6], HC, HID); inp['br2'] = jnp.zeros((HID,), jnp.float32)
    inp['att2'] = jax.random.normal(ks[7], (1, HID), jnp.float32) / jnp.sqrt(HID)
    inp['bias2'] = jnp.zeros((HID,), jnp.float32)
    inp['g1'] = jnp.ones((HC,), jnp.float32); inp['be1'] = jnp.zeros((HC,), jnp.float32)
    inp['g2'] = jnp.ones((HID,), jnp.float32); inp['be2'] = jnp.zeros((HID,), jnp.float32)
    inp['Wres1'] = _dense(ks[8], IN, HC); inp['bres1'] = jnp.zeros((HC,), jnp.float32)
    inp['Wres2'] = _dense(ks[9], HC, HID); inp['bres2'] = jnp.zeros((HID,), jnp.float32)
    inp['Wskip'] = _dense(ks[10], HC, HID); inp['bskip'] = jnp.zeros((HID,), jnp.float32)
    inp['Wout'] = _dense(ks[11], HID, OUT); inp['bout'] = jnp.zeros((OUT,), jnp.float32)
    return inp

def _ln(h, g, b):
    mu = jnp.mean(h, axis=-1, keepdims=True)
    var = jnp.var(h, axis=-1, keepdims=True)
    return (h - mu) / jnp.sqrt(var + 1e-5) * g + b

def _gatv2(x, src, dst, Wl, bl, Wr, br, att, bias, heads, C, concat):
    n = x.shape[0]
    xl = (x @ Wl + bl).reshape(n, heads, C)
    xr = (x @ Wr + br).reshape(n, heads, C)
    e = jax.nn.leaky_relu(xl[src] + xr[dst], 0.2)
    alpha = jnp.sum(e * att[None, :, :], axis=-1)
    amax = jax.lax.stop_gradient(jax.ops.segment_max(alpha, dst, num_segments=n))
    amax = jnp.where(jnp.isfinite(amax), amax, 0.0)
    ex = jnp.exp(alpha - amax[dst])
    denom = jax.ops.segment_sum(ex, dst, num_segments=n)
    a = ex / (denom[dst] + 1e-16)
    out = jax.ops.segment_sum(xl[src] * a[:, :, None], dst, num_segments=n)
    out = out.reshape(n, heads * C) if concat else jnp.mean(out, axis=1)
    return out + bias

def reference(x, edge_index, Wl1, bl1, Wr1, br1, att1, bias1, Wl2, bl2, Wr2, br2, att2, bias2, g1, be1, g2, be2, Wres1, bres1, Wres2, bres2, Wskip, bskip, Wout, bout):
    n = x.shape[0]
    loops = jnp.arange(n, dtype=edge_index.dtype)
    src = jnp.concatenate([edge_index[0], loops])
    dst = jnp.concatenate([edge_index[1], loops])
    identity = x
    h = _gatv2(x, src, dst, Wl1, bl1, Wr1, br1, att1, bias1, HEADS, HID, True)
    h = _ln(h, g1, be1)
    h = h + identity @ Wres1 + bres1
    h = jax.nn.elu(h)
    skip_in = h
    h2 = _gatv2(h, src, dst, Wl2, bl2, Wr2, br2, att2, bias2, 1, HID, False)
    h2 = _ln(h2, g2, be2)
    h2 = h2 + skip_in @ Wres2 + bres2
    h2 = jax.nn.elu(h2)
    h2 = h2 + skip_in @ Wskip + bskip
    return h2 @ Wout + bout

if __name__ == "__main__":
    import jax
    _d = setup_inputs()
    print(jax.jit(kernel)(*tuple(_d.values())))

</pallas_src>

<mosaic_0001>
#map = affine_map<(d0, d1) -> (0, 0)>
#map1 = affine_map<(d0, d1) -> (0)>
module attributes {stable_mosaic.version = 14 : i64} {
  func.func @_edge1_body(%arg0: i32, %arg1: i32, %arg2: memref<20000x128xf32, #tpu.memory_space<hbm>>, %arg3: memref<20000x128xf32, #tpu.memory_space<hbm>>, %arg4: memref<160000xi32, #tpu.memory_space<hbm>>, %arg5: memref<160000xi32, #tpu.memory_space<hbm>>, %arg6: memref<20000x128xf32, #tpu.memory_space<hbm>>, %arg7: memref<256xf32, #tpu.memory_space<hbm>>, %arg8: memref<20000x128xf32, #tpu.memory_space<hbm>>, %arg9: memref<1264x128xf32, #tpu.memory_space<hbm>>, %arg10: memref<10000x128xf32, #tpu.memory_space<vmem_shared>>, %arg11: memref<632x128xf32, #tpu.memory_space<vmem_shared>>, %arg12: memref<80xi32, #tpu.memory_space<vmem>>, %arg13: memref<80xi32, #tpu.memory_space<vmem>>, %arg14: memref<80xi32, #tpu.memory_space<vmem>>, %arg15: memref<80xi32, #tpu.memory_space<vmem>>, %arg16: memref<96xi32, #tpu.memory_space<vmem>>, %arg17: memref<80xi32, #tpu.memory_space<vmem>>, %arg18: memref<80x128xf32, #tpu.memory_space<vmem>>, %arg19: memref<80x128xf32, #tpu.memory_space<vmem>>, %arg20: memref<80x128xf32, #tpu.memory_space<vmem>>, %arg21: memref<80x128xf32, #tpu.memory_space<vmem>>, %arg22: memref<128xf32, #tpu.memory_space<vmem>>, %arg23: memref<!tpu.dma_semaphore, #tpu.memory_space<semaphore_mem>>, %arg24: memref<!tpu.dma_semaphore, #tpu.memory_space<semaphore_mem>>) attributes {dimension_semantics = [#tpu.dimension_semantics<core_parallel>, #tpu.dimension_semantics<subcore_parallel>], iteration_bounds = array<i64: 2, 16>, scalar_prefetch = 0 : i64, scratch_operands = 15 : i64, tpu.core_type = #tpu.core_type<sc_vector_subcore>, window_params = [{transform_indices = #map}, {transform_indices = #map}, {transform_indices = #map1}, {transform_indices = #map1}, {transform_indices = #map}, {transform_indices = #map1}, {transform_indices = #map}, {transform_indices = #map}]} {
    %mul3A = arith.constant 10000 : i32
    %mul3A_0 = arith.muli %arg0, %mul3A : i32
    %mul3A_1 = arith.constant 128 : i32
    %mul3A_2 = arith.muli %arg0, %mul3A_1 : i32
    "tpu.region"() ({
      %run_scoped3A = tpu.sem_alloc : memref<!tpu.dma_semaphore, #tpu.memory_space<semaphore_mem>>
      %dma_start3A = tpu.memref_slice %arg7[%mul3A_2] : memref<256xf32, #tpu.memory_space<hbm>> -> memref<128xf32, #tpu.memory_space<hbm>>
      %dma_start3A_71 = tpu.memref_slice %arg7[%mul3A_2] : memref<256xf32, #tpu.memory_space<hbm>> -> memref<128xf32, #tpu.memory_space<hbm>>
      tpu.enqueue_dma source(%dma_start3A_71 : memref<128xf32, #tpu.memory_space<hbm>>) target(%arg22 : memref<128xf32, #tpu.memory_space<vmem>>) target_semaphore(%run_scoped3A : memref<!tpu.dma_semaphore, #tpu.memory_space<semaphore_mem>>)
      %dma_wait3A = tpu.memref_slice %arg7[%mul3A_2] : memref<256xf32, #tpu.memory_space<hbm>> -> memref<128xf32, #tpu.memory_space<hbm>>
      %dma_wait3A_72 = tpu.memref_slice %arg7[%mul3A_2] : memref<256xf32, #tpu.memory_space<hbm>> -> memref<128xf32, #tpu.memory_space<hbm>>
      tpu.wait_dma2 semaphore(%run_scoped3A : memref<!tpu.dma_semaphore, #tpu.memory_space<semaphore_mem>>) src(%dma_wait3A_72 : memref<128xf32, #tpu.memory_space<hbm>>) dst(%arg22 : memref<128xf32, #tpu.memory_space<vmem>>)
      tpu.yield
    }) : () -> ()
    %lt3A = arith.constant 15 : i32
    %lt3A_3 = arith.cmpi slt, %arg1, %lt3A : i32
    %convert_element_type3A = arith.extui %lt3A_3 : i1 to i32
    %cond3A = arith.constant 0 : i32
    %cond3A_4 = arith.cmpi ne, %convert_element_type3A, %cond3A : i32
    scf.if %cond3A_4 {
      %mul3A_71 = arith.constant 640 : i32
      %mul3A_72 = arith.muli %arg1, %mul3A_71 : i32
      %add3A = arith.addi %mul3A_0, %mul3A_72 : i32
      %mul3A_73 = arith.constant 640 : i32
      %mul3A_74 = arith.muli %arg1, %mul3A_73 : i32
      "tpu.region"() ({
        %run_scoped3A = tpu.sem_alloc : memref<!tpu.dma_semaphore, #tpu.memory_space<semaphore_mem>>
        %dma_start3A = arith.constant 0 : i32
        %dma_start3A_75 = tpu.memref_slice %arg10[%mul3A_74, %dma_start3A] : memref<10000x128xf32, #tpu.memory_space<vmem_shared>> -> memref<640x128xf32, #tpu.memory_space<vmem_shared>>
        %dma_start3A_76 = arith.constant 0 : i32
        %dma_start3A_77 = tpu.memref_slice %arg6[%add3A, %dma_start3A_76] : memref<20000x128xf32, #tpu.memory_space<hbm>> -> memref<640x128xf32, #tpu.memory_space<hbm>>
        tpu.enqueue_dma source(%dma_start3A_77 : memref<640x128xf32, #tpu.memory_space<hbm>>) target(%dma_start3A_75 : memref<640x128xf32, #tpu.memory_space<vmem_shared>>) target_semaphore(%run_scoped3A : memref<!tpu.dma_semaphore, #tpu.memory_space<semaphore_mem>>)
        %dma_wait3A = arith.constant 0 : i32
        %dma_wait3A_78 = tpu.memref_slice %arg10[%mul3A_74, %dma_wait3A] : memref<10000x128xf32, #tpu.memory_space<vmem_shared>> -> memref<640x128xf32, #tpu.memory_space<vmem_shared>>
        %dma_wait3A_79 = arith.constant 0 : i32
        %dma_wait3A_80 = tpu.memref_slice %arg6[%add3A, %dma_wait3A_79] : memref<20000x128xf32, #tpu.memory_space<hbm>> -> memref<640x128xf32, #tpu.memory_space<hbm>>
        tpu.wait_dma2 semaphore(%run_scoped3A : memref<!tpu.dma_semaphore, #tpu.memory_space<semaphore_mem>>) src(%dma_wait3A_80 : memref<640x128xf32, #tpu.memory_space<hbm>>) dst(%dma_wait3A_78 : memref<640x128xf32, #tpu.memory_space<vmem_shared>>)
        tpu.yield
      }) : () -> ()
    } else {
    }
    %eq3A = arith.constant 15 : i32
    %eq3A_5 = arith.cmpi eq, %arg1, %eq3A : i32
    %convert_element_type3A_6 = arith.extui %eq3A_5 : i1 to i32
    %cond3A_7 = arith.constant 0 : i32
    %cond3A_8 = arith.cmpi ne, %convert_element_type3A_6, %cond3A_7 : i32
    scf.if %cond3A_8 {
      %add3A = arith.constant 9600 : i32
      %add3A_71 = arith.addi %mul3A_0, %add3A : i32
      "tpu.region"() ({
        %run_scoped3A = tpu.sem_alloc : memref<!tpu.dma_semaphore, #tpu.memory_space<semaphore_mem>>
        %dma_start3A = arith.constant 9600 : i32
        %dma_start3A_72 = arith.constant 0 : i32
        %dma_start3A_73 = tpu.memref_slice %arg10[%dma_start3A, %dma_start3A_72] : memref<10000x128xf32, #tpu.memory_space<vmem_shared>> -> memref<400x128xf32, #tpu.memory_space<vmem_shared>>
        %dma_start3A_74 = arith.constant 0 : i32
        %dma_start3A_75 = tpu.memref_slice %arg6[%add3A_71, %dma_start3A_74] : memref<20000x128xf32, #tpu.memory_space<hbm>> -> memref<400x128xf32, #tpu.memory_space<hbm>>
        tpu.enqueue_dma source(%dma_start3A_75 : memref<400x128xf32, #tpu.memory_space<hbm>>) target(%dma_start3A_73 : memref<400x128xf32, #tpu.memory_space<vmem_shared>>) target_semaphore(%run_scoped3A : memref<!tpu.dma_semaphore, #tpu.memory_space<semaphore_mem>>)
        %dma_wait3A = arith.constant 9600 : i32
        %dma_wait3A_76 = arith.constant 0 : i32
        %dma_wait3A_77 = tpu.memref_slice %arg10[%dma_wait3A, %dma_wait3A_76] : memref<10000x128xf32, #tpu.memory_space<vmem_shared>> -> memref<400x128xf32, #tpu.memory_space<vmem_shared>>
        %dma_wait3A_78 = arith.constant 0 : i32
        %dma_wait3A_79 = tpu.memref_slice %arg6[%add3A_71, %dma_wait3A_78] : memref<20000x128xf32, #tpu.memory_space<hbm>> -> memref<400x128xf32, #tpu.memory_space<hbm>>
        tpu.wait_dma2 semaphore(%run_scoped3A : memref<!tpu.dma_semaphore, #tpu.memory_space<semaphore_mem>>) src(%dma_wait3A_79 : memref<400x128xf32, #tpu.memory_space<hbm>>) dst(%dma_wait3A_77 : memref<400x128xf32, #tpu.memory_space<vmem_shared>>)
        tpu.yield
      }) : () -> ()
    } else {
    }
    %broadcast_in_dim3A = arith.constant 0.000000e+00 : f32
    %broadcast_in_dim3A_9 = vector.broadcast %broadcast_in_dim3A : f32 to vector<16xf32>
    %scan3A = arith.constant 0 : i32
    %scan3A_10 = arith.constant 0 : i32
    %scan3A_11 = arith.constant 80 : i32
    %scan3A_12 = arith.addi %scan3A_10, %scan3A_11 : i32
    %scan3A_13 = arith.constant 1 : i32
    scf.for %scan3A_71 = %scan3A_10 to %scan3A_12 step %scan3A_13  : i32 {
      %swap3A = arith.index_cast %scan3A_71 : i32 to index
      %swap3A_72 = arith.constant 0 : index
      %swap3A_73 = tpu.vector_load %arg20[%swap3A, %swap3A_72] {strides = array<i32>} : memref<80x128xf32, #tpu.memory_space<vmem>>, vector<16xf32>,
      tpu.vector_store %arg20[%swap3A, %swap3A_72], %broadcast_in_dim3A_9 {strides = array<i32>} : memref<80x128xf32, #tpu.memory_space<vmem>>, vector<16xf32>,
      %swap3A_74 = arith.index_cast %scan3A_71 : i32 to index
      %swap3A_75 = arith.constant 16 : index
      %swap3A_76 = tpu.vector_load %arg20[%swap3A_74, %swap3A_75] {strides = array<i32>} : memref<80x128xf32, #tpu.memory_space<vmem>>, vector<16xf32>,
      tpu.vector_store %arg20[%swap3A_74, %swap3A_75], %broadcast_in_dim3A_9 {strides = array<i32>} : memref<80x128xf32, #tpu.memory_space<vmem>>, vector<16xf32>,
      %swap3A_77 = arith.index_cast %scan3A_71 : i32 to index
      %swap3A_78 = arith.constant 32 : index
      %swap3A_79 = tpu.vector_load %arg20[%swap3A_77, %swap3A_78] {strides = array<i32>} : memref<80x128xf32, #tpu.memory_space<vmem>>, vector<16xf32>,
      tpu.vector_store %arg20[%swap3A_77, %swap3A_78], %broadcast_in_dim3A_9 {strides = array<i32>} : memref<80x128xf32, #tpu.memory_space<vmem>>, vector<16xf32>,
      %swap3A_80 = arith.index_cast %scan3A_71 : i32 to index
      %swap3A_81 = arith.constant 48 : index
      %swap3A_82 = tpu.vector_load %arg20[%swap3A_80, %swap3A_81] {strides = array<i32>} : memref<80x128xf32, #tpu.memory_space<vmem>>, vector<16xf32>,
      tpu.vector_store %arg20[%swap3A_80, %swap3A_81], %broadcast_in_dim3A_9 {strides = array<i32>} : memref<80x128xf32, #tpu.memory_space<vmem>>, vector<16xf32>,
      %swap3A_83 = arith.index_cast %scan3A_71 : i32 to index
      %swap3A_84 = arith.constant 64 : index
      %swap3A_85 = tpu.vector_load %arg20[%swap3A_83, %swap3A_84] {strides = array<i32>} : memref<80x128xf32, #tpu.memory_space<vmem>>, vector<16xf32>,
      tpu.vector_store %arg20[%swap3A_83, %swap3A_84], %broadcast_in_dim3A_9 {strides = array<i32>} : memref<80x128xf32, #tpu.memory_space<vmem>>, vector<16xf32>,
      %swap3A_86 = arith.index_cast %scan3A_71 : i32 to index
      %swap3A_87 = arith.constant 80 : index
      %swap3A_88 = tpu.vector_load %arg20[%swap3A_86, %swap3A_87] {strides = array<i32>} : memref<80x128xf32, #tpu.memory_space<vmem>>, vector<16xf32>,
      tpu.vector_store %arg20[%swap3A_86, %swap3A_87], %broadcast_in_dim3A_9 {strides = array<i32>} : memref<80x128xf32, #tpu.memory_space<vmem>>, vector<16xf32>,
      %swap3A_89 = arith.index_cast %scan3A_71 : i32 to index
      %swap3A_90 = arith.constant 96 : index
      %swap3A_91 = tpu.vector_load %arg20[%swap3A_89, %swap3A_90] {strides = array<i32>} : memref<80x128xf32, #tpu.memory_space<vmem>>, vector<16xf32>,
      tpu.vector_store %arg20[%swap3A_89, %swap3A_90], %broadcast_in_dim3A_9 {strides = array<i32>} : memref<80x128xf32, #tpu.memory_space<vmem>>, vector<16xf32>,
      %swap3A_92 = arith.index_cast %scan3A_71 : i32 to index
      %swap3A_93 = arith.constant 112 : index
      %swap3A_94 = tpu.vector_load %arg20[%swap3A_92, %swap3A_93] {strides = array<i32>} : memref<80x128xf32, #tpu.memory_space<vmem>>, vector<16xf32>,
      tpu.vector_store %arg20[%swap3A_92, %swap3A_93], %broadcast_in_dim3A_9 {strides = array<i32>} : memref<80x128xf32, #tpu.memory_space<vmem>>, vector<16xf32>,
    }
    %scan3A_14 = arith.constant 80 : i32
    %scan3A_15 = arith.constant 0 : i32
    %scan3A_16 = arith.constant 0 : i32
    %scan3A_17 = arith.constant 80 : i32
    %scan3A_18 = arith.addi %scan3A_16, %scan3A_17 : i32
    %scan3A_19 = arith.constant 1 : i32
    scf.for %scan3A_71 = %scan3A_16 to %scan3A_18 step %scan3A_19  : i32 {
      %swap3A = arith.index_cast %scan3A_71 : i32 to index
      %swap3A_72 = arith.constant 0 : index
      %swap3A_73 = tpu.vector_load %arg21[%swap3A, %swap3A_72] {strides = array<i32>} : memref<80x128xf32, #tpu.memory_space<vmem>>, vector<16xf32>,
      tpu.vector_store %arg21[%swap3A, %swap3A_72], %broadcast_in_dim3A_9 {strides = array<i32>} : memref<80x128xf32, #tpu.memory_space<vmem>>, vector<16xf32>,
      %swap3A_74 = arith.index_cast %scan3A_71 : i32 to index
      %swap3A_75 = arith.constant 16 : index
      %swap3A_76 = tpu.vector_load %arg21[%swap3A_74, %swap3A_75] {strides = array<i32>} : memref<80x128xf32, #tpu.memory_space<vmem>>, vector<16xf32>,
      tpu.vector_store %arg21[%swap3A_74, %swap3A_75], %broadcast_in_dim3A_9 {strides = array<i32>} : memref<80x128xf32, #tpu.memory_space<vmem>>, vector<16xf32>,
      %swap3A_77 = arith.index_cast %scan3A_71 : i32 to index
      %swap3A_78 = arith.constant 32 : index
      %swap3A_79 = tpu.vector_load %arg21[%swap3A_77, %swap3A_78] {strides = array<i32>} : memref<80x128xf32, #tpu.memory_space<vmem>>, vector<16xf32>,
      tpu.vector_store %arg21[%swap3A_77, %swap3A_78], %broadcast_in_dim3A_9 {strides = array<i32>} : memref<80x128xf32, #tpu.memory_space<vmem>>, vector<16xf32>,
      %swap3A_80 = arith.index_cast %scan3A_71 : i32 to index
      %swap3A_81 = arith.constant 48 : index
      %swap3A_82 = tpu.vector_load %arg21[%swap3A_80, %swap3A_81] {strides = array<i32>} : memref<80x128xf32, #tpu.memory_space<vmem>>, vector<16xf32>,
      tpu.vector_store %arg21[%swap3A_80, %swap3A_81], %broadcast_in_dim3A_9 {strides = array<i32>} : memref<80x128xf32, #tpu.memory_space<vmem>>, vector<16xf32>,
      %swap3A_83 = arith.index_cast %scan3A_71 : i32 to index
      %swap3A_84 = arith.constant 64 : index
      %swap3A_85 = tpu.vector_load %arg21[%swap3A_83, %swap3A_84] {strides = array<i32>} : memref<80x128xf32, #tpu.memory_space<vmem>>, vector<16xf32>,
      tpu.vector_store %arg21[%swap3A_83, %swap3A_84], %broadcast_in_dim3A_9 {strides = array<i32>} : memref<80x128xf32, #tpu.memory_space<vmem>>, vector<16xf32>,
      %swap3A_86 = arith.index_cast %scan3A_71 : i32 to index
      %swap3A_87 = arith.constant 80 : index
      %swap3A_88 = tpu.vector_load %arg21[%swap3A_86, %swap3A_87] {strides = array<i32>} : memref<80x128xf32, #tpu.memory_space<vmem>>, vector<16xf32>,
      tpu.vector_store %arg21[%swap3A_86, %swap3A_87], %broadcast_in_dim3A_9 {strides = array<i32>} : memref<80x128xf32, #tpu.memory_space<vmem>>, vector<16xf32>,
      %swap3A_89 = arith.index_cast %scan3A_71 : i32 to index
      %swap3A_90 = arith.constant 96 : index
      %swap3A_91 = tpu.vector_load %arg21[%swap3A_89, %swap3A_90] {strides = array<i32>} : memref<80x128xf32, #tpu.memory_space<vmem>>, vector<16xf32>,
      tpu.vector_store %arg21[%swap3A_89, %swap3A_90], %broadcast_in_dim3A_9 {strides = array<i32>} : memref<80x128xf32, #tpu.memory_space<vmem>>, vector<16xf32>,
      %swap3A_92 = arith.index_cast %scan3A_71 : i32 to index
      %swap3A_93 = arith.constant 112 : index
      %swap3A_94 = tpu.vector_load %arg21[%swap3A_92, %swap3A_93] {strides = array<i32>} : memref<80x128xf32, #tpu.memory_space<vmem>>, vector<16xf32>,
      tpu.vector_store %arg21[%swap3A_92, %swap3A_93], %broadcast_in_dim3A_9 {strides = array<i32>} : memref<80x128xf32, #tpu.memory_space<vmem>>, vector<16xf32>,
    }
    %scan3A_20 = arith.constant 80 : i32
    %lt3A_21 = arith.constant 7 : i32
    %lt3A_22 = arith.cmpi slt, %arg1, %lt3A_21 : i32
    %convert_element_type3A_23 = arith.extui %lt3A_22 : i1 to i32
    %cond3A_24 = arith.constant 0 : i32
    %cond3A_25 = arith.cmpi ne, %convert_element_type3A_23, %cond3A_24 : i32
    scf.if %cond3A_25 {
      %mul3A_71 = arith.constant 80 : i32
      %mul3A_72 = arith.muli %arg1, %mul3A_71 : i32
      "tpu.region"() ({
        %run_scoped3A = tpu.sem_alloc : memref<!tpu.dma_semaphore, #tpu.memory_space<semaphore_mem>>
        %dma_start3A = arith.constant 0 : i32
        %dma_start3A_73 = tpu.memref_slice %arg11[%mul3A_72, %dma_start3A] : memref<632x128xf32, #tpu.memory_space<vmem_shared>> -> memref<80x128xf32, #tpu.memory_space<vmem_shared>>
        %dma_start3A_74 = arith.constant 0 : i32
        %dma_start3A_75 = tpu.memref_slice %arg11[%mul3A_72, %dma_start3A_74] : memref<632x128xf32, #tpu.memory_space<vmem_shared>> -> memref<80x128xf32, #tpu.memory_space<vmem_shared>>
        tpu.enqueue_dma source(%arg20 : memref<80x128xf32, #tpu.memory_space<vmem>>) target(%dma_start3A_75 : memref<80x128xf32, #tpu.memory_space<vmem_shared>>) target_semaphore(%run_scoped3A : memref<!tpu.dma_semaphore, #tpu.memory_space<semaphore_mem>>)
        %dma_wait3A = arith.constant 0 : i32
        %dma_wait3A_76 = tpu.memref_slice %arg11[%mul3A_72, %dma_wait3A] : memref<632x128xf32, #tpu.memory_space<vmem_shared>> -> memref<80x128xf32, #tpu.memory_space<vmem_shared>>
        %dma_wait3A_77 = arith.constant 0 : i32
        %dma_wait3A_78 = tpu.memref_slice %arg11[%mul3A_72, %dma_wait3A_77] : memref<632x128xf32, #tpu.memory_space<vmem_shared>> -> memref<80x128xf32, #tpu.memory_space<vmem_shared>>
        tpu.wait_dma2 semaphore(%run_scoped3A : memref<!tpu.dma_semaphore, #tpu.memory_space<semaphore_mem>>) src(%arg20 : memref<80x128xf32, #tpu.memory_space<vmem>>) dst(%dma_wait3A_78 : memref<80x128xf32, #tpu.memory_space<vmem_shared>>)
        tpu.yield
      }) : () -> ()
    } else {
    }
    %eq3A_26 = arith.constant 7 : i32
    %eq3A_27 = arith.cmpi eq, %arg1, %eq3A_26 : i32
    %convert_element_type3A_28 = arith.extui %eq3A_27 : i1 to i32
    %cond3A_29 = arith.constant 0 : i32
    %cond3A_30 = arith.cmpi ne, %convert_element_type3A_28, %cond3A_29 : i32
    scf.if %cond3A_30 {
      "tpu.region"() ({
        %run_scoped3A = tpu.sem_alloc : memref<!tpu.dma_semaphore, #tpu.memory_space<semaphore_mem>>
        %dma_start3A = arith.constant 0 : i32
        %dma_start3A_71 = arith.constant 0 : i32
        %dma_start3A_72 = tpu.memref_slice %arg20[%dma_start3A, %dma_start3A_71] : memref<80x128xf32, #tpu.memory_space<vmem>> -> memref<72x128xf32, #tpu.memory_space<vmem>>
        %dma_start3A_73 = arith.constant 560 : i32
        %dma_start3A_74 = arith.constant 0 : i32
        %dma_start3A_75 = tpu.memref_slice %arg11[%dma_start3A_73, %dma_start3A_74] : memref<632x128xf32, #tpu.memory_space<vmem_shared>> -> memref<72x128xf32, #tpu.memory_space<vmem_shared>>
        %dma_start3A_76 = arith.constant 560 : i32
        %dma_start3A_77 = arith.constant 0 : i32
        %dma_start3A_78 = tpu.memref_slice %arg11[%dma_start3A_76, %dma_start3A_77] : memref<632x128xf32, #tpu.memory_space<vmem_shared>> -> memref<72x128xf32, #tpu.memory_space<vmem_shared>>
        %dma_start3A_79 = arith.constant 0 : i32
        %dma_start3A_80 = arith.constant 0 : i32
        %dma_start3A_81 = tpu.memref_slice %arg20[%dma_start3A_79, %dma_start3A_80] : memref<80x128xf32, #tpu.memory_space<vmem>> -> memref<72x128xf32, #tpu.memory_space<vmem>>
        tpu.enqueue_dma source(%dma_start3A_81 : memref<72x128xf32, #tpu.memory_space<vmem>>) target(%dma_start3A_78 : memref<72x128xf32, #tpu.memory_space<vmem_shared>>) target_semaphore(%run_scoped3A : memref<!tpu.dma_semaphore, #tpu.memory_space<semaphore_mem>>)
        %dma_wait3A = arith.constant 0 : i32
        %dma_wait3A_82 = arith.constant 0 : i32
        %dma_wait3A_83 = tpu.memref_slice %arg20[%dma_wait3A, %dma_wait3A_82] : memref<80x128xf32, #tpu.memory_space<vmem>> -> memref<72x128xf32, #tpu.memory_space<vmem>>
        %dma_wait3A_84 = arith.constant 560 : i32
        %dma_wait3A_85 = arith.constant 0 : i32
        %dma_wait3A_86 = tpu.memref_slice %arg11[%dma_wait3A_84, %dma_wait3A_85] : memref<632x128xf32, #tpu.memory_space<vmem_shared>> -> memref<72x128xf32, #tpu.memory_space<vmem_shared>>
        %dma_wait3A_87 = arith.constant 560 : i32
        %dma_wait3A_88 = arith.constant 0 : i32
        %dma_wait3A_89 = tpu.memref_slice %arg11[%dma_wait3A_87, %dma_wait3A_88] : memref<632x128xf32, #tpu.memory_space<vmem_shared>> -> memref<72x128xf32, #tpu.memory_space<vmem_shared>>
        %dma_wait3A_90 = arith.constant 0 : i32
        %dma_wait3A_91 = arith.constant 0 : i32
        %dma_wait3A_92 = tpu.memref_slice %arg20[%dma_wait3A_90, %dma_wait3A_91] : memref<80x128xf32, #tpu.memory_space<vmem>> -> memref<72x128xf32, #tpu.memory_space<vmem>>
        tpu.wait_dma2 semaphore(%run_scoped3A : memref<!tpu.dma_semaphore, #tpu.memory_space<semaphore_mem>>) src(%dma_wait3A_92 : memref<72x128xf32, #tpu.memory_space<vmem>>) dst(%dma_wait3A_89 : memref<72x128xf32, #tpu.memory_space<vmem_shared>>)
        tpu.yield
      }) : () -> ()
    } else {
    }
    %barrier3A = arith.constant 0 : index
    tpu.barrier barrier_id(%barrier3A)
    %get3A = arith.constant 0 : index
    %get3A_31 = tpu.vector_load %arg22[%get3A] {strides = array<i32>} : memref<128xf32, #tpu.memory_space<vmem>>, vector<16xf32>,
    %get3A_32 = arith.constant 16 : index
    %get3A_33 = tpu.vector_load %arg22[%get3A_32] {strides = array<i32>} : memref<128xf32, #tpu.memory_space<vmem>>, vector<16xf32>,
    %get3A_34 = arith.constant 32 : index
    %get3A_35 = tpu.vector_load %arg22[%get3A_34] {strides = array<i32>} : memref<128xf32, #tpu.memory_space<vmem>>, vector<16xf32>,
    %get3A_36 = arith.constant 48 : index
    %get3A_37 = tpu.vector_load %arg22[%get3A_36] {strides = array<i32>} : memref<128xf32, #tpu.memory_space<vmem>>, vector<16xf32>,
    %get3A_38 = arith.constant 64 : index
    %get3A_39 = tpu.vector_load %arg22[%get3A_38] {strides = array<i32>} : memref<128xf32, #tpu.memory_space<vmem>>, vector<16xf32>,
    %get3A_40 = arith.constant 80 : index
    %get3A_41 = tpu.vector_load %arg22[%get3A_40] {strides = array<i32>} : memref<128xf32, #tpu.memory_space<vmem>>, vector<16xf32>,
    %get3A_42 = arith.constant 96 : index
    %get3A_43 = tpu.vector_load %arg22[%get3A_42] {strides = array<i32>} : memref<128xf32, #tpu.memory_space<vmem>>, vector<16xf32>,
    %get3A_44 = arith.constant 112 : index
    %get3A_45 = tpu.vector_load %arg22[%get3A_44] {strides = array<i32>} : memref<128xf32, #tpu.memory_space<vmem>>, vector<16xf32>,
    %iota3A = tpu.iota {dimensions = array<i32: 0>} : vector<16xi32>
    %eq3A_46 = arith.constant 0 : i32
    %eq3A_47 = vector.broadcast %eq3A_46 : i32 to vector<16xi32>
    %eq3A_48 = arith.cmpi eq, %iota3A, %eq3A_47 : vector<16xi32>
    %scan3A_49 = arith.constant 0 : i32
    %scan3A_50 = arith.constant 0 : i32
    %scan3A_51 = arith.constant 125 : i32
    %scan3A_52 = arith.addi %scan3A_50, %scan3A_51 : i32
    %scan3A_53 = arith.constant 1 : i32
    scf.for %scan3A_71 = %scan3A_50 to %scan3A_52 step %scan3A_53  : i32 {
      %mul3A_72 = arith.constant 10000 : i32
      %mul3A_73 = arith.muli %arg1, %mul3A_72 : i32
      %mul3A_74 = arith.constant 80 : i32
      %mul3A_75 = arith.muli %scan3A_71, %mul3A_74 : i32
      %add3A = arith.addi %mul3A_73, %mul3A_75 : i32
      %dma_start3A = tpu.memref_slice %arg4[%add3A] : memref<160000xi32, #tpu.memory_space<hbm>> -> memref<80xi32, #tpu.memory_space<hbm>>
      %dma_start3A_76 = tpu.memref_slice %arg4[%add3A] : memref<160000xi32, #tpu.memory_space<hbm>> -> memref<80xi32, #tpu.memory_space<hbm>>
      tpu.enqueue_dma source(%dma_start3A_76 : memref<80xi32, #tpu.memory_space<hbm>>) target(%arg12 : memref<80xi32, #tpu.memory_space<vmem>>) target_semaphore(%arg23 : memref<!tpu.dma_semaphore, #tpu.memory_space<semaphore_mem>>)
      %dma_start3A_77 = arith.constant 0 : i32
      %dma_start3A_78 = tpu.memref_slice %arg16[%dma_start3A_77] : memref<96xi32, #tpu.memory_space<vmem>> -> memref<80xi32, #tpu.memory_space<vmem>>
      %dma_start3A_79 = tpu.memref_slice %arg5[%add3A] : memref<160000xi32, #tpu.memory_space<hbm>> -> memref<80xi32, #tpu.memory_space<hbm>>
      %dma_start3A_80 = arith.constant 0 : i32
      %dma_start3A_81 = tpu.memref_slice %arg16[%dma_start3A_80] : memref<96xi32, #tpu.memory_space<vmem>> -> memref<80xi32, #tpu.memory_space<vmem>>
      %dma_start3A_82 = tpu.memref_slice %arg5[%add3A] : memref<160000xi32, #tpu.memory_space<hbm>> -> memref<80xi32, #tpu.memory_space<hbm>>
      tpu.enqueue_dma source(%dma_start3A_82 : memref<80xi32, #tpu.memory_space<hbm>>) target(%dma_start3A_81 : memref<80xi32, #tpu.memory_space<vmem>>) target_semaphore(%arg24 : memref<!tpu.dma_semaphore, #tpu.memory_space<semaphore_mem>>)
      %broadcast_in_dim3A_83 = vector.broadcast %mul3A_0 : i32 to vector<16xi32>
      %dma_wait3A = tpu.memref_slice %arg4[%add3A] : memref<160000xi32, #tpu.memory_space<hbm>> -> memref<80xi32, #tpu.memory_space<hbm>>
      %dma_wait3A_84 = tpu.memref_slice %arg4[%add3A] : memref<160000xi32, #tpu.memory_space<hbm>> -> memref<80xi32, #tpu.memory_space<hbm>>
      tpu.wait_dma2 semaphore(%arg23 : memref<!tpu.dma_semaphore, #tpu.memory_space<semaphore_mem>>) src(%dma_wait3A_84 : memref<80xi32, #tpu.memory_space<hbm>>) dst(%arg12 : memref<80xi32, #tpu.memory_space<vmem>>)
      %get3A_85 = arith.constant 0 : index
      %get3A_86 = tpu.vector_load %arg12[%get3A_85] {strides = array<i32>} : memref<80xi32, #tpu.memory_space<vmem>>, vector<16xi32>,
      %add3A_87 = arith.addi %get3A_86, %broadcast_in_dim3A_83 : vector<16xi32>
      %swap3A = arith.constant 0 : index
      %swap3A_88 = tpu.vector_load %arg14[%swap3A] {strides = array<i32>} : memref<80xi32, #tpu.memory_space<vmem>>, vector<16xi32>,
      tpu.vector_store %arg14[%swap3A], %add3A_87 {strides = array<i32>} : memref<80xi32, #tpu.memory_space<vmem>>, vector<16xi32>,
      %get3A_89 = arith.constant 16 : index
      %get3A_90 = tpu.vector_load %arg12[%get3A_89] {strides = array<i32>} : memref<80xi32, #tpu.memory_space<vmem>>, vector<16xi32>,
      %add3A_91 = arith.addi %get3A_90, %broadcast_in_dim3A_83 : vector<16xi32>
      %swap3A_92 = arith.constant 16 : index
      %swap3A_93 = tpu.vector_load %arg14[%swap3A_92] {strides = array<i32>} : memref<80xi32, #tpu.memory_space<vmem>>, vector<16xi32>,
      tpu.vector_store %arg14[%swap3A_92], %add3A_91 {strides = array<i32>} : memref<80xi32, #tpu.memory_space<vmem>>, vector<16xi32>,
      %get3A_94 = arith.constant 32 : index
      %get3A_95 = tpu.vector_load %arg12[%get3A_94] {strides = array<i32>} : memref<80xi32, #tpu.memory_space<vmem>>, vector<16xi32>,
      %add3A_96 = arith.addi %get3A_95, %broadcast_in_dim3A_83 : vector<16xi32>
      %swap3A_97 = arith.constant 32 : index
      %swap3A_98 = tpu.vector_load %arg14[%swap3A_97] {strides = array<i32>} : memref<80xi32, #tpu.memory_space<vmem>>, vector<16xi32>,
      tpu.vector_store %arg14[%swap3A_97], %add3A_96 {strides = array<i32>} : memref<80xi32, #tpu.memory_space<vmem>>, vector<16xi32>,
      %get3A_99 = arith.constant 48 : index
      %get3A_100 = tpu.vector_load %arg12[%get3A_99] {strides = array<i32>} : memref<80xi32, #tpu.memory_space<vmem>>, vector<16xi32>,
      %add3A_101 = arith.addi %get3A_100, %broadcast_in_dim3A_83 : vector<16xi32>
      %swap3A_102 = arith.constant 48 : index
      %swap3A_103 = tpu.vector_load %arg14[%swap3A_102] {strides = array<i32>} : memref<80xi32, #tpu.memory_space<vmem>>, vector<16xi32>,
      tpu.vector_store %arg14[%swap3A_102], %add3A_101 {strides = array<i32>} : memref<80xi32, #tpu.memory_space<vmem>>, vector<16xi32>,
      %get3A_104 = arith.constant 64 : index
      %get3A_105 = tpu.vector_load %arg12[%get3A_104] {strides = array<i32>} : memref<80xi32, #tpu.memory_space<vmem>>, vector<16xi32>,
      %add3A_106 = arith.addi %get3A_105, %broadcast_in_dim3A_83 : vector<16xi32>
      %swap3A_107 = arith.constant 64 : index
      %swap3A_108 = tpu.vector_load %arg14[%swap3A_107] {strides = array<i32>} : memref<80xi32, #tpu.memory_space<vmem>>, vector<16xi32>,
      tpu.vector_store %arg14[%swap3A_107], %add3A_106 {strides = array<i32>} : memref<80xi32, #tpu.memory_space<vmem>>, vector<16xi32>,
      %dma_start3A_109 = arith.constant 0 : i32
      %dma_start3A_110 = arith.constant 0 : i32
      %dma_start3A_111 = tpu.memref_slice %arg2[%dma_start3A_109, %dma_start3A_110] : memref<20000x128xf32, #tpu.memory_space<hbm>> -> memref<20000x128xf32, #tpu.memory_space<hbm>>
      tpu.enqueue_indirect_dma source(%dma_start3A_111 : memref<20000x128xf32, #tpu.memory_space<hbm>>) target(%arg18 : memref<80x128xf32, #tpu.memory_space<vmem>>) offsets(%arg14 : memref<80xi32, #tpu.memory_space<vmem>>) semaphore(%arg23 : memref<!tpu.dma_semaphore, #tpu.memory_space<semaphore_mem>>)
      %dma_wait3A_112 = arith.constant 0 : i32
      %dma_wait3A_113 = tpu.memref_slice %arg16[%dma_wait3A_112] : memref<96xi32, #tpu.memory_space<vmem>> -> memref<80xi32, #tpu.memory_space<vmem>>
      %dma_wait3A_114 = tpu.memref_slice %arg5[%add3A] : memref<160000xi32, #tpu.memory_space<hbm>> -> memref<80xi32, #tpu.memory_space<hbm>>
      %dma_wait3A_115 = arith.constant 0 : i32
      %dma_wait3A_116 = tpu.memref_slice %arg16[%dma_wait3A_115] : memref<96xi32, #tpu.memory_space<vmem>> -> memref<80xi32, #tpu.memory_space<vmem>>
      %dma_wait3A_117 = tpu.memref_slice %arg5[%add3A] : memref<160000xi32, #tpu.memory_space<hbm>> -> memref<80xi32, #tpu.memory_space<hbm>>
      tpu.wait_dma2 semaphore(%arg24 : memref<!tpu.dma_semaphore, #tpu.memory_space<semaphore_mem>>) src(%dma_wait3A_117 : memref<80xi32, #tpu.memory_space<hbm>>) dst(%dma_wait3A_116 : memref<80xi32, #tpu.memory_space<vmem>>)
      %get3A_118 = arith.constant 0 : index
      %get3A_119 = tpu.vector_load %arg16[%get3A_118] {strides = array<i32>} : memref<96xi32, #tpu.memory_space<vmem>>, vector<16xi32>,
      %swap3A_120 = arith.constant 0 : index
      %swap3A_121 = tpu.vector_load %arg13[%swap3A_120] {strides = array<i32>} : memref<80xi32, #tpu.memory_space<vmem>>, vector<16xi32>,
      tpu.vector_store %arg13[%swap3A_120], %get3A_119 {strides = array<i32>} : memref<80xi32, #tpu.memory_space<vmem>>, vector<16xi32>,
      %add3A_122 = arith.addi %get3A_119, %broadcast_in_dim3A_83 : vector<16xi32>
      %swap3A_123 = arith.constant 0 : index
      %swap3A_124 = tpu.vector_load %arg15[%swap3A_123] {strides = array<i32>} : memref<80xi32, #tpu.memory_space<vmem>>, vector<16xi32>,
      tpu.vector_store %arg15[%swap3A_123], %add3A_122 {strides = array<i32>} : memref<80xi32, #tpu.memory_space<vmem>>, vector<16xi32>,
      %shift_right_logical3A = arith.constant 4 : i32
      %shift_right_logical3A_125 = vector.broadcast %shift_right_logical3A : i32 to vector<16xi32>
      %shift_right_logical3A_126 = arith.shrui %get3A_119, %shift_right_logical3A_125 : vector<16xi32>
      %swap3A_127 = arith.constant 0 : index
      %swap3A_128 = tpu.vector_load %arg17[%swap3A_127] {strides = array<i32>} : memref<80xi32, #tpu.memory_space<vmem>>, vector<16xi32>,
      tpu.vector_store %arg17[%swap3A_127], %shift_right_logical3A_126 {strides = array<i32>} : memref<80xi32, #tpu.memory_space<vmem>>, vector<16xi32>,
      %get3A_129 = arith.constant 16 : index
      %get3A_130 = tpu.vector_load %arg16[%get3A_129] {strides = array<i32>} : memref<96xi32, #tpu.memory_space<vmem>>, vector<16xi32>,
      %swap3A_131 = arith.constant 16 : index
      %swap3A_132 = tpu.vector_load %arg13[%swap3A_131] {strides = array<i32>} : memref<80xi32, #tpu.memory_space<vmem>>, vector<16xi32>,
      tpu.vector_store %arg13[%swap3A_131], %get3A_130 {strides = array<i32>} : memref<80xi32, #tpu.memory_space<vmem>>, vector<16xi32>,
      %add3A_133 = arith.addi %get3A_130, %broadcast_in_dim3A_83 : vector<16xi32>
      %swap3A_134 = arith.constant 16 : index
      %swap3A_135 = tpu.vector_load %arg15[%swap3A_134] {strides = array<i32>} : memref<80xi32, #tpu.memory_space<vmem>>, vector<16xi32>,
      tpu.vector_store %arg15[%swap3A_134], %add3A_133 {strides = array<i32>} : memref<80xi32, #tpu.memory_space<vmem>>, vector<16xi32>,
      %shift_right_logical3A_136 = arith.constant 4 : i32
      %shift_right_logical3A_137 = vector.broadcast %shift_right_logical3A_136 : i32 to vector<16xi32>
      %shift_right_logical3A_138 = arith.shrui %get3A_130, %shift_right_logical3A_137 : vector<16xi32>
      %swap3A_139 = arith.constant 16 : index
      %swap3A_140 = tpu.vector_load %arg17[%swap3A_139] {strides = array<i32>} : memref<80xi32, #tpu.memory_space<vmem>>, vector<16xi32>,
      tpu.vector_store %arg17[%swap3A_139], %shift_right_logical3A_138 {strides = array<i32>} : memref<80xi32, #tpu.memory_space<vmem>>, vector<16xi32>,
      %get3A_141 = arith.constant 32 : index
      %get3A_142 = tpu.vector_load %arg16[%get3A_141] {strides = array<i32>} : memref<96xi32, #tpu.memory_space<vmem>>, vector<16xi32>,
      %swap3A_143 = arith.constant 32 : index
      %swap3A_144 = tpu.vector_load %arg13[%swap3A_143] {strides = array<i32>} : memref<80xi32, #tpu.memory_space<vmem>>, vector<16xi32>,
      tpu.vector_store %arg13[%swap3A_143], %get3A_142 {strides = array<i32>} : memref<80xi32, #tpu.memory_space<vmem>>, vector<16xi32>,
      %add3A_145 = arith.addi %get3A_142, %broadcast_in_dim3A_83 : vector<16xi32>
      %swap3A_146 = arith.constant 32 : index
      %swap3A_147 = tpu.vector_load %arg15[%swap3A_146] {strides = array<i32>} : memref<80xi32, #tpu.memory_space<vmem>>, vector<16xi32>,
      tpu.vector_store %arg15[%swap3A_146], %add3A_145 {strides = array<i32>} : memref<80xi32, #tpu.memory_space<vmem>>, vector<16xi32>,
      %shift_right_logical3A_148 = arith.constant 4 : i32
      %shift_right_logical3A_149 = vector.broadcast %shift_right_logical3A_148 : i32 to vector<16xi32>
      %shift_right_logical3A_150 = arith.shrui %get3A_142, %shift_right_logical3A_149 : vector<16xi32>
      %swap3A_151 = arith.constant 32 : index
      %swap3A_152 = tpu.vector_load %arg17[%swap3A_151] {strides = array<i32>} : memref<80xi32, #tpu.memory_space<vmem>>, vector<16xi32>,
      tpu.vector_store %arg17[%swap3A_151], %shift_right_logical3A_150 {strides = array<i32>} : memref<80xi32, #tpu.memory_space<vmem>>, vector<16xi32>,
      %get3A_153 = arith.constant 48 : index
      %get3A_154 = tpu.vector_load %arg16[%get3A_153] {strides = array<i32>} : memref<96xi32, #tpu.memory_space<vmem>>, vector<16xi32>,
      %swap3A_155 = arith.constant 48 : index
      %swap3A_156 = tpu.vector_load %arg13[%swap3A_155] {strides = array<i32>} : memref<80xi32, #tpu.memory_space<vmem>>, vector<16xi32>,
      tpu.vector_store %arg13[%swap3A_155], %get3A_154 {strides = array<i32>} : memref<80xi32, #tpu.memory_space<vmem>>, vector<16xi32>,
      %add3A_157 = arith.addi %get3A_154, %broadcast_in_dim3A_83 : vector<16xi32>
      %swap3A_158 = arith.constant 48 : index
      %swap3A_159 = tpu.vector_load %arg15[%swap3A_158] {strides = array<i32>} : memref<80xi32, #tpu.memory_space<vmem>>, vector<16xi32>,
      tpu.vector_store %arg15[%swap3A_158], %add3A_157 {strides = array<i32>} : memref<80xi32, #tpu.memory_space<vmem>>, vector<16xi32>,
      %shift_right_logical3A_160 = arith.constant 4 : i32
      %shift_right_logical3A_161 = vector.broadcast %shift_right_logical3A_160 : i32 to vector<16xi32>
      %shift_right_logical3A_162 = arith.shrui %get3A_154, %shift_right_logical3A_161 : vector<16xi32>
      %swap3A_163 = arith.constant 48 : index
      %swap3A_164 = tpu.vector_load %arg17[%swap3A_163] {strides = array<i32>} : memref<80xi32, #tpu.memory_space<vmem>>, vector<16xi32>,
      tpu.vector_store %arg17[%swap3A_163], %shift_right_logical3A_162 {strides = array<i32>} : memref<80xi32, #tpu.memory_space<vmem>>, vector<16xi32>,
      %get3A_165 = arith.constant 64 : index
      %get3A_166 = tpu.vector_load %arg16[%get3A_165] {strides = array<i32>} : memref<96xi32, #tpu.memory_space<vmem>>, vector<16xi32>,
      %swap3A_167 = arith.constant 64 : index
      %swap3A_168 = tpu.vector_load %arg13[%swap3A_167] {strides = array<i32>} : memref<80xi32, #tpu.memory_space<vmem>>, vector<16xi32>,
      tpu.vector_store %arg13[%swap3A_167], %get3A_166 {strides = array<i32>} : memref<80xi32, #tpu.memory_space<vmem>>, vector<16xi32>,
      %add3A_169 = arith.addi %get3A_166, %broadcast_in_dim3A_83 : vector<16xi32>
      %swap3A_170 = arith.constant 64 : index
      %swap3A_171 = tpu.vector_load %arg15[%swap3A_170] {strides = array<i32>} : memref<80xi32, #tpu.memory_space<vmem>>, vector<16xi32>,
      tpu.vector_store %arg15[%swap3A_170], %add3A_169 {strides = array<i32>} : memref<80xi32, #tpu.memory_space<vmem>>, vector<16xi32>,
      %shift_right_logical3A_172 = arith.constant 4 : i32
      %shift_right_logical3A_173 = vector.broadcast %shift_right_logical3A_172 : i32 to vector<16xi32>
      %shift_right_logical3A_174 = arith.shrui %get3A_166, %shift_right_logical3A_173 : vector<16xi32>
      %swap3A_175 = arith.constant 64 : index
      %swap3A_176 = tpu.vector_load %arg17[%swap3A_175] {strides = array<i32>} : memref<80xi32, #tpu.memory_space<vmem>>, vector<16xi32>,
      tpu.vector_store %arg17[%swap3A_175], %shift_right_logical3A_174 {strides = array<i32>} : memref<80xi32, #tpu.memory_space<vmem>>, vector<16xi32>,
      %dma_start3A_177 = arith.constant 0 : i32
      %dma_start3A_178 = arith.constant 0 : i32
      %dma_start3A_179 = tpu.memref_slice %arg3[%dma_start3A_177, %dma_start3A_178] : memref<20000x128xf32, #tpu.memory_space<hbm>> -> memref<20000x128xf32, #tpu.memory_space<hbm>>
      tpu.enqueue_indirect_dma source(%dma_start3A_179 : memref<20000x128xf32, #tpu.memory_space<hbm>>) target(%arg19 : memref<80x128xf32, #tpu.memory_space<vmem>>) offsets(%arg15 : memref<80xi32, #tpu.memory_space<vmem>>) semaphore(%arg24 : memref<!tpu.dma_semaphore, #tpu.memory_space<semaphore_mem>>)
      %dma_wait3A_180 = arith.constant 0 : i32
      %dma_wait3A_181 = arith.constant 0 : i32
      %dma_wait3A_182 = tpu.memref_slice %arg2[%dma_wait3A_180, %dma_wait3A_181] : memref<20000x128xf32, #tpu.memory_space<hbm>> -> memref<20000x128xf32, #tpu.memory_space<hbm>>
      tpu.wait_indirect_dma semaphore(%arg23 : memref<!tpu.dma_semaphore, #tpu.memory_space<semaphore_mem>>) src(%dma_wait3A_182 : memref<20000x128xf32, #tpu.memory_space<hbm>>) dst(%arg18 : memref<80x128xf32, #tpu.memory_space<vmem>>)
      %dma_wait3A_183 = arith.constant 0 : i32
      %dma_wait3A_184 = arith.constant 0 : i32
      %dma_wait3A_185 = tpu.memref_slice %arg3[%dma_wait3A_183, %dma_wait3A_184] : memref<20000x128xf32, #tpu.memory_space<hbm>> -> memref<20000x128xf32, #tpu.memory_space<hbm>>
      tpu.wait_indirect_dma semaphore(%arg24 : memref<!tpu.dma_semaphore, #tpu.memory_space<semaphore_mem>>) src(%dma_wait3A_185 : memref<20000x128xf32, #tpu.memory_space<hbm>>) dst(%arg19 : memref<80x128xf32, #tpu.memory_space<vmem>>)
      %parallel_loop3A = arith.constant 0 : i32
      %parallel_loop3A_186 = arith.constant 80 : i32
      %parallel_loop3A_187 = arith.constant 1 : i32
      scf.for %parallel_loop3A_194 = %parallel_loop3A to %parallel_loop3A_186 step %parallel_loop3A_187  : i32 {
        %parallel_loop3A_195 = arith.index_cast %parallel_loop3A_194 : i32 to index
        %parallel_loop3A_196 = tpu.vector_load %arg16[%parallel_loop3A_195] {strides = array<i32>} : memref<96xi32, #tpu.memory_space<vmem>>, vector<16xi32>,
        %parallel_loop3A_197 = vector.extract_strided_slice %parallel_loop3A_196 {offsets = [0], sizes = [1], strides = [1]} : vector<16xi32> to vector<1xi32>
        %parallel_loop3A_198 = vector.extract %parallel_loop3A_197[0] : i32 from vector<1xi32>
        %parallel_loop3A_199 = arith.constant 15 : i32
        %parallel_loop3A_200 = arith.andi %parallel_loop3A_198, %parallel_loop3A_199 : i32
        %parallel_loop3A_201 = arith.constant 3 : i32
        %parallel_loop3A_202 = arith.shli %parallel_loop3A_200, %parallel_loop3A_201 : i32
        %parallel_loop3A_203 = vector.broadcast %parallel_loop3A_194 : i32 to vector<16xi32>
        %parallel_loop3A_204 = arith.index_cast %parallel_loop3A_194 : i32 to index
        %parallel_loop3A_205 = arith.constant 0 : index
        %parallel_loop3A_206 = tpu.vector_load %arg18[%parallel_loop3A_204, %parallel_loop3A_205] {strides = array<i32>} : memref<80x128xf32, #tpu.memory_space<vmem>>, vector<16xf32>,
        %parallel_loop3A_207 = arith.index_cast %parallel_loop3A_194 : i32 to index
        %parallel_loop3A_208 = arith.constant 16 : index
        %parallel_loop3A_209 = tpu.vector_load %arg18[%parallel_loop3A_207, %parallel_loop3A_208] {strides = array<i32>} : memref<80x128xf32, #tpu.memory_space<vmem>>, vector<16xf32>,
        %parallel_loop3A_210 = arith.index_cast %parallel_loop3A_194 : i32 to index
        %parallel_loop3A_211 = arith.constant 0 : index
        %parallel_loop3A_212 = tpu.vector_load %arg19[%parallel_loop3A_210, %parallel_loop3A_211] {strides = array<i32>} : memref<80x128xf32, #tpu.memory_space<vmem>>, vector<16xf32>,
        %parallel_loop3A_213 = arith.addf %parallel_loop3A_206, %parallel_loop3A_212 : vector<16xf32>
        %parallel_loop3A_214 = arith.constant 2.000000e-01 : f32
        %parallel_loop3A_215 = vector.broadcast %parallel_loop3A_214 : f32 to vector<16xf32>
        %parallel_loop3A_216 = arith.mulf %parallel_loop3A_215, %parallel_loop3A_213 : vector<16xf32>
        %parallel_loop3A_217 = arith.maximumf %parallel_loop3A_213, %parallel_loop3A_216 : vector<16xf32>
        %parallel_loop3A_218 = arith.mulf %parallel_loop3A_217, %get3A_31 : vector<16xf32>
        %parallel_loop3A_219 = arith.index_cast %parallel_loop3A_194 : i32 to index
        %parallel_loop3A_220 = arith.constant 16 : index
        %parallel_loop3A_221 = tpu.vector_load %arg19[%parallel_loop3A_219, %parallel_loop3A_220] {strides = array<i32>} : memref<80x128xf32, #tpu.memory_space<vmem>>, vector<16xf32>,
        %parallel_loop3A_222 = arith.addf %parallel_loop3A_209, %parallel_loop3A_221 : vector<16xf32>
        %parallel_loop3A_223 = arith.constant 2.000000e-01 : f32
        %parallel_loop3A_224 = vector.broadcast %parallel_loop3A_223 : f32 to vector<16xf32>
        %parallel_loop3A_225 = arith.mulf %parallel_loop3A_224, %parallel_loop3A_222 : vector<16xf32>
        %parallel_loop3A_226 = arith.maximumf %parallel_loop3A_222, %parallel_loop3A_225 : vector<16xf32>
        %parallel_loop3A_227 = arith.mulf %parallel_loop3A_226, %get3A_33 : vector<16xf32>
        %parallel_loop3A_228 = arith.addf %parallel_loop3A_218, %parallel_loop3A_227 : vector<16xf32>
        %parallel_loop3A_229 = arith.constant true
        %parallel_loop3A_230 = vector.broadcast %parallel_loop3A_229 : i1 to vector<16xi1>
        %parallel_loop3A_231 = tpu.scan <sum>, %parallel_loop3A_228 masked %parallel_loop3A_230 : vector<16xf32>, vector<16xi1> -> vector<16xf32>
        %parallel_loop3A_232 = vector.extract %parallel_loop3A_231[15] : f32 from vector<16xf32>
        %parallel_loop3A_233 = vector.broadcast %parallel_loop3A_232 : f32 to vector<16xf32>
        %parallel_loop3A_234 = math.exp %parallel_loop3A_233 : vector<16xf32>
        %parallel_loop3A_235 = arith.mulf %parallel_loop3A_234, %parallel_loop3A_206 : vector<16xf32>
        %parallel_loop3A_236 = arith.index_cast %parallel_loop3A_194 : i32 to index
        %parallel_loop3A_237 = arith.constant 0 : index
        %parallel_loop3A_238 = tpu.vector_load %arg20[%parallel_loop3A_236, %parallel_loop3A_237] {strides = array<i32>} : memref<80x128xf32, #tpu.memory_space<vmem>>, vector<16xf32>,
        tpu.vector_store %arg20[%parallel_loop3A_236, %parallel_loop3A_237], %parallel_loop3A_235 {strides = array<i32>} : memref<80x128xf32, #tpu.memory_space<vmem>>, vector<16xf32>,
        %parallel_loop3A_239 = arith.mulf %parallel_loop3A_234, %parallel_loop3A_209 : vector<16xf32>
        %parallel_loop3A_240 = arith.index_cast %parallel_loop3A_194 : i32 to index
        %parallel_loop3A_241 = arith.constant 16 : index
        %parallel_loop3A_242 = tpu.vector_load %arg20[%parallel_loop3A_240, %parallel_loop3A_241] {strides = array<i32>} : memref<80x128xf32, #tpu.memory_space<vmem>>, vector<16xf32>,
        tpu.vector_store %arg20[%parallel_loop3A_240, %parallel_loop3A_241], %parallel_loop3A_239 {strides = array<i32>} : memref<80x128xf32, #tpu.memory_space<vmem>>, vector<16xf32>,
        %parallel_loop3A_243 = arith.constant 0 : i32
        %parallel_loop3A_244 = arith.addi %parallel_loop3A_202, %parallel_loop3A_243 : i32
        %parallel_loop3A_245 = vector.broadcast %parallel_loop3A_244 : i32 to vector<16xi32>
        tpu.vector_store_idx %arg21[%parallel_loop3A_203, %parallel_loop3A_245], %parallel_loop3A_234 masked %eq3A_48 {add = true} : memref<80x128xf32, #tpu.memory_space<vmem>>[vector<16xi32>, vector<16xi32>], vector<16xf32>, vector<16xi1>
        %parallel_loop3A_246 = arith.index_cast %parallel_loop3A_194 : i32 to index
        %parallel_loop3A_247 = arith.constant 32 : index
        %parallel_loop3A_248 = tpu.vector_load %arg18[%parallel_loop3A_246, %parallel_loop3A_247] {strides = array<i32>} : memref<80x128xf32, #tpu.memory_space<vmem>>, vector<16xf32>,
        %parallel_loop3A_249 = arith.index_cast %parallel_loop3A_194 : i32 to index
        %parallel_loop3A_250 = arith.constant 48 : index
        %parallel_loop3A_251 = tpu.vector_load %arg18[%parallel_loop3A_249, %parallel_loop3A_250] {strides = array<i32>} : memref<80x128xf32, #tpu.memory_space<vmem>>, vector<16xf32>,
        %parallel_loop3A_252 = arith.index_cast %parallel_loop3A_194 : i32 to index
        %parallel_loop3A_253 = arith.constant 32 : index
        %parallel_loop3A_254 = tpu.vector_load %arg19[%parallel_loop3A_252, %parallel_loop3A_253] {strides = array<i32>} : memref<80x128xf32, #tpu.memory_space<vmem>>, vector<16xf32>,
        %parallel_loop3A_255 = arith.addf %parallel_loop3A_248, %parallel_loop3A_254 : vector<16xf32>
        %parallel_loop3A_256 = arith.constant 2.000000e-01 : f32
        %parallel_loop3A_257 = vector.broadcast %parallel_loop3A_256 : f32 to vector<16xf32>
        %parallel_loop3A_258 = arith.mulf %parallel_loop3A_257, %parallel_loop3A_255 : vector<16xf32>
        %parallel_loop3A_259 = arith.maximumf %parallel_loop3A_255, %parallel_loop3A_258 : vector<16xf32>
        %parallel_loop3A_260 = arith.mulf %parallel_loop3A_259, %get3A_35 : vector<16xf32>
        %parallel_loop3A_261 = arith.index_cast %parallel_loop3A_194 : i32 to index
        %parallel_loop3A_262 = arith.constant 48 : index
        %parallel_loop3A_263 = tpu.vector_load %arg19[%parallel_loop3A_261, %parallel_loop3A_262] {strides = array<i32>} : memref<80x128xf32, #tpu.memory_space<vmem>>, vector<16xf32>,
        %parallel_loop3A_264 = arith.addf %parallel_loop3A_251, %parallel_loop3A_263 : vector<16xf32>
        %parallel_loop3A_265 = arith.constant 2.000000e-01 : f32
        %parallel_loop3A_266 = vector.broadcast %parallel_loop3A_265 : f32 to vector<16xf32>
        %parallel_loop3A_267 = arith.mulf %parallel_loop3A_266, %parallel_loop3A_264 : vector<16xf32>
        %parallel_loop3A_268 = arith.maximumf %parallel_loop3A_264, %parallel_loop3A_267 : vector<16xf32>
        %parallel_loop3A_269 = arith.mulf %parallel_loop3A_268, %get3A_37 : vector<16xf32>
        %parallel_loop3A_270 = arith.addf %parallel_loop3A_260, %parallel_loop3A_269 : vector<16xf32>
        %parallel_loop3A_271 = arith.constant true
        %parallel_loop3A_272 = vector.broadcast %parallel_loop3A_271 : i1 to vector<16xi1>
        %parallel_loop3A_273 = tpu.scan <sum>, %parallel_loop3A_270 masked %parallel_loop3A_272 : vector<16xf32>, vector<16xi1> -> vector<16xf32>
        %parallel_loop3A_274 = vector.extract %parallel_loop3A_273[15] : f32 from vector<16xf32>
        %parallel_loop3A_275 = vector.broadcast %parallel_loop3A_274 : f32 to vector<16xf32>
        %parallel_loop3A_276 = math.exp %parallel_loop3A_275 : vector<16xf32>
        %parallel_loop3A_277 = arith.mulf %parallel_loop3A_276, %parallel_loop3A_248 : vector<16xf32>
        %parallel_loop3A_278 = arith.index_cast %parallel_loop3A_194 : i32 to index
        %parallel_loop3A_279 = arith.constant 32 : index
        %parallel_loop3A_280 = tpu.vector_load %arg20[%parallel_loop3A_278, %parallel_loop3A_279] {strides = array<i32>} : memref<80x128xf32, #tpu.memory_space<vmem>>, vector<16xf32>,
        tpu.vector_store %arg20[%parallel_loop3A_278, %parallel_loop3A_279], %parallel_loop3A_277 {strides = array<i32>} : memref<80x128xf32, #tpu.memory_space<vmem>>, vector<16xf32>,
        %parallel_loop3A_281 = arith.mulf %parallel_loop3A_276, %parallel_loop3A_251 : vector<16xf32>
        %parallel_loop3A_282 = arith.index_cast %parallel_loop3A_194 : i32 to index
        %parallel_loop3A_283 = arith.constant 48 : index
        %parallel_loop3A_284 = tpu.vector_load %arg20[%parallel_loop3A_282, %parallel_loop3A_283] {strides = array<i32>} : memref<80x128xf32, #tpu.memory_space<vmem>>, vector<16xf32>,
        tpu.vector_store %arg20[%parallel_loop3A_282, %parallel_loop3A_283], %parallel_loop3A_281 {strides = array<i32>} : memref<80x128xf32, #tpu.memory_space<vmem>>, vector<16xf32>,
        %parallel_loop3A_285 = arith.constant 1 : i32
        %parallel_loop3A_286 = arith.addi %parallel_loop3A_202, %parallel_loop3A_285 : i32
        %parallel_loop3A_287 = vector.broadcast %parallel_loop3A_286 : i32 to vector<16xi32>
        tpu.vector_store_idx %arg21[%parallel_loop3A_203, %parallel_loop3A_287], %parallel_loop3A_276 masked %eq3A_48 {add = true} : memref<80x128xf32, #tpu.memory_space<vmem>>[vector<16xi32>, vector<16xi32>], vector<16xf32>, vector<16xi1>
        %parallel_loop3A_288 = arith.index_cast %parallel_loop3A_194 : i32 to index
        %parallel_loop3A_289 = arith.constant 64 : index
        %parallel_loop3A_290 = tpu.vector_load %arg18[%parallel_loop3A_288, %parallel_loop3A_289] {strides = array<i32>} : memref<80x128xf32, #tpu.memory_space<vmem>>, vector<16xf32>,
        %parallel_loop3A_291 = arith.index_cast %parallel_loop3A_194 : i32 to index
        %parallel_loop3A_292 = arith.constant 80 : index
        %parallel_loop3A_293 = tpu.vector_load %arg18[%parallel_loop3A_291, %parallel_loop3A_292] {strides = array<i32>} : memref<80x128xf32, #tpu.memory_space<vmem>>, vector<16xf32>,
        %parallel_loop3A_294 = arith.index_cast %parallel_loop3A_194 : i32 to index
        %parallel_loop3A_295 = arith.constant 64 : index
        %parallel_loop3A_296 = tpu.vector_load %arg19[%parallel_loop3A_294, %parallel_loop3A_295] {strides = array<i32>} : memref<80x128xf32, #tpu.memory_space<vmem>>, vector<16xf32>,
        %parallel_loop3A_297 = arith.addf %parallel_loop3A_290, %parallel_loop3A_296 : vector<16xf32>
        %parallel_loop3A_298 = arith.constant 2.000000e-01 : f32
        %parallel_loop3A_299 = vector.broadcast %parallel_loop3A_298 : f32 to vector<16xf32>
        %parallel_loop3A_300 = arith.mulf %parallel_loop3A_299, %parallel_loop3A_297 : vector<16xf32>
        %parallel_loop3A_301 = arith.maximumf %parallel_loop3A_297, %parallel_loop3A_300 : vector<16xf32>
        %parallel_loop3A_302 = arith.mulf %parallel_loop3A_301, %get3A_39 : vector<16xf32>
        %parallel_loop3A_303 = arith.index_cast %parallel_loop3A_194 : i32 to index
        %parallel_loop3A_304 = arith.constant 80 : index
        %parallel_loop3A_305 = tpu.vector_load %arg19[%parallel_loop3A_303, %parallel_loop3A_304] {strides = array<i32>} : memref<80x128xf32, #tpu.memory_space<vmem>>, vector<16xf32>,
        %parallel_loop3A_306 = arith.addf %parallel_loop3A_293, %parallel_loop3A_305 : vector<16xf32>
        %parallel_loop3A_307 = arith.constant 2.000000e-01 : f32
        %parallel_loop3A_308 = vector.broadcast %parallel_loop3A_307 : f32 to vector<16xf32>
        %parallel_loop3A_309 = arith.mulf %parallel_loop3A_308, %parallel_loop3A_306 : vector<16xf32>
        %parallel_loop3A_310 = arith.maximumf %parallel_loop3A_306, %parallel_loop3A_309 : vector<16xf32>
        %parallel_loop3A_311 = arith.mulf %parallel_loop3A_310, %get3A_41 : vector<16xf32>
        %parallel_loop3A_312 = arith.addf %parallel_loop3A_302, %parallel_loop3A_311 : vector<16xf32>
        %parallel_loop3A_313 = arith.constant true
        %parallel_loop3A_314 = vector.broadcast %parallel_loop3A_313 : i1 to vector<16xi1>
        %parallel_loop3A_315 = tpu.scan <sum>, %parallel_loop3A_312 masked %parallel_loop3A_314 : vector<16xf32>, vector<16xi1> -> vector<16xf32>
        %parallel_loop3A_316 = vector.extract %parallel_loop3A_315[15] : f32 from vector<16xf32>
        %parallel_loop3A_317 = vector.broadcast %parallel_loop3A_316 : f32 to vector<16xf32>
        %parallel_loop3A_318 = math.exp %parallel_loop3A_317 : vector<16xf32>
        %parallel_loop3A_319 = arith.mulf %parallel_loop3A_318, %parallel_loop3A_290 : vector<16xf32>
        %parallel_loop3A_320 = arith.index_cast %parallel_loop3A_194 : i32 to index
        %parallel_loop3A_321 = arith.constant 64 : index
        %parallel_loop3A_322 = tpu.vector_load %arg20[%parallel_loop3A_320, %parallel_loop3A_321] {strides = array<i32>} : memref<80x128xf32, #tpu.memory_space<vmem>>, vector<16xf32>,
        tpu.vector_store %arg20[%parallel_loop3A_320, %parallel_loop3A_321], %parallel_loop3A_319 {strides = array<i32>} : memref<80x128xf32, #tpu.memory_space<vmem>>, vector<16xf32>,
        %parallel_loop3A_323 = arith.mulf %parallel_loop3A_318, %parallel_loop3A_293 : vector<16xf32>
        %parallel_loop3A_324 = arith.index_cast %parallel_loop3A_194 : i32 to index
        %parallel_loop3A_325 = arith.constant 80 : index
        %parallel_loop3A_326 = tpu.vector_load %arg20[%parallel_loop3A_324, %parallel_loop3A_325] {strides = array<i32>} : memref<80x128xf32, #tpu.memory_space<vmem>>, vector<16xf32>,
        tpu.vector_store %arg20[%parallel_loop3A_324, %parallel_loop3A_325], %parallel_loop3A_323 {strides = array<i32>} : memref<80x128xf32, #tpu.memory_space<vmem>>, vector<16xf32>,
        %parallel_loop3A_327 = arith.constant 2 : i32
        %parallel_loop3A_328 = arith.addi %parallel_loop3A_202, %parallel_loop3A_327 : i32
        %parallel_loop3A_329 = vector.broadcast %parallel_loop3A_328 : i32 to vector<16xi32>
        tpu.vector_store_idx %arg21[%parallel_loop3A_203, %parallel_loop3A_329], %parallel_loop3A_318 masked %eq3A_48 {add = true} : memref<80x128xf32, #tpu.memory_space<vmem>>[vector<16xi32>, vector<16xi32>], vector<16xf32>, vector<16xi1>
        %parallel_loop3A_330 = arith.index_cast %parallel_loop3A_194 : i32 to index
        %parallel_loop3A_331 = arith.constant 96 : index
        %parallel_loop3A_332 = tpu.vector_load %arg18[%parallel_loop3A_330, %parallel_loop3A_331] {strides = array<i32>} : memref<80x128xf32, #tpu.memory_space<vmem>>, vector<16xf32>,
        %parallel_loop3A_333 = arith.index_cast %parallel_loop3A_194 : i32 to index
        %parallel_loop3A_334 = arith.constant 112 : index
        %parallel_loop3A_335 = tpu.vector_load %arg18[%parallel_loop3A_333, %parallel_loop3A_334] {strides = array<i32>} : memref<80x128xf32, #tpu.memory_space<vmem>>, vector<16xf32>,
        %parallel_loop3A_336 = arith.index_cast %parallel_loop3A_194 : i32 to index
        %parallel_loop3A_337 = arith.constant 96 : index
        %parallel_loop3A_338 = tpu.vector_load %arg19[%parallel_loop3A_336, %parallel_loop3A_337] {strides = array<i32>} : memref<80x128xf32, #tpu.memory_space<vmem>>, vector<16xf32>,
        %parallel_loop3A_339 = arith.addf %parallel_loop3A_332, %parallel_loop3A_338 : vector<16xf32>
        %parallel_loop3A_340 = arith.constant 2.000000e-01 : f32
        %parallel_loop3A_341 = vector.broadcast %parallel_loop3A_340 : f32 to vector<16xf32>
        %parallel_loop3A_342 = arith.mulf %parallel_loop3A_341, %parallel_loop3A_339 : vector<16xf32>
        %parallel_loop3A_343 = arith.maximumf %parallel_loop3A_339, %parallel_loop3A_342 : vector<16xf32>
        %parallel_loop3A_344 = arith.mulf %parallel_loop3A_343, %get3A_43 : vector<16xf32>
        %parallel_loop3A_345 = arith.index_cast %parallel_loop3A_194 : i32 to index
        %parallel_loop3A_346 = arith.constant 112 : index
        %parallel_loop3A_347 = tpu.vector_load %arg19[%parallel_loop3A_345, %parallel_loop3A_346] {strides = array<i32>} : memref<80x128xf32, #tpu.memory_space<vmem>>, vector<16xf32>,
        %parallel_loop3A_348 = arith.addf %parallel_loop3A_335, %parallel_loop3A_347 : vector<16xf32>
        %parallel_loop3A_349 = arith.constant 2.000000e-01 : f32
        %parallel_loop3A_350 = vector.broadcast %parallel_loop3A_349 : f32 to vector<16xf32>
        %parallel_loop3A_351 = arith.mulf %parallel_loop3A_350, %parallel_loop3A_348 : vector<16xf32>
        %parallel_loop3A_352 = arith.maximumf %parallel_loop3A_348, %parallel_loop3A_351 : vector<16xf32>
        %parallel_loop3A_353 = arith.mulf %parallel_loop3A_352, %get3A_45 : vector<16xf32>
        %parallel_loop3A_354 = arith.addf %parallel_loop3A_344, %parallel_loop3A_353 : vector<16xf32>
        %parallel_loop3A_355 = arith.constant true
        %parallel_loop3A_356 = vector.broadcast %parallel_loop3A_355 : i1 to vector<16xi1>
        %parallel_loop3A_357 = tpu.scan <sum>, %parallel_loop3A_354 masked %parallel_loop3A_356 : vector<16xf32>, vector<16xi1> -> vector<16xf32>
        %parallel_loop3A_358 = vector.extract %parallel_loop3A_357[15] : f32 from vector<16xf32>
        %parallel_loop3A_359 = vector.broadcast %parallel_loop3A_358 : f32 to vector<16xf32>
        %parallel_loop3A_360 = math.exp %parallel_loop3A_359 : vector<16xf32>
        %parallel_loop3A_361 = arith.mulf %parallel_loop3A_360, %parallel_loop3A_332 : vector<16xf32>
        %parallel_loop3A_362 = arith.index_cast %parallel_loop3A_194 : i32 to index
        %parallel_loop3A_363 = arith.constant 96 : index
        %parallel_loop3A_364 = tpu.vector_load %arg20[%parallel_loop3A_362, %parallel_loop3A_363] {strides = array<i32>} : memref<80x128xf32, #tpu.memory_space<vmem>>, vector<16xf32>,
        tpu.vector_store %arg20[%parallel_loop3A_362, %parallel_loop3A_363], %parallel_loop3A_361 {strides = array<i32>} : memref<80x128xf32, #tpu.memory_space<vmem>>, vector<16xf32>,
        %parallel_loop3A_365 = arith.mulf %parallel_loop3A_360, %parallel_loop3A_335 : vector<16xf32>
        %parallel_loop3A_366 = arith.index_cast %parallel_loop3A_194 : i32 to index
        %parallel_loop3A_367 = arith.constant 112 : index
        %parallel_loop3A_368 = tpu.vector_load %arg20[%parallel_loop3A_366, %parallel_loop3A_367] {strides = array<i32>} : memref<80x128xf32, #tpu.memory_space<vmem>>, vector<16xf32>,
        tpu.vector_store %arg20[%parallel_loop3A_366, %parallel_loop3A_367], %parallel_loop3A_365 {strides = array<i32>} : memref<80x128xf32, #tpu.memory_space<vmem>>, vector<16xf32>,
        %parallel_loop3A_369 = arith.constant 3 : i32
        %parallel_loop3A_370 = arith.addi %parallel_loop3A_202, %parallel_loop3A_369 : i32
        %parallel_loop3A_371 = vector.broadcast %parallel_loop3A_370 : i32 to vector<16xi32>
        tpu.vector_store_idx %arg21[%parallel_loop3A_203, %parallel_loop3A_371], %parallel_loop3A_360 masked %eq3A_48 {add = true} : memref<80x128xf32, #tpu.memory_space<vmem>>[vector<16xi32>, vector<16xi32>], vector<16xf32>, vector<16xi1>
      } {sc.loop_unroll_factor = 4 : i64, sc.parallel_access}
      "tpu.region"() ({
        %run_scoped3A = tpu.sem_alloc : memref<!tpu.dma_semaphore, #tpu.memory_space<semaphore_mem>>
        %dma_start3A_194 = arith.constant 0 : i32
        %dma_start3A_195 = arith.constant 0 : i32
        %dma_start3A_196 = tpu.memref_slice %arg10[%dma_start3A_194, %dma_start3A_195] : memref<10000x128xf32, #tpu.memory_space<vmem_shared>> -> memref<10000x128xf32, #tpu.memory_space<vmem_shared>>
        tpu.enqueue_indirect_dma source(%arg20 : memref<80x128xf32, #tpu.memory_space<vmem>>) target(%dma_start3A_196 : memref<10000x128xf32, #tpu.memory_space<vmem_shared>>) offsets(%arg13 : memref<80xi32, #tpu.memory_space<vmem>>) semaphore(%run_scoped3A : memref<!tpu.dma_semaphore, #tpu.memory_space<semaphore_mem>>) {add = true}
        %dma_wait3A_197 = arith.constant 0 : i32
        %dma_wait3A_198 = arith.constant 0 : i32
        %dma_wait3A_199 = tpu.memref_slice %arg10[%dma_wait3A_197, %dma_wait3A_198] : memref<10000x128xf32, #tpu.memory_space<vmem_shared>> -> memref<10000x128xf32, #tpu.memory_space<vmem_shared>>
        tpu.wait_indirect_dma semaphore(%run_scoped3A : memref<!tpu.dma_semaphore, #tpu.memory_space<semaphore_mem>>) src(%arg20 : memref<80x128xf32, #tpu.memory_space<vmem>>) dst(%dma_wait3A_199 : memref<10000x128xf32, #tpu.memory_space<vmem_shared>>)
        tpu.yield
      }) : () -> ()
      "tpu.region"() ({
        %run_scoped3A = tpu.sem_alloc : memref<!tpu.dma_semaphore, #tpu.memory_space<semaphore_mem>>
        %dma_start3A_194 = arith.constant 0 : i32
        %dma_start3A_195 = arith.constant 0 : i32
        %dma_start3A_196 = tpu.memref_slice %arg11[%dma_start3A_194, %dma_start3A_195] : memref<632x128xf32, #tpu.memory_space<vmem_shared>> -> memref<632x128xf32, #tpu.memory_space<vmem_shared>>
        tpu.enqueue_indirect_dma source(%arg21 : memref<80x128xf32, #tpu.memory_space<vmem>>) target(%dma_start3A_196 : memref<632x128xf32, #tpu.memory_space<vmem_shared>>) offsets(%arg17 : memref<80xi32, #tpu.memory_space<vmem>>) semaphore(%run_scoped3A : memref<!tpu.dma_semaphore, #tpu.memory_space<semaphore_mem>>) {add = true}
        %dma_wait3A_197 = arith.constant 0 : i32
        %dma_wait3A_198 = arith.constant 0 : i32
        %dma_wait3A_199 = tpu.memref_slice %arg11[%dma_wait3A_197, %dma_wait3A_198] : memref<632x128xf32, #tpu.memory_space<vmem_shared>> -> memref<632x128xf32, #tpu.memory_space<vmem_shared>>
        tpu.wait_indirect_dma semaphore(%run_scoped3A : memref<!tpu.dma_semaphore, #tpu.memory_space<semaphore_mem>>) src(%arg21 : memref<80x128xf32, #tpu.memory_space<vmem>>) dst(%dma_wait3A_199 : memref<632x128xf32, #tpu.memory_space<vmem_shared>>)
        tpu.yield
      }) : () -> ()
      %scan3A_188 = arith.constant 0 : i32
      %scan3A_189 = arith.constant 0 : i32
      %scan3A_190 = arith.constant 80 : i32
      %scan3A_191 = arith.addi %scan3A_189, %scan3A_190 : i32
      %scan3A_192 = arith.constant 1 : i32
      scf.for %scan3A_194 = %scan3A_189 to %scan3A_191 step %scan3A_192  : i32 {
        %swap3A_195 = arith.index_cast %scan3A_194 : i32 to index
        %swap3A_196 = arith.constant 0 : index
        %swap3A_197 = tpu.vector_load %arg21[%swap3A_195, %swap3A_196] {strides = array<i32>} : memref<80x128xf32, #tpu.memory_space<vmem>>, vector<16xf32>,
        tpu.vector_store %arg21[%swap3A_195, %swap3A_196], %broadcast_in_dim3A_9 {strides = array<i32>} : memref<80x128xf32, #tpu.memory_space<vmem>>, vector<16xf32>,
        %swap3A_198 = arith.index_cast %scan3A_194 : i32 to index
        %swap3A_199 = arith.constant 16 : index
        %swap3A_200 = tpu.vector_load %arg21[%swap3A_198, %swap3A_199] {strides = array<i32>} : memref<80x128xf32, #tpu.memory_space<vmem>>, vector<16xf32>,
        tpu.vector_store %arg21[%swap3A_198, %swap3A_199], %broadcast_in_dim3A_9 {strides = array<i32>} : memref<80x128xf32, #tpu.memory_space<vmem>>, vector<16xf32>,
        %swap3A_201 = arith.index_cast %scan3A_194 : i32 to index
        %swap3A_202 = arith.constant 32 : index
        %swap3A_203 = tpu.vector_load %arg21[%swap3A_201, %swap3A_202] {strides = array<i32>} : memref<80x128xf32, #tpu.memory_space<vmem>>, vector<16xf32>,
        tpu.vector_store %arg21[%swap3A_201, %swap3A_202], %broadcast_in_dim3A_9 {strides = array<i32>} : memref<80x128xf32, #tpu.memory_space<vmem>>, vector<16xf32>,
        %swap3A_204 = arith.index_cast %scan3A_194 : i32 to index
        %swap3A_205 = arith.constant 48 : index
        %swap3A_206 = tpu.vector_load %arg21[%swap3A_204, %swap3A_205] {strides = array<i32>} : memref<80x128xf32, #tpu.memory_space<vmem>>, vector<16xf32>,
        tpu.vector_store %arg21[%swap3A_204, %swap3A_205], %broadcast_in_dim3A_9 {strides = array<i32>} : memref<80x128xf32, #tpu.memory_space<vmem>>, vector<16xf32>,
        %swap3A_207 = arith.index_cast %scan3A_194 : i32 to index
        %swap3A_208 = arith.constant 64 : index
        %swap3A_209 = tpu.vector_load %arg21[%swap3A_207, %swap3A_208] {strides = array<i32>} : memref<80x128xf32, #tpu.memory_space<vmem>>, vector<16xf32>,
        tpu.vector_store %arg21[%swap3A_207, %swap3A_208], %broadcast_in_dim3A_9 {strides = array<i32>} : memref<80x128xf32, #tpu.memory_space<vmem>>, vector<16xf32>,
        %swap3A_210 = arith.index_cast %scan3A_194 : i32 to index
        %swap3A_211 = arith.constant 80 : index
        %swap3A_212 = tpu.vector_load %arg21[%swap3A_210, %swap3A_211] {strides = array<i32>} : memref<80x128xf32, #tpu.memory_space<vmem>>, vector<16xf32>,
        tpu.vector_store %arg21[%swap3A_210, %swap3A_211], %broadcast_in_dim3A_9 {strides = array<i32>} : memref<80x128xf32, #tpu.memory_space<vmem>>, vector<16xf32>,
        %swap3A_213 = arith.index_cast %scan3A_194 : i32 to index
        %swap3A_214 = arith.constant 96 : index
        %swap3A_215 = tpu.vector_load %arg21[%swap3A_213, %swap3A_214] {strides = array<i32>} : memref<80x128xf32, #tpu.memory_space<vmem>>, vector<16xf32>,
        tpu.vector_store %arg21[%swap3A_213, %swap3A_214], %broadcast_in_dim3A_9 {strides = array<i32>} : memref<80x128xf32, #tpu.memory_space<vmem>>, vector<16xf32>,
        %swap3A_216 = arith.index_cast %scan3A_194 : i32 to index
        %swap3A_217 = arith.constant 112 : index
        %swap3A_218 = tpu.vector_load %arg21[%swap3A_216, %swap3A_217] {strides = array<i32>} : memref<80x128xf32, #tpu.memory_space<vmem>>, vector<16xf32>,
        tpu.vector_store %arg21[%swap3A_216, %swap3A_217], %broadcast_in_dim3A_9 {strides = array<i32>} : memref<80x128xf32, #tpu.memory_space<vmem>>, vector<16xf32>,
      }
      %scan3A_193 = arith.constant 80 : i32
    }
    %scan3A_54 = arith.constant 125 : i32
    %barrier3A_55 = arith.constant 0 : index
    tpu.barrier barrier_id(%barrier3A_55)
    %eq3A_56 = arith.constant 0 : i32
    %eq3A_57 = arith.cmpi eq, %arg1, %eq3A_56 : i32
    %convert_element_type3A_58 = arith.extui %eq3A_57 : i1 to i32
    %cond3A_59 = arith.constant 0 : i32
    %cond3A_60 = arith.cmpi ne, %convert_element_type3A_58, %cond3A_59 : i32
    scf.if %cond3A_60 {
      %mul3A_71 = arith.constant 632 : i32
      %mul3A_72 = arith.muli %arg0, %mul3A_71 : i32
      "tpu.region"() ({
        %run_scoped3A = tpu.sem_alloc : memref<!tpu.dma_semaphore, #tpu.memory_space<semaphore_mem>>
        %dma_start3A = arith.constant 0 : i32
        %dma_start3A_73 = tpu.memref_slice %arg9[%mul3A_72, %dma_start3A] : memref<1264x128xf32, #tpu.memory_space<hbm>> -> memref<632x128xf32, #tpu.memory_space<hbm>>
        tpu.enqueue_dma source(%arg11 : memref<632x128xf32, #tpu.memory_space<vmem_shared>>) target(%dma_start3A_73 : memref<632x128xf32, #tpu.memory_space<hbm>>) target_semaphore(%run_scoped3A : memref<!tpu.dma_semaphore, #tpu.memory_space<semaphore_mem>>)
        %dma_wait3A = arith.constant 0 : i32
        %dma_wait3A_74 = tpu.memref_slice %arg9[%mul3A_72, %dma_wait3A] : memref<1264x128xf32, #tpu.memory_space<hbm>> -> memref<632x128xf32, #tpu.memory_space<hbm>>
        tpu.wait_dma2 semaphore(%run_scoped3A : memref<!tpu.dma_semaphore, #tpu.memory_space<semaphore_mem>>) src(%arg11 : memref<632x128xf32, #tpu.memory_space<vmem_shared>>) dst(%dma_wait3A_74 : memref<632x128xf32, #tpu.memory_space<hbm>>)
        tpu.yield
      }) : () -> ()
    } else {
    }
    %lt3A_61 = arith.constant 15 : i32
    %lt3A_62 = arith.cmpi slt, %arg1, %lt3A_61 : i32
    %convert_element_type3A_63 = arith.extui %lt3A_62 : i1 to i32
    %cond3A_64 = arith.constant 0 : i32
    %cond3A_65 = arith.cmpi ne, %convert_element_type3A_63, %cond3A_64 : i32
    scf.if %cond3A_65 {
      %mul3A_71 = arith.constant 640 : i32
      %mul3A_72 = arith.muli %arg1, %mul3A_71 : i32
      %mul3A_73 = arith.constant 640 : i32
      %mul3A_74 = arith.muli %arg1, %mul3A_73 : i32
      %add3A = arith.addi %mul3A_0, %mul3A_74 : i32
      "tpu.region"() ({
        %run_scoped3A = tpu.sem_alloc : memref<!tpu.dma_semaphore, #tpu.memory_space<semaphore_mem>>
        %dma_start3A = arith.constant 0 : i32
        %dma_start3A_75 = tpu.memref_slice %arg8[%add3A, %dma_start3A] : memref<20000x128xf32, #tpu.memory_space<hbm>> -> memref<640x128xf32, #tpu.memory_space<hbm>>
        %dma_start3A_76 = arith.constant 0 : i32
        %dma_start3A_77 = tpu.memref_slice %arg10[%mul3A_72, %dma_start3A_76] : memref<10000x128xf32, #tpu.memory_space<vmem_shared>> -> memref<640x128xf32, #tpu.memory_space<vmem_shared>>
        tpu.enqueue_dma source(%dma_start3A_77 : memref<640x128xf32, #tpu.memory_space<vmem_shared>>) target(%dma_start3A_75 : memref<640x128xf32, #tpu.memory_space<hbm>>) target_semaphore(%run_scoped3A : memref<!tpu.dma_semaphore, #tpu.memory_space<semaphore_mem>>)
        %dma_wait3A = arith.constant 0 : i32
        %dma_wait3A_78 = tpu.memref_slice %arg8[%add3A, %dma_wait3A] : memref<20000x128xf32, #tpu.memory_space<hbm>> -> memref<640x128xf32, #tpu.memory_space<hbm>>
        %dma_wait3A_79 = arith.constant 0 : i32
        %dma_wait3A_80 = tpu.memref_slice %arg10[%mul3A_72, %dma_wait3A_79] : memref<10000x128xf32, #tpu.memory_space<vmem_shared>> -> memref<640x128xf32, #tpu.memory_space<vmem_shared>>
        tpu.wait_dma2 semaphore(%run_scoped3A : memref<!tpu.dma_semaphore, #tpu.memory_space<semaphore_mem>>) src(%dma_wait3A_80 : memref<640x128xf32, #tpu.memory_space<vmem_shared>>) dst(%dma_wait3A_78 : memref<640x128xf32, #tpu.memory_space<hbm>>)
        tpu.yield
      }) : () -> ()
    } else {
    }
    %eq3A_66 = arith.constant 15 : i32
    %eq3A_67 = arith.cmpi eq, %arg1, %eq3A_66 : i32
    %convert_element_type3A_68 = arith.extui %eq3A_67 : i1 to i32
    %cond3A_69 = arith.constant 0 : i32
    %cond3A_70 = arith.cmpi ne, %convert_element_type3A_68, %cond3A_69 : i32
    scf.if %cond3A_70 {
      %add3A = arith.constant 9600 : i32
      %add3A_71 = arith.addi %add3A, %mul3A_0 : i32
      "tpu.region"() ({
        %run_scoped3A = tpu.sem_alloc : memref<!tpu.dma_semaphore, #tpu.memory_space<semaphore_mem>>
        %dma_start3A = arith.constant 0 : i32
        %dma_start3A_72 = tpu.memref_slice %arg8[%add3A_71, %dma_start3A] : memref<20000x128xf32, #tpu.memory_space<hbm>> -> memref<400x128xf32, #tpu.memory_space<hbm>>
        %dma_start3A_73 = arith.constant 9600 : i32
        %dma_start3A_74 = arith.constant 0 : i32
        %dma_start3A_75 = tpu.memref_slice %arg10[%dma_start3A_73, %dma_start3A_74] : memref<10000x128xf32, #tpu.memory_space<vmem_shared>> -> memref<400x128xf32, #tpu.memory_space<vmem_shared>>
        tpu.enqueue_dma source(%dma_start3A_75 : memref<400x128xf32, #tpu.memory_space<vmem_shared>>) target(%dma_start3A_72 : memref<400x128xf32, #tpu.memory_space<hbm>>) target_semaphore(%run_scoped3A : memref<!tpu.dma_semaphore, #tpu.memory_space<semaphore_mem>>)
        %dma_wait3A = arith.constant 0 : i32
        %dma_wait3A_76 = tpu.memref_slice %arg8[%add3A_71, %dma_wait3A] : memref<20000x128xf32, #tpu.memory_space<hbm>> -> memref<400x128xf32, #tpu.memory_space<hbm>>
        %dma_wait3A_77 = arith.constant 9600 : i32
        %dma_wait3A_78 = arith.constant 0 : i32
        %dma_wait3A_79 = tpu.memref_slice %arg10[%dma_wait3A_77, %dma_wait3A_78] : memref<10000x128xf32, #tpu.memory_space<vmem_shared>> -> memref<400x128xf32, #tpu.memory_space<vmem_shared>>
        tpu.wait_dma2 semaphore(%run_scoped3A : memref<!tpu.dma_semaphore, #tpu.memory_space<semaphore_mem>>) src(%dma_wait3A_79 : memref<400x128xf32, #tpu.memory_space<vmem_shared>>) dst(%dma_wait3A_76 : memref<400x128xf32, #tpu.memory_space<hbm>>)
        tpu.yield
      }) : () -> ()
    } else {
    }
    return
  }
}

#map = affine_map<(d0, d1) -> (0, 0)>
#map1 = affine_map<(d0, d1) -> (0)>
module attributes {stable_mosaic.version = 14 : i64} {
  func.func @_edge2_body(%arg0: i32, %arg1: i32, %arg2: memref<10256x128xf32, #tpu.memory_space<hbm>>, %arg3: memref<163840xi32, #tpu.memory_space<hbm>>, %arg4: memref<163840xi32, #tpu.memory_space<hbm>>, %arg5: memref<20512x128xf32, #tpu.memory_space<hbm>>, %arg6: memref<32xf32, #tpu.memory_space<hbm>>, %arg7: memref<20512x128xf32, #tpu.memory_space<hbm>>, %arg8: memref<1296x128xf32, #tpu.memory_space<hbm>>, %arg9: memref<10256x128xf32, #tpu.memory_space<vmem_shared>>, %arg10: memref<648x128xf32, #tpu.memory_space<vmem_shared>>, %arg11: memref<80xi32, #tpu.memory_space<vmem>>, %arg12: memref<80xi32, #tpu.memory_space<vmem>>, %arg13: memref<96xi32, #tpu.memory_space<vmem>>, %arg14: memref<80xi32, #tpu.memory_space<vmem>>, %arg15: memref<80x128xf32, #tpu.memory_space<vmem>>, %arg16: memref<80x128xf32, #tpu.memory_space<vmem>>, %arg17: memref<80x128xf32, #tpu.memory_space<vmem>>, %arg18: memref<80x128xf32, #tpu.memory_space<vmem>>, %arg19: memref<32xf32, #tpu.memory_space<vmem>>, %arg20: memref<!tpu.dma_semaphore, #tpu.memory_space<semaphore_mem>>, %arg21: memref<!tpu.dma_semaphore, #tpu.memory_space<semaphore_mem>>) attributes {dimension_semantics = [#tpu.dimension_semantics<core_parallel>, #tpu.dimension_semantics<subcore_parallel>], iteration_bounds = array<i64: 2, 16>, scalar_prefetch = 0 : i64, scratch_operands = 13 : i64, tpu.core_type = #tpu.core_type<sc_vector_subcore>, window_params = [{transform_indices = #map}, {transform_indices = #map1}, {transform_indices = #map1}, {transform_indices = #map}, {transform_indices = #map1}, {transform_indices = #map}, {transform_indices = #map}]} {
    %mul3A = arith.constant 16 : i32
    %mul3A_0 = arith.muli %arg0, %mul3A : i32
    %add3A = arith.addi %mul3A_0, %arg1 : i32
    "tpu.region"() ({
      %run_scoped3A = tpu.sem_alloc : memref<!tpu.dma_semaphore, #tpu.memory_space<semaphore_mem>>
      tpu.enqueue_dma source(%arg6 : memref<32xf32, #tpu.memory_space<hbm>>) target(%arg19 : memref<32xf32, #tpu.memory_space<vmem>>) target_semaphore(%run_scoped3A : memref<!tpu.dma_semaphore, #tpu.memory_space<semaphore_mem>>)
      tpu.wait_dma2 semaphore(%run_scoped3A : memref<!tpu.dma_semaphore, #tpu.memory_space<semaphore_mem>>) src(%arg6 : memref<32xf32, #tpu.memory_space<hbm>>) dst(%arg19 : memref<32xf32, #tpu.memory_space<vmem>>)
      tpu.yield
    }) : () -> ()
    %lt3A = arith.constant 15 : i32
    %lt3A_1 = arith.cmpi slt, %arg1, %lt3A : i32
    %convert_element_type3A = arith.extui %lt3A_1 : i1 to i32
    %cond3A = arith.constant 0 : i32
    %cond3A_2 = arith.cmpi ne, %convert_element_type3A, %cond3A : i32
    scf.if %cond3A_2 {
      %mul3A_57 = arith.constant 10256 : i32
      %mul3A_58 = arith.muli %arg0, %mul3A_57 : i32
      %mul3A_59 = arith.constant 640 : i32
      %mul3A_60 = arith.muli %arg1, %mul3A_59 : i32
      %add3A_61 = arith.addi %mul3A_58, %mul3A_60 : i32
      %mul3A_62 = arith.constant 640 : i32
      %mul3A_63 = arith.muli %arg1, %mul3A_62 : i32
      "tpu.region"() ({
        %run_scoped3A = tpu.sem_alloc : memref<!tpu.dma_semaphore, #tpu.memory_space<semaphore_mem>>
        %dma_start3A = arith.constant 0 : i32
        %dma_start3A_64 = tpu.memref_slice %arg9[%mul3A_63, %dma_start3A] : memref<10256x128xf32, #tpu.memory_space<vmem_shared>> -> memref<640x128xf32, #tpu.memory_space<vmem_shared>>
        %dma_start3A_65 = arith.constant 0 : i32
        %dma_start3A_66 = tpu.memref_slice %arg5[%add3A_61, %dma_start3A_65] : memref<20512x128xf32, #tpu.memory_space<hbm>> -> memref<640x128xf32, #tpu.memory_space<hbm>>
        tpu.enqueue_dma source(%dma_start3A_66 : memref<640x128xf32, #tpu.memory_space<hbm>>) target(%dma_start3A_64 : memref<640x128xf32, #tpu.memory_space<vmem_shared>>) target_semaphore(%run_scoped3A : memref<!tpu.dma_semaphore, #tpu.memory_space<semaphore_mem>>)
        %dma_wait3A = arith.constant 0 : i32
        %dma_wait3A_67 = tpu.memref_slice %arg9[%mul3A_63, %dma_wait3A] : memref<10256x128xf32, #tpu.memory_space<vmem_shared>> -> memref<640x128xf32, #tpu.memory_space<vmem_shared>>
        %dma_wait3A_68 = arith.constant 0 : i32
        %dma_wait3A_69 = tpu.memref_slice %arg5[%add3A_61, %dma_wait3A_68] : memref<20512x128xf32, #tpu.memory_space<hbm>> -> memref<640x128xf32, #tpu.memory_space<hbm>>
        tpu.wait_dma2 semaphore(%run_scoped3A : memref<!tpu.dma_semaphore, #tpu.memory_space<semaphore_mem>>) src(%dma_wait3A_69 : memref<640x128xf32, #tpu.memory_space<hbm>>) dst(%dma_wait3A_67 : memref<640x128xf32, #tpu.memory_space<vmem_shared>>)
        tpu.yield
      }) : () -> ()
    } else {
    }
    %eq3A = arith.constant 15 : i32
    %eq3A_3 = arith.cmpi eq, %arg1, %eq3A : i32
    %convert_element_type3A_4 = arith.extui %eq3A_3 : i1 to i32
    %cond3A_5 = arith.constant 0 : i32
    %cond3A_6 = arith.cmpi ne, %convert_element_type3A_4, %cond3A_5 : i32
    scf.if %cond3A_6 {
      %mul3A_57 = arith.constant 10256 : i32
      %mul3A_58 = arith.muli %arg0, %mul3A_57 : i32
      %add3A_59 = arith.constant 9600 : i32
      %add3A_60 = arith.addi %mul3A_58, %add3A_59 : i32
      "tpu.region"() ({
        %run_scoped3A = tpu.sem_alloc : memref<!tpu.dma_semaphore, #tpu.memory_space<semaphore_mem>>
        %dma_start3A = arith.constant 9600 : i32
        %dma_start3A_61 = arith.constant 0 : i32
        %dma_start3A_62 = tpu.memref_slice %arg9[%dma_start3A, %dma_start3A_61] : memref<10256x128xf32, #tpu.memory_space<vmem_shared>> -> memref<656x128xf32, #tpu.memory_space<vmem_shared>>
        %dma_start3A_63 = arith.constant 0 : i32
        %dma_start3A_64 = tpu.memref_slice %arg5[%add3A_60, %dma_start3A_63] : memref<20512x128xf32, #tpu.memory_space<hbm>> -> memref<656x128xf32, #tpu.memory_space<hbm>>
        tpu.enqueue_dma source(%dma_start3A_64 : memref<656x128xf32, #tpu.memory_space<hbm>>) target(%dma_start3A_62 : memref<656x128xf32, #tpu.memory_space<vmem_shared>>) target_semaphore(%run_scoped3A : memref<!tpu.dma_semaphore, #tpu.memory_space<semaphore_mem>>)
        %dma_wait3A = arith.constant 9600 : i32
        %dma_wait3A_65 = arith.constant 0 : i32
        %dma_wait3A_66 = tpu.memref_slice %arg9[%dma_wait3A, %dma_wait3A_65] : memref<10256x128xf32, #tpu.memory_space<vmem_shared>> -> memref<656x128xf32, #tpu.memory_space<vmem_shared>>
        %dma_wait3A_67 = arith.constant 0 : i32
        %dma_wait3A_68 = tpu.memref_slice %arg5[%add3A_60, %dma_wait3A_67] : memref<20512x128xf32, #tpu.memory_space<hbm>> -> memref<656x128xf32, #tpu.memory_space<hbm>>
        tpu.wait_dma2 semaphore(%run_scoped3A : memref<!tpu.dma_semaphore, #tpu.memory_space<semaphore_mem>>) src(%dma_wait3A_68 : memref<656x128xf32, #tpu.memory_space<hbm>>) dst(%dma_wait3A_66 : memref<656x128xf32, #tpu.memory_space<vmem_shared>>)
        tpu.yield
      }) : () -> ()
    } else {
    }
    %broadcast_in_dim3A = arith.constant 0.000000e+00 : f32
    %broadcast_in_dim3A_7 = vector.broadcast %broadcast_in_dim3A : f32 to vector<16xf32>
    %scan3A = arith.constant 0 : i32
    %scan3A_8 = arith.constant 0 : i32
    %scan3A_9 = arith.constant 80 : i32
    %scan3A_10 = arith.addi %scan3A_8, %scan3A_9 : i32
    %scan3A_11 = arith.constant 1 : i32
    scf.for %scan3A_57 = %scan3A_8 to %scan3A_10 step %scan3A_11  : i32 {
      %swap3A = arith.index_cast %scan3A_57 : i32 to index
      %swap3A_58 = arith.constant 0 : index
      %swap3A_59 = tpu.vector_load %arg17[%swap3A, %swap3A_58] {strides = array<i32>} : memref<80x128xf32, #tpu.memory_space<vmem>>, vector<16xf32>,
      tpu.vector_store %arg17[%swap3A, %swap3A_58], %broadcast_in_dim3A_7 {strides = array<i32>} : memref<80x128xf32, #tpu.memory_space<vmem>>, vector<16xf32>,
      %swap3A_60 = arith.index_cast %scan3A_57 : i32 to index
      %swap3A_61 = arith.constant 16 : index
      %swap3A_62 = tpu.vector_load %arg17[%swap3A_60, %swap3A_61] {strides = array<i32>} : memref<80x128xf32, #tpu.memory_space<vmem>>, vector<16xf32>,
      tpu.vector_store %arg17[%swap3A_60, %swap3A_61], %broadcast_in_dim3A_7 {strides = array<i32>} : memref<80x128xf32, #tpu.memory_space<vmem>>, vector<16xf32>,
      %swap3A_63 = arith.index_cast %scan3A_57 : i32 to index
      %swap3A_64 = arith.constant 32 : index
      %swap3A_65 = tpu.vector_load %arg17[%swap3A_63, %swap3A_64] {strides = array<i32>} : memref<80x128xf32, #tpu.memory_space<vmem>>, vector<16xf32>,
      tpu.vector_store %arg17[%swap3A_63, %swap3A_64], %broadcast_in_dim3A_7 {strides = array<i32>} : memref<80x128xf32, #tpu.memory_space<vmem>>, vector<16xf32>,
      %swap3A_66 = arith.index_cast %scan3A_57 : i32 to index
      %swap3A_67 = arith.constant 48 : index
      %swap3A_68 = tpu.vector_load %arg17[%swap3A_66, %swap3A_67] {strides = array<i32>} : memref<80x128xf32, #tpu.memory_space<vmem>>, vector<16xf32>,
      tpu.vector_store %arg17[%swap3A_66, %swap3A_67], %broadcast_in_dim3A_7 {strides = array<i32>} : memref<80x128xf32, #tpu.memory_space<vmem>>, vector<16xf32>,
      %swap3A_69 = arith.index_cast %scan3A_57 : i32 to index
      %swap3A_70 = arith.constant 64 : index
      %swap3A_71 = tpu.vector_load %arg17[%swap3A_69, %swap3A_70] {strides = array<i32>} : memref<80x128xf32, #tpu.memory_space<vmem>>, vector<16xf32>,
      tpu.vector_store %arg17[%swap3A_69, %swap3A_70], %broadcast_in_dim3A_7 {strides = array<i32>} : memref<80x128xf32, #tpu.memory_space<vmem>>, vector<16xf32>,
      %swap3A_72 = arith.index_cast %scan3A_57 : i32 to index
      %swap3A_73 = arith.constant 80 : index
      %swap3A_74 = tpu.vector_load %arg17[%swap3A_72, %swap3A_73] {strides = array<i32>} : memref<80x128xf32, #tpu.memory_space<vmem>>, vector<16xf32>,
      tpu.vector_store %arg17[%swap3A_72, %swap3A_73], %broadcast_in_dim3A_7 {strides = array<i32>} : memref<80x128xf32, #tpu.memory_space<vmem>>, vector<16xf32>,
      %swap3A_75 = arith.index_cast %scan3A_57 : i32 to index
      %swap3A_76 = arith.constant 96 : index
      %swap3A_77 = tpu.vector_load %arg17[%swap3A_75, %swap3A_76] {strides = array<i32>} : memref<80x128xf32, #tpu.memory_space<vmem>>, vector<16xf32>,
      tpu.vector_store %arg17[%swap3A_75, %swap3A_76], %broadcast_in_dim3A_7 {strides = array<i32>} : memref<80x128xf32, #tpu.memory_space<vmem>>, vector<16xf32>,
      %swap3A_78 = arith.index_cast %scan3A_57 : i32 to index
      %swap3A_79 = arith.constant 112 : index
      %swap3A_80 = tpu.vector_load %arg17[%swap3A_78, %swap3A_79] {strides = array<i32>} : memref<80x128xf32, #tpu.memory_space<vmem>>, vector<16xf32>,
      tpu.vector_store %arg17[%swap3A_78, %swap3A_79], %broadcast_in_dim3A_7 {strides = array<i32>} : memref<80x128xf32, #tpu.memory_space<vmem>>, vector<16xf32>,
    }
    %scan3A_12 = arith.constant 80 : i32
    %scan3A_13 = arith.constant 0 : i32
    %scan3A_14 = arith.constant 0 : i32
    %scan3A_15 = arith.constant 80 : i32
    %scan3A_16 = arith.addi %scan3A_14, %scan3A_15 : i32
    %scan3A_17 = arith.constant 1 : i32
    scf.for %scan3A_57 = %scan3A_14 to %scan3A_16 step %scan3A_17  : i32 {
      %swap3A = arith.index_cast %scan3A_57 : i32 to index
      %swap3A_58 = arith.constant 0 : index
      %swap3A_59 = tpu.vector_load %arg18[%swap3A, %swap3A_58] {strides = array<i32>} : memref<80x128xf32, #tpu.memory_space<vmem>>, vector<16xf32>,
      tpu.vector_store %arg18[%swap3A, %swap3A_58], %broadcast_in_dim3A_7 {strides = array<i32>} : memref<80x128xf32, #tpu.memory_space<vmem>>, vector<16xf32>,
      %swap3A_60 = arith.index_cast %scan3A_57 : i32 to index
      %swap3A_61 = arith.constant 16 : index
      %swap3A_62 = tpu.vector_load %arg18[%swap3A_60, %swap3A_61] {strides = array<i32>} : memref<80x128xf32, #tpu.memory_space<vmem>>, vector<16xf32>,
      tpu.vector_store %arg18[%swap3A_60, %swap3A_61], %broadcast_in_dim3A_7 {strides = array<i32>} : memref<80x128xf32, #tpu.memory_space<vmem>>, vector<16xf32>,
      %swap3A_63 = arith.index_cast %scan3A_57 : i32 to index
      %swap3A_64 = arith.constant 32 : index
      %swap3A_65 = tpu.vector_load %arg18[%swap3A_63, %swap3A_64] {strides = array<i32>} : memref<80x128xf32, #tpu.memory_space<vmem>>, vector<16xf32>,
      tpu.vector_store %arg18[%swap3A_63, %swap3A_64], %broadcast_in_dim3A_7 {strides = array<i32>} : memref<80x128xf32, #tpu.memory_space<vmem>>, vector<16xf32>,
      %swap3A_66 = arith.index_cast %scan3A_57 : i32 to index
      %swap3A_67 = arith.constant 48 : index
      %swap3A_68 = tpu.vector_load %arg18[%swap3A_66, %swap3A_67] {strides = array<i32>} : memref<80x128xf32, #tpu.memory_space<vmem>>, vector<16xf32>,
      tpu.vector_store %arg18[%swap3A_66, %swap3A_67], %broadcast_in_dim3A_7 {strides = array<i32>} : memref<80x128xf32, #tpu.memory_space<vmem>>, vector<16xf32>,
      %swap3A_69 = arith.index_cast %scan3A_57 : i32 to index
      %swap3A_70 = arith.constant 64 : index
      %swap3A_71 = tpu.vector_load %arg18[%swap3A_69, %swap3A_70] {strides = array<i32>} : memref<80x128xf32, #tpu.memory_space<vmem>>, vector<16xf32>,
      tpu.vector_store %arg18[%swap3A_69, %swap3A_70], %broadcast_in_dim3A_7 {strides = array<i32>} : memref<80x128xf32, #tpu.memory_space<vmem>>, vector<16xf32>,
      %swap3A_72 = arith.index_cast %scan3A_57 : i32 to index
      %swap3A_73 = arith.constant 80 : index
      %swap3A_74 = tpu.vector_load %arg18[%swap3A_72, %swap3A_73] {strides = array<i32>} : memref<80x128xf32, #tpu.memory_space<vmem>>, vector<16xf32>,
      tpu.vector_store %arg18[%swap3A_72, %swap3A_73], %broadcast_in_dim3A_7 {strides = array<i32>} : memref<80x128xf32, #tpu.memory_space<vmem>>, vector<16xf32>,
      %swap3A_75 = arith.index_cast %scan3A_57 : i32 to index
      %swap3A_76 = arith.constant 96 : index
      %swap3A_77 = tpu.vector_load %arg18[%swap3A_75, %swap3A_76] {strides = array<i32>} : memref<80x128xf32, #tpu.memory_space<vmem>>, vector<16xf32>,
      tpu.vector_store %arg18[%swap3A_75, %swap3A_76], %broadcast_in_dim3A_7 {strides = array<i32>} : memref<80x128xf32, #tpu.memory_space<vmem>>, vector<16xf32>,
      %swap3A_78 = arith.index_cast %scan3A_57 : i32 to index
      %swap3A_79 = arith.constant 112 : index
      %swap3A_80 = tpu.vector_load %arg18[%swap3A_78, %swap3A_79] {strides = array<i32>} : memref<80x128xf32, #tpu.memory_space<vmem>>, vector<16xf32>,
      tpu.vector_store %arg18[%swap3A_78, %swap3A_79], %broadcast_in_dim3A_7 {strides = array<i32>} : memref<80x128xf32, #tpu.memory_space<vmem>>, vector<16xf32>,
    }
    %scan3A_18 = arith.constant 80 : i32
    %lt3A_19 = arith.constant 8 : i32
    %lt3A_20 = arith.cmpi slt, %arg1, %lt3A_19 : i32
    %convert_element_type3A_21 = arith.extui %lt3A_20 : i1 to i32
    %cond3A_22 = arith.constant 0 : i32
    %cond3A_23 = arith.cmpi ne, %convert_element_type3A_21, %cond3A_22 : i32
    scf.if %cond3A_23 {
      %mul3A_57 = arith.constant 80 : i32
      %mul3A_58 = arith.muli %arg1, %mul3A_57 : i32
      "tpu.region"() ({
        %run_scoped3A = tpu.sem_alloc : memref<!tpu.dma_semaphore, #tpu.memory_space<semaphore_mem>>
        %dma_start3A = arith.constant 0 : i32
        %dma_start3A_59 = tpu.memref_slice %arg10[%mul3A_58, %dma_start3A] : memref<648x128xf32, #tpu.memory_space<vmem_shared>> -> memref<80x128xf32, #tpu.memory_space<vmem_shared>>
        %dma_start3A_60 = arith.constant 0 : i32
        %dma_start3A_61 = tpu.memref_slice %arg10[%mul3A_58, %dma_start3A_60] : memref<648x128xf32, #tpu.memory_space<vmem_shared>> -> memref<80x128xf32, #tpu.memory_space<vmem_shared>>
        tpu.enqueue_dma source(%arg18 : memref<80x128xf32, #tpu.memory_space<vmem>>) target(%dma_start3A_61 : memref<80x128xf32, #tpu.memory_space<vmem_shared>>) target_semaphore(%run_scoped3A : memref<!tpu.dma_semaphore, #tpu.memory_space<semaphore_mem>>)
        %dma_wait3A = arith.constant 0 : i32
        %dma_wait3A_62 = tpu.memref_slice %arg10[%mul3A_58, %dma_wait3A] : memref<648x128xf32, #tpu.memory_space<vmem_shared>> -> memref<80x128xf32, #tpu.memory_space<vmem_shared>>
        %dma_wait3A_63 = arith.constant 0 : i32
        %dma_wait3A_64 = tpu.memref_slice %arg10[%mul3A_58, %dma_wait3A_63] : memref<648x128xf32, #tpu.memory_space<vmem_shared>> -> memref<80x128xf32, #tpu.memory_space<vmem_shared>>
        tpu.wait_dma2 semaphore(%run_scoped3A : memref<!tpu.dma_semaphore, #tpu.memory_space<semaphore_mem>>) src(%arg18 : memref<80x128xf32, #tpu.memory_space<vmem>>) dst(%dma_wait3A_64 : memref<80x128xf32, #tpu.memory_space<vmem_shared>>)
        tpu.yield
      }) : () -> ()
    } else {
    }
    %eq3A_24 = arith.constant 8 : i32
    %eq3A_25 = arith.cmpi eq, %arg1, %eq3A_24 : i32
    %convert_element_type3A_26 = arith.extui %eq3A_25 : i1 to i32
    %cond3A_27 = arith.constant 0 : i32
    %cond3A_28 = arith.cmpi ne, %convert_element_type3A_26, %cond3A_27 : i32
    scf.if %cond3A_28 {
      "tpu.region"() ({
        %run_scoped3A = tpu.sem_alloc : memref<!tpu.dma_semaphore, #tpu.memory_space<semaphore_mem>>
        %dma_start3A = arith.constant 0 : i32
        %dma_start3A_57 = arith.constant 0 : i32
        %dma_start3A_58 = tpu.memref_slice %arg18[%dma_start3A, %dma_start3A_57] : memref<80x128xf32, #tpu.memory_space<vmem>> -> memref<8x128xf32, #tpu.memory_space<vmem>>
        %dma_start3A_59 = arith.constant 640 : i32
        %dma_start3A_60 = arith.constant 0 : i32
        %dma_start3A_61 = tpu.memref_slice %arg10[%dma_start3A_59, %dma_start3A_60] : memref<648x128xf32, #tpu.memory_space<vmem_shared>> -> memref<8x128xf32, #tpu.memory_space<vmem_shared>>
        %dma_start3A_62 = arith.constant 640 : i32
        %dma_start3A_63 = arith.constant 0 : i32
        %dma_start3A_64 = tpu.memref_slice %arg10[%dma_start3A_62, %dma_start3A_63] : memref<648x128xf32, #tpu.memory_space<vmem_shared>> -> memref<8x128xf32, #tpu.memory_space<vmem_shared>>
        %dma_start3A_65 = arith.constant 0 : i32
        %dma_start3A_66 = arith.constant 0 : i32
        %dma_start3A_67 = tpu.memref_slice %arg18[%dma_start3A_65, %dma_start3A_66] : memref<80x128xf32, #tpu.memory_space<vmem>> -> memref<8x128xf32, #tpu.memory_space<vmem>>
        tpu.enqueue_dma source(%dma_start3A_67 : memref<8x128xf32, #tpu.memory_space<vmem>>) target(%dma_start3A_64 : memref<8x128xf32, #tpu.memory_space<vmem_shared>>) target_semaphore(%run_scoped3A : memref<!tpu.dma_semaphore, #tpu.memory_space<semaphore_mem>>)
        %dma_wait3A = arith.constant 0 : i32
        %dma_wait3A_68 = arith.constant 0 : i32
        %dma_wait3A_69 = tpu.memref_slice %arg18[%dma_wait3A, %dma_wait3A_68] : memref<80x128xf32, #tpu.memory_space<vmem>> -> memref<8x128xf32, #tpu.memory_space<vmem>>
        %dma_wait3A_70 = arith.constant 640 : i32
        %dma_wait3A_71 = arith.constant 0 : i32
        %dma_wait3A_72 = tpu.memref_slice %arg10[%dma_wait3A_70, %dma_wait3A_71] : memref<648x128xf32, #tpu.memory_space<vmem_shared>> -> memref<8x128xf32, #tpu.memory_space<vmem_shared>>
        %dma_wait3A_73 = arith.constant 640 : i32
        %dma_wait3A_74 = arith.constant 0 : i32
        %dma_wait3A_75 = tpu.memref_slice %arg10[%dma_wait3A_73, %dma_wait3A_74] : memref<648x128xf32, #tpu.memory_space<vmem_shared>> -> memref<8x128xf32, #tpu.memory_space<vmem_shared>>
        %dma_wait3A_76 = arith.constant 0 : i32
        %dma_wait3A_77 = arith.constant 0 : i32
        %dma_wait3A_78 = tpu.memref_slice %arg18[%dma_wait3A_76, %dma_wait3A_77] : memref<80x128xf32, #tpu.memory_space<vmem>> -> memref<8x128xf32, #tpu.memory_space<vmem>>
        tpu.wait_dma2 semaphore(%run_scoped3A : memref<!tpu.dma_semaphore, #tpu.memory_space<semaphore_mem>>) src(%dma_wait3A_78 : memref<8x128xf32, #tpu.memory_space<vmem>>) dst(%dma_wait3A_75 : memref<8x128xf32, #tpu.memory_space<vmem_shared>>)
        tpu.yield
      }) : () -> ()
    } else {
    }
    %barrier3A = arith.constant 0 : index
    tpu.barrier barrier_id(%barrier3A)
    %get3A = arith.constant 0 : index
    %get3A_29 = tpu.vector_load %arg19[%get3A] {strides = array<i32>} : memref<32xf32, #tpu.memory_space<vmem>>, vector<16xf32>,
    %get3A_30 = arith.constant 16 : index
    %get3A_31 = tpu.vector_load %arg19[%get3A_30] {strides = array<i32>} : memref<32xf32, #tpu.memory_space<vmem>>, vector<16xf32>,
    %iota3A = tpu.iota {dimensions = array<i32: 0>} : vector<16xi32>
    %eq3A_32 = arith.constant 0 : i32
    %eq3A_33 = vector.broadcast %eq3A_32 : i32 to vector<16xi32>
    %eq3A_34 = arith.cmpi eq, %iota3A, %eq3A_33 : vector<16xi32>
    %scan3A_35 = arith.constant 0 : i32
    %scan3A_36 = arith.constant 0 : i32
    %scan3A_37 = arith.constant 64 : i32
    %scan3A_38 = arith.addi %scan3A_36, %scan3A_37 : i32
    %scan3A_39 = arith.constant 1 : i32
    scf.for %scan3A_57 = %scan3A_36 to %scan3A_38 step %scan3A_39  : i32 {
      %mul3A_58 = arith.constant 5120 : i32
      %mul3A_59 = arith.muli %add3A, %mul3A_58 : i32
      %mul3A_60 = arith.constant 80 : i32
      %mul3A_61 = arith.muli %scan3A_57, %mul3A_60 : i32
      %add3A_62 = arith.addi %mul3A_59, %mul3A_61 : i32
      %dma_start3A = tpu.memref_slice %arg3[%add3A_62] : memref<163840xi32, #tpu.memory_space<hbm>> -> memref<80xi32, #tpu.memory_space<hbm>>
      %dma_start3A_63 = tpu.memref_slice %arg3[%add3A_62] : memref<163840xi32, #tpu.memory_space<hbm>> -> memref<80xi32, #tpu.memory_space<hbm>>
      tpu.enqueue_dma source(%dma_start3A_63 : memref<80xi32, #tpu.memory_space<hbm>>) target(%arg11 : memref<80xi32, #tpu.memory_space<vmem>>) target_semaphore(%arg20 : memref<!tpu.dma_semaphore, #tpu.memory_space<semaphore_mem>>)
      %dma_start3A_64 = arith.constant 0 : i32
      %dma_start3A_65 = tpu.memref_slice %arg13[%dma_start3A_64] : memref<96xi32, #tpu.memory_space<vmem>> -> memref<80xi32, #tpu.memory_space<vmem>>
      %dma_start3A_66 = tpu.memref_slice %arg4[%add3A_62] : memref<163840xi32, #tpu.memory_space<hbm>> -> memref<80xi32, #tpu.memory_space<hbm>>
      %dma_start3A_67 = arith.constant 0 : i32
      %dma_start3A_68 = tpu.memref_slice %arg13[%dma_start3A_67] : memref<96xi32, #tpu.memory_space<vmem>> -> memref<80xi32, #tpu.memory_space<vmem>>
      %dma_start3A_69 = tpu.memref_slice %arg4[%add3A_62] : memref<163840xi32, #tpu.memory_space<hbm>> -> memref<80xi32, #tpu.memory_space<hbm>>
      tpu.enqueue_dma source(%dma_start3A_69 : memref<80xi32, #tpu.memory_space<hbm>>) target(%dma_start3A_68 : memref<80xi32, #tpu.memory_space<vmem>>) target_semaphore(%arg21 : memref<!tpu.dma_semaphore, #tpu.memory_space<semaphore_mem>>)
      %dma_wait3A = tpu.memref_slice %arg3[%add3A_62] : memref<163840xi32, #tpu.memory_space<hbm>> -> memref<80xi32, #tpu.memory_space<hbm>>
      %dma_wait3A_70 = tpu.memref_slice %arg3[%add3A_62] : memref<163840xi32, #tpu.memory_space<hbm>> -> memref<80xi32, #tpu.memory_space<hbm>>
      tpu.wait_dma2 semaphore(%arg20 : memref<!tpu.dma_semaphore, #tpu.memory_space<semaphore_mem>>) src(%dma_wait3A_70 : memref<80xi32, #tpu.memory_space<hbm>>) dst(%arg11 : memref<80xi32, #tpu.memory_space<vmem>>)
      %dma_wait3A_71 = arith.constant 0 : i32
      %dma_wait3A_72 = tpu.memref_slice %arg13[%dma_wait3A_71] : memref<96xi32, #tpu.memory_space<vmem>> -> memref<80xi32, #tpu.memory_space<vmem>>
      %dma_wait3A_73 = tpu.memref_slice %arg4[%add3A_62] : memref<163840xi32, #tpu.memory_space<hbm>> -> memref<80xi32, #tpu.memory_space<hbm>>
      %dma_wait3A_74 = arith.constant 0 : i32
      %dma_wait3A_75 = tpu.memref_slice %arg13[%dma_wait3A_74] : memref<96xi32, #tpu.memory_space<vmem>> -> memref<80xi32, #tpu.memory_space<vmem>>
      %dma_wait3A_76 = tpu.memref_slice %arg4[%add3A_62] : memref<163840xi32, #tpu.memory_space<hbm>> -> memref<80xi32, #tpu.memory_space<hbm>>
      tpu.wait_dma2 semaphore(%arg21 : memref<!tpu.dma_semaphore, #tpu.memory_space<semaphore_mem>>) src(%dma_wait3A_76 : memref<80xi32, #tpu.memory_space<hbm>>) dst(%dma_wait3A_75 : memref<80xi32, #tpu.memory_space<vmem>>)
      %get3A_77 = arith.constant 0 : index
      %get3A_78 = tpu.vector_load %arg13[%get3A_77] {strides = array<i32>} : memref<96xi32, #tpu.memory_space<vmem>>, vector<16xi32>,
      %swap3A = arith.constant 0 : index
      %swap3A_79 = tpu.vector_load %arg12[%swap3A] {strides = array<i32>} : memref<80xi32, #tpu.memory_space<vmem>>, vector<16xi32>,
      tpu.vector_store %arg12[%swap3A], %get3A_78 {strides = array<i32>} : memref<80xi32, #tpu.memory_space<vmem>>, vector<16xi32>,
      %shift_right_logical3A = arith.constant 4 : i32
      %shift_right_logical3A_80 = vector.broadcast %shift_right_logical3A : i32 to vector<16xi32>
      %shift_right_logical3A_81 = arith.shrui %get3A_78, %shift_right_logical3A_80 : vector<16xi32>
      %swap3A_82 = arith.constant 0 : index
      %swap3A_83 = tpu.vector_load %arg14[%swap3A_82] {strides = array<i32>} : memref<80xi32, #tpu.memory_space<vmem>>, vector<16xi32>,
      tpu.vector_store %arg14[%swap3A_82], %shift_right_logical3A_81 {strides = array<i32>} : memref<80xi32, #tpu.memory_space<vmem>>, vector<16xi32>,
      %get3A_84 = arith.constant 16 : index
      %get3A_85 = tpu.vector_load %arg13[%get3A_84] {strides = array<i32>} : memref<96xi32, #tpu.memory_space<vmem>>, vector<16xi32>,
      %swap3A_86 = arith.constant 16 : index
      %swap3A_87 = tpu.vector_load %arg12[%swap3A_86] {strides = array<i32>} : memref<80xi32, #tpu.memory_space<vmem>>, vector<16xi32>,
      tpu.vector_store %arg12[%swap3A_86], %get3A_85 {strides = array<i32>} : memref<80xi32, #tpu.memory_space<vmem>>, vector<16xi32>,
      %shift_right_logical3A_88 = arith.constant 4 : i32
      %shift_right_logical3A_89 = vector.broadcast %shift_right_logical3A_88 : i32 to vector<16xi32>
      %shift_right_logical3A_90 = arith.shrui %get3A_85, %shift_right_logical3A_89 : vector<16xi32>
      %swap3A_91 = arith.constant 16 : index
      %swap3A_92 = tpu.vector_load %arg14[%swap3A_91] {strides = array<i32>} : memref<80xi32, #tpu.memory_space<vmem>>, vector<16xi32>,
      tpu.vector_store %arg14[%swap3A_91], %shift_right_logical3A_90 {strides = array<i32>} : memref<80xi32, #tpu.memory_space<vmem>>, vector<16xi32>,
      %get3A_93 = arith.constant 32 : index
      %get3A_94 = tpu.vector_load %arg13[%get3A_93] {strides = array<i32>} : memref<96xi32, #tpu.memory_space<vmem>>, vector<16xi32>,
      %swap3A_95 = arith.constant 32 : index
      %swap3A_96 = tpu.vector_load %arg12[%swap3A_95] {strides = array<i32>} : memref<80xi32, #tpu.memory_space<vmem>>, vector<16xi32>,
      tpu.vector_store %arg12[%swap3A_95], %get3A_94 {strides = array<i32>} : memref<80xi32, #tpu.memory_space<vmem>>, vector<16xi32>,
      %shift_right_logical3A_97 = arith.constant 4 : i32
      %shift_right_logical3A_98 = vector.broadcast %shift_right_logical3A_97 : i32 to vector<16xi32>
      %shift_right_logical3A_99 = arith.shrui %get3A_94, %shift_right_logical3A_98 : vector<16xi32>
      %swap3A_100 = arith.constant 32 : index
      %swap3A_101 = tpu.vector_load %arg14[%swap3A_100] {strides = array<i32>} : memref<80xi32, #tpu.memory_space<vmem>>, vector<16xi32>,
      tpu.vector_store %arg14[%swap3A_100], %shift_right_logical3A_99 {strides = array<i32>} : memref<80xi32, #tpu.memory_space<vmem>>, vector<16xi32>,
      %get3A_102 = arith.constant 48 : index
      %get3A_103 = tpu.vector_load %arg13[%get3A_102] {strides = array<i32>} : memref<96xi32, #tpu.memory_space<vmem>>, vector<16xi32>,
      %swap3A_104 = arith.constant 48 : index
      %swap3A_105 = tpu.vector_load %arg12[%swap3A_104] {strides = array<i32>} : memref<80xi32, #tpu.memory_space<vmem>>, vector<16xi32>,
      tpu.vector_store %arg12[%swap3A_104], %get3A_103 {strides = array<i32>} : memref<80xi32, #tpu.memory_space<vmem>>, vector<16xi32>,
      %shift_right_logical3A_106 = arith.constant 4 : i32
      %shift_right_logical3A_107 = vector.broadcast %shift_right_logical3A_106 : i32 to vector<16xi32>
      %shift_right_logical3A_108 = arith.shrui %get3A_103, %shift_right_logical3A_107 : vector<16xi32>
      %swap3A_109 = arith.constant 48 : index
      %swap3A_110 = tpu.vector_load %arg14[%swap3A_109] {strides = array<i32>} : memref<80xi32, #tpu.memory_space<vmem>>, vector<16xi32>,
      tpu.vector_store %arg14[%swap3A_109], %shift_right_logical3A_108 {strides = array<i32>} : memref<80xi32, #tpu.memory_space<vmem>>, vector<16xi32>,
      %get3A_111 = arith.constant 64 : index
      %get3A_112 = tpu.vector_load %arg13[%get3A_111] {strides = array<i32>} : memref<96xi32, #tpu.memory_space<vmem>>, vector<16xi32>,
      %swap3A_113 = arith.constant 64 : index
      %swap3A_114 = tpu.vector_load %arg12[%swap3A_113] {strides = array<i32>} : memref<80xi32, #tpu.memory_space<vmem>>, vector<16xi32>,
      tpu.vector_store %arg12[%swap3A_113], %get3A_112 {strides = array<i32>} : memref<80xi32, #tpu.memory_space<vmem>>, vector<16xi32>,
      %shift_right_logical3A_115 = arith.constant 4 : i32
      %shift_right_logical3A_116 = vector.broadcast %shift_right_logical3A_115 : i32 to vector<16xi32>
      %shift_right_logical3A_117 = arith.shrui %get3A_112, %shift_right_logical3A_116 : vector<16xi32>
      %swap3A_118 = arith.constant 64 : index
      %swap3A_119 = tpu.vector_load %arg14[%swap3A_118] {strides = array<i32>} : memref<80xi32, #tpu.memory_space<vmem>>, vector<16xi32>,
      tpu.vector_store %arg14[%swap3A_118], %shift_right_logical3A_117 {strides = array<i32>} : memref<80xi32, #tpu.memory_space<vmem>>, vector<16xi32>,
      %dma_start3A_120 = arith.constant 0 : i32
      %dma_start3A_121 = arith.constant 0 : i32
      %dma_start3A_122 = tpu.memref_slice %arg2[%dma_start3A_120, %dma_start3A_121] : memref<10256x128xf32, #tpu.memory_space<hbm>> -> memref<10256x128xf32, #tpu.memory_space<hbm>>
      tpu.enqueue_indirect_dma source(%dma_start3A_122 : memref<10256x128xf32, #tpu.memory_space<hbm>>) target(%arg15 : memref<80x128xf32, #tpu.memory_space<vmem>>) offsets(%arg11 : memref<80xi32, #tpu.memory_space<vmem>>) semaphore(%arg20 : memref<!tpu.dma_semaphore, #tpu.memory_space<semaphore_mem>>)
      %dma_start3A_123 = arith.constant 0 : i32
      %dma_start3A_124 = arith.constant 0 : i32
      %dma_start3A_125 = tpu.memref_slice %arg2[%dma_start3A_123, %dma_start3A_124] : memref<10256x128xf32, #tpu.memory_space<hbm>> -> memref<10256x128xf32, #tpu.memory_space<hbm>>
      tpu.enqueue_indirect_dma source(%dma_start3A_125 : memref<10256x128xf32, #tpu.memory_space<hbm>>) target(%arg16 : memref<80x128xf32, #tpu.memory_space<vmem>>) offsets(%arg12 : memref<80xi32, #tpu.memory_space<vmem>>) semaphore(%arg21 : memref<!tpu.dma_semaphore, #tpu.memory_space<semaphore_mem>>)
      %dma_wait3A_126 = arith.constant 0 : i32
      %dma_wait3A_127 = arith.constant 0 : i32
      %dma_wait3A_128 = tpu.memref_slice %arg2[%dma_wait3A_126, %dma_wait3A_127] : memref<10256x128xf32, #tpu.memory_space<hbm>> -> memref<10256x128xf32, #tpu.memory_space<hbm>>
      tpu.wait_indirect_dma semaphore(%arg20 : memref<!tpu.dma_semaphore, #tpu.memory_space<semaphore_mem>>) src(%dma_wait3A_128 : memref<10256x128xf32, #tpu.memory_space<hbm>>) dst(%arg15 : memref<80x128xf32, #tpu.memory_space<vmem>>)
      %dma_wait3A_129 = arith.constant 0 : i32
      %dma_wait3A_130 = arith.constant 0 : i32
      %dma_wait3A_131 = tpu.memref_slice %arg2[%dma_wait3A_129, %dma_wait3A_130] : memref<10256x128xf32, #tpu.memory_space<hbm>> -> memref<10256x128xf32, #tpu.memory_space<hbm>>
      tpu.wait_indirect_dma semaphore(%arg21 : memref<!tpu.dma_semaphore, #tpu.memory_space<semaphore_mem>>) src(%dma_wait3A_131 : memref<10256x128xf32, #tpu.memory_space<hbm>>) dst(%arg16 : memref<80x128xf32, #tpu.memory_space<vmem>>)
      %parallel_loop3A = arith.constant 0 : i32
      %parallel_loop3A_132 = arith.constant 80 : i32
      %parallel_loop3A_133 = arith.constant 1 : i32
      scf.for %parallel_loop3A_140 = %parallel_loop3A to %parallel_loop3A_132 step %parallel_loop3A_133  : i32 {
        %parallel_loop3A_141 = arith.index_cast %parallel_loop3A_140 : i32 to index
        %parallel_loop3A_142 = tpu.vector_load %arg13[%parallel_loop3A_141] {strides = array<i32>} : memref<96xi32, #tpu.memory_space<vmem>>, vector<16xi32>,
        %parallel_loop3A_143 = vector.extract_strided_slice %parallel_loop3A_142 {offsets = [0], sizes = [1], strides = [1]} : vector<16xi32> to vector<1xi32>
        %parallel_loop3A_144 = vector.extract %parallel_loop3A_143[0] : i32 from vector<1xi32>
        %parallel_loop3A_145 = arith.constant 15 : i32
        %parallel_loop3A_146 = arith.andi %parallel_loop3A_144, %parallel_loop3A_145 : i32
        %parallel_loop3A_147 = arith.constant 3 : i32
        %parallel_loop3A_148 = arith.shli %parallel_loop3A_146, %parallel_loop3A_147 : i32
        %parallel_loop3A_149 = arith.index_cast %parallel_loop3A_140 : i32 to index
        %parallel_loop3A_150 = arith.constant 0 : index
        %parallel_loop3A_151 = tpu.vector_load %arg15[%parallel_loop3A_149, %parallel_loop3A_150] {strides = array<i32>} : memref<80x128xf32, #tpu.memory_space<vmem>>, vector<16xf32>,
        %parallel_loop3A_152 = arith.index_cast %parallel_loop3A_140 : i32 to index
        %parallel_loop3A_153 = arith.constant 16 : index
        %parallel_loop3A_154 = tpu.vector_load %arg15[%parallel_loop3A_152, %parallel_loop3A_153] {strides = array<i32>} : memref<80x128xf32, #tpu.memory_space<vmem>>, vector<16xf32>,
        %parallel_loop3A_155 = arith.index_cast %parallel_loop3A_140 : i32 to index
        %parallel_loop3A_156 = arith.constant 32 : index
        %parallel_loop3A_157 = tpu.vector_load %arg16[%parallel_loop3A_155, %parallel_loop3A_156] {strides = array<i32>} : memref<80x128xf32, #tpu.memory_space<vmem>>, vector<16xf32>,
        %parallel_loop3A_158 = arith.addf %parallel_loop3A_151, %parallel_loop3A_157 : vector<16xf32>
        %parallel_loop3A_159 = arith.index_cast %parallel_loop3A_140 : i32 to index
        %parallel_loop3A_160 = arith.constant 48 : index
        %parallel_loop3A_161 = tpu.vector_load %arg16[%parallel_loop3A_159, %parallel_loop3A_160] {strides = array<i32>} : memref<80x128xf32, #tpu.memory_space<vmem>>, vector<16xf32>,
        %parallel_loop3A_162 = arith.addf %parallel_loop3A_154, %parallel_loop3A_161 : vector<16xf32>
        %parallel_loop3A_163 = arith.constant 2.000000e-01 : f32
        %parallel_loop3A_164 = vector.broadcast %parallel_loop3A_163 : f32 to vector<16xf32>
        %parallel_loop3A_165 = arith.mulf %parallel_loop3A_164, %parallel_loop3A_158 : vector<16xf32>
        %parallel_loop3A_166 = arith.maximumf %parallel_loop3A_158, %parallel_loop3A_165 : vector<16xf32>
        %parallel_loop3A_167 = arith.mulf %parallel_loop3A_166, %get3A_29 : vector<16xf32>
        %parallel_loop3A_168 = arith.constant 2.000000e-01 : f32
        %parallel_loop3A_169 = vector.broadcast %parallel_loop3A_168 : f32 to vector<16xf32>
        %parallel_loop3A_170 = arith.mulf %parallel_loop3A_169, %parallel_loop3A_162 : vector<16xf32>
        %parallel_loop3A_171 = arith.maximumf %parallel_loop3A_162, %parallel_loop3A_170 : vector<16xf32>
        %parallel_loop3A_172 = arith.mulf %parallel_loop3A_171, %get3A_31 : vector<16xf32>
        %parallel_loop3A_173 = arith.addf %parallel_loop3A_167, %parallel_loop3A_172 : vector<16xf32>
        %parallel_loop3A_174 = arith.constant true
        %parallel_loop3A_175 = vector.broadcast %parallel_loop3A_174 : i1 to vector<16xi1>
        %parallel_loop3A_176 = tpu.scan <sum>, %parallel_loop3A_173 masked %parallel_loop3A_175 : vector<16xf32>, vector<16xi1> -> vector<16xf32>
        %parallel_loop3A_177 = vector.extract %parallel_loop3A_176[15] : f32 from vector<16xf32>
        %parallel_loop3A_178 = vector.broadcast %parallel_loop3A_177 : f32 to vector<16xf32>
        %parallel_loop3A_179 = math.exp %parallel_loop3A_178 : vector<16xf32>
        %parallel_loop3A_180 = arith.mulf %parallel_loop3A_179, %parallel_loop3A_151 : vector<16xf32>
        %parallel_loop3A_181 = arith.index_cast %parallel_loop3A_140 : i32 to index
        %parallel_loop3A_182 = arith.constant 0 : index
        %parallel_loop3A_183 = tpu.vector_load %arg17[%parallel_loop3A_181, %parallel_loop3A_182] {strides = array<i32>} : memref<80x128xf32, #tpu.memory_space<vmem>>, vector<16xf32>,
        tpu.vector_store %arg17[%parallel_loop3A_181, %parallel_loop3A_182], %parallel_loop3A_180 {strides = array<i32>} : memref<80x128xf32, #tpu.memory_space<vmem>>, vector<16xf32>,
        %parallel_loop3A_184 = arith.mulf %parallel_loop3A_179, %parallel_loop3A_154 : vector<16xf32>
        %parallel_loop3A_185 = arith.index_cast %parallel_loop3A_140 : i32 to index
        %parallel_loop3A_186 = arith.constant 16 : index
        %parallel_loop3A_187 = tpu.vector_load %arg17[%parallel_loop3A_185, %parallel_loop3A_186] {strides = array<i32>} : memref<80x128xf32, #tpu.memory_space<vmem>>, vector<16xf32>,
        tpu.vector_store %arg17[%parallel_loop3A_185, %parallel_loop3A_186], %parallel_loop3A_184 {strides = array<i32>} : memref<80x128xf32, #tpu.memory_space<vmem>>, vector<16xf32>,
        %parallel_loop3A_188 = vector.broadcast %parallel_loop3A_140 : i32 to vector<16xi32>
        %parallel_loop3A_189 = vector.broadcast %parallel_loop3A_148 : i32 to vector<16xi32>
        tpu.vector_store_idx %arg18[%parallel_loop3A_188, %parallel_loop3A_189], %parallel_loop3A_179 masked %eq3A_34 {add = true} : memref<80x128xf32, #tpu.memory_space<vmem>>[vector<16xi32>, vector<16xi32>], vector<16xf32>, vector<16xi1>
      } {sc.loop_unroll_factor = 4 : i64, sc.parallel_access}
      "tpu.region"() ({
        %run_scoped3A = tpu.sem_alloc : memref<!tpu.dma_semaphore, #tpu.memory_space<semaphore_mem>>
        %dma_start3A_140 = arith.constant 0 : i32
        %dma_start3A_141 = arith.constant 0 : i32
        %dma_start3A_142 = tpu.memref_slice %arg9[%dma_start3A_140, %dma_start3A_141] : memref<10256x128xf32, #tpu.memory_space<vmem_shared>> -> memref<10256x128xf32, #tpu.memory_space<vmem_shared>>
        tpu.enqueue_indirect_dma source(%arg17 : memref<80x128xf32, #tpu.memory_space<vmem>>) target(%dma_start3A_142 : memref<10256x128xf32, #tpu.memory_space<vmem_shared>>) offsets(%arg12 : memref<80xi32, #tpu.memory_space<vmem>>) semaphore(%run_scoped3A : memref<!tpu.dma_semaphore, #tpu.memory_space<semaphore_mem>>) {add = true}
        %dma_wait3A_143 = arith.constant 0 : i32
        %dma_wait3A_144 = arith.constant 0 : i32
        %dma_wait3A_145 = tpu.memref_slice %arg9[%dma_wait3A_143, %dma_wait3A_144] : memref<10256x128xf32, #tpu.memory_space<vmem_shared>> -> memref<10256x128xf32, #tpu.memory_space<vmem_shared>>
        tpu.wait_indirect_dma semaphore(%run_scoped3A : memref<!tpu.dma_semaphore, #tpu.memory_space<semaphore_mem>>) src(%arg17 : memref<80x128xf32, #tpu.memory_space<vmem>>) dst(%dma_wait3A_145 : memref<10256x128xf32, #tpu.memory_space<vmem_shared>>)
        tpu.yield
      }) : () -> ()
      "tpu.region"() ({
        %run_scoped3A = tpu.sem_alloc : memref<!tpu.dma_semaphore, #tpu.memory_space<semaphore_mem>>
        %dma_start3A_140 = arith.constant 0 : i32
        %dma_start3A_141 = arith.constant 0 : i32
        %dma_start3A_142 = tpu.memref_slice %arg10[%dma_start3A_140, %dma_start3A_141] : memref<648x128xf32, #tpu.memory_space<vmem_shared>> -> memref<648x128xf32, #tpu.memory_space<vmem_shared>>
        tpu.enqueue_indirect_dma source(%arg18 : memref<80x128xf32, #tpu.memory_space<vmem>>) target(%dma_start3A_142 : memref<648x128xf32, #tpu.memory_space<vmem_shared>>) offsets(%arg14 : memref<80xi32, #tpu.memory_space<vmem>>) semaphore(%run_scoped3A : memref<!tpu.dma_semaphore, #tpu.memory_space<semaphore_mem>>) {add = true}
        %dma_wait3A_143 = arith.constant 0 : i32
        %dma_wait3A_144 = arith.constant 0 : i32
        %dma_wait3A_145 = tpu.memref_slice %arg10[%dma_wait3A_143, %dma_wait3A_144] : memref<648x128xf32, #tpu.memory_space<vmem_shared>> -> memref<648x128xf32, #tpu.memory_space<vmem_shared>>
        tpu.wait_indirect_dma semaphore(%run_scoped3A : memref<!tpu.dma_semaphore, #tpu.memory_space<semaphore_mem>>) src(%arg18 : memref<80x128xf32, #tpu.memory_space<vmem>>) dst(%dma_wait3A_145 : memref<648x128xf32, #tpu.memory_space<vmem_shared>>)
        tpu.yield
      }) : () -> ()
      %scan3A_134 = arith.constant 0 : i32
      %scan3A_135 = arith.constant 0 : i32
      %scan3A_136 = arith.constant 80 : i32
      %scan3A_137 = arith.addi %scan3A_135, %scan3A_136 : i32
      %scan3A_138 = arith.constant 1 : i32
      scf.for %scan3A_140 = %scan3A_135 to %scan3A_137 step %scan3A_138  : i32 {
        %swap3A_141 = arith.index_cast %scan3A_140 : i32 to index
        %swap3A_142 = arith.constant 0 : index
        %swap3A_143 = tpu.vector_load %arg18[%swap3A_141, %swap3A_142] {strides = array<i32>} : memref<80x128xf32, #tpu.memory_space<vmem>>, vector<16xf32>,
        tpu.vector_store %arg18[%swap3A_141, %swap3A_142], %broadcast_in_dim3A_7 {strides = array<i32>} : memref<80x128xf32, #tpu.memory_space<vmem>>, vector<16xf32>,
        %swap3A_144 = arith.index_cast %scan3A_140 : i32 to index
        %swap3A_145 = arith.constant 16 : index
        %swap3A_146 = tpu.vector_load %arg18[%swap3A_144, %swap3A_145] {strides = array<i32>} : memref<80x128xf32, #tpu.memory_space<vmem>>, vector<16xf32>,
        tpu.vector_store %arg18[%swap3A_144, %swap3A_145], %broadcast_in_dim3A_7 {strides = array<i32>} : memref<80x128xf32, #tpu.memory_space<vmem>>, vector<16xf32>,
        %swap3A_147 = arith.index_cast %scan3A_140 : i32 to index
        %swap3A_148 = arith.constant 32 : index
        %swap3A_149 = tpu.vector_load %arg18[%swap3A_147, %swap3A_148] {strides = array<i32>} : memref<80x128xf32, #tpu.memory_space<vmem>>, vector<16xf32>,
        tpu.vector_store %arg18[%swap3A_147, %swap3A_148], %broadcast_in_dim3A_7 {strides = array<i32>} : memref<80x128xf32, #tpu.memory_space<vmem>>, vector<16xf32>,
        %swap3A_150 = arith.index_cast %scan3A_140 : i32 to index
        %swap3A_151 = arith.constant 48 : index
        %swap3A_152 = tpu.vector_load %arg18[%swap3A_150, %swap3A_151] {strides = array<i32>} : memref<80x128xf32, #tpu.memory_space<vmem>>, vector<16xf32>,
        tpu.vector_store %arg18[%swap3A_150, %swap3A_151], %broadcast_in_dim3A_7 {strides = array<i32>} : memref<80x128xf32, #tpu.memory_space<vmem>>, vector<16xf32>,
        %swap3A_153 = arith.index_cast %scan3A_140 : i32 to index
        %swap3A_154 = arith.constant 64 : index
        %swap3A_155 = tpu.vector_load %arg18[%swap3A_153, %swap3A_154] {strides = array<i32>} : memref<80x128xf32, #tpu.memory_space<vmem>>, vector<16xf32>,
        tpu.vector_store %arg18[%swap3A_153, %swap3A_154], %broadcast_in_dim3A_7 {strides = array<i32>} : memref<80x128xf32, #tpu.memory_space<vmem>>, vector<16xf32>,
        %swap3A_156 = arith.index_cast %scan3A_140 : i32 to index
        %swap3A_157 = arith.constant 80 : index
        %swap3A_158 = tpu.vector_load %arg18[%swap3A_156, %swap3A_157] {strides = array<i32>} : memref<80x128xf32, #tpu.memory_space<vmem>>, vector<16xf32>,
        tpu.vector_store %arg18[%swap3A_156, %swap3A_157], %broadcast_in_dim3A_7 {strides = array<i32>} : memref<80x128xf32, #tpu.memory_space<vmem>>, vector<16xf32>,
        %swap3A_159 = arith.index_cast %scan3A_140 : i32 to index
        %swap3A_160 = arith.constant 96 : index
        %swap3A_161 = tpu.vector_load %arg18[%swap3A_159, %swap3A_160] {strides = array<i32>} : memref<80x128xf32, #tpu.memory_space<vmem>>, vector<16xf32>,
        tpu.vector_store %arg18[%swap3A_159, %swap3A_160], %broadcast_in_dim3A_7 {strides = array<i32>} : memref<80x128xf32, #tpu.memory_space<vmem>>, vector<16xf32>,
        %swap3A_162 = arith.index_cast %scan3A_140 : i32 to index
        %swap3A_163 = arith.constant 112 : index
        %swap3A_164 = tpu.vector_load %arg18[%swap3A_162, %swap3A_163] {strides = array<i32>} : memref<80x128xf32, #tpu.memory_space<vmem>>, vector<16xf32>,
        tpu.vector_store %arg18[%swap3A_162, %swap3A_163], %broadcast_in_dim3A_7 {strides = array<i32>} : memref<80x128xf32, #tpu.memory_space<vmem>>, vector<16xf32>,
      }
      %scan3A_139 = arith.constant 80 : i32
    }
    %scan3A_40 = arith.constant 64 : i32
    %barrier3A_41 = arith.constant 0 : index
    tpu.barrier barrier_id(%barrier3A_41)
    %eq3A_42 = arith.constant 0 : i32
    %eq3A_43 = arith.cmpi eq, %arg1, %eq3A_42 : i32
    %convert_element_type3A_44 = arith.extui %eq3A_43 : i1 to i32
    %cond3A_45 = arith.constant 0 : i32
    %cond3A_46 = arith.cmpi ne, %convert_element_type3A_44, %cond3A_45 : i32
    scf.if %cond3A_46 {
      %mul3A_57 = arith.constant 648 : i32
      %mul3A_58 = arith.muli %arg0, %mul3A_57 : i32
      "tpu.region"() ({
        %run_scoped3A = tpu.sem_alloc : memref<!tpu.dma_semaphore, #tpu.memory_space<semaphore_mem>>
        %dma_start3A = arith.constant 0 : i32
        %dma_start3A_59 = tpu.memref_slice %arg8[%mul3A_58, %dma_start3A] : memref<1296x128xf32, #tpu.memory_space<hbm>> -> memref<648x128xf32, #tpu.memory_space<hbm>>
        tpu.enqueue_dma source(%arg10 : memref<648x128xf32, #tpu.memory_space<vmem_shared>>) target(%dma_start3A_59 : memref<648x128xf32, #tpu.memory_space<hbm>>) target_semaphore(%run_scoped3A : memref<!tpu.dma_semaphore, #tpu.memory_space<semaphore_mem>>)
        %dma_wait3A = arith.constant 0 : i32
        %dma_wait3A_60 = tpu.memref_slice %arg8[%mul3A_58, %dma_wait3A] : memref<1296x128xf32, #tpu.memory_space<hbm>> -> memref<648x128xf32, #tpu.memory_space<hbm>>
        tpu.wait_dma2 semaphore(%run_scoped3A : memref<!tpu.dma_semaphore, #tpu.memory_space<semaphore_mem>>) src(%arg10 : memref<648x128xf32, #tpu.memory_space<vmem_shared>>) dst(%dma_wait3A_60 : memref<648x128xf32, #tpu.memory_space<hbm>>)
        tpu.yield
      }) : () -> ()
    } else {
    }
    %lt3A_47 = arith.constant 15 : i32
    %lt3A_48 = arith.cmpi slt, %arg1, %lt3A_47 : i32
    %convert_element_type3A_49 = arith.extui %lt3A_48 : i1 to i32
    %cond3A_50 = arith.constant 0 : i32
    %cond3A_51 = arith.cmpi ne, %convert_element_type3A_49, %cond3A_50 : i32
    scf.if %cond3A_51 {
      %mul3A_57 = arith.constant 640 : i32
      %mul3A_58 = arith.muli %arg1, %mul3A_57 : i32
      %mul3A_59 = arith.constant 10256 : i32
      %mul3A_60 = arith.muli %arg0, %mul3A_59 : i32
      %mul3A_61 = arith.constant 640 : i32
      %mul3A_62 = arith.muli %arg1, %mul3A_61 : i32
      %add3A_63 = arith.addi %mul3A_60, %mul3A_62 : i32
      "tpu.region"() ({
        %run_scoped3A = tpu.sem_alloc : memref<!tpu.dma_semaphore, #tpu.memory_space<semaphore_mem>>
        %dma_start3A = arith.constant 0 : i32
        %dma_start3A_64 = tpu.memref_slice %arg7[%add3A_63, %dma_start3A] : memref<20512x128xf32, #tpu.memory_space<hbm>> -> memref<640x128xf32, #tpu.memory_space<hbm>>
        %dma_start3A_65 = arith.constant 0 : i32
        %dma_start3A_66 = tpu.memref_slice %arg9[%mul3A_58, %dma_start3A_65] : memref<10256x128xf32, #tpu.memory_space<vmem_shared>> -> memref<640x128xf32, #tpu.memory_space<vmem_shared>>
        tpu.enqueue_dma source(%dma_start3A_66 : memref<640x128xf32, #tpu.memory_space<vmem_shared>>) target(%dma_start3A_64 : memref<640x128xf32, #tpu.memory_space<hbm>>) target_semaphore(%run_scoped3A : memref<!tpu.dma_semaphore, #tpu.memory_space<semaphore_mem>>)
        %dma_wait3A = arith.constant 0 : i32
        %dma_wait3A_67 = tpu.memref_slice %arg7[%add3A_63, %dma_wait3A] : memref<20512x128xf32, #tpu.memory_space<hbm>> -> memref<640x128xf32, #tpu.memory_space<hbm>>
        %dma_wait3A_68 = arith.constant 0 : i32
        %dma_wait3A_69 = tpu.memref_slice %arg9[%mul3A_58, %dma_wait3A_68] : memref<10256x128xf32, #tpu.memory_space<vmem_shared>> -> memref<640x128xf32, #tpu.memory_space<vmem_shared>>
        tpu.wait_dma2 semaphore(%run_scoped3A : memref<!tpu.dma_semaphore, #tpu.memory_space<semaphore_mem>>) src(%dma_wait3A_69 : memref<640x128xf32, #tpu.memory_space<vmem_shared>>) dst(%dma_wait3A_67 : memref<640x128xf32, #tpu.memory_space<hbm>>)
        tpu.yield
      }) : () -> ()
    } else {
    }
    %eq3A_52 = arith.constant 15 : i32
    %eq3A_53 = arith.cmpi eq, %arg1, %eq3A_52 : i32
    %convert_element_type3A_54 = arith.extui %eq3A_53 : i1 to i32
    %cond3A_55 = arith.constant 0 : i32
    %cond3A_56 = arith.cmpi ne, %convert_element_type3A_54, %cond3A_55 : i32
    scf.if %cond3A_56 {
      %mul3A_57 = arith.constant 10256 : i32
      %mul3A_58 = arith.muli %arg0, %mul3A_57 : i32
      %add3A_59 = arith.constant 9600 : i32
      %add3A_60 = arith.addi %mul3A_58, %add3A_59 : i32
      "tpu.region"() ({
        %run_scoped3A = tpu.sem_alloc : memref<!tpu.dma_semaphore, #tpu.memory_space<semaphore_mem>>
        %dma_start3A = arith.constant 0 : i32
        %dma_start3A_61 = tpu.memref_slice %arg7[%add3A_60, %dma_start3A] : memref<20512x128xf32, #tpu.memory_space<hbm>> -> memref<656x128xf32, #tpu.memory_space<hbm>>
        %dma_start3A_62 = arith.constant 9600 : i32
        %dma_start3A_63 = arith.constant 0 : i32
        %dma_start3A_64 = tpu.memref_slice %arg9[%dma_start3A_62, %dma_start3A_63] : memref<10256x128xf32, #tpu.memory_space<vmem_shared>> -> memref<656x128xf32, #tpu.memory_space<vmem_shared>>
        tpu.enqueue_dma source(%dma_start3A_64 : memref<656x128xf32, #tpu.memory_space<vmem_shared>>) target(%dma_start3A_61 : memref<656x128xf32, #tpu.memory_space<hbm>>) target_semaphore(%run_scoped3A : memref<!tpu.dma_semaphore, #tpu.memory_space<semaphore_mem>>)
        %dma_wait3A = arith.constant 0 : i32
        %dma_wait3A_65 = tpu.memref_slice %arg7[%add3A_60, %dma_wait3A] : memref<20512x128xf32, #tpu.memory_space<hbm>> -> memref<656x128xf32, #tpu.memory_space<hbm>>
        %dma_wait3A_66 = arith.constant 9600 : i32
        %dma_wait3A_67 = arith.constant 0 : i32
        %dma_wait3A_68 = tpu.memref_slice %arg9[%dma_wait3A_66, %dma_wait3A_67] : memref<10256x128xf32, #tpu.memory_space<vmem_shared>> -> memref<656x128xf32, #tpu.memory_space<vmem_shared>>
        tpu.wait_dma2 semaphore(%run_scoped3A : memref<!tpu.dma_semaphore, #tpu.memory_space<semaphore_mem>>) src(%dma_wait3A_68 : memref<656x128xf32, #tpu.memory_space<vmem_shared>>) dst(%dma_wait3A_65 : memref<656x128xf32, #tpu.memory_space<hbm>>)
        tpu.yield
      }) : () -> ()
    } else {
    }
    return
  }
}

module attributes {stable_mosaic.version = 14 : i64} {
  func.func @_prep1_body(%arg0: i32, %arg1: memref<1000x128xf32, #tpu.memory_space<vmem>>, %arg2: memref<128x256xf32, #tpu.memory_space<vmem>>, %arg3: memref<1x256xf32, #tpu.memory_space<vmem>>, %arg4: memref<128x256xf32, #tpu.memory_space<vmem>>, %arg5: memref<1x256xf32, #tpu.memory_space<vmem>>, %arg6: memref<128x256xf32, #tpu.memory_space<vmem>>, %arg7: memref<1x256xf32, #tpu.memory_space<vmem>>, %arg8: memref<1x256xf32, #tpu.memory_space<vmem>>, %arg9: memref<2x1000x128xf32, #tpu.memory_space<vmem>>, %arg10: memref<2x1000x128xf32, #tpu.memory_space<vmem>>, %arg11: memref<1000x256xf32, #tpu.memory_space<vmem>>, %arg12: memref<2x1000x128xf32, #tpu.memory_space<vmem>>, %arg13: memref<1000x8xf32, #tpu.memory_space<vmem>>) attributes {dimension_semantics = [#tpu.dimension_semantics<arbitrary>], iteration_bounds = array<i64: 10>, scalar_prefetch = 0 : i64, scratch_operands = 0 : i64, tpu.core_type = #tpu.core_type<tc>, window_params = [{transform_indices = @transform_0, window_bounds = array<i64: 1000, 128>}, {pipeline_mode = #tpu.pipeline_mode<synchronous>, transform_indices = @transform_1, window_bounds = array<i64: 128, 256>}, {pipeline_mode = #tpu.pipeline_mode<synchronous>, transform_indices = @transform_2, window_bounds = array<i64: 1, 256>}, {pipeline_mode = #tpu.pipeline_mode<synchronous>, transform_indices = @transform_3, window_bounds = array<i64: 128, 256>}, {pipeline_mode = #tpu.pipeline_mode<synchronous>, transform_indices = @transform_4, window_bounds = array<i64: 1, 256>}, {pipeline_mode = #tpu.pipeline_mode<synchronous>, transform_indices = @transform_5, window_bounds = array<i64: 128, 256>}, {pipeline_mode = #tpu.pipeline_mode<synchronous>, transform_indices = @transform_6, window_bounds = array<i64: 1, 256>}, {pipeline_mode = #tpu.pipeline_mode<synchronous>, transform_indices = @transform_7, window_bounds = array<i64: 1, 256>}, {transform_indices = @transform_8, window_bounds = array<i64: 2, 1000, 128>}, {transform_indices = @transform_9, window_bounds = array<i64: 2, 1000, 128>}, {transform_indices = @transform_10, window_bounds = array<i64: 1000, 256>}, {transform_indices = @transform_11, window_bounds = array<i64: 2, 1000, 128>}, {transform_indices = @transform_12, window_bounds = array<i64: 1000, 8>}]} {
    %get3A = arith.constant 0 : index
    %get3A_0 = arith.constant 0 : index
    %get3A_1 = vector.load %arg1[%get3A, %get3A_0] : memref<1000x128xf32, #tpu.memory_space<vmem>>, vector<1000x128xf32>
    %get3A_2 = arith.constant 0 : index
    %get3A_3 = arith.constant 0 : index
    %get3A_4 = vector.load %arg2[%get3A_2, %get3A_3] : memref<128x256xf32, #tpu.memory_space<vmem>>, vector<128x256xf32>
    %dot_general3A = arith.constant dense<0.000000e+00> : vector<1000x256xf32>
    %dot_general3A_5 = tpu.matmul %get3A_1, %get3A_4, %dot_general3A {dimension_numbers = #tpu.dot_dimension_numbers<[1], [0], [0], [1], [0, 0, 1, 1], [], []>, transpose_lhs_hint = false} : vector<1000x128xf32>, vector<128x256xf32>, vector<1000x256xf32> -> vector<1000x256xf32>
    %get3A_6 = arith.constant 0 : index
    %get3A_7 = arith.constant 0 : index
    %get3A_8 = vector.load %arg3[%get3A_6, %get3A_7] : memref<1x256xf32, #tpu.memory_space<vmem>>, vector<1x256xf32>
    %add3A = vector.broadcast %get3A_8 : vector<1x256xf32> to vector<1000x256xf32>
    %add3A_9 = arith.addf %dot_general3A_5, %add3A : vector<1000x256xf32>
    %get3A_10 = arith.constant 0 : index
    %get3A_11 = arith.constant 0 : index
    %get3A_12 = vector.load %arg4[%get3A_10, %get3A_11] : memref<128x256xf32, #tpu.memory_space<vmem>>, vector<128x256xf32>
    %dot_general3A_13 = arith.constant dense<0.000000e+00> : vector<1000x256xf32>
    %dot_general3A_14 = tpu.matmul %get3A_1, %get3A_12, %dot_general3A_13 {dimension_numbers = #tpu.dot_dimension_numbers<[1], [0], [0], [1], [0, 0, 1, 1], [], []>, transpose_lhs_hint = false} : vector<1000x128xf32>, vector<128x256xf32>, vector<1000x256xf32> -> vector<1000x256xf32>
    %get3A_15 = arith.constant 0 : index
    %get3A_16 = arith.constant 0 : index
    %get3A_17 = vector.load %arg5[%get3A_15, %get3A_16] : memref<1x256xf32, #tpu.memory_space<vmem>>, vector<1x256xf32>
    %add3A_18 = vector.broadcast %get3A_17 : vector<1x256xf32> to vector<1000x256xf32>
    %add3A_19 = arith.addf %dot_general3A_14, %add3A_18 : vector<1000x256xf32>
    %get3A_20 = arith.constant 0 : index
    %get3A_21 = arith.constant 0 : index
    %get3A_22 = vector.load %arg6[%get3A_20, %get3A_21] : memref<128x256xf32, #tpu.memory_space<vmem>>, vector<128x256xf32>
    %dot_general3A_23 = arith.constant dense<0.000000e+00> : vector<1000x256xf32>
    %dot_general3A_24 = tpu.matmul %get3A_1, %get3A_22, %dot_general3A_23 {dimension_numbers = #tpu.dot_dimension_numbers<[1], [0], [0], [1], [0, 0, 1, 1], [], []>, transpose_lhs_hint = false} : vector<1000x128xf32>, vector<128x256xf32>, vector<1000x256xf32> -> vector<1000x256xf32>
    %get3A_25 = arith.constant 0 : index
    %get3A_26 = arith.constant 0 : index
    %get3A_27 = vector.load %arg7[%get3A_25, %get3A_26] : memref<1x256xf32, #tpu.memory_space<vmem>>, vector<1x256xf32>
    %add3A_28 = vector.broadcast %get3A_27 : vector<1x256xf32> to vector<1000x256xf32>
    %add3A_29 = arith.addf %dot_general3A_24, %add3A_28 : vector<1000x256xf32>
    %swap3A = arith.constant 0 : index
    %swap3A_30 = arith.constant 0 : index
    %swap3A_31 = vector.load %arg11[%swap3A, %swap3A_30] : memref<1000x256xf32, #tpu.memory_space<vmem>>, vector<1000x256xf32>
    tpu.vector_store %arg11[%swap3A, %swap3A_30], %add3A_29 {strides = array<i32>} : memref<1000x256xf32, #tpu.memory_space<vmem>>, vector<1000x256xf32>,
    %add3A_32 = arith.addf %add3A_9, %add3A_19 : vector<1000x256xf32>
    %mul3A = arith.constant 2.000000e-01 : f32
    %mul3A_33 = vector.broadcast %mul3A : f32 to vector<1000x256xf32>
    %mul3A_34 = arith.mulf %mul3A_33, %add3A_32 : vector<1000x256xf32>
    %max3A = arith.maximumf %add3A_32, %mul3A_34 : vector<1000x256xf32>
    %get3A_35 = arith.constant 0 : index
    %get3A_36 = arith.constant 0 : index
    %get3A_37 = vector.load %arg8[%get3A_35, %get3A_36] : memref<1x256xf32, #tpu.memory_space<vmem>>, vector<1x256xf32>
    %mul3A_38 = vector.broadcast %get3A_37 : vector<1x256xf32> to vector<1000x256xf32>
    %mul3A_39 = arith.mulf %max3A, %mul3A_38 : vector<1000x256xf32>
    %slice3A = vector.extract_strided_slice %add3A_9 {offsets = [0, 0], sizes = [1000, 128], strides = [1, 1]} : vector<1000x256xf32> to vector<1000x128xf32>
    %swap3A_40 = arith.constant 0 : index
    %swap3A_41 = arith.constant 0 : index
    %swap3A_42 = arith.constant 0 : index
    %swap3A_43 = vector.load %arg9[%swap3A_40, %swap3A_41, %swap3A_42] : memref<2x1000x128xf32, #tpu.memory_space<vmem>>, vector<1x1000x128xf32>
    %swap3A_44 = vector.shape_cast %swap3A_43 : vector<1x1000x128xf32> to vector<1000x128xf32>
    %swap3A_45 = vector.shape_cast %slice3A : vector<1000x128xf32> to vector<1x1000x128xf32>
    tpu.vector_store %arg9[%swap3A_40, %swap3A_41, %swap3A_42], %swap3A_45 {strides = array<i32>} : memref<2x1000x128xf32, #tpu.memory_space<vmem>>, vector<1x1000x128xf32>,
    %slice3A_46 = vector.extract_strided_slice %add3A_19 {offsets = [0, 0], sizes = [1000, 128], strides = [1, 1]} : vector<1000x256xf32> to vector<1000x128xf32>
    %swap3A_47 = arith.constant 0 : index
    %swap3A_48 = arith.constant 0 : index
    %swap3A_49 = arith.constant 0 : index
    %swap3A_50 = vector.load %arg10[%swap3A_47, %swap3A_48, %swap3A_49] : memref<2x1000x128xf32, #tpu.memory_space<vmem>>, vector<1x1000x128xf32>
    %swap3A_51 = vector.shape_cast %swap3A_50 : vector<1x1000x128xf32> to vector<1000x128xf32>
    %swap3A_52 = vector.shape_cast %slice3A_46 : vector<1000x128xf32> to vector<1x1000x128xf32>
    tpu.vector_store %arg10[%swap3A_47, %swap3A_48, %swap3A_49], %swap3A_52 {strides = array<i32>} : memref<2x1000x128xf32, #tpu.memory_space<vmem>>, vector<1x1000x128xf32>,
    %slice3A_53 = vector.extract_strided_slice %mul3A_39 {offsets = [0, 0], sizes = [1000, 32], strides = [1, 1]} : vector<1000x256xf32> to vector<1000x32xf32>
    %reduce_sum3A = arith.constant dense<0.000000e+00> : vector<1000xf32>
    %reduce_sum3A_54 = vector.multi_reduction <add>, %slice3A_53, %reduce_sum3A [1] : vector<1000x32xf32> to vector<1000xf32>
    %broadcast_in_dim3A = vector.shape_cast %reduce_sum3A_54 : vector<1000xf32> to vector<1000x1xf32>
    %exp3A = math.exp %broadcast_in_dim3A : vector<1000x1xf32>
    %slice3A_55 = vector.extract_strided_slice %add3A_9 {offsets = [0, 0], sizes = [1000, 32], strides = [1, 1]} : vector<1000x256xf32> to vector<1000x32xf32>
    %mul3A_56 = vector.broadcast %exp3A : vector<1000x1xf32> to vector<1000x32xf32>
    %mul3A_57 = arith.mulf %mul3A_56, %slice3A_55 : vector<1000x32xf32>
    %slice3A_58 = vector.extract_strided_slice %mul3A_39 {offsets = [0, 32], sizes = [1000, 32], strides = [1, 1]} : vector<1000x256xf32> to vector<1000x32xf32>
    %reduce_sum3A_59 = arith.constant dense<0.000000e+00> : vector<1000xf32>
    %reduce_sum3A_60 = vector.multi_reduction <add>, %slice3A_58, %reduce_sum3A_59 [1] : vector<1000x32xf32> to vector<1000xf32>
    %broadcast_in_dim3A_61 = vector.shape_cast %reduce_sum3A_60 : vector<1000xf32> to vector<1000x1xf32>
    %exp3A_62 = math.exp %broadcast_in_dim3A_61 : vector<1000x1xf32>
    %slice3A_63 = vector.extract_strided_slice %add3A_9 {offsets = [0, 32], sizes = [1000, 32], strides = [1, 1]} : vector<1000x256xf32> to vector<1000x32xf32>
    %mul3A_64 = vector.broadcast %exp3A_62 : vector<1000x1xf32> to vector<1000x32xf32>
    %mul3A_65 = arith.mulf %mul3A_64, %slice3A_63 : vector<1000x32xf32>
    %slice3A_66 = vector.extract_strided_slice %mul3A_39 {offsets = [0, 64], sizes = [1000, 32], strides = [1, 1]} : vector<1000x256xf32> to vector<1000x32xf32>
    %reduce_sum3A_67 = arith.constant dense<0.000000e+00> : vector<1000xf32>
    %reduce_sum3A_68 = vector.multi_reduction <add>, %slice3A_66, %reduce_sum3A_67 [1] : vector<1000x32xf32> to vector<1000xf32>
    %broadcast_in_dim3A_69 = vector.shape_cast %reduce_sum3A_68 : vector<1000xf32> to vector<1000x1xf32>
    %exp3A_70 = math.exp %broadcast_in_dim3A_69 : vector<1000x1xf32>
    %slice3A_71 = vector.extract_strided_slice %add3A_9 {offsets = [0, 64], sizes = [1000, 32], strides = [1, 1]} : vector<1000x256xf32> to vector<1000x32xf32>
    %mul3A_72 = vector.broadcast %exp3A_70 : vector<1000x1xf32> to vector<1000x32xf32>
    %mul3A_73 = arith.mulf %mul3A_72, %slice3A_71 : vector<1000x32xf32>
    %slice3A_74 = vector.extract_strided_slice %mul3A_39 {offsets = [0, 96], sizes = [1000, 32], strides = [1, 1]} : vector<1000x256xf32> to vector<1000x32xf32>
    %reduce_sum3A_75 = arith.constant dense<0.000000e+00> : vector<1000xf32>
    %reduce_sum3A_76 = vector.multi_reduction <add>, %slice3A_74, %reduce_sum3A_75 [1] : vector<1000x32xf32> to vector<1000xf32>
    %broadcast_in_dim3A_77 = vector.shape_cast %reduce_sum3A_76 : vector<1000xf32> to vector<1000x1xf32>
    %exp3A_78 = math.exp %broadcast_in_dim3A_77 : vector<1000x1xf32>
    %slice3A_79 = vector.extract_strided_slice %add3A_9 {offsets = [0, 96], sizes = [1000, 32], strides = [1, 1]} : vector<1000x256xf32> to vector<1000x32xf32>
    %mul3A_80 = vector.broadcast %exp3A_78 : vector<1000x1xf32> to vector<1000x32xf32>
    %mul3A_81 = arith.mulf %mul3A_80, %slice3A_79 : vector<1000x32xf32>
    %concatenate3A = tpu.concatenate %mul3A_57, %mul3A_65, %mul3A_73, %mul3A_81 in 1 : vector<1000x32xf32>, vector<1000x32xf32>, vector<1000x32xf32>, vector<1000x32xf32> -> vector<1000x128xf32>
    %swap3A_82 = arith.constant 0 : index
    %swap3A_83 = arith.constant 0 : index
    %swap3A_84 = arith.constant 0 : index
    %swap3A_85 = vector.load %arg12[%swap3A_82, %swap3A_83, %swap3A_84] : memref<2x1000x128xf32, #tpu.memory_space<vmem>>, vector<1x1000x128xf32>
    %swap3A_86 = vector.shape_cast %swap3A_85 : vector<1x1000x128xf32> to vector<1000x128xf32>
    %swap3A_87 = vector.shape_cast %concatenate3A : vector<1000x128xf32> to vector<1x1000x128xf32>
    tpu.vector_store %arg12[%swap3A_82, %swap3A_83, %swap3A_84], %swap3A_87 {strides = array<i32>} : memref<2x1000x128xf32, #tpu.memory_space<vmem>>, vector<1x1000x128xf32>,
    %slice3A_88 = vector.extract_strided_slice %add3A_9 {offsets = [0, 128], sizes = [1000, 128], strides = [1, 1]} : vector<1000x256xf32> to vector<1000x128xf32>
    %swap3A_89 = arith.constant 1 : index
    %swap3A_90 = arith.constant 0 : index
    %swap3A_91 = arith.constant 0 : index
    %swap3A_92 = vector.load %arg9[%swap3A_89, %swap3A_90, %swap3A_91] : memref<2x1000x128xf32, #tpu.memory_space<vmem>>, vector<1x1000x128xf32>
    %swap3A_93 = vector.shape_cast %swap3A_92 : vector<1x1000x128xf32> to vector<1000x128xf32>
    %swap3A_94 = vector.shape_cast %slice3A_88 : vector<1000x128xf32> to vector<1x1000x128xf32>
    tpu.vector_store %arg9[%swap3A_89, %swap3A_90, %swap3A_91], %swap3A_94 {strides = array<i32>} : memref<2x1000x128xf32, #tpu.memory_space<vmem>>, vector<1x1000x128xf32>,
    %slice3A_95 = vector.extract_strided_slice %add3A_19 {offsets = [0, 128], sizes = [1000, 128], strides = [1, 1]} : vector<1000x256xf32> to vector<1000x128xf32>
    %swap3A_96 = arith.constant 1 : index
    %swap3A_97 = arith.constant 0 : index
    %swap3A_98 = arith.constant 0 : index
    %swap3A_99 = vector.load %arg10[%swap3A_96, %swap3A_97, %swap3A_98] : memref<2x1000x128xf32, #tpu.memory_space<vmem>>, vector<1x1000x128xf32>
    %swap3A_100 = vector.shape_cast %swap3A_99 : vector<1x1000x128xf32> to vector<1000x128xf32>
    %swap3A_101 = vector.shape_cast %slice3A_95 : vector<1000x128xf32> to vector<1x1000x128xf32>
    tpu.vector_store %arg10[%swap3A_96, %swap3A_97, %swap3A_98], %swap3A_101 {strides = array<i32>} : memref<2x1000x128xf32, #tpu.memory_space<vmem>>, vector<1x1000x128xf32>,
    %slice3A_102 = vector.extract_strided_slice %mul3A_39 {offsets = [0, 128], sizes = [1000, 32], strides = [1, 1]} : vector<1000x256xf32> to vector<1000x32xf32>
    %reduce_sum3A_103 = arith.constant dense<0.000000e+00> : vector<1000xf32>
    %reduce_sum3A_104 = vector.multi_reduction <add>, %slice3A_102, %reduce_sum3A_103 [1] : vector<1000x32xf32> to vector<1000xf32>
    %broadcast_in_dim3A_105 = vector.shape_cast %reduce_sum3A_104 : vector<1000xf32> to vector<1000x1xf32>
    %exp3A_106 = math.exp %broadcast_in_dim3A_105 : vector<1000x1xf32>
    %slice3A_107 = vector.extract_strided_slice %add3A_9 {offsets = [0, 128], sizes = [1000, 32], strides = [1, 1]} : vector<1000x256xf32> to vector<1000x32xf32>
    %mul3A_108 = vector.broadcast %exp3A_106 : vector<1000x1xf32> to vector<1000x32xf32>
    %mul3A_109 = arith.mulf %mul3A_108, %slice3A_107 : vector<1000x32xf32>
    %slice3A_110 = vector.extract_strided_slice %mul3A_39 {offsets = [0, 160], sizes = [1000, 32], strides = [1, 1]} : vector<1000x256xf32> to vector<1000x32xf32>
    %reduce_sum3A_111 = arith.constant dense<0.000000e+00> : vector<1000xf32>
    %reduce_sum3A_112 = vector.multi_reduction <add>, %slice3A_110, %reduce_sum3A_111 [1] : vector<1000x32xf32> to vector<1000xf32>
    %broadcast_in_dim3A_113 = vector.shape_cast %reduce_sum3A_112 : vector<1000xf32> to vector<1000x1xf32>
    %exp3A_114 = math.exp %broadcast_in_dim3A_113 : vector<1000x1xf32>
    %slice3A_115 = vector.extract_strided_slice %add3A_9 {offsets = [0, 160], sizes = [1000, 32], strides = [1, 1]} : vector<1000x256xf32> to vector<1000x32xf32>
    %mul3A_116 = vector.broadcast %exp3A_114 : vector<1000x1xf32> to vector<1000x32xf32>
    %mul3A_117 = arith.mulf %mul3A_116, %slice3A_115 : vector<1000x32xf32>
    %slice3A_118 = vector.extract_strided_slice %mul3A_39 {offsets = [0, 192], sizes = [1000, 32], strides = [1, 1]} : vector<1000x256xf32> to vector<1000x32xf32>
    %reduce_sum3A_119 = arith.constant dense<0.000000e+00> : vector<1000xf32>
    %reduce_sum3A_120 = vector.multi_reduction <add>, %slice3A_118, %reduce_sum3A_119 [1] : vector<1000x32xf32> to vector<1000xf32>
    %broadcast_in_dim3A_121 = vector.shape_cast %reduce_sum3A_120 : vector<1000xf32> to vector<1000x1xf32>
    %exp3A_122 = math.exp %broadcast_in_dim3A_121 : vector<1000x1xf32>
    %slice3A_123 = vector.extract_strided_slice %add3A_9 {offsets = [0, 192], sizes = [1000, 32], strides = [1, 1]} : vector<1000x256xf32> to vector<1000x32xf32>
    %mul3A_124 = vector.broadcast %exp3A_122 : vector<1000x1xf32> to vector<1000x32xf32>
    %mul3A_125 = arith.mulf %mul3A_124, %slice3A_123 : vector<1000x32xf32>
    %slice3A_126 = vector.extract_strided_slice %mul3A_39 {offsets = [0, 224], sizes = [1000, 32], strides = [1, 1]} : vector<1000x256xf32> to vector<1000x32xf32>
    %reduce_sum3A_127 = arith.constant dense<0.000000e+00> : vector<1000xf32>
    %reduce_sum3A_128 = vector.multi_reduction <add>, %slice3A_126, %reduce_sum3A_127 [1] : vector<1000x32xf32> to vector<1000xf32>
    %broadcast_in_dim3A_129 = vector.shape_cast %reduce_sum3A_128 : vector<1000xf32> to vector<1000x1xf32>
    %exp3A_130 = math.exp %broadcast_in_dim3A_129 : vector<1000x1xf32>
    %slice3A_131 = vector.extract_strided_slice %add3A_9 {offsets = [0, 224], sizes = [1000, 32], strides = [1, 1]} : vector<1000x256xf32> to vector<1000x32xf32>
    %mul3A_132 = vector.broadcast %exp3A_130 : vector<1000x1xf32> to vector<1000x32xf32>
    %mul3A_133 = arith.mulf %mul3A_132, %slice3A_131 : vector<1000x32xf32>
    %concatenate3A_134 = tpu.concatenate %mul3A_109, %mul3A_117, %mul3A_125, %mul3A_133 in 1 : vector<1000x32xf32>, vector<1000x32xf32>, vector<1000x32xf32>, vector<1000x32xf32> -> vector<1000x128xf32>
    %swap3A_135 = arith.constant 1 : index
    %swap3A_136 = arith.constant 0 : index
    %swap3A_137 = arith.constant 0 : index
    %swap3A_138 = vector.load %arg12[%swap3A_135, %swap3A_136, %swap3A_137] : memref<2x1000x128xf32, #tpu.memory_space<vmem>>, vector<1x1000x128xf32>
    %swap3A_139 = vector.shape_cast %swap3A_138 : vector<1x1000x128xf32> to vector<1000x128xf32>
    %swap3A_140 = vector.shape_cast %concatenate3A_134 : vector<1000x128xf32> to vector<1x1000x128xf32>
    tpu.vector_store %arg12[%swap3A_135, %swap3A_136, %swap3A_137], %swap3A_140 {strides = array<i32>} : memref<2x1000x128xf32, #tpu.memory_space<vmem>>, vector<1x1000x128xf32>,
    %concatenate3A_141 = tpu.concatenate %exp3A, %exp3A_62, %exp3A_70, %exp3A_78, %exp3A_106, %exp3A_114, %exp3A_122, %exp3A_130 in 1 : vector<1000x1xf32>, vector<1000x1xf32>, vector<1000x1xf32>, vector<1000x1xf32>, vector<1000x1xf32>, vector<1000x1xf32>, vector<1000x1xf32>, vector<1000x1xf32> -> vector<1000x8xf32>
    %swap3A_142 = arith.constant 0 : index
    %swap3A_143 = arith.constant 0 : index
    %swap3A_144 = vector.load %arg13[%swap3A_142, %swap3A_143] : memref<1000x8xf32, #tpu.memory_space<vmem>>, vector<1000x8xf32>
    tpu.vector_store %arg13[%swap3A_142, %swap3A_143], %concatenate3A_141 {strides = array<i32>} : memref<1000x8xf32, #tpu.memory_space<vmem>>, vector<1000x8xf32>,
    return
  }
  func.func @transform_0(%arg0: i32) -> (i32, i32) {
    %c0_i32 = arith.constant 0 : i32
    %c0_i32_0 = arith.constant 0 : i32
    return %arg0, %c0_i32 : i32, i32
  }
  func.func @transform_1(%arg0: i32) -> (i32, i32) {
    %c0_i32 = arith.constant 0 : i32
    %c0_i32_0 = arith.constant 0 : i32
    %c0_i32_1 = arith.constant 0 : i32
    return %c0_i32, %c0_i32_0 : i32, i32
  }
  func.func @transform_2(%arg0: i32) -> (i32, i32) {
    %c0_i32 = arith.constant 0 : i32
    %c0_i32_0 = arith.constant 0 : i32
    %c0_i32_1 = arith.constant 0 : i32
    return %c0_i32, %c0_i32_0 : i32, i32
  }
  func.func @transform_3(%arg0: i32) -> (i32, i32) {
    %c0_i32 = arith.constant 0 : i32
    %c0_i32_0 = arith.constant 0 : i32
    %c0_i32_1 = arith.constant 0 : i32
    return %c0_i32, %c0_i32_0 : i32, i32
  }
  func.func @transform_4(%arg0: i32) -> (i32, i32) {
    %c0_i32 = arith.constant 0 : i32
    %c0_i32_0 = arith.constant 0 : i32
    %c0_i32_1 = arith.constant 0 : i32
    return %c0_i32, %c0_i32_0 : i32, i32
  }
  func.func @transform_5(%arg0: i32) -> (i32, i32) {
    %c0_i32 = arith.constant 0 : i32
    %c0_i32_0 = arith.constant 0 : i32
    %c0_i32_1 = arith.constant 0 : i32
    return %c0_i32, %c0_i32_0 : i32, i32
  }
  func.func @transform_6(%arg0: i32) -> (i32, i32) {
    %c0_i32 = arith.constant 0 : i32
    %c0_i32_0 = arith.constant 0 : i32
    %c0_i32_1 = arith.constant 0 : i32
    return %c0_i32, %c0_i32_0 : i32, i32
  }
  func.func @transform_7(%arg0: i32) -> (i32, i32) {
    %c0_i32 = arith.constant 0 : i32
    %c0_i32_0 = arith.constant 0 : i32
    %c0_i32_1 = arith.constant 0 : i32
    return %c0_i32, %c0_i32_0 : i32, i32
  }
  func.func @transform_8(%arg0: i32) -> (i32, i32, i32) {
    %c0_i32 = arith.constant 0 : i32
    %c0_i32_0 = arith.constant 0 : i32
    %c0_i32_1 = arith.constant 0 : i32
    return %c0_i32, %arg0, %c0_i32_0 : i32, i32, i32
  }
  func.func @transform_9(%arg0: i32) -> (i32, i32, i32) {
    %c0_i32 = arith.constant 0 : i32
    %c0_i32_0 = arith.constant 0 : i32
    %c0_i32_1 = arith.constant 0 : i32
    return %c0_i32, %arg0, %c0_i32_0 : i32, i32, i32
  }
  func.func @transform_10(%arg0: i32) -> (i32, i32) {
    %c0_i32 = arith.constant 0 : i32
    %c0_i32_0 = arith.constant 0 : i32
    return %arg0, %c0_i32 : i32, i32
  }
  func.func @transform_11(%arg0: i32) -> (i32, i32, i32) {
    %c0_i32 = arith.constant 0 : i32
    %c0_i32_0 = arith.constant 0 : i32
    %c0_i32_1 = arith.constant 0 : i32
    return %c0_i32, %arg0, %c0_i32_0 : i32, i32, i32
  }
  func.func @transform_12(%arg0: i32) -> (i32, i32) {
    %c0_i32 = arith.constant 0 : i32
    %c0_i32_0 = arith.constant 0 : i32
    return %arg0, %c0_i32 : i32, i32
  }
}

module attributes {stable_mosaic.version = 14 : i64} {
  func.func @_post1_body(%arg0: i32, %arg1: memref<2x1000x128xf32, #tpu.memory_space<vmem>>, %arg2: memref<2x1000x8xf32, #tpu.memory_space<vmem>>, %arg3: memref<1000x8xf32, #tpu.memory_space<vmem>>, %arg4: memref<1000x256xf32, #tpu.memory_space<vmem>>, %arg5: memref<1x256xf32, #tpu.memory_space<vmem>>, %arg6: memref<1x256xf32, #tpu.memory_space<vmem>>, %arg7: memref<1x256xf32, #tpu.memory_space<vmem>>, %arg8: memref<256x32xf32, #tpu.memory_space<vmem>>, %arg9: memref<1x32xf32, #tpu.memory_space<vmem>>, %arg10: memref<256x32xf32, #tpu.memory_space<vmem>>, %arg11: memref<1x32xf32, #tpu.memory_space<vmem>>, %arg12: memref<256x32xf32, #tpu.memory_space<vmem>>, %arg13: memref<1x32xf32, #tpu.memory_space<vmem>>, %arg14: memref<256x32xf32, #tpu.memory_space<vmem>>, %arg15: memref<1x32xf32, #tpu.memory_space<vmem>>, %arg16: memref<1x32xf32, #tpu.memory_space<vmem>>, %arg17: memref<1000x128xf32, #tpu.memory_space<vmem>>, %arg18: memref<1000x32xf32, #tpu.memory_space<vmem>>, %arg19: memref<1000x32xf32, #tpu.memory_space<vmem>>, %arg20: memref<1000x32xf32, #tpu.memory_space<vmem>>, %arg21: memref<1000x1xf32, #tpu.memory_space<vmem>>) attributes {dimension_semantics = [#tpu.dimension_semantics<arbitrary>], iteration_bounds = array<i64: 10>, scalar_prefetch = 0 : i64, scratch_operands = 0 : i64, tpu.core_type = #tpu.core_type<tc>, window_params = [{transform_indices = @transform_0, window_bounds = array<i64: 2, 1000, 128>}, {transform_indices = @transform_1, window_bounds = array<i64: 2, 1000, 8>}, {transform_indices = @transform_2, window_bounds = array<i64: 1000, 8>}, {transform_indices = @transform_3, window_bounds = array<i64: 1000, 256>}, {pipeline_mode = #tpu.pipeline_mode<synchronous>, transform_indices = @transform_4, window_bounds = array<i64: 1, 256>}, {pipeline_mode = #tpu.pipeline_mode<synchronous>, transform_indices = @transform_5, window_bounds = array<i64: 1, 256>}, {pipeline_mode = #tpu.pipeline_mode<synchronous>, transform_indices = @transform_6, window_bounds = array<i64: 1, 256>}, {pipeline_mode = #tpu.pipeline_mode<synchronous>, transform_indices = @transform_7, window_bounds = array<i64: 256, 32>}, {pipeline_mode = #tpu.pipeline_mode<synchronous>, transform_indices = @transform_8, window_bounds = array<i64: 1, 32>}, {pipeline_mode = #tpu.pipeline_mode<synchronous>, transform_indices = @transform_9, window_bounds = array<i64: 256, 32>}, {pipeline_mode = #tpu.pipeline_mode<synchronous>, transform_indices = @transform_10, window_bounds = array<i64: 1, 32>}, {pipeline_mode = #tpu.pipeline_mode<synchronous>, transform_indices = @transform_11, window_bounds = array<i64: 256, 32>}, {pipeline_mode = #tpu.pipeline_mode<synchronous>, transform_indices = @transform_12, window_bounds = array<i64: 1, 32>}, {pipeline_mode = #tpu.pipeline_mode<synchronous>, transform_indices = @transform_13, window_bounds = array<i64: 256, 32>}, {pipeline_mode = #tpu.pipeline_mode<synchronous>, transform_indices = @transform_14, window_bounds = array<i64: 1, 32>}, {pipeline_mode = #tpu.pipeline_mode<synchronous>, transform_indices = @transform_15, window_bounds = array<i64: 1, 32>}, {transform_indices = @transform_16, window_bounds = array<i64: 1000, 128>}, {transform_indices = @transform_17, window_bounds = array<i64: 1000, 32>}, {transform_indices = @transform_18, window_bounds = array<i64: 1000, 32>}, {transform_indices = @transform_19, window_bounds = array<i64: 1000, 32>}, {transform_indices = @transform_20, window_bounds = array<i64: 1000, 1>}]} {
    %get3A = arith.constant 0 : index
    %get3A_0 = arith.constant 0 : index
    %get3A_1 = arith.constant 0 : index
    %get3A_2 = vector.load %arg1[%get3A, %get3A_0, %get3A_1] : memref<2x1000x128xf32, #tpu.memory_space<vmem>>, vector<2x1000x128xf32>
    %get3A_3 = arith.constant 0 : index
    %get3A_4 = arith.constant 0 : index
    %get3A_5 = arith.constant 0 : index
    %get3A_6 = vector.load %arg2[%get3A_3, %get3A_4, %get3A_5] : memref<2x1000x8xf32, #tpu.memory_space<vmem>>, vector<2x1000x8xf32>
    %get3A_7 = arith.constant 0 : index
    %get3A_8 = arith.constant 0 : index
    %get3A_9 = vector.load %arg3[%get3A_7, %get3A_8] : memref<1000x8xf32, #tpu.memory_space<vmem>>, vector<1000x8xf32>
    %slice3A = vector.extract_strided_slice %get3A_6 {offsets = [0, 0, 0], sizes = [1, 1000, 1], strides = [1, 1, 1]} : vector<2x1000x8xf32> to vector<1x1000x1xf32>
    %squeeze3A = vector.shape_cast %slice3A : vector<1x1000x1xf32> to vector<1000x1xf32>
    %slice3A_10 = vector.extract_strided_slice %get3A_9 {offsets = [0, 0], sizes = [1000, 1], strides = [1, 1]} : vector<1000x8xf32> to vector<1000x1xf32>
    %add3A = arith.addf %squeeze3A, %slice3A_10 : vector<1000x1xf32>
    %slice3A_11 = vector.extract_strided_slice %get3A_2 {offsets = [0, 0, 0], sizes = [1, 1000, 32], strides = [1, 1, 1]} : vector<2x1000x128xf32> to vector<1x1000x32xf32>
    %squeeze3A_12 = vector.shape_cast %slice3A_11 : vector<1x1000x32xf32> to vector<1000x32xf32>
    %div3A = vector.broadcast %add3A : vector<1000x1xf32> to vector<1000x32xf32>
    %div3A_13 = arith.divf %squeeze3A_12, %div3A : vector<1000x32xf32>
    %slice3A_14 = vector.extract_strided_slice %get3A_6 {offsets = [0, 0, 1], sizes = [1, 1000, 1], strides = [1, 1, 1]} : vector<2x1000x8xf32> to vector<1x1000x1xf32>
    %squeeze3A_15 = vector.shape_cast %slice3A_14 : vector<1x1000x1xf32> to vector<1000x1xf32>
    %slice3A_16 = vector.extract_strided_slice %get3A_9 {offsets = [0, 1], sizes = [1000, 1], strides = [1, 1]} : vector<1000x8xf32> to vector<1000x1xf32>
    %add3A_17 = arith.addf %squeeze3A_15, %slice3A_16 : vector<1000x1xf32>
    %slice3A_18 = vector.extract_strided_slice %get3A_2 {offsets = [0, 0, 32], sizes = [1, 1000, 32], strides = [1, 1, 1]} : vector<2x1000x128xf32> to vector<1x1000x32xf32>
    %squeeze3A_19 = vector.shape_cast %slice3A_18 : vector<1x1000x32xf32> to vector<1000x32xf32>
    %div3A_20 = vector.broadcast %add3A_17 : vector<1000x1xf32> to vector<1000x32xf32>
    %div3A_21 = arith.divf %squeeze3A_19, %div3A_20 : vector<1000x32xf32>
    %slice3A_22 = vector.extract_strided_slice %get3A_6 {offsets = [0, 0, 2], sizes = [1, 1000, 1], strides = [1, 1, 1]} : vector<2x1000x8xf32> to vector<1x1000x1xf32>
    %squeeze3A_23 = vector.shape_cast %slice3A_22 : vector<1x1000x1xf32> to vector<1000x1xf32>
    %slice3A_24 = vector.extract_strided_slice %get3A_9 {offsets = [0, 2], sizes = [1000, 1], strides = [1, 1]} : vector<1000x8xf32> to vector<1000x1xf32>
    %add3A_25 = arith.addf %squeeze3A_23, %slice3A_24 : vector<1000x1xf32>
    %slice3A_26 = vector.extract_strided_slice %get3A_2 {offsets = [0, 0, 64], sizes = [1, 1000, 32], strides = [1, 1, 1]} : vector<2x1000x128xf32> to vector<1x1000x32xf32>
    %squeeze3A_27 = vector.shape_cast %slice3A_26 : vector<1x1000x32xf32> to vector<1000x32xf32>
    %div3A_28 = vector.broadcast %add3A_25 : vector<1000x1xf32> to vector<1000x32xf32>
    %div3A_29 = arith.divf %squeeze3A_27, %div3A_28 : vector<1000x32xf32>
    %slice3A_30 = vector.extract_strided_slice %get3A_6 {offsets = [0, 0, 3], sizes = [1, 1000, 1], strides = [1, 1, 1]} : vector<2x1000x8xf32> to vector<1x1000x1xf32>
    %squeeze3A_31 = vector.shape_cast %slice3A_30 : vector<1x1000x1xf32> to vector<1000x1xf32>
    %slice3A_32 = vector.extract_strided_slice %get3A_9 {offsets = [0, 3], sizes = [1000, 1], strides = [1, 1]} : vector<1000x8xf32> to vector<1000x1xf32>
    %add3A_33 = arith.addf %squeeze3A_31, %slice3A_32 : vector<1000x1xf32>
    %slice3A_34 = vector.extract_strided_slice %get3A_2 {offsets = [0, 0, 96], sizes = [1, 1000, 32], strides = [1, 1, 1]} : vector<2x1000x128xf32> to vector<1x1000x32xf32>
    %squeeze3A_35 = vector.shape_cast %slice3A_34 : vector<1x1000x32xf32> to vector<1000x32xf32>
    %div3A_36 = vector.broadcast %add3A_33 : vector<1000x1xf32> to vector<1000x32xf32>
    %div3A_37 = arith.divf %squeeze3A_35, %div3A_36 : vector<1000x32xf32>
    %slice3A_38 = vector.extract_strided_slice %get3A_6 {offsets = [1, 0, 0], sizes = [1, 1000, 1], strides = [1, 1, 1]} : vector<2x1000x8xf32> to vector<1x1000x1xf32>
    %squeeze3A_39 = vector.shape_cast %slice3A_38 : vector<1x1000x1xf32> to vector<1000x1xf32>
    %slice3A_40 = vector.extract_strided_slice %get3A_9 {offsets = [0, 4], sizes = [1000, 1], strides = [1, 1]} : vector<1000x8xf32> to vector<1000x1xf32>
    %add3A_41 = arith.addf %squeeze3A_39, %slice3A_40 : vector<1000x1xf32>
    %slice3A_42 = vector.extract_strided_slice %get3A_2 {offsets = [1, 0, 0], sizes = [1, 1000, 32], strides = [1, 1, 1]} : vector<2x1000x128xf32> to vector<1x1000x32xf32>
    %squeeze3A_43 = vector.shape_cast %slice3A_42 : vector<1x1000x32xf32> to vector<1000x32xf32>
    %div3A_44 = vector.broadcast %add3A_41 : vector<1000x1xf32> to vector<1000x32xf32>
    %div3A_45 = arith.divf %squeeze3A_43, %div3A_44 : vector<1000x32xf32>
    %slice3A_46 = vector.extract_strided_slice %get3A_6 {offsets = [1, 0, 1], sizes = [1, 1000, 1], strides = [1, 1, 1]} : vector<2x1000x8xf32> to vector<1x1000x1xf32>
    %squeeze3A_47 = vector.shape_cast %slice3A_46 : vector<1x1000x1xf32> to vector<1000x1xf32>
    %slice3A_48 = vector.extract_strided_slice %get3A_9 {offsets = [0, 5], sizes = [1000, 1], strides = [1, 1]} : vector<1000x8xf32> to vector<1000x1xf32>
    %add3A_49 = arith.addf %squeeze3A_47, %slice3A_48 : vector<1000x1xf32>
    %slice3A_50 = vector.extract_strided_slice %get3A_2 {offsets = [1, 0, 32], sizes = [1, 1000, 32], strides = [1, 1, 1]} : vector<2x1000x128xf32> to vector<1x1000x32xf32>
    %squeeze3A_51 = vector.shape_cast %slice3A_50 : vector<1x1000x32xf32> to vector<1000x32xf32>
    %div3A_52 = vector.broadcast %add3A_49 : vector<1000x1xf32> to vector<1000x32xf32>
    %div3A_53 = arith.divf %squeeze3A_51, %div3A_52 : vector<1000x32xf32>
    %slice3A_54 = vector.extract_strided_slice %get3A_6 {offsets = [1, 0, 2], sizes = [1, 1000, 1], strides = [1, 1, 1]} : vector<2x1000x8xf32> to vector<1x1000x1xf32>
    %squeeze3A_55 = vector.shape_cast %slice3A_54 : vector<1x1000x1xf32> to vector<1000x1xf32>
    %slice3A_56 = vector.extract_strided_slice %get3A_9 {offsets = [0, 6], sizes = [1000, 1], strides = [1, 1]} : vector<1000x8xf32> to vector<1000x1xf32>
    %add3A_57 = arith.addf %squeeze3A_55, %slice3A_56 : vector<1000x1xf32>
    %slice3A_58 = vector.extract_strided_slice %get3A_2 {offsets = [1, 0, 64], sizes = [1, 1000, 32], strides = [1, 1, 1]} : vector<2x1000x128xf32> to vector<1x1000x32xf32>
    %squeeze3A_59 = vector.shape_cast %slice3A_58 : vector<1x1000x32xf32> to vector<1000x32xf32>
    %div3A_60 = vector.broadcast %add3A_57 : vector<1000x1xf32> to vector<1000x32xf32>
    %div3A_61 = arith.divf %squeeze3A_59, %div3A_60 : vector<1000x32xf32>
    %slice3A_62 = vector.extract_strided_slice %get3A_6 {offsets = [1, 0, 3], sizes = [1, 1000, 1], strides = [1, 1, 1]} : vector<2x1000x8xf32> to vector<1x1000x1xf32>
    %squeeze3A_63 = vector.shape_cast %slice3A_62 : vector<1x1000x1xf32> to vector<1000x1xf32>
    %slice3A_64 = vector.extract_strided_slice %get3A_9 {offsets = [0, 7], sizes = [1000, 1], strides = [1, 1]} : vector<1000x8xf32> to vector<1000x1xf32>
    %add3A_65 = arith.addf %squeeze3A_63, %slice3A_64 : vector<1000x1xf32>
    %slice3A_66 = vector.extract_strided_slice %get3A_2 {offsets = [1, 0, 96], sizes = [1, 1000, 32], strides = [1, 1, 1]} : vector<2x1000x128xf32> to vector<1x1000x32xf32>
    %squeeze3A_67 = vector.shape_cast %slice3A_66 : vector<1x1000x32xf32> to vector<1000x32xf32>
    %div3A_68 = vector.broadcast %add3A_65 : vector<1000x1xf32> to vector<1000x32xf32>
    %div3A_69 = arith.divf %squeeze3A_67, %div3A_68 : vector<1000x32xf32>
    %concatenate3A = tpu.concatenate %div3A_13, %div3A_21, %div3A_29, %div3A_37, %div3A_45, %div3A_53, %div3A_61, %div3A_69 in 1 : vector<1000x32xf32>, vector<1000x32xf32>, vector<1000x32xf32>, vector<1000x32xf32>, vector<1000x32xf32>, vector<1000x32xf32>, vector<1000x32xf32>, vector<1000x32xf32> -> vector<1000x256xf32>
    %get3A_70 = arith.constant 0 : index
    %get3A_71 = arith.constant 0 : index
    %get3A_72 = vector.load %arg5[%get3A_70, %get3A_71] : memref<1x256xf32, #tpu.memory_space<vmem>>, vector<1x256xf32>
    %add3A_73 = vector.broadcast %get3A_72 : vector<1x256xf32> to vector<1000x256xf32>
    %add3A_74 = arith.addf %concatenate3A, %add3A_73 : vector<1000x256xf32>
    %reduce_sum3A = arith.constant dense<0.000000e+00> : vector<1000xf32>
    %reduce_sum3A_75 = vector.multi_reduction <add>, %add3A_74, %reduce_sum3A [1] : vector<1000x256xf32> to vector<1000xf32>
    %broadcast_in_dim3A = vector.shape_cast %reduce_sum3A_75 : vector<1000xf32> to vector<1000x1xf32>
    %div3A_76 = arith.constant 2.560000e+02 : f32
    %div3A_77 = vector.broadcast %div3A_76 : f32 to vector<1000x1xf32>
    %div3A_78 = arith.divf %broadcast_in_dim3A, %div3A_77 : vector<1000x1xf32>
    %sub3A = vector.broadcast %div3A_78 : vector<1000x1xf32> to vector<1000x256xf32>
    %sub3A_79 = arith.subf %add3A_74, %sub3A : vector<1000x256xf32>
    %sub3A_80 = vector.broadcast %div3A_78 : vector<1000x1xf32> to vector<1000x256xf32>
    %sub3A_81 = arith.subf %add3A_74, %sub3A_80 : vector<1000x256xf32>
    %mul3A = arith.mulf %sub3A_79, %sub3A_81 : vector<1000x256xf32>
    %reduce_sum3A_82 = arith.constant dense<0.000000e+00> : vector<1000xf32>
    %reduce_sum3A_83 = vector.multi_reduction <add>, %mul3A, %reduce_sum3A_82 [1] : vector<1000x256xf32> to vector<1000xf32>
    %broadcast_in_dim3A_84 = vector.shape_cast %reduce_sum3A_83 : vector<1000xf32> to vector<1000x1xf32>
    %div3A_85 = arith.constant 2.560000e+02 : f32
    %div3A_86 = vector.broadcast %div3A_85 : f32 to vector<1000x1xf32>
    %div3A_87 = arith.divf %broadcast_in_dim3A_84, %div3A_86 : vector<1000x1xf32>
    %sub3A_88 = vector.broadcast %div3A_78 : vector<1000x1xf32> to vector<1000x256xf32>
    %sub3A_89 = arith.subf %add3A_74, %sub3A_88 : vector<1000x256xf32>
    %add3A_90 = arith.constant 9.99999974E-6 : f32
    %add3A_91 = vector.broadcast %add3A_90 : f32 to vector<1000x1xf32>
    %add3A_92 = arith.addf %div3A_87, %add3A_91 : vector<1000x1xf32>
    %sqrt3A = math.sqrt %add3A_92 : vector<1000x1xf32>
    %div3A_93 = vector.broadcast %sqrt3A : vector<1000x1xf32> to vector<1000x256xf32>
    %div3A_94 = arith.divf %sub3A_89, %div3A_93 : vector<1000x256xf32>
    %get3A_95 = arith.constant 0 : index
    %get3A_96 = arith.constant 0 : index
    %get3A_97 = vector.load %arg6[%get3A_95, %get3A_96] : memref<1x256xf32, #tpu.memory_space<vmem>>, vector<1x256xf32>
    %mul3A_98 = vector.broadcast %get3A_97 : vector<1x256xf32> to vector<1000x256xf32>
    %mul3A_99 = arith.mulf %div3A_94, %mul3A_98 : vector<1000x256xf32>
    %get3A_100 = arith.constant 0 : index
    %get3A_101 = arith.constant 0 : index
    %get3A_102 = vector.load %arg7[%get3A_100, %get3A_101] : memref<1x256xf32, #tpu.memory_space<vmem>>, vector<1x256xf32>
    %add3A_103 = vector.broadcast %get3A_102 : vector<1x256xf32> to vector<1000x256xf32>
    %add3A_104 = arith.addf %mul3A_99, %add3A_103 : vector<1000x256xf32>
    %get3A_105 = arith.constant 0 : index
    %get3A_106 = arith.constant 0 : index
    %get3A_107 = vector.load %arg4[%get3A_105, %get3A_106] : memref<1000x256xf32, #tpu.memory_space<vmem>>, vector<1000x256xf32>
    %add3A_108 = arith.addf %add3A_104, %get3A_107 : vector<1000x256xf32>
    %gt3A = arith.constant 0.000000e+00 : f32
    %gt3A_109 = vector.broadcast %gt3A : f32 to vector<1000x256xf32>
    %gt3A_110 = arith.cmpf ogt, %add3A_108, %gt3A_109 : vector<1000x256xf32>
    %min3A = arith.constant 0.000000e+00 : f32
    %min3A_111 = vector.broadcast %min3A : f32 to vector<1000x256xf32>
    %min3A_112 = arith.minimumf %add3A_108, %min3A_111 : vector<1000x256xf32>
    %exp3A = math.exp %min3A_112 : vector<1000x256xf32>
    %sub3A_113 = arith.constant 1.000000e+00 : f32
    %sub3A_114 = vector.broadcast %sub3A_113 : f32 to vector<1000x256xf32>
    %sub3A_115 = arith.subf %exp3A, %sub3A_114 : vector<1000x256xf32>
    %select_n3A = arith.select %gt3A_110, %add3A_108, %sub3A_115 : vector<1000x256xi1>, vector<1000x256xf32>
    %get3A_116 = arith.constant 0 : index
    %get3A_117 = arith.constant 0 : index
    %get3A_118 = vector.load %arg8[%get3A_116, %get3A_117] : memref<256x32xf32, #tpu.memory_space<vmem>>, vector<256x32xf32>
    %dot_general3A = arith.constant dense<0.000000e+00> : vector<1000x32xf32>
    %dot_general3A_119 = tpu.matmul %select_n3A, %get3A_118, %dot_general3A {dimension_numbers = #tpu.dot_dimension_numbers<[1], [0], [0], [1], [0, 0, 1, 1], [], []>, transpose_lhs_hint = false} : vector<1000x256xf32>, vector<256x32xf32>, vector<1000x32xf32> -> vector<1000x32xf32>
    %get3A_120 = arith.constant 0 : index
    %get3A_121 = arith.constant 0 : index
    %get3A_122 = vector.load %arg9[%get3A_120, %get3A_121] : memref<1x32xf32, #tpu.memory_space<vmem>>, vector<1x32xf32>
    %add3A_123 = vector.broadcast %get3A_122 : vector<1x32xf32> to vector<1000x32xf32>
    %add3A_124 = arith.addf %dot_general3A_119, %add3A_123 : vector<1000x32xf32>
    %get3A_125 = arith.constant 0 : index
    %get3A_126 = arith.constant 0 : index
    %get3A_127 = vector.load %arg10[%get3A_125, %get3A_126] : memref<256x32xf32, #tpu.memory_space<vmem>>, vector<256x32xf32>
    %dot_general3A_128 = arith.constant dense<0.000000e+00> : vector<1000x32xf32>
    %dot_general3A_129 = tpu.matmul %select_n3A, %get3A_127, %dot_general3A_128 {dimension_numbers = #tpu.dot_dimension_numbers<[1], [0], [0], [1], [0, 0, 1, 1], [], []>, transpose_lhs_hint = false} : vector<1000x256xf32>, vector<256x32xf32>, vector<1000x32xf32> -> vector<1000x32xf32>
    %get3A_130 = arith.constant 0 : index
    %get3A_131 = arith.constant 0 : index
    %get3A_132 = vector.load %arg11[%get3A_130, %get3A_131] : memref<1x32xf32, #tpu.memory_space<vmem>>, vector<1x32xf32>
    %add3A_133 = vector.broadcast %get3A_132 : vector<1x32xf32> to vector<1000x32xf32>
    %add3A_134 = arith.addf %dot_general3A_129, %add3A_133 : vector<1000x32xf32>
    %broadcast_in_dim3A_135 = arith.constant 0.000000e+00 : f32
    %broadcast_in_dim3A_136 = vector.broadcast %broadcast_in_dim3A_135 : f32 to vector<1000x64xf32>
    %concatenate3A_137 = tpu.concatenate %add3A_124, %add3A_134, %broadcast_in_dim3A_136 in 1 : vector<1000x32xf32>, vector<1000x32xf32>, vector<1000x64xf32> -> vector<1000x128xf32>
    %swap3A = arith.constant 0 : index
    %swap3A_138 = arith.constant 0 : index
    %swap3A_139 = vector.load %arg17[%swap3A, %swap3A_138] : memref<1000x128xf32, #tpu.memory_space<vmem>>, vector<1000x128xf32>
    tpu.vector_store %arg17[%swap3A, %swap3A_138], %concatenate3A_137 {strides = array<i32>} : memref<1000x128xf32, #tpu.memory_space<vmem>>, vector<1000x128xf32>,
    %get3A_140 = arith.constant 0 : index
    %get3A_141 = arith.constant 0 : index
    %get3A_142 = vector.load %arg12[%get3A_140, %get3A_141] : memref<256x32xf32, #tpu.memory_space<vmem>>, vector<256x32xf32>
    %dot_general3A_143 = arith.constant dense<0.000000e+00> : vector<1000x32xf32>
    %dot_general3A_144 = tpu.matmul %select_n3A, %get3A_142, %dot_general3A_143 {dimension_numbers = #tpu.dot_dimension_numbers<[1], [0], [0], [1], [0, 0, 1, 1], [], []>, transpose_lhs_hint = false} : vector<1000x256xf32>, vector<256x32xf32>, vector<1000x32xf32> -> vector<1000x32xf32>
    %get3A_145 = arith.constant 0 : index
    %get3A_146 = arith.constant 0 : index
    %get3A_147 = vector.load %arg13[%get3A_145, %get3A_146] : memref<1x32xf32, #tpu.memory_space<vmem>>, vector<1x32xf32>
    %add3A_148 = vector.broadcast %get3A_147 : vector<1x32xf32> to vector<1000x32xf32>
    %add3A_149 = arith.addf %dot_general3A_144, %add3A_148 : vector<1000x32xf32>
    %swap3A_150 = arith.constant 0 : index
    %swap3A_151 = arith.constant 0 : index
    %swap3A_152 = vector.load %arg18[%swap3A_150, %swap3A_151] : memref<1000x32xf32, #tpu.memory_space<vmem>>, vector<1000x32xf32>
    tpu.vector_store %arg18[%swap3A_150, %swap3A_151], %add3A_149 {strides = array<i32>} : memref<1000x32xf32, #tpu.memory_space<vmem>>, vector<1000x32xf32>,
    %get3A_153 = arith.constant 0 : index
    %get3A_154 = arith.constant 0 : index
    %get3A_155 = vector.load %arg14[%get3A_153, %get3A_154] : memref<256x32xf32, #tpu.memory_space<vmem>>, vector<256x32xf32>
    %dot_general3A_156 = arith.constant dense<0.000000e+00> : vector<1000x32xf32>
    %dot_general3A_157 = tpu.matmul %select_n3A, %get3A_155, %dot_general3A_156 {dimension_numbers = #tpu.dot_dimension_numbers<[1], [0], [0], [1], [0, 0, 1, 1], [], []>, transpose_lhs_hint = false} : vector<1000x256xf32>, vector<256x32xf32>, vector<1000x32xf32> -> vector<1000x32xf32>
    %get3A_158 = arith.constant 0 : index
    %get3A_159 = arith.constant 0 : index
    %get3A_160 = vector.load %arg15[%get3A_158, %get3A_159] : memref<1x32xf32, #tpu.memory_space<vmem>>, vector<1x32xf32>
    %add3A_161 = vector.broadcast %get3A_160 : vector<1x32xf32> to vector<1000x32xf32>
    %add3A_162 = arith.addf %dot_general3A_157, %add3A_161 : vector<1000x32xf32>
    %swap3A_163 = arith.constant 0 : index
    %swap3A_164 = arith.constant 0 : index
    %swap3A_165 = vector.load %arg19[%swap3A_163, %swap3A_164] : memref<1000x32xf32, #tpu.memory_space<vmem>>, vector<1000x32xf32>
    tpu.vector_store %arg19[%swap3A_163, %swap3A_164], %add3A_162 {strides = array<i32>} : memref<1000x32xf32, #tpu.memory_space<vmem>>, vector<1000x32xf32>,
    %add3A_166 = arith.addf %add3A_124, %add3A_134 : vector<1000x32xf32>
    %mul3A_167 = arith.constant 2.000000e-01 : f32
    %mul3A_168 = vector.broadcast %mul3A_167 : f32 to vector<1000x32xf32>
    %mul3A_169 = arith.mulf %mul3A_168, %add3A_166 : vector<1000x32xf32>
    %max3A = arith.maximumf %add3A_166, %mul3A_169 : vector<1000x32xf32>
    %get3A_170 = arith.constant 0 : index
    %get3A_171 = arith.constant 0 : index
    %get3A_172 = vector.load %arg16[%get3A_170, %get3A_171] : memref<1x32xf32, #tpu.memory_space<vmem>>, vector<1x32xf32>
    %mul3A_173 = vector.broadcast %get3A_172 : vector<1x32xf32> to vector<1000x32xf32>
    %mul3A_174 = arith.mulf %max3A, %mul3A_173 : vector<1000x32xf32>
    %reduce_sum3A_175 = arith.constant dense<0.000000e+00> : vector<1000xf32>
    %reduce_sum3A_176 = vector.multi_reduction <add>, %mul3A_174, %reduce_sum3A_175 [1] : vector<1000x32xf32> to vector<1000xf32>
    %broadcast_in_dim3A_177 = vector.shape_cast %reduce_sum3A_176 : vector<1000xf32> to vector<1000x1xf32>
    %exp3A_178 = math.exp %broadcast_in_dim3A_177 : vector<1000x1xf32>
    %mul3A_179 = vector.broadcast %exp3A_178 : vector<1000x1xf32> to vector<1000x32xf32>
    %mul3A_180 = arith.mulf %mul3A_179, %add3A_124 : vector<1000x32xf32>
    %swap3A_181 = arith.constant 0 : index
    %swap3A_182 = arith.constant 0 : index
    %swap3A_183 = vector.load %arg20[%swap3A_181, %swap3A_182] : memref<1000x32xf32, #tpu.memory_space<vmem>>, vector<1000x32xf32>
    tpu.vector_store %arg20[%swap3A_181, %swap3A_182], %mul3A_180 {strides = array<i32>} : memref<1000x32xf32, #tpu.memory_space<vmem>>, vector<1000x32xf32>,
    %swap3A_184 = arith.constant 0 : index
    %swap3A_185 = arith.constant 0 : index
    %swap3A_186 = vector.load %arg21[%swap3A_184, %swap3A_185] : memref<1000x1xf32, #tpu.memory_space<vmem>>, vector<1000x1xf32>
    tpu.vector_store %arg21[%swap3A_184, %swap3A_185], %exp3A_178 {strides = array<i32>} : memref<1000x1xf32, #tpu.memory_space<vmem>>, vector<1000x1xf32>,
    return
  }
  func.func @transform_0(%arg0: i32) -> (i32, i32, i32) {
    %c0_i32 = arith.constant 0 : i32
    %c0_i32_0 = arith.constant 0 : i32
    %c0_i32_1 = arith.constant 0 : i32
    return %c0_i32, %arg0, %c0_i32_0 : i32, i32, i32
  }
  func.func @transform_1(%arg0: i32) -> (i32, i32, i32) {
    %c0_i32 = arith.constant 0 : i32
    %c0_i32_0 = arith.constant 0 : i32
    %c0_i32_1 = arith.constant 0 : i32
    return %c0_i32, %arg0, %c0_i32_0 : i32, i32, i32
  }
  func.func @transform_2(%arg0: i32) -> (i32, i32) {
    %c0_i32 = arith.constant 0 : i32
    %c0_i32_0 = arith.constant 0 : i32
    return %arg0, %c0_i32 : i32, i32
  }
  func.func @transform_3(%arg0: i32) -> (i32, i32) {
    %c0_i32 = arith.constant 0 : i32
    %c0_i32_0 = arith.constant 0 : i32
    return %arg0, %c0_i32 : i32, i32
  }
  func.func @transform_4(%arg0: i32) -> (i32, i32) {
    %c0_i32 = arith.constant 0 : i32
    %c0_i32_0 = arith.constant 0 : i32
    %c0_i32_1 = arith.constant 0 : i32
    return %c0_i32, %c0_i32_0 : i32, i32
  }
  func.func @transform_5(%arg0: i32) -> (i32, i32) {
    %c0_i32 = arith.constant 0 : i32
    %c0_i32_0 = arith.constant 0 : i32
    %c0_i32_1 = arith.constant 0 : i32
    return %c0_i32, %c0_i32_0 : i32, i32
  }
  func.func @transform_6(%arg0: i32) -> (i32, i32) {
    %c0_i32 = arith.constant 0 : i32
    %c0_i32_0 = arith.constant 0 : i32
    %c0_i32_1 = arith.constant 0 : i32
    return %c0_i32, %c0_i32_0 : i32, i32
  }
  func.func @transform_7(%arg0: i32) -> (i32, i32) {
    %c0_i32 = arith.constant 0 : i32
    %c0_i32_0 = arith.constant 0 : i32
    %c0_i32_1 = arith.constant 0 : i32
    return %c0_i32, %c0_i32_0 : i32, i32
  }
  func.func @transform_8(%arg0: i32) -> (i32, i32) {
    %c0_i32 = arith.constant 0 : i32
    %c0_i32_0 = arith.constant 0 : i32
    %c0_i32_1 = arith.constant 0 : i32
    return %c0_i32, %c0_i32_0 : i32, i32
  }
  func.func @transform_9(%arg0: i32) -> (i32, i32) {
    %c0_i32 = arith.constant 0 : i32
    %c0_i32_0 = arith.constant 0 : i32
    %c0_i32_1 = arith.constant 0 : i32
    return %c0_i32, %c0_i32_0 : i32, i32
  }
  func.func @transform_10(%arg0: i32) -> (i32, i32) {
    %c0_i32 = arith.constant 0 : i32
    %c0_i32_0 = arith.constant 0 : i32
    %c0_i32_1 = arith.constant 0 : i32
    return %c0_i32, %c0_i32_0 : i32, i32
  }
  func.func @transform_11(%arg0: i32) -> (i32, i32) {
    %c0_i32 = arith.constant 0 : i32
    %c0_i32_0 = arith.constant 0 : i32
    %c0_i32_1 = arith.constant 0 : i32
    return %c0_i32, %c0_i32_0 : i32, i32
  }
  func.func @transform_12(%arg0: i32) -> (i32, i32) {
    %c0_i32 = arith.constant 0 : i32
    %c0_i32_0 = arith.constant 0 : i32
    %c0_i32_1 = arith.constant 0 : i32
    return %c0_i32, %c0_i32_0 : i32, i32
  }
  func.func @transform_13(%arg0: i32) -> (i32, i32) {
    %c0_i32 = arith.constant 0 : i32
    %c0_i32_0 = arith.constant 0 : i32
    %c0_i32_1 = arith.constant 0 : i32
    return %c0_i32, %c0_i32_0 : i32, i32
  }
  func.func @transform_14(%arg0: i32) -> (i32, i32) {
    %c0_i32 = arith.constant 0 : i32
    %c0_i32_0 = arith.constant 0 : i32
    %c0_i32_1 = arith.constant 0 : i32
    return %c0_i32, %c0_i32_0 : i32, i32
  }
  func.func @transform_15(%arg0: i32) -> (i32, i32) {
    %c0_i32 = arith.constant 0 : i32
    %c0_i32_0 = arith.constant 0 : i32
    %c0_i32_1 = arith.constant 0 : i32
    return %c0_i32, %c0_i32_0 : i32, i32
  }
  func.func @transform_16(%arg0: i32) -> (i32, i32) {
    %c0_i32 = arith.constant 0 : i32
    %c0_i32_0 = arith.constant 0 : i32
    return %arg0, %c0_i32 : i32, i32
  }
  func.func @transform_17(%arg0: i32) -> (i32, i32) {
    %c0_i32 = arith.constant 0 : i32
    %c0_i32_0 = arith.constant 0 : i32
    return %arg0, %c0_i32 : i32, i32
  }
  func.func @transform_18(%arg0: i32) -> (i32, i32) {
    %c0_i32 = arith.constant 0 : i32
    %c0_i32_0 = arith.constant 0 : i32
    return %arg0, %c0_i32 : i32, i32
  }
  func.func @transform_19(%arg0: i32) -> (i32, i32) {
    %c0_i32 = arith.constant 0 : i32
    %c0_i32_0 = arith.constant 0 : i32
    return %arg0, %c0_i32 : i32, i32
  }
  func.func @transform_20(%arg0: i32) -> (i32, i32) {
    %c0_i32 = arith.constant 0 : i32
    %c0_i32_0 = arith.constant 0 : i32
    return %arg0, %c0_i32 : i32, i32
  }
}

module attributes {stable_mosaic.version = 14 : i64} {
  func.func @_post2_body(%arg0: i32, %arg1: memref<2x1000x128xf32, #tpu.memory_space<vmem>>, %arg2: memref<2x1000x8xf32, #tpu.memory_space<vmem>>, %arg3: memref<1000x1xf32, #tpu.memory_space<vmem>>, %arg4: memref<1000x32xf32, #tpu.memory_space<vmem>>, %arg5: memref<1000x32xf32, #tpu.memory_space<vmem>>, %arg6: memref<1x32xf32, #tpu.memory_space<vmem>>, %arg7: memref<1x32xf32, #tpu.memory_space<vmem>>, %arg8: memref<1x32xf32, #tpu.memory_space<vmem>>, %arg9: memref<32x64xf32, #tpu.memory_space<vmem>>, %arg10: memref<1x64xf32, #tpu.memory_space<vmem>>, %arg11: memref<1000x64xf32, #tpu.memory_space<vmem>>) attributes {dimension_semantics = [#tpu.dimension_semantics<arbitrary>], iteration_bounds = array<i64: 10>, scalar_prefetch = 0 : i64, scratch_operands = 0 : i64, tpu.core_type = #tpu.core_type<tc>, window_params = [{transform_indices = @transform_0, window_bounds = array<i64: 2, 1000, 128>}, {transform_indices = @transform_1, window_bounds = array<i64: 2, 1000, 8>}, {transform_indices = @transform_2, window_bounds = array<i64: 1000, 1>}, {transform_indices = @transform_3, window_bounds = array<i64: 1000, 32>}, {transform_indices = @transform_4, window_bounds = array<i64: 1000, 32>}, {pipeline_mode = #tpu.pipeline_mode<synchronous>, transform_indices = @transform_5, window_bounds = array<i64: 1, 32>}, {pipeline_mode = #tpu.pipeline_mode<synchronous>, transform_indices = @transform_6, window_bounds = array<i64: 1, 32>}, {pipeline_mode = #tpu.pipeline_mode<synchronous>, transform_indices = @transform_7, window_bounds = array<i64: 1, 32>}, {pipeline_mode = #tpu.pipeline_mode<synchronous>, transform_indices = @transform_8, window_bounds = array<i64: 32, 64>}, {pipeline_mode = #tpu.pipeline_mode<synchronous>, transform_indices = @transform_9, window_bounds = array<i64: 1, 64>}, {transform_indices = @transform_10, window_bounds = array<i64: 1000, 64>}]} {
    %get3A = arith.constant 0 : index
    %get3A_0 = arith.constant 0 : index
    %get3A_1 = arith.constant 0 : index
    %get3A_2 = vector.load %arg1[%get3A, %get3A_0, %get3A_1] : memref<2x1000x128xf32, #tpu.memory_space<vmem>>, vector<1x1000x32xf32>
    %get3A_3 = vector.shape_cast %get3A_2 : vector<1x1000x32xf32> to vector<1000x32xf32>
    %get3A_4 = arith.constant 1 : index
    %get3A_5 = arith.constant 0 : index
    %get3A_6 = arith.constant 0 : index
    %get3A_7 = vector.load %arg1[%get3A_4, %get3A_5, %get3A_6] : memref<2x1000x128xf32, #tpu.memory_space<vmem>>, vector<1x1000x32xf32>
    %get3A_8 = vector.shape_cast %get3A_7 : vector<1x1000x32xf32> to vector<1000x32xf32>
    %add3A = arith.addf %get3A_3, %get3A_8 : vector<1000x32xf32>
    %get3A_9 = arith.constant 0 : index
    %get3A_10 = arith.constant 0 : index
    %get3A_11 = arith.constant 0 : index
    %get3A_12 = vector.load %arg2[%get3A_9, %get3A_10, %get3A_11] : memref<2x1000x8xf32, #tpu.memory_space<vmem>>, vector<2x1000x8xf32>
    %slice3A = vector.extract_strided_slice %get3A_12 {offsets = [0, 0, 0], sizes = [1, 1000, 1], strides = [1, 1, 1]} : vector<2x1000x8xf32> to vector<1x1000x1xf32>
    %squeeze3A = vector.shape_cast %slice3A : vector<1x1000x1xf32> to vector<1000x1xf32>
    %slice3A_13 = vector.extract_strided_slice %get3A_12 {offsets = [1, 0, 0], sizes = [1, 1000, 1], strides = [1, 1, 1]} : vector<2x1000x8xf32> to vector<1x1000x1xf32>
    %squeeze3A_14 = vector.shape_cast %slice3A_13 : vector<1x1000x1xf32> to vector<1000x1xf32>
    %add3A_15 = arith.addf %squeeze3A, %squeeze3A_14 : vector<1000x1xf32>
    %get3A_16 = arith.constant 0 : index
    %get3A_17 = arith.constant 0 : index
    %get3A_18 = vector.load %arg3[%get3A_16, %get3A_17] : memref<1000x1xf32, #tpu.memory_space<vmem>>, vector<1000x1xf32>
    %add3A_19 = arith.addf %add3A_15, %get3A_18 : vector<1000x1xf32>
    %div3A = vector.broadcast %add3A_19 : vector<1000x1xf32> to vector<1000x32xf32>
    %div3A_20 = arith.divf %add3A, %div3A : vector<1000x32xf32>
    %get3A_21 = arith.constant 0 : index
    %get3A_22 = arith.constant 0 : index
    %get3A_23 = vector.load %arg6[%get3A_21, %get3A_22] : memref<1x32xf32, #tpu.memory_space<vmem>>, vector<1x32xf32>
    %add3A_24 = vector.broadcast %get3A_23 : vector<1x32xf32> to vector<1000x32xf32>
    %add3A_25 = arith.addf %div3A_20, %add3A_24 : vector<1000x32xf32>
    %reduce_sum3A = arith.constant dense<0.000000e+00> : vector<1000xf32>
    %reduce_sum3A_26 = vector.multi_reduction <add>, %add3A_25, %reduce_sum3A [1] : vector<1000x32xf32> to vector<1000xf32>
    %broadcast_in_dim3A = vector.shape_cast %reduce_sum3A_26 : vector<1000xf32> to vector<1000x1xf32>
    %div3A_27 = arith.constant 3.200000e+01 : f32
    %div3A_28 = vector.broadcast %div3A_27 : f32 to vector<1000x1xf32>
    %div3A_29 = arith.divf %broadcast_in_dim3A, %div3A_28 : vector<1000x1xf32>
    %sub3A = vector.broadcast %div3A_29 : vector<1000x1xf32> to vector<1000x32xf32>
    %sub3A_30 = arith.subf %add3A_25, %sub3A : vector<1000x32xf32>
    %sub3A_31 = vector.broadcast %div3A_29 : vector<1000x1xf32> to vector<1000x32xf32>
    %sub3A_32 = arith.subf %add3A_25, %sub3A_31 : vector<1000x32xf32>
    %mul3A = arith.mulf %sub3A_30, %sub3A_32 : vector<1000x32xf32>
    %reduce_sum3A_33 = arith.constant dense<0.000000e+00> : vector<1000xf32>
    %reduce_sum3A_34 = vector.multi_reduction <add>, %mul3A, %reduce_sum3A_33 [1] : vector<1000x32xf32> to vector<1000xf32>
    %broadcast_in_dim3A_35 = vector.shape_cast %reduce_sum3A_34 : vector<1000xf32> to vector<1000x1xf32>
    %div3A_36 = arith.constant 3.200000e+01 : f32
    %div3A_37 = vector.broadcast %div3A_36 : f32 to vector<1000x1xf32>
    %div3A_38 = arith.divf %broadcast_in_dim3A_35, %div3A_37 : vector<1000x1xf32>
    %sub3A_39 = vector.broadcast %div3A_29 : vector<1000x1xf32> to vector<1000x32xf32>
    %sub3A_40 = arith.subf %add3A_25, %sub3A_39 : vector<1000x32xf32>
    %add3A_41 = arith.constant 9.99999974E-6 : f32
    %add3A_42 = vector.broadcast %add3A_41 : f32 to vector<1000x1xf32>
    %add3A_43 = arith.addf %div3A_38, %add3A_42 : vector<1000x1xf32>
    %sqrt3A = math.sqrt %add3A_43 : vector<1000x1xf32>
    %div3A_44 = vector.broadcast %sqrt3A : vector<1000x1xf32> to vector<1000x32xf32>
    %div3A_45 = arith.divf %sub3A_40, %div3A_44 : vector<1000x32xf32>
    %get3A_46 = arith.constant 0 : index
    %get3A_47 = arith.constant 0 : index
    %get3A_48 = vector.load %arg7[%get3A_46, %get3A_47] : memref<1x32xf32, #tpu.memory_space<vmem>>, vector<1x32xf32>
    %mul3A_49 = vector.broadcast %get3A_48 : vector<1x32xf32> to vector<1000x32xf32>
    %mul3A_50 = arith.mulf %div3A_45, %mul3A_49 : vector<1000x32xf32>
    %get3A_51 = arith.constant 0 : index
    %get3A_52 = arith.constant 0 : index
    %get3A_53 = vector.load %arg8[%get3A_51, %get3A_52] : memref<1x32xf32, #tpu.memory_space<vmem>>, vector<1x32xf32>
    %add3A_54 = vector.broadcast %get3A_53 : vector<1x32xf32> to vector<1000x32xf32>
    %add3A_55 = arith.addf %mul3A_50, %add3A_54 : vector<1000x32xf32>
    %get3A_56 = arith.constant 0 : index
    %get3A_57 = arith.constant 0 : index
    %get3A_58 = vector.load %arg4[%get3A_56, %get3A_57] : memref<1000x32xf32, #tpu.memory_space<vmem>>, vector<1000x32xf32>
    %add3A_59 = arith.addf %add3A_55, %get3A_58 : vector<1000x32xf32>
    %gt3A = arith.constant 0.000000e+00 : f32
    %gt3A_60 = vector.broadcast %gt3A : f32 to vector<1000x32xf32>
    %gt3A_61 = arith.cmpf ogt, %add3A_59, %gt3A_60 : vector<1000x32xf32>
    %min3A = arith.constant 0.000000e+00 : f32
    %min3A_62 = vector.broadcast %min3A : f32 to vector<1000x32xf32>
    %min3A_63 = arith.minimumf %add3A_59, %min3A_62 : vector<1000x32xf32>
    %exp3A = math.exp %min3A_63 : vector<1000x32xf32>
    %sub3A_64 = arith.constant 1.000000e+00 : f32
    %sub3A_65 = vector.broadcast %sub3A_64 : f32 to vector<1000x32xf32>
    %sub3A_66 = arith.subf %exp3A, %sub3A_65 : vector<1000x32xf32>
    %select_n3A = arith.select %gt3A_61, %add3A_59, %sub3A_66 : vector<1000x32xi1>, vector<1000x32xf32>
    %get3A_67 = arith.constant 0 : index
    %get3A_68 = arith.constant 0 : index
    %get3A_69 = vector.load %arg5[%get3A_67, %get3A_68] : memref<1000x32xf32, #tpu.memory_space<vmem>>, vector<1000x32xf32>
    %add3A_70 = arith.addf %select_n3A, %get3A_69 : vector<1000x32xf32>
    %get3A_71 = arith.constant 0 : index
    %get3A_72 = arith.constant 0 : index
    %get3A_73 = vector.load %arg9[%get3A_71, %get3A_72] : memref<32x64xf32, #tpu.memory_space<vmem>>, vector<32x64xf32>
    %dot_general3A = arith.constant dense<0.000000e+00> : vector<1000x64xf32>
    %dot_general3A_74 = tpu.matmul %add3A_70, %get3A_73, %dot_general3A {dimension_numbers = #tpu.dot_dimension_numbers<[1], [0], [0], [1], [0, 0, 1, 1], [], []>, transpose_lhs_hint = false} : vector<1000x32xf32>, vector<32x64xf32>, vector<1000x64xf32> -> vector<1000x64xf32>
    %get3A_75 = arith.constant 0 : index
    %get3A_76 = arith.constant 0 : index
    %get3A_77 = vector.load %arg10[%get3A_75, %get3A_76] : memref<1x64xf32, #tpu.memory_space<vmem>>, vector<1x64xf32>
    %add3A_78 = vector.broadcast %get3A_77 : vector<1x64xf32> to vector<1000x64xf32>
    %add3A_79 = arith.addf %dot_general3A_74, %add3A_78 : vector<1000x64xf32>
    %swap3A = arith.constant 0 : index
    %swap3A_80 = arith.constant 0 : index
    %swap3A_81 = vector.load %arg11[%swap3A, %swap3A_80] : memref<1000x64xf32, #tpu.memory_space<vmem>>, vector<1000x64xf32>
    tpu.vector_store %arg11[%swap3A, %swap3A_80], %add3A_79 {strides = array<i32>} : memref<1000x64xf32, #tpu.memory_space<vmem>>, vector<1000x64xf32>,
    return
  }
  func.func @transform_0(%arg0: i32) -> (i32, i32, i32) {
    %c0_i32 = arith.constant 0 : i32
    %c0_i32_0 = arith.constant 0 : i32
    %c0_i32_1 = arith.constant 0 : i32
    return %c0_i32, %arg0, %c0_i32_0 : i32, i32, i32
  }
  func.func @transform_1(%arg0: i32) -> (i32, i32, i32) {
    %c0_i32 = arith.constant 0 : i32
    %c0_i32_0 = arith.constant 0 : i32
    %c0_i32_1 = arith.constant 0 : i32
    return %c0_i32, %arg0, %c0_i32_0 : i32, i32, i32
  }
  func.func @transform_2(%arg0: i32) -> (i32, i32) {
    %c0_i32 = arith.constant 0 : i32
    %c0_i32_0 = arith.constant 0 : i32
    return %arg0, %c0_i32 : i32, i32
  }
  func.func @transform_3(%arg0: i32) -> (i32, i32) {
    %c0_i32 = arith.constant 0 : i32
    %c0_i32_0 = arith.constant 0 : i32
    return %arg0, %c0_i32 : i32, i32
  }
  func.func @transform_4(%arg0: i32) -> (i32, i32) {
    %c0_i32 = arith.constant 0 : i32
    %c0_i32_0 = arith.constant 0 : i32
    return %arg0, %c0_i32 : i32, i32
  }
  func.func @transform_5(%arg0: i32) -> (i32, i32) {
    %c0_i32 = arith.constant 0 : i32
    %c0_i32_0 = arith.constant 0 : i32
    %c0_i32_1 = arith.constant 0 : i32
    return %c0_i32, %c0_i32_0 : i32, i32
  }
  func.func @transform_6(%arg0: i32) -> (i32, i32) {
    %c0_i32 = arith.constant 0 : i32
    %c0_i32_0 = arith.constant 0 : i32
    %c0_i32_1 = arith.constant 0 : i32
    return %c0_i32, %c0_i32_0 : i32, i32
  }
  func.func @transform_7(%arg0: i32) -> (i32, i32) {
    %c0_i32 = arith.constant 0 : i32
    %c0_i32_0 = arith.constant 0 : i32
    %c0_i32_1 = arith.constant 0 : i32
    return %c0_i32, %c0_i32_0 : i32, i32
  }
  func.func @transform_8(%arg0: i32) -> (i32, i32) {
    %c0_i32 = arith.constant 0 : i32
    %c0_i32_0 = arith.constant 0 : i32
    %c0_i32_1 = arith.constant 0 : i32
    return %c0_i32, %c0_i32_0 : i32, i32
  }
  func.func @transform_9(%arg0: i32) -> (i32, i32) {
    %c0_i32 = arith.constant 0 : i32
    %c0_i32_0 = arith.constant 0 : i32
    %c0_i32_1 = arith.constant 0 : i32
    return %c0_i32, %c0_i32_0 : i32, i32
  }
  func.func @transform_10(%arg0: i32) -> (i32, i32) {
    %c0_i32 = arith.constant 0 : i32
    %c0_i32_0 = arith.constant 0 : i32
    return %arg0, %c0_i32 : i32, i32
  }
}

</mosaic_0001>

<sc_bundles>
// kernel: kernel.10.cloned.1.call-start
scs
__scs_entry_jumppad:
0x0: {  	(pc) =	sbr.rel $0x88, $3  }
0x1: {  	(tag) =	ssettag $0x0;
	lr =	simm.s32 $0x1  }
0x2: {  	[smem:$0x3F87] =	sst lr;
	_ =	strace $0xD0000000  }
0x3: {  	_ = 	snop  }
0x4: {  	_ = 	snop  }
0x5: {  	_ = 	snop  }
0x6: {  	_ = 	snop  }
0x7: {  	_ = 	snop  }
__scs_overlays_trampoline_lowered:
0x8: {  	[smem:$0x3F96] =	sst s0  }
0x9: {  	[smem:$0x3F97] =	sst s1  }
0xa: {  	[smem:$0x3F98] =	sst s2  }
0xb: {  	[smem:$0x3F99] =	sst s3  }
0xc: {  	[smem:$0x3F9A] =	sst s4  }
0xd: {  	[smem:$0x3F9B] =	sst s5  }
0xe: {  	[smem:$0x3F9C] =	sst s6  }
0xf: {  	[smem:$0x3F9D] =	sst s7  }
0x10: {  	[smem:$0x3F9E] =	sst s8  }
0x11: {  	[smem:$0x3F9F] =	sst s9;
	s0 =	simm.s32 @!p0 $0x0  }
0x12: {  	s1 =	sld [smem:$0x3F85];
	s0 =	simm.s32 @p0 $0x1  }
0x13: {  	[smem:$0x3FA0] =	sst s0;
	s0 =	simm.s32 @!p1 $0x0  }
0x14: {  	s2 =	sld [smem:$0x3F84];
	s0 =	simm.s32 @p1 $0x1  }
0x15: {  	[smem:$0x3FA1] =	sst s0;
	s0 =	simm.s32 @!p2 $0x0  }
0x16: {  	s3 =	sld [smem:$0x3FDB];
	s0 =	simm.s32 @p2 $0x1  }
0x17: {  	s4 =	simm.s32 $0x1BF5;
	[smem:$0x3FA3] =	sst s0  }
0x18: {  	s0 =	sld [smem:$0x3F86];
	_ =	swait.ge [sflag:s4], $0x0  }
0x19: {  	s7 =	sld [smem:$0x3F87]  }
0x1a: {  	s8 =	sadd.s32 $0xFFFFE003, lr  }
0x1b: {  	s9 =	sadd.s32 $0xFFFFFEF7, lr;
	s5 =	simm.s32 $0xFFFFFFFF;
	p2 =	slt.u32 s8, $0xFFFFF086  }
0x1c: {  	p1 =	slt.u32 s9, $0xF7A;
	s5 =	simm.s32 @!p2 $0x0  }
0x1d: {  	s5 =	simm.s32 @p1 $0x1;
	p0 =	seq.s32 s7, s2  }
0x1e: {  	s7 =	smul.u32 @!p0 $0xF7A, s2;
	p2 =	seq.s32 @!p0 s5, $0x0  }
0x1f: {  	s9 =	smul.u32 $0xF7A, s1;
	s8 =	simm.s32 @!p0 $0x1BF5;
	p2 =	por !p2, p0  }
0x20: {  	[sflag:s8] =	ssyncset.s32 @!p0 $0xFFFFF086;
	s6 =	sadd.s32 @!p0 s3, s7;
	s7 =	simm.s32 @!p0 $0x108  }
0x21: {  	s3 =	sadd.s32 s3, s9;
	s6 =	sadd.s32 @!p0 $0x88, s6;
	s7 =	simm.s32 @p2 $0x1082  }
0x22: {  	[simem:s7], [sflag:s8] =	dma.local @!p0 [hbm:s6], $0xF7A  }
0x23: {  	s9 =	sor.u32 $0xD0000000, s2;
	s6 =	simm.s32 $0x108;
	_ =	swait.ge @!p0 [sflag:s8], $0x0  }
0x24: {  	s3 =	sadd.s32 $0x88, s3;
	s6 =	simm.s32 @!p1 $0x1082;
	[sflag:s4] =	ssyncset.s32 $0xFFFFF086  }
0x25: {  	[simem:s6], [sflag:s4] =	dma.local [hbm:s3], $0xF7A  }
0x26: {  	[smem:$0x3F87] =	sst s1;
	(tag) =	ssettag s2;
	_ =	strace s9  }
0x27: {  	s1 =	sld [smem:$0x3F97]  }
0x28: {  	s2 =	sld [smem:$0x3F98]  }
0x29: {  	s4 =	sld [smem:$0x3F9A]  }
0x2a: {  	p0 =	seq.s32 s5, $0x0;
	s5 =	sld [smem:$0x3F9B]  }
0x2b: {  	s6 =	sld [smem:$0x3F9C]  }
0x2c: {  	s7 =	sld [smem:$0x3F9D]  }
0x2d: {  	s3 =	simm.s32 $0x108;
	s8 =	sld [smem:$0x3F9E]  }
0x2e: {  	s3 =	simm.s32 @!p0 $0x1082;
	s9 =	sld [smem:$0x3F9F]  }
0x2f: {  	lr =	sadd.s32 s0, s3;
	s0 =	sld [smem:$0x3F96]  }
0x30: {  	s3 =	sld [smem:$0x3F99]  }
0x31: {  	[smem:$0x3FA2] =	sst s10  }
0x32: {  	s10 =	sld [smem:$0x3FA0];
	_ =	sdelay $0x3  }
0x33: {  	p0 =	seq.s32 s10, $0x1;
	s10 =	sld [smem:$0x3FA2];
	_ =	sdelay $0x3  }
0x34: {  	[smem:$0x3FA2] =	sst s10  }
0x35: {  	s10 =	sld [smem:$0x3FA1];
	_ =	sdelay $0x3  }
0x36: {  	p1 =	seq.s32 s10, $0x1;
	s10 =	sld [smem:$0x3FA2];
	_ =	sdelay $0x3  }
0x37: {  	[smem:$0x3FA2] =	sst s10  }
0x38: {  	s10 =	sld [smem:$0x3FA3]  }
0x39: {  	_ = 	snop;
	(pc) =	sbr.ind lr, $3  }
0x3a: {  	_ = 	snop  }
0x3b: {  	_ = 	snop  }
0x3c: {  	p2 =	seq.s32 s10, $0x1;
	s10 =	sld [smem:$0x3FA2]  }
0x3d: {  	_ =	shalt  }
0x3e: {  	_ =	shalt  }
0x3f: {  	_ =	shalt  }
0x40: {  	_ =	shalt  }
0x41: {  	_ =	shalt  }
0x42: {  	_ =	shalt  }
0x43: {  	_ =	shalt  }
0x44: {  	_ =	shalt  }
0x45: {  	_ =	shalt  }
0x46: {  	_ =	shalt  }
0x47: {  	_ =	shalt  }
0x48: {  	_ =	shalt  }
0x49: {  	_ =	shalt  }
0x4a: {  	_ =	shalt  }
0x4b: {  	_ =	shalt  }
0x4c: {  	_ =	shalt  }
0x4d: {  	_ =	shalt  }
0x4e: {  	_ =	shalt  }
0x4f: {  	_ =	shalt  }
0x50: {  	_ =	shalt  }
0x51: {  	_ =	shalt  }
0x52: {  	_ =	shalt  }
0x53: {  	_ =	shalt  }
0x54: {  	_ =	shalt  }
0x55: {  	_ =	shalt  }
0x56: {  	_ =	shalt  }
0x57: {  	_ =	shalt  }
0x58: {  	_ =	shalt  }
0x59: {  	_ =	shalt  }
0x5a: {  	_ =	shalt  }
0x5b: {  	_ =	shalt  }
0x5c: {  	_ =	shalt  }
0x5d: {  	_ =	shalt  }
0x5e: {  	_ =	shalt  }
0x5f: {  	_ =	shalt  }
0x60: {  	_ =	shalt  }
0x61: {  	_ =	shalt  }
0x62: {  	_ =	shalt  }
0x63: {  	_ =	shalt  }
0x64: {  	_ =	shalt  }
0x65: {  	_ =	shalt  }
0x66: {  	_ =	shalt  }
0x67: {  	_ =	shalt  }
0x68: {  	_ =	shalt  }
0x69: {  	_ =	shalt  }
0x6a: {  	_ =	shalt  }
0x6b: {  	_ =	shalt  }
0x6c: {  	_ =	shalt  }
0x6d: {  	_ =	shalt  }
0x6e: {  	_ =	shalt  }
0x6f: {  	_ =	shalt  }
0x70: {  	_ =	shalt  }
0x71: {  	_ =	shalt  }
0x72: {  	_ =	shalt  }
0x73: {  	_ =	shalt  }
0x74: {  	_ =	shalt  }
0x75: {  	_ =	shalt  }
0x76: {  	_ =	shalt  }
0x77: {  	_ =	shalt  }
0x78: {  	_ =	shalt  }
0x79: {  	_ =	shalt  }
0x7a: {  	_ =	shalt  }
0x7b: {  	_ =	shalt  }
0x7c: {  	_ =	shalt  }
0x7d: {  	_ =	shalt  }
0x7e: {  	_ =	shalt  }
0x7f: {  	_ =	shalt  }
0x80: {  	_ =	shalt  }
0x81: {  	_ =	shalt  }
0x82: {  	_ =	shalt  }
0x83: {  	_ =	shalt  }
0x84: {  	_ =	shalt  }
0x85: {  	_ =	shalt  }
0x86: {  	_ =	shalt  }
0x87: {  	_ =	shalt  }
.Lfunc_end0:
.L_simem_size_0:
called_computation.1_lowered:
.L_overlay_start_0:
0x88: {  	s2 =	sld [smem:$0x3FD9]  }
0x89: {  	s3 =	sld [smem:$0x3FFE];
	_ =	sdelay $0x1  }
0x8a: {  	s1 =	srdreg.scid  }
0x8b: {  	s0 =	sand.u32 $0x1, s1  }
0x8c: {  	s17 =	sshll.u32 s0, $0xA;
	s2 =	sadd.s32 s3, s2  }
0x8d: {  	s2 =	sadd.s32 s2, s17  }
0x8e: {  	[smem:$0x3FAE] =	sst s2  }
0x8f: {  	_ = 	snop  }
0x90: {  	s2 =	sld [smem:$0x3FBD]  }
0x91: {  	s18 =	sld [smem:$0x3FD0];
	(tm) =	ssettm $0x1  }
0x92: {  	s4 =	sld [smem:$0x3FFB];
	_ =	sdelay $0x3  }
0x93: {  	_ =	strace s4  }
0x94: {  	s4 =	sld [smem:$0x3FFC];
	_ =	sdelay $0x3  }
0x95: {  	_ =	strace s4  }
0x96: {  	s4 =	sld [smem:$0x3FFD];
	_ =	sdelay $0x3  }
0x97: {  	_ =	strace s4  }
0x98: {  	_ =	strace $0x8FFFFFFF  }
0x99: {  	s19 =	sld [smem:$0x3FDB];
	_ =	sdelay $0x1  }
0x9a: {  	s5 =	simm.s32 $_scs_section_size  }
0x9b: {  	s6 =	simm.s32 $_size__tile_overlayer_lowered;
	s7 =	simm.s32 $_tile_overlayer_lowered  }
0x9c: {  	s22 =	simm.s32 $0x1BFF;
	s21 =	sshll.u32 s7, $0x1;
	s4 =	sadd.s32 s5, s19  }
0x9d: {  	s8 =	simm.s32 $0x0;
	s20 =	sshll.u32 s6, $0x1;
	s6 =	sadd.s32 s21, s4  }
0x9e: {  	[timem:s8], [sflag:s22] =	dma.local [hbm:s6], s20  }
0x9f: {  	_ =	swait.ge [sflag:s22], s20  }
0xa0: {  	s5 =	ssub.s32 $0x0, s20;
	[sflag:s22] =	ssyncset.done $0x0  }
0xa1: {  	[sflag:s22] =	ssyncadd.s32 s5;
	_ =	sdelay $0x1  }
0xa2: {  	s23 =	simm.s32 $0x1B8B  }
0xa3: {  	_ =	swait.ge [sflag:s23], $0x1  }
0xa4: {  	[sflag:s23] =	ssyncset.done $0x0  }
0xa5: {  	s25 =	simm.s32 $0x1B8E;
	s24 =	sld [smem:$0x3FFE];
	[sflag:s23] =	ssyncadd.s32 $0xFFFFFFFF  }
0xa6: {  	s26 =	simm.s32 $execute0_lowered;
	[smem:$0x3FD2] =	sst s25  }
0xa7: {  	s6 =	sshll.u32 s26, $0x1;
	_ =	strace $0x80000049;
	[dreg:$0x1] =	wrdreg $0xFFFFFFFF  }
0xa8: {  	s28 =	simm.s32 $_size_execute0_lowered;
	s4 =	sadd.s32 s4, s6;
	[dreg:$0x0] =	wrdreg $0x0  }
0xa9: {  	s6 =	sshll.u32 s28, $0x1;
	[dreg:$0x2] =	wrdreg s4  }
0xaa: {  	[dreg:$0x3] =	wrdreg s6  }
0xab: {  	[dreg:$0x4] =	wrdreg $0xC0  }
0xac: {  	_ =	task [dreg:s8], $0x5FFFF  }
0xad: {  	[dreg:$0x1] =	wrdreg $0xFFFFFFFF  }
0xae: {  	[dreg:$0x0] =	wrdreg $0x60  }
0xaf: {  	[dreg:$0x2] =	wrdreg s24  }
0xb0: {  	[dreg:$0x3] =	wrdreg s2  }
0xb1: {  	[dreg:$0x4] =	wrdreg s18  }
0xb2: {  	[dreg:$0x5] =	wrdreg $0x0  }
0xb3: {  	[dreg:$0x6] =	wrdreg $0x140800  }
0xb4: {  	[dreg:$0x7] =	wrdreg $0x9  }
0xb5: {  	_ =	task.clear_ibuf [dreg:s8], $0x8FFFF;
	_ =	strace $0x90000049  }
0xb6: {  	s29 =	simm.s32 $0x9;
	_ =	strace $0x8000004B  }
0xb7: {  	_ =	swait.ge [sflag:s29], $0x1  }
0xb8: {  	[sflag:s29] =	ssyncadd.s32 $0xFFFFFFFF  }
0xb9: {  	_ =	strace $0x9000004B  }
0xba: {  	_ =	sfence  }
0xbb: {  	s30 =	sld [smem:$0x0];
	_ =	sdelay $0x2  }
0xbc: {  	s31 =	sshll.u32 s1, $0xD;
	s1 =	sshrl.u32 s1, $0x2  }
0xbd: {  	s3 =	sand.u32 $0x4000, s31;
	s1 =	sadd.s32 s1, s30  }
0xbe: {  	s0 =	sor.u32 s3, s0;
	s1 =	sshll.u32 s1, $0x11  }
0xbf: {  	s0 =	sor.u32 s1, s0  }
0xc0: {  	s0 =	sadd.s32 $0x8F2B, s0  }
0xc1: {  	[sflag:s0] =	ssyncadd.remote.s32 $0x1  }
0xc2: {  	_ =	sfence.sel $0xFFFF  }
0xc3: {  	[dreg:$0x0] =	wrdreg $0xFFFFFFFF;
	(pc) =	sbr.abs _section_cstart, $3  }
0xc4: {  	[dreg:$0x1] =	wrdreg $0xFFFFFFFF  }
0xc5: {  	_ =	task.clear_ibuf [dreg:s8], $0x2FFFF;
	_ =	strace $0x9FFFFFFF  }
0xc6: {  	(tm) =	ssettm $0x7FFFFFFF  }
0xc7: {  	_ =	shalt  }
tec
execute0_lowered:
.L_overlay_start_1:
0x0: {  	(tag) =	ssettag $0x1  }
0x1: {  	s0 =	rddreg [dreg:$0x0]  }
0x2: {  	s1 =	rddreg [dreg:$0x2]  }
0x3: {  	s14 =	rddreg [dreg:$0x3]  }
0x4: {  	s15 =	rddreg [dreg:$0x4];
	s2 =	simm.s32 $0x0;
	s19 =	srdreg.scid  }
0x5: {  	s28 =	simm.s32 $0x50;
	s30 =	simm.s32 $0x15540;
	[smem:$0x7FF] =	sst s2  }
0x6: {  	s17 =	stileid.u32;
	s6 =	sadd.s32 $0x120800, s0;
	s7 =	sadd.s32 $0x1BCC00, s0  }
0x7: {  	s8 =	sadd.s32 $0x1C1C00, s0;
	s2 =	sand.u32 $0x1, s19;
	s3 =	smul.u32 $0x50000, s17  }
0x8: {  	s4 =	sadd.s32 $0x148A00, s0;
	s0 =	sadd.s32 $0x4E00, s0;
	s11 =	smul.u32 $0x2800, s17  }
0x9: {  	s23 =	smul.u32 $0xA000, s17;
	s26 =	sadd.s32 $0x14000, s15;
	p0 =	seq.s32 s17, $0xF  }
0xa: {  	p1 =	sgt.u32 s17, $0x7;
	_ =	strace $0x8000004A;
	s9 =	smul.u32 $0x28100, s2  }
0xb: {  	s5 =	ssub.s32 $0x2, s2;
	s12 =	sshll.u32 s2, $0x4;
	s13 =	smul.u32 $0x140800, s2  }
0xc: {  	s2 =	smul.u32 $0x2880, s2;
	[dreg:$0x9] =	wrdreg s26;
	p2 =	sne.s32 @p1 s17, $0x8  }
0xd: {  	p3 =	sne.s32 @!p0 s17, $0x0;
	s26 =	simm.s32 $0x2;
	s10 =	sshrl.u32 s5, $0x1  }
0xe: {  	s3 =	sshrl.u32 s3, $0x2;
	s20 =	sor.u32 s17, s12;
	s12 =	sadd.s32 $0x12C000, s14  }
0xf: {  	s25 =	sshrl.u32 s23, $0x2;
	p2 =	por p2, !p1;
	s23 =	simm.s32 $0x154C0  }
0x10: {  	p3 =	por p3, p0;
	s16 =	ssub.s32 s5, s10;
	s3 =	sadd.s32 s3, s14  }
0x11: {  	s21 =	sadd.s32 s11, s9;
	s1 =	sadd.s32 s1, s2;
	[dreg:$0x6] =	wrdreg s3  }
0x12: {  	s22 =	sshrl.u32 s13, $0x3;
	s24 =	sadd.s32 s4, s21;
	[dreg:$0xc] =	wrdreg s1  }
0x13: {  	s9 =	sadd.s32 $0x25800, s22;
	s31 =	smax.u32 s16, $0x1;
	[dreg:$0x7] =	wrdreg s24  }
0x14: {  	s5 =	smov.u32 s15;
	s4 =	sadd.s32 s4, s9;
	[dreg:$0xe] =	wrdreg s31  }
0x15: {  	s14 =	smul.u32 $0x1400, s20;
	s29 =	sadd.s32 s0, s9;
	[dreg:$0x8] =	wrdreg s4  }
0x16: {  	s20 =	simm.s32 $0x3;
	s0 =	sadd.s32 s0, s21;
	[dreg:$0xb] =	wrdreg s29  }
0x17: {  	s1 =	simm.s32 $0x15640;
	s9 =	sshrl.u32 @p0 s12, $0x3;
	[dreg:$0xd] =	wrdreg s0  }
0x18: {  	s4 =	sadd.s32 s25, s15;
	s0 =	sshll.u32 @!p0 s17, $0x6;
	[dreg:$0xf] =	wrdreg s9  }
0x19: {  	s25 =	simm.s32 $0x1;
	[dreg:$0xa] =	wrdreg s4;
	s10 =	sor.u32 @!p0 $0x1C03, s0  }
0x1a: {  	v0 =	vimm.f32 $0.0e+00;
	s0 =	simm.s32 $0x1CEC0;
	s4 =	simm.s32 $0x0;
	[dreg:$0x10] =	wrdreg s10  }
.LBB2_1:
0x1b: {  	[dreg:$0x11] =	wrdreg s4  }
0x1c: {  	s2 =	rddreg [dreg:$0x1];
	s3 =	simm.s32 $0x0;
	s31 =	simm.s32 $0x1F6C0  }
0x1d: {  	[tilespmem:s31], [sflag:$0x3] =	stream.linear.gather [hbm4b:s2+s3], $0x80, $0x38;
	[tilespmem:$0x1F740] =	vst v63  }
0x1e: {  	_ =	swait.ge [sflag:s20], $0x80  }
0x1f: {  	[sflag:s20] =	ssyncset.done $0x0  }
0x20: {  	s2 =	simm.s32 @p0 $0x1FC3;
	s3 =	rddreg [dreg:$0x8];
	[sflag:s20] =	ssyncadd.s32 $0xFFFFFF80  }
0x21: {  	[spmem:s9], [sflag:s2] =	dma.local @p0 [hbm:s3], $0x2900  }
0x22: {  	s2 =	simm.s32 @p0 $0x3  }
0x23: {  	_ =	swait.ge @p0 [sflag:s2], $0x2900  }
0x24: {  	[sflag:s2] =	ssyncset.done @p0 $0x0  }
0x25: {  	[sflag:s2] =	ssyncadd.s32 @p0 $0xFFFFD700;
	s2 =	rddreg [dreg:$0x6]  }
0x26: {  	s3 =	sshrl.u32 @!p0 s2, $0x3;
	s2 =	rddreg [dreg:$0x7]  }
0x27: {  	[dreg:$0x12] =	wrdreg s3  }
0x28: {  	[spmem:s3], [sflag:s10] =	dma.local @!p0 [hbm:s2], $0x2800  }
0x29: {  	s2 =	simm.s32 @!p0 $0x3  }
0x2a: {  	_ =	swait.ge @!p0 [sflag:s2], $0x2800  }
0x2b: {  	[sflag:s2] =	ssyncset.done @!p0 $0x0  }
0x2c: {  	s3 =	simm.s32 $0x200;
	[sflag:s2] =	ssyncadd.s32 @!p0 $0xFFFFD800;
	s2 =	simm.s32 $0x0  }
.LBB2_2:
0x2d: {  	p4 =	sne.s32 s3, $0x9E00;
	[tilespmem:s2+$0x1A730] =	vst v0  }
0x2e: {  	[tilespmem:s2+$0x1A6C0] =	vst v0  }
0x2f: {  	[tilespmem:s2+$0x1A6D0] =	vst v0  }
.Ltmp0:
0x30: {  	[tilespmem:s2+$0x1A6E0] =	vst v0;
	(pc) =	sbr.rel @p4 .LBB2_2-.Ltmp0, $4  }
0x31: {  	[tilespmem:s2+$0x1A6F0] =	vst v0  }
0x32: {  	[tilespmem:s2+$0x1A700] =	vst v0  }
0x33: {  	[tilespmem:s2+$0x1A710] =	vst v0  }
0x34: {  	[tilespmem:s2+$0x1A720] =	vst v0;
	s2 =	sshra.s32 s3, $0x2;
	s3 =	sadd.s32 $0x200, s3  }
0x35: {  	[tilespmem:s2+$0x1A730] =	vst v0  }
0x36: {  	[tilespmem:s2+$0x1A6C0] =	vst v0  }
0x37: {  	[tilespmem:s2+$0x1A6D0] =	vst v0  }
0x38: {  	[tilespmem:s2+$0x1A6E0] =	vst v0  }
0x39: {  	[tilespmem:s2+$0x1A6F0] =	vst v0  }
0x3a: {  	[tilespmem:s2+$0x1A700] =	vst v0  }
0x3b: {  	[tilespmem:s2+$0x1A710] =	vst v0  }
0x3c: {  	[tilespmem:s2+$0x1A720] =	vst v0;
	s2 =	simm.s32 $0x0;
	s3 =	simm.s32 $0x200  }
.LBB2_4:
0x3d: {  	p4 =	sne.s32 s3, $0x9E00;
	[tilespmem:s2+$0x1CF30] =	vst v0  }
0x3e: {  	[tilespmem:s2+$0x1CEC0] =	vst v0  }
0x3f: {  	[tilespmem:s2+$0x1CED0] =	vst v0  }
.Ltmp1:
0x40: {  	[tilespmem:s2+$0x1CEE0] =	vst v0;
	(pc) =	sbr.rel @p4 .LBB2_4-.Ltmp1, $4  }
0x41: {  	[tilespmem:s2+$0x1CEF0] =	vst v0  }
0x42: {  	[tilespmem:s2+$0x1CF00] =	vst v0  }
0x43: {  	[tilespmem:s2+$0x1CF10] =	vst v0  }
0x44: {  	[tilespmem:s2+$0x1CF20] =	vst v0;
	s2 =	sshra.s32 s3, $0x2;
	s3 =	sadd.s32 $0x200, s3  }
0x45: {  	[tilespmem:s2+$0x1CF30] =	vst v0  }
0x46: {  	[tilespmem:s2+$0x1CEC0] =	vst v0  }
0x47: {  	[tilespmem:s2+$0x1CED0] =	vst v0  }
0x48: {  	[tilespmem:s2+$0x1CEE0] =	vst v0  }
0x49: {  	[tilespmem:s2+$0x1CEF0] =	vst v0  }
0x4a: {  	[tilespmem:s2+$0x1CF00] =	vst v0  }
0x4b: {  	[tilespmem:s2+$0x1CF10] =	vst v0  }
0x4c: {  	[tilespmem:s2+$0x1CF20] =	vst v0;
	s2 =	simm.s32 @!p2 $0x1CEC0;
	s3 =	rddreg [dreg:$0x9]  }
0x4d: {  	[spmem:s3] =	stream.linear.scatter @!p2 [tilespmem:s2], [sflag:$0x3], $0x400, $0x38;
	[tilespmem:$0x1F740] =	vst v63  }
0x4e: {  	s2 =	simm.s32 @!p2 $0x3  }
0x4f: {  	_ =	swait.ge @!p2 [sflag:s2], $0x400  }
0x50: {  	[sflag:s2] =	ssyncset.done @!p2 $0x0  }
0x51: {  	s3 =	rddreg [dreg:$0xa];
	[sflag:s2] =	ssyncadd.s32 @!p2 $0xFFFFFC00;
	s2 =	simm.s32 @!p1 $0x1CEC0  }
0x52: {  	[spmem:s3] =	stream.linear.scatter @!p1 [tilespmem:s2], [sflag:$0x3], $0x2800, $0x38;
	[tilespmem:$0x1F740] =	vst v63  }
0x53: {  	s2 =	simm.s32 @!p1 $0x3  }
0x54: {  	_ =	swait.ge @!p1 [sflag:s2], $0x2800  }
0x55: {  	[sflag:s2] =	ssyncset.done @!p1 $0x0  }
0x56: {  	[sflag:s2] =	ssyncadd.s32 @!p1 $0xFFFFD800  }
0x57: {  	[bflag:$0x0] =	sbarrier.arrive $0xFFFF  }
0x58: {  	v1 =	vld [tilespmem:$0x1F6C0]  }
0x59: {  	s9 =	simm.s32 $0x0;
	s10 =	simm.s32 $0x0;
	v2 =	vld [tilespmem:$0x1F6D0]  }
.LBB2_6:
0x5a: {  	s2 =	smul.u32 $0x50, s10;
	_ =	sdelay $0x1  }
0x5b: {  	s2 =	sadd.s32 s14, s2  }
0x5c: {  	s2 =	sshrl.u32 s2, $0x3  }
0x5d: {  	s3 =	sadd.s32 s7, s2  }
0x5e: {  	[tilespmem:s23], [sflag:$0x1] =	stream.linear.gather [hbm4b:s3+s9], $0x50, $0x38;
	[tilespmem:$0x1F740] =	vst v63  }
0x5f: {  	s4 =	simm.s32 $0x155C0;
	s2 =	sadd.s32 s8, s2  }
0x60: {  	[tilespmem:s4], [sflag:$0x2] =	stream.linear.gather [hbm4b:s2+s9], $0x50, $0x38;
	[tilespmem:$0x1F740] =	vst v63  }
0x61: {  	_ =	swait.ge [sflag:s25], $0x50  }
0x62: {  	[sflag:s25] =	ssyncset.done $0x0  }
0x63: {  	[sflag:s25] =	ssyncadd.s32 $0xFFFFFFB0  }
0x64: {  	_ =	swait.ge [sflag:s26], $0x50  }
0x65: {  	[sflag:s26] =	ssyncset.done $0x0  }
0x66: {  	[sflag:s26] =	ssyncadd.s32 $0xFFFFFFB0  }
0x67: {  	v3 =	vld [tilespmem:$0x155C0]  }
0x68: {  	v4 =	vld [tilespmem:$0x155D0];
	_ =	sdelay $0x3  }
0x69: {  	v5 =	vld [tilespmem:$0x155E0];
	[tilespmem:$0x15540] =	vst v3  }
0x6a: {  	v3 =	vshrl.u32 v3, $0x4;
	[tilespmem:$0x15550] =	vst v4  }
0x6b: {  	v4 =	vshrl.u32 v4, $0x4;
	[tilespmem:$0x15640] =	vst v3;
	v3 =	vld [tilespmem:$0x155F0]  }
0x6c: {  	[tilespmem:$0x15650] =	vst v4;
	v4 =	vld [tilespmem:$0x15600];
	_ =	sdelay $0x1  }
0x6d: {  	[tilespmem:$0x15560] =	vst v5;
	v5 =	vshrl.u32 v5, $0x4  }
0x6e: {  	[tilespmem:$0x15660] =	vst v5  }
0x6f: {  	[tilespmem:$0x15570] =	vst v3  }
0x70: {  	v3 =	vshrl.u32 v3, $0x4;
	[tilespmem:$0x15580] =	vst v4  }
0x71: {  	[tilespmem:$0x15670] =	vst v3;
	v3 =	vshrl.u32 v4, $0x4  }
0x72: {  	s11 =	simm.s32 $0x156C0;
	[tilespmem:$0x15680] =	vst v3  }
0x73: {  	[tilespmem:s11], [sflag:$0x1] =	stream.indirect.gather [hbm4b:s6+s28], $0x80, s23, s28, $0xb8;
	[tilespmem:$0x1F740] =	vst v63  }
0x74: {  	s12 =	simm.s32 $0x17EC0  }
0x75: {  	[tilespmem:s12], [sflag:$0x2] =	stream.indirect.gather [hbm4b:s6+s28], $0x80, s30, s28, $0xb8;
	[tilespmem:$0x1F740] =	vst v63  }
0x76: {  	_ =	swait.ge [sflag:s25], $0x2800  }
0x77: {  	[sflag:s25] =	ssyncset.done $0x0  }
0x78: {  	[sflag:s25] =	ssyncadd.s32 $0xFFFFD800  }
0x79: {  	_ =	swait.ge [sflag:s26], $0x2800  }
0x7a: {  	[sflag:s26] =	ssyncset.done $0x0  }
0x7b: {  	s13 =	simm.s32 $0x17FE0;
	[sflag:s26] =	ssyncadd.s32 $0xFFFFD800  }
0x7c: {  	v3 =	vld [tilespmem:s13+$0xFFFFFF10]  }
0x7d: {  	v4 =	vld [tilespmem:s13+$0xFFFFFF80]  }
0x7e: {  	s15 =	simm.s32 $0x157C0;
	v5 =	vld [tilespmem:s13+$0x0]  }
0x7f: {  	v6 =	vld [tilespmem:s15+$0x0]  }
0x80: {  	v30 =	vld [tilespmem:s15+$0xFFFFFF90]  }
0x81: {  	v9 =	vld [tilespmem:s13+$0xFFFFFF90]  }
0x82: {  	v29 =	vld [tilespmem:s15+$0xFFFFFF00]  }
0x83: {  	v10 =	vld [tilespmem:s13+$0xFFFFFF00]  }
0x84: {  	v7 =	vld [tilespmem:s15+$0xFFFFFF10]  }
0x85: {  	v24 =	vld [tilespmem:s15+$0xFFFFFF80]  }
0x86: {  	v8 =	vld [tilespmem:s15+$0x10]  }
0x87: {  	v11 =	vld [tilespmem:s13+$0x80]  }
0x88: {  	v13 =	vld [tilespmem:s13+$0x90]  }
0x89: {  	v12 =	vld [tilespmem:s15+$0x90]  }
0x8a: {  	s4 =	simm.s32 $0x155C2;
	v31 =	vld [tilespmem:s15+$0x80]  }
0x8b: {  	v14 =	vld [tilespmem:s4+$0x0]  }
0x8c: {  	s16 =	simm.s32 $0x181E0;
	v16 =	vld [tilespmem:s13+$0x10]  }
0x8d: {  	v17 =	vld [tilespmem:s16+$0xFFFFFF10];
	v9 =	vadd.f32 v9, v30  }
0x8e: {  	v19 =	vld [tilespmem:s16+$0xFFFFFF80];
	v4 =	vadd.f32 v4, v24;
	v15 =	vadd.f32 v3, v7  }
0x8f: {  	v22 =	vld [tilespmem:s16+$0x0];
	v10 =	vadd.f32 v10, v29;
	v3 =	vmul.f32 $2.000000030e-01, v9  }
0x90: {  	v23 =	vld [tilespmem:s16+$0xFFFFFF90];
	v13 =	vadd.f32 v13, v12;
	v18 =	vmul.f32 $2.000000030e-01, v4;
	v21 =	vmul.f32 $2.000000030e-01, v15  }
0x91: {  	v32 =	vld [tilespmem:s4+$0x1];
	s15 =	simm.s32 $0x183E0;
	v11 =	vadd.f32 v11, v31;
	v20 =	vmul.f32 $2.000000030e-01, v10;
	v9 =	vmax.f32 v9, v3  }
0x92: {  	s17 =	simm.s32 $0x159C0;
	v36 =	vld [tilespmem:s15+$0xFFFFFF10];
	v4 =	vmax.f32 v4, v18;
	v15 =	vmax.f32 v15, v21;
	v18 =	vmul.f32 v9, v2  }
0x93: {  	v21 =	vmul.f32 v4, v1;
	v9 =	vld [tilespmem:s17+$0xFFFFFF90];
	v4 =	vmax.f32 v10, v20;
	v10 =	vmul.f32 $2.000000030e-01, v13  }
0x94: {  	v25 =	vadd.f32 v5, v6;
	v20 =	vmul.f32 $2.000000030e-01, v11;
	v26 =	vmul.f32 v4, v1;
	v4 =	vld [tilespmem:s17+$0xFFFFFF00]  }
0x95: {  	v15 =	vmul.f32 v15, v2;
	v18 =	vadd.f32 v18, v21;
	v5 =	vmax.f32 v13, v10;
	v10 =	vld [tilespmem:s16+$0xFFFFFF00]  }
0x96: {  	v16 =	vadd.f32 v16, v8;
	v11 =	vmax.f32 v11, v20;
	v13 =	vmul.f32 v5, v2;
	v5 =	vld [tilespmem:s17+$0xFFFFFF10]  }
0x97: {  	v20 =	vadd.f32 v15, v26;
	v11 =	vmul.f32 v11, v1;
	v15 =	vld [tilespmem:s17+$0xFFFFFF80];
	(xrf2) =	vadd.scan.msk.f32 $0xffff, v18;
	v18 =	vmul.f32 $2.000000030e-01, v25  }
0x98: {  	v3 =	vld [tilespmem:s17+$0x0]  }
0x99: {  	v21 =	vmul.f32 $2.000000030e-01, v16;
	v26 =	vld [tilespmem:s4+$0xFFFFFFFF];
	v13 =	vadd.f32 v13, v11;
	v18 =	vmax.f32 v25, v18  }
0x9a: {  	(v2sf) =	vpush v14, $0x0;
	(xrf2) =	vadd.scan.msk.f32 $0xffff, v20;
	v20 =	vld [tilespmem:s16+$0x80];
	v18 =	vmul.f32 v18, v1  }
0x9b: {  	v25 =	vld [tilespmem:s16+$0x90];
	(xrf2) =	vadd.scan.msk.f32 $0xffff, v13;
	v10 =	vadd.f32 v10, v4;
	v14 =	vadd.f32 v17, v5;
	v17 =	vmax.f32 v16, v21  }
0x9c: {  	v13 =	vld [tilespmem:s17+$0x90];
	v21 =	vadd.f32 v23, v9;
	v19 =	vadd.f32 v19, v15;
	v17 =	vmul.f32 v17, v2  }
0x9d: {  	v22 =	vadd.f32 v22, v3;
	v16 =	vld [tilespmem:s17+$0x80];
	v33 =	vmul.f32 $2.000000030e-01, v10;
	v23 =	vmul.f32 $2.000000030e-01, v14  }
0x9e: {  	v37 =	vld [tilespmem:s15+$0xFFFFFF80];
	(v2sf) =	vpush v26, $0x0;
	v27 =	vmul.f32 $2.000000030e-01, v21;
	v28 =	vmul.f32 $2.000000030e-01, v19  }
0x9f: {  	v38 =	vld [tilespmem:s15+$0x0];
	(v2sf) =	vpush v32, $0x0;
	v17 =	vadd.f32 v17, v18;
	v10 =	vmax.f32 v10, v33  }
0xa0: {  	v14 =	vmax.f32 v14, v23;
	v23 =	vld [tilespmem:s4+$0xFFFFFFFE];
	v18 =	vmax.f32 v21, v27;
	v19 =	vmax.f32 v19, v28  }
0xa1: {  	v59 =	vld [tilespmem:s15+$0xFFFFFF90];
	v27 =	vmul.f32 $2.000000030e-01, v22;
	v35 =	vmul.f32 v19, v1;
	v19 =	vadd.f32 v25, v13  }
0xa2: {  	s2 =	simm.s32 $0x155C6;
	v11 =	vld [tilespmem:s17+$0x10];
	v57 =	vmul.f32 v10, v1;
	v34 =	vmul.f32 v18, v2;
	v20 =	vadd.f32 v20, v16;
	v28, _, _ =	vpop (xrf2);
	(xrf2) =	vadd.scan.msk.f32 $0xffff, v17  }
0xa3: {  	v21 =	vld [tilespmem:s2+$0x0];
	v14 =	vmul.f32 v14, v2;
	v26 =	vmul.f32 $2.000000030e-01, v19  }
0xa4: {  	s18 =	simm.s32 $0x15BC0;
	v25 =	vld [tilespmem:s16+$0x10];
	v22 =	vmax.f32 v22, v27;
	v17, _, _ =	vpop (xrf2);
	v28 =	vmul.f32 $1.442695020e+00, v28;
	v58 =	vmul.f32 $2.000000030e-01, v20  }
0xa5: {  	v32 =	vadd.f32 v14, v57;
	v14 =	vld [tilespmem:s18+$0x0];
	v17 =	vmul.f32 $1.442695020e+00, v17;
	v18, _, _ =	vpop (xrf2);
	(v2sf) =	vpush v23, $0x0  }
0xa6: {  	v10 =	vmax.f32 v19, v26;
	v26 =	vbroadcast v28, $0xF;
	v19 =	vld [tilespmem:s18+$0xFFFFFF00];
	v23 =	vmul.f32 $1.442695020e+00, v18  }
0xa7: {  	v34 =	vadd.f32 v34, v35;
	v28 =	vld [tilespmem:s15+$0xFFFFFF00];
	v27 =	vmul.f32 v10, v2;
	v17 =	vbroadcast v17, $0xF  }
0xa8: {  	v20 =	vmax.f32 v20, v58;
	v18 =	vld [tilespmem:s18+$0xFFFFFF90];
	(erf) = vpow2.f32 v26;
	v23 =	vbroadcast v23, $0xF  }
0xa9: {  	v10 =	vld [tilespmem:s18+$0xFFFFFF10];
	v25 =	vadd.f32 v25, v11;
	v20 =	vmul.f32 v20, v1;
	(erf) = vpow2.f32 v17  }
0xaa: {  	v26 =	vmul.f32 v22, v1;
	v17 =	vld [tilespmem:s18+$0xFFFFFF80];
	(erf) = vpow2.f32 v23  }
0xab: {  	(xrf2) =	vadd.scan.msk.f32 $0xffff, v34;
	v22 =	vmul.f32 $2.000000030e-01, v25;
	v60 =	vadd.f32 v27, v20;
	v38 =	vadd.f32 v38, v14  }
0xac: {  	s22 =	spop (v2sf);
	(xrf2) =	vadd.scan.msk.f32 $0xffff, v32;
	(v2sf) =	vpush v21, $0x0;
	v32 =	vadd.f32 v28, v19;
	v23, _, _ =	vpop (xrf2)  }
0xad: {  	v40 =	vld [tilespmem:s15+$0x80];
	v27 =	vmax.f32 v25, v22;
	v43 =	vmul.f32 $2.000000030e-01, v38;
	(xrf2) =	vadd.scan.msk.f32 $0xffff, v60;
	v21 =	vmul.f32 $1.442695020e+00, v23  }
0xae: {  	s21 =	simm.s32 $0x155CA;
	v39 =	vld [tilespmem:s15+$0x90];
	s4 =	sshll.u32 s22, $0x3;
	v35 =	vadd.f32 v59, v18;
	v41 =	vmul.f32 v27, v2;
	v23 =	vadd.f32 v36, v10  }
0xaf: {  	s11 =	simm.s32 $0x1A9C0;
	s17 =	simm.s32 $0x100;
	s4 =	sand.u32 $0x78, s4;
	v20 =	vld [tilespmem:s18+$0x10];
	v33 =	vmul.f32 $2.000000030e-01, v32;
	v37 =	vadd.f32 v37, v17;
	v25 =	vbroadcast v21, $0xF  }
0xb0: {  	s12 =	simm.s32 $0x8;
	s4 =	sor.u32 s17, s4;
	v22 =	vld [tilespmem:s18+$0x90];
	s19 =	spop (v2sf);
	v63 =	vmax.f32 v38, v43;
	v42 =	vmul.f32 $2.000000030e-01, v35;
	v36 =	vmul.f32 $2.000000030e-01, v23  }
0xb1: {  	s13 =	simm.s32 $0x1A7C0;
	s24 =	sshll.u32 s19, $0x3;
	s31 =	spop (v2sf);
	v21 =	vmov s4;
	v61 =	vmul.f32 $2.000000030e-01, v37;
	v28 =	vpop (erf);
	(erf) = vpow2.f32 v25;
	v25 =	vld [tilespmem:s18+$0x80]  }
0xb2: {  	s16 =	simm.s32 $0x4;
	v43 =	vld [tilespmem:s2+$0x1];
	s3 =	sand.u32 $0x78, s24;
	s19 =	sshll.u32 s31, $0x3;
	v35 =	vmax.f32 v35, v42;
	v45 =	vmax.f32 v23, v36;
	v23 =	vpop (erf);
	v44 =	vmul.f32 v28, v24  }
0xb3: {  	s19 =	sand.u32 $0x78, s19;
	s4 =	simm.s32 $0xC;
	v42 =	vld [tilespmem:s2+$0xFFFFFFFF];
	v46 =	vmul.f32 v35, v2;
	s18 =	simm.s32 $0x0;
	v62 =	vmax.f32 v37, v61;
	v30 =	vmul.f32 v28, v30;
	v24 =	vpop (erf)  }
0xb4: {  	v35 =	vld [tilespmem:s2+$0xFFFFFFFE];
	s2 =	sor.u32 s19, s17;
	s19 =	simm.s32 $0x185E0;
	s24 =	sor.u32 s3, s18;
	v47 =	vmul.f32 v62, v1;
	[tilespmem:s13+$0xFFFFFF80] =	vst v44;
	v31 =	vmul.f32 v24, v31  }
0xb5: {  	v27 =	vld [tilespmem:s21+$0x0];
	v38 =	vmul.f32 v63, v1;
	s17 =	simm.s32 $0x155CA;
	v29 =	vmul.f32 v23, v29;
	v36, _, _ =	vpop (xrf2);
	v44 =	vadd.f32 v39, v22;
	[tilespmem:s13+$0xFFFFFF90] =	vst v30;
	s29 =	sadd.s32 $0x80, s24;
	s22 =	spop (v2sf)  }
0xb6: {  	v37 =	vmul.f32 v45, v2;
	v39 =	vld [tilespmem:s15+$0x10];
	s15 =	simm.s32 $0x1A9C0;
	v34, _, _ =	vpop (xrf2);
	v45 =	vadd.f32 v46, v47;
	s3 =	sshll.u32 s22, $0x3;
	s22 =	simm.s32 $0x15DC0;
	v40 =	vadd.f32 v40, v25;
	[tilespmem:s13+$0x80] =	vst v31  }
.LBB2_7:
0xb7: {  	v47 =	vmul.f32 $1.442695020e+00, v34;
	v26 =	vadd.f32 v41, v26;
	s11 =	sadd.s32 $0x200, s11;
	v41, _, _ =	vpop (xrf2);
	v48 =	vmov s29  }
0xb8: {  	v46 =	vld [tilespmem:s19+$0xFFFFFF10];
	s31 =	sand.u32 $0x78, s3;
	v34 =	vmovc v18;
	v30 =	vmovc v4;
	v4 =	vmov v19;
	v31 =	vmov v16;
	v16 =	vmov v25;
	s3 =	smov.u32 s4;
	s24 =	sadd.s32 $0x4, s4  }
0xb9: {  	p4 =	slt.u32 s4, $0x4C;
	v18 =	vmax.f32 v32, v33;
	v19 =	vmul.f32 $2.000000030e-01, v44;
	v25 =	vld [tilespmem:s19+$0xFFFFFF80];
	v32 =	vmul.f32 $1.442695020e+00, v41  }
0xba: {  	v51 =	vmul.f32 v24, v12;
	v33 =	vmul.f32 v18, v1;
	v41 =	vld [tilespmem:s19+$0x0];
	(v2sf) =	vpush v42, $0x0;
	(xrf2) =	vadd.scan.msk.f32 $0xffff, v26;
	v42 =	vpop (erf)  }
0xbb: {  	v36 =	vmul.f32 $1.442695020e+00, v36;
	v12 =	vmovc v13;
	v13 =	vmovc v22;
	v50 =	vmul.f32 $2.000000030e-01, v40;
	v19 =	vmax.f32 v44, v19;
	v49 =	vld [tilespmem:s22+$0x0]  }
0xbc: {  	v22 =	vmul.f32 v19, v2;
	v32 =	vbroadcast v32, $0xF;
	v18 =	vld [tilespmem:s22+$0xFFFFFF90];
	s4 =	spop (v2sf);
	(v2sf) =	vpush v43, $0x0;
	[tilespmem:s13+$0x90] =	vst v51;
	v26 =	vmovc v38  }
0xbd: {  	v36 =	vbroadcast v36, $0xF;
	(xrf2) =	vadd.scan.msk.f32 $0xffff, v45;
	s4 =	sshll.u32 s4, $0x3;
	[tilespmem:v48+s0+$0x0] =	vst.idx.add.f32.msk $0x1, v28;
	v28 =	vmul.f32 v42, v8;
	v8 =	vmovc v11  }
0xbe: {  	s18 =	sor.u32 s18, s31;
	v44 =	vbroadcast v47, $0xF;
	v38 =	vld [tilespmem:s19+$0xFFFFFF90];
	s4 =	sand.u32 $0x78, s4;
	(v2sf) =	vpush v35, $0x0;
	v35 =	vmul.f32 v42, v6;
	v6 =	vmovc v3;
	v3 =	vmovc v14  }
0xbf: {  	s2 =	sadd.s32 $0x80, s2;
	v43 =	vmov s18;
	v19 =	vld [tilespmem:s22+$0xFFFFFF00];
	(erf) = vpow2.f32 v36;
	v36 =	vmul.f32 v23, v7;
	[tilespmem:s13+$0x10] =	vst v28;
	v7 =	vmovc v5;
	v5 =	vmovc v10  }
0xc0: {  	v40 =	vmax.f32 v40, v50;
	v11 =	vmovc v20;
	v28 =	vld [tilespmem:s19+$0xFFFFFF00];
	(erf) = vpow2.f32 v44;
	[tilespmem:s13+$0xFFFFFF00] =	vst v29;
	v29 =	vmov s2;
	v14 =	vmovc v49  }
0xc1: {  	v44 =	vadd.f32 v37, v33;
	v33 =	vmul.f32 v40, v1;
	v10 =	vld [tilespmem:s22+$0xFFFFFF10];
	(erf) = vpow2.f32 v32;
	[tilespmem:s13+$0xFFFFFF10] =	vst v36  }
0xc2: {  	v36 =	vadd.f32 v39, v11;
	v37 =	vld [tilespmem:s22+$0xFFFFFF80];
	[tilespmem:s13+$0x0] =	vst v35;
	s13 =	smov.u32 s15;
	s15 =	smov.u32 s11  }
0xc3: {  	v22 =	vadd.f32 v22, v33;
	(xrf2) =	vadd.scan.msk.f32 $0xffff, v44;
	[tilespmem:v21+s0+$0x0] =	vst.idx.add.f32.msk $0x1, v42  }
0xc4: {  	s18 =	sshll.u32 s16, $0x7;
	s16 =	smov.u32 s12;
	s12 =	smov.u32 s3;
	v21 =	vmul.f32 $2.000000030e-01, v36;
	v20, _, _ =	vpop (xrf2);
	[tilespmem:v43+s0+$0x0] =	vst.idx.add.f32.msk $0x1, v23  }
0xc5: {  	s21 =	sadd.s32 $0x4, s21;
	s2 =	sadd.s32 $0x100, s18;
	(v2sf) =	vpush v27, $0x0;
	v23 =	vmul.f32 $1.442695020e+00, v20;
	[tilespmem:v29+s0+$0x0] =	vst.idx.add.f32.msk $0x1, v24  }
0xc6: {  	s3 =	sor.u32 s2, s4;
	v32 =	vadd.f32 v28, v19;
	v27 =	vmax.f32 v36, v21;
	v24 =	vadd.f32 v46, v10;
	v20 =	vld [tilespmem:s22+$0x10];
	(xrf2) =	vadd.scan.msk.f32 $0xffff, v22  }
0xc7: {  	v29 =	vadd.f32 v38, v18;
	v21 =	vmov s3;
	v40 =	vld [tilespmem:s19+$0x80];
	v36, _, _ =	vpop (xrf2);
	v35 =	vbroadcast v23, $0xF  }
0xc8: {  	v33 =	vmul.f32 $2.000000030e-01, v32;
	v39 =	vadd.f32 v25, v37;
	v38 =	vmul.f32 $2.000000030e-01, v24;
	v43 =	vld [tilespmem:s19+$0x90];
	v28 =	vpop (erf)  }
0xc9: {  	v44 =	vadd.f32 v41, v14;
	v42 =	vmul.f32 $2.000000030e-01, v29;
	v22 =	vld [tilespmem:s22+$0x90];
	v23 =	vpop (erf);
	s3 =	spop (v2sf);
	(erf) = vpow2.f32 v35  }
0xca: {  	v41 =	vmul.f32 v27, v2;
	v35 =	vmul.f32 $2.000000030e-01, v39;
	v45 =	vmax.f32 v24, v38;
	v25 =	vld [tilespmem:s22+$0x80];
	s3 =	sshll.u32 s3, $0x3;
	v24 =	vpop (erf)  }
.Ltmp2:
0xcb: {  	v29 =	vmax.f32 v29, v42;
	v46 =	vmul.f32 v28, v15;
	v15 =	vmovc v17;
	v17 =	vmovc v37;
	v38 =	vmul.f32 $2.000000030e-01, v44;
	v27 =	vld [tilespmem:s21+$0x0];
	s3 =	sand.u32 $0x78, s3;
	s4 =	spop (v2sf);
	(pc) =	sbr.rel @p4 .LBB2_7-.Ltmp2, $4  }
0xcc: {  	v37 =	vmul.f32 v28, v9;
	v9 =	vmovc v34;
	v35 =	vmax.f32 v39, v35;
	v39 =	vmul.f32 v29, v2;
	v42 =	vld [tilespmem:s17+$0xFFFFFFFF];
	s29 =	sor.u32 s3, s18;
	s3 =	sshll.u32 s4, $0x3  }
0xcd: {  	s22 =	sadd.s32 $0x200, s22;
	v31 =	vmul.f32 v24, v31;
	v47 =	vmul.f32 v35, v1;
	v29 =	vmax.f32 v44, v38;
	v35 =	vld [tilespmem:s17+$0xFFFFFFFE];
	v34, _, _ =	vpop (xrf2);
	[tilespmem:s13+$0xFFFFFF80] =	vst v46;
	s4 =	sand.u32 $0x78, s3;
	s3 =	spop (v2sf)  }
0xce: {  	v38 =	vmul.f32 v29, v1;
	v29 =	vmul.f32 v23, v30;
	v44 =	vadd.f32 v43, v22;
	v43 =	vld [tilespmem:s17+$0x1];
	s3 =	sshll.u32 s3, $0x3;
	[tilespmem:s13+$0xFFFFFF90] =	vst v37;
	s2 =	sor.u32 s4, s2;
	s17 =	smov.u32 s21  }
0xcf: {  	s29 =	sadd.s32 $0x80, s29;
	v37 =	vmul.f32 v45, v2;
	v45 =	vadd.f32 v39, v47;
	s4 =	smov.u32 s24;
	v39 =	vld [tilespmem:s19+$0x10];
	v40 =	vadd.f32 v40, v25;
	s19 =	sadd.s32 $0x200, s19;
	[tilespmem:s13+$0x80] =	vst v31  }
0xd0: {  	v26 =	vadd.f32 v41, v26;
	_ =	sdelay $0x1  }
0xd1: {  	v30 =	vmul.f32 $1.442695020e+00, v34;
	v31, _, _ =	vpop (xrf2);
	v32 =	vmax.f32 v32, v33;
	v46 =	vmul.f32 $2.000000030e-01, v44;
	(xrf2) =	vadd.scan.msk.f32 $0xffff, v26  }
0xd2: {  	v50 =	vmul.f32 $1.442695020e+00, v36;
	v47 =	vmul.f32 $1.442695020e+00, v31;
	(v2sf) =	vpush v42, $0x0  }
0xd3: {  	v48 =	vmul.f32 v32, v1;
	v49 =	vmul.f32 $2.000000030e-01, v40;
	(v2sf) =	vpush v43, $0x0  }
0xd4: {  	v33 =	vmax.f32 v44, v46;
	v34 =	vbroadcast v50, $0xF;
	(v2sf) =	vpush v35, $0x0  }
0xd5: {  	v57 =	vld [tilespmem:s17+$0xFFFFFFFF];
	v30 =	vbroadcast v30, $0xF;
	v32 =	vmax.f32 v40, v49;
	v51 =	vadd.f32 v39, v20  }
0xd6: {  	v33 =	vmul.f32 v33, v2;
	(xrf2) =	vadd.scan.msk.f32 $0xffff, v45;
	v32 =	vmul.f32 v32, v1  }
0xd7: {  	v31 =	vadd.f32 v37, v48;
	(erf) = vpow2.f32 v34;
	v53 =	vmul.f32 $2.000000030e-01, v51  }
0xd8: {  	v52 =	vmov s29;
	(erf) = vpow2.f32 v30  }
0xd9: {  	(xrf2) =	vadd.scan.msk.f32 $0xffff, v31;
	(v2sf) =	vpush v27, $0x0;
	v54 =	vadd.f32 v33, v32;
	v55 =	vmax.f32 v51, v53  }
0xda: {  	v62 =	vld [tilespmem:s17+$0x1];
	v26 =	vbroadcast v47, $0xF;
	(v2sf) =	vpush v57, $0x0;
	v56 =	vmul.f32 v55, v2  }
0xdb: {  	v12 =	vmul.f32 v24, v12;
	s3 =	sand.u32 $0x78, s3;
	v7 =	vmul.f32 v23, v7;
	(xrf2) =	vadd.scan.msk.f32 $0xffff, v54;
	v58, _, _ =	vpop (xrf2)  }
0xdc: {  	[tilespmem:s13+$0xFFFFFF00] =	vst v29;
	s3 =	sor.u32 s18, s3;
	(erf) = vpow2.f32 v26;
	v26 =	vadd.f32 v56, v38;
	v30 =	vmul.f32 $1.442695020e+00, v58  }
0xdd: {  	v59 =	vpop (erf);
	[tilespmem:s13+$0x90] =	vst v12;
	v63 =	vmov s3  }
0xde: {  	s2 =	sadd.s32 $0x80, s2;
	[tilespmem:s13+$0xFFFFFF10] =	vst v7;
	v8 =	vmul.f32 v59, v8;
	v34 =	vld [tilespmem:s17+$0xFFFFFFFE];
	(xrf2) =	vadd.scan.msk.f32 $0xffff, v26;
	v60 =	vbroadcast v30, $0xF  }
0xdf: {  	v6 =	vmul.f32 v59, v6;
	s4 =	spop (v2sf);
	v35 =	vmov s2;
	[tilespmem:v52+s0+$0x0] =	vst.idx.add.f32.msk $0x1, v28;
	(v2sf) =	vpush v62, $0x0  }
0xe0: {  	[tilespmem:s13+$0x10] =	vst v8;
	v61, _, _ =	vpop (xrf2);
	(erf) = vpow2.f32 v60  }
0xe1: {  	[tilespmem:s13+$0x0] =	vst v6;
	v33 =	vpop (erf);
	v27 =	vmul.f32 $1.442695020e+00, v61;
	s22 =	spop (v2sf)  }
0xe2: {  	[tilespmem:v21+s0+$0x0] =	vst.idx.add.f32.msk $0x1, v59;
	v36 =	vpop (erf);
	v15 =	vmul.f32 v33, v15;
	s2 =	sshll.u32 s22, $0x3;
	s29 =	spop (v2sf)  }
0xe3: {  	s24 =	sshll.u32 s16, $0x7;
	[tilespmem:v63+s0+$0x0] =	vst.idx.add.f32.msk $0x1, v23;
	v38 =	vmul.f32 v33, v9;
	v39, _, _ =	vpop (xrf2);
	v42 =	vbroadcast v27, $0xF;
	(v2sf) =	vpush v34, $0x0;
	s2 =	sand.u32 $0x78, s2;
	s31 =	spop (v2sf)  }
0xe4: {  	[tilespmem:v35+s0+$0x0] =	vst.idx.add.f32.msk $0x1, v24;
	v4 =	vmul.f32 v36, v4;
	v9 =	vmul.f32 $1.442695020e+00, v39;
	s2 =	sor.u32 s2, s24;
	s13 =	sshll.u32 s31, $0x3  }
0xe5: {  	v5 =	vmul.f32 v36, v5;
	[tilespmem:s15+$0xFFFFFF80] =	vst v15;
	v40, _, _ =	vpop (xrf2);
	(erf) = vpow2.f32 v42;
	s2 =	sadd.s32 $0x80, s2;
	s13 =	sand.u32 $0x78, s13  }
0xe6: {  	s4 =	sshll.u32 s4, $0x3;
	v37 =	vpop (erf);
	[tilespmem:s15+$0xFFFFFF90] =	vst v38;
	v9 =	vbroadcast v9, $0xF;
	v41 =	vmul.f32 $1.442695020e+00, v40;
	v43 =	vmov s2;
	s2 =	sshll.u32 s29, $0x3;
	s3 =	sor.u32 s24, s13  }
0xe7: {  	s16 =	sadd.s32 $0x100, s24;
	s4 =	sand.u32 $0x78, s4;
	v16 =	vmul.f32 v37, v16;
	v13 =	vmul.f32 v37, v13;
	[tilespmem:s15+$0xFFFFFF00] =	vst v4;
	s2 =	sand.u32 $0x78, s2;
	v48 =	vmov s3  }
0xe8: {  	s4 =	sor.u32 s16, s4;
	[tilespmem:s15+$0xFFFFFF10] =	vst v5;
	(erf) = vpow2.f32 v9;
	v12 =	vbroadcast v41, $0xF;
	s13 =	spop (v2sf);
	v44, _, _ =	vpop (xrf2);
	s2 =	sor.u32 s2, s16  }
0xe9: {  	v47 =	vmov s4;
	[tilespmem:s15+$0x80] =	vst v16;
	s16 =	spop (v2sf);
	v45 =	vmul.f32 $1.442695020e+00, v44;
	s2 =	sadd.s32 $0x80, s2;
	v46 =	vpop (erf)  }
0xea: {  	[tilespmem:s15+$0x90] =	vst v13;
	v49 =	vmov s2;
	s2 =	sshll.u32 s16, $0x3;
	(erf) = vpow2.f32 v12;
	v3 =	vmul.f32 v46, v3  }
0xeb: {  	s17 =	sshll.u32 s12, $0x7;
	v6 =	vbroadcast v45, $0xF;
	[tilespmem:v43+s0+$0x0] =	vst.idx.add.f32.msk $0x1, v33;
	s2 =	sand.u32 $0x78, s2;
	v11 =	vmul.f32 v46, v11  }
0xec: {  	s2 =	sor.u32 s2, s17;
	[tilespmem:v48+s0+$0x0] =	vst.idx.add.f32.msk $0x1, v36  }
0xed: {  	(erf) = vpow2.f32 v6;
	s2 =	sadd.s32 $0x80, s2;
	[tilespmem:s15+$0x10] =	vst v11  }
0xee: {  	s19 =	spop (v2sf);
	[tilespmem:s15+$0x0] =	vst v3;
	v54 =	vmov s2;
	v3 =	vpop (erf)  }
0xef: {  	s11 =	sadd.s32 $0x200, s11;
	s18 =	sshll.u32 s13, $0x3;
	s4 =	sshll.u32 s19, $0x3;
	[tilespmem:v47+s0+$0x0] =	vst.idx.add.f32.msk $0x1, v46;
	v51 =	vmul.f32 v3, v17  }
0xf0: {  	s22 =	sadd.s32 $0x100, s17;
	s4 =	sand.u32 $0x78, s4;
	s2 =	sand.u32 $0x78, s18;
	[tilespmem:v49+s0+$0x0] =	vst.idx.add.f32.msk $0x1, v37;
	v53 =	vmul.f32 v3, v18  }
0xf1: {  	s24 =	sor.u32 s4, s22;
	s2 =	sor.u32 s22, s2;
	v50 =	vpop (erf);
	[tilespmem:s11+$0xFFFFFF80] =	vst v51  }
0xf2: {  	s21 =	spop (v2sf);
	v59 =	vmov s2;
	s2 =	sadd.s32 $0x80, s24;
	v60 =	vmul.f32 v50, v19;
	[tilespmem:s11+$0xFFFFFF90] =	vst v53  }
0xf3: {  	s12 =	sshll.u32 s21, $0x3;
	v63 =	vmov s2;
	v52 =	vpop (erf);
	[tilespmem:v54+s0+$0x0] =	vst.idx.add.f32.msk $0x1, v3;
	v3 =	vmul.f32 v50, v10  }
0xf4: {  	s12 =	sand.u32 $0x78, s12;
	[tilespmem:s11+$0xFFFFFF00] =	vst v60;
	v55 =	vmul.f32 v52, v25  }
0xf5: {  	s3 =	sor.u32 s17, s12;
	v56 =	vmul.f32 v52, v22;
	[tilespmem:s11+$0xFFFFFF10] =	vst v3  }
0xf6: {  	v61 =	vmov s3;
	v57 =	vpop (erf);
	[tilespmem:s11+$0x80] =	vst v55  }
0xf7: {  	[tilespmem:s11+$0x90] =	vst v56;
	v58 =	vmul.f32 v57, v20  }
0xf8: {  	v62 =	vmul.f32 v57, v14;
	[tilespmem:v63+s0+$0x0] =	vst.idx.add.f32.msk $0x1, v52  }
0xf9: {  	[tilespmem:s11+$0x10] =	vst v58  }
0xfa: {  	[tilespmem:s11+$0x0] =	vst v62  }
0xfb: {  	[tilespmem:v61+s0+$0x0] =	vst.idx.add.f32.msk $0x1, v50  }
0xfc: {  	s31 =	simm.s32 $0x1A6C0;
	s29 =	rddreg [dreg:$0x3];
	[tilespmem:v59+s0+$0x0] =	vst.idx.add.f32.msk $0x1, v57  }
0xfd: {  	[spmem:s29] =	stream.indirect.scatter.add.f32 [tilespmem:s31], [sflag:$0x3], $0x80, s30, s28, $0xb8;
	[tilespmem:$0x1F740] =	vst v63  }
0xfe: {  	_ =	swait.ge [sflag:s20], $0x2800  }
0xff: {  	[sflag:s20] =	ssyncset.done $0x0  }
0x100: {  	[sflag:s20] =	ssyncadd.s32 $0xFFFFD800  }
0x101: {  	[spmem:s5] =	stream.indirect.scatter.add.f32 [tilespmem:s0], [sflag:$0x3], $0x80, s1, s28, $0xb8;
	[tilespmem:$0x1F740] =	vst v63  }
0x102: {  	_ =	swait.ge [sflag:s20], $0x2800  }
0x103: {  	[sflag:s20] =	ssyncset.done $0x0  }
0x104: {  	s2 =	simm.s32 $0x0;
	s3 =	simm.s32 $0x200;
	[sflag:s20] =	ssyncadd.s32 $0xFFFFD800  }
.LBB2_9:
0x105: {  	p4 =	sne.s32 s3, $0x9E00;
	[tilespmem:s2+$0x1CF30] =	vst v0  }
0x106: {  	[tilespmem:s2+$0x1CEC0] =	vst v0  }
0x107: {  	[tilespmem:s2+$0x1CED0] =	vst v0  }
.Ltmp3:
0x108: {  	[tilespmem:s2+$0x1CEE0] =	vst v0;
	(pc) =	sbr.rel @p4 .LBB2_9-.Ltmp3, $4  }
0x109: {  	[tilespmem:s2+$0x1CEF0] =	vst v0  }
0x10a: {  	[tilespmem:s2+$0x1CF00] =	vst v0  }
0x10b: {  	[tilespmem:s2+$0x1CF10] =	vst v0  }
0x10c: {  	[tilespmem:s2+$0x1CF20] =	vst v0;
	s2 =	sshra.s32 s3, $0x2;
	s3 =	sadd.s32 $0x200, s3  }
0x10d: {  	[tilespmem:s2+$0x1CF30] =	vst v0  }
0x10e: {  	[tilespmem:s2+$0x1CEC0] =	vst v0;
	s10 =	sadd.s32 $0x1, s10  }
0x10f: {  	[tilespmem:s2+$0x1CED0] =	vst v0;
	p4 =	sne.s32 s10, $0x40  }
.Ltmp4:
0x110: {  	[tilespmem:s2+$0x1CEE0] =	vst v0;
	(pc) =	sbr.rel @p4 .LBB2_6-.Ltmp4, $4  }
0x111: {  	[tilespmem:s2+$0x1CEF0] =	vst v0  }
0x112: {  	[tilespmem:s2+$0x1CF00] =	vst v0  }
0x113: {  	[tilespmem:s2+$0x1CF10] =	vst v0  }
0x114: {  	[tilespmem:s2+$0x1CF20] =	vst v0  }
0x115: {  	[bflag:$0x0] =	sbarrier.arrive $0xFFFF  }
0x116: {  	s3 =	rddreg [dreg:$0xb]  }
0x117: {  	s2 =	simm.s32 @p0 $0x1FC3;
	s9 =	rddreg [dreg:$0xf]  }
0x118: {  	[hbm:s3], [sflag:s2] =	dma.local @p0 [spmem:s9], $0x2900  }
0x119: {  	s2 =	simm.s32 @p0 $0x3  }
0x11a: {  	_ =	swait.ge @p0 [sflag:s2], $0x2900  }
0x11b: {  	s3 =	simm.s32 @!p3 $0x1C03;
	[sflag:s2] =	ssyncset.done @p0 $0x0  }
0x11c: {  	s4 =	rddreg [dreg:$0xc];
	[sflag:s2] =	ssyncadd.s32 @p0 $0xFFFFD700;
	s2 =	sshrl.u32 @!p3 s5, $0x3  }
0x11d: {  	[hbm:s4], [sflag:s3] =	dma.local @!p3 [spmem:s2], $0x2880  }
0x11e: {  	s2 =	simm.s32 @!p3 $0x3  }
0x11f: {  	_ =	swait.ge @!p3 [sflag:s2], $0x2880  }
0x120: {  	s10 =	rddreg [dreg:$0x10]  }
0x121: {  	[sflag:s2] =	ssyncset.done @!p3 $0x0;
	s3 =	rddreg [dreg:$0x12]  }
0x122: {  	[sflag:s2] =	ssyncadd.s32 @!p3 $0xFFFFD780;
	s2 =	rddreg [dreg:$0xd]  }
0x123: {  	[hbm:s2], [sflag:s10] =	dma.local @!p0 [spmem:s3], $0x2800  }
0x124: {  	s2 =	simm.s32 @!p0 $0x3  }
0x125: {  	_ =	swait.ge @!p0 [sflag:s2], $0x2800  }
0x126: {  	s29 =	rddreg [dreg:$0x11]  }
0x127: {  	s31 =	rddreg [dreg:$0xe];
	s4 =	sadd.s32 $0x1, s29  }
0x128: {  	p4 =	sne.s32 s4, s31  }
.Ltmp5:
0x129: {  	_ = 	snop;
	(pc) =	sbr.rel @p4 .LBB2_1-.Ltmp5, $3  }
0x12a: {  	_ =	sdelay $0x1  }
0x12b: {  	[sflag:s2] =	ssyncset.done @!p0 $0x0  }
0x12c: {  	[sflag:s2] =	ssyncadd.s32 @!p0 $0xFFFFD800  }
0x12d: {  	_ =	sfence.sel $0x180000  }
0x12e: {  	[bflag:$0x0] =	sbarrier.arrive $0xFFFF  }
0x12f: {  	_ =	strace $0x9000004A  }
0x130: {  	s0 =	stileid.u32;
	[bflag:$0x2] =	sbarrier.arrive $0xFFFF  }
0x131: {  	p0 =	sne.s32 s0, $0x0;
	s0 =	rddreg [dreg:$0x5]  }
0x132: {  	s0 =	sadd.s32 @!p0 $0x100000, s0  }
0x133: {  	[sflag:s0] =	ssyncadd.tile.s32 @!p0 $0x1;
	_ =	shalt  }
.Lfunc_end2:
_tile_overlayer_lowered:
.L_overlay_start_2:
0x134: {  	(tag) =	ssettag $0x2  }
0x135: {  	s0 =	rddreg [dreg:$0x0];
	s2 =	stileid.u32  }
0x136: {  	s1 =	rddreg [dreg:$0x1];
	p0 =	sne.s32 s2, $0x0  }
0x137: {  	s3 =	rddreg [dreg:$0x2];
	[bflag:$0x3] =	sbarrier.arrive $0xFFFF;
	s2 =	simm.s32 @!p0 $0x1C03  }
0x138: {  	[timem:s3], [sflag:s2] =	dma.local @!p0 [hbm:s0], s1  }
0x139: {  	s0 =	simm.s32 @!p0 $0x3  }
0x13a: {  	_ =	swait.ge @!p0 [sflag:s0], s1  }
0x13b: {  	s1 =	ssub.s32 @!p0 $0x0, s1;
	[sflag:s0] =	ssyncset.done @!p0 $0x0  }
0x13c: {  	[sflag:s0] =	ssyncadd.s32 @!p0 s1  }
0x13d: {  	[bflag:$0x3] =	sbarrier.arrive $0xFFFF  }
0x13e: {  	_ =	shalt  }

// kernel: kernel.7.cloned.1.call-start
scs
__scs_entry_jumppad:
0x0: {  	(pc) =	sbr.rel $0x88, $3  }
0x1: {  	(tag) =	ssettag $0x0;
	lr =	simm.s32 $0x1  }
0x2: {  	[smem:$0x3F87] =	sst lr;
	_ =	strace $0xD0000000  }
0x3: {  	_ = 	snop  }
0x4: {  	_ = 	snop  }
0x5: {  	_ = 	snop  }
0x6: {  	_ = 	snop  }
0x7: {  	_ = 	snop  }
__scs_overlays_trampoline_lowered:
0x8: {  	[smem:$0x3F96] =	sst s0  }
0x9: {  	[smem:$0x3F97] =	sst s1  }
0xa: {  	[smem:$0x3F98] =	sst s2  }
0xb: {  	[smem:$0x3F99] =	sst s3  }
0xc: {  	[smem:$0x3F9A] =	sst s4  }
0xd: {  	[smem:$0x3F9B] =	sst s5  }
0xe: {  	[smem:$0x3F9C] =	sst s6  }
0xf: {  	[smem:$0x3F9D] =	sst s7  }
0x10: {  	[smem:$0x3F9E] =	sst s8  }
0x11: {  	[smem:$0x3F9F] =	sst s9;
	s0 =	simm.s32 @!p0 $0x0  }
0x12: {  	s1 =	sld [smem:$0x3F85];
	s0 =	simm.s32 @p0 $0x1  }
0x13: {  	[smem:$0x3FA0] =	sst s0;
	s0 =	simm.s32 @!p1 $0x0  }
0x14: {  	s2 =	sld [smem:$0x3F84];
	s0 =	simm.s32 @p1 $0x1  }
0x15: {  	[smem:$0x3FA1] =	sst s0;
	s0 =	simm.s32 @!p2 $0x0  }
0x16: {  	s3 =	sld [smem:$0x3FDB];
	s0 =	simm.s32 @p2 $0x1  }
0x17: {  	s4 =	simm.s32 $0x1BF5;
	[smem:$0x3FA3] =	sst s0  }
0x18: {  	s0 =	sld [smem:$0x3F86];
	_ =	swait.ge [sflag:s4], $0x0  }
0x19: {  	s7 =	sld [smem:$0x3F87]  }
0x1a: {  	s8 =	sadd.s32 $0xFFFFE003, lr  }
0x1b: {  	s9 =	sadd.s32 $0xFFFFFEF7, lr;
	s5 =	simm.s32 $0xFFFFFFFF;
	p2 =	slt.u32 s8, $0xFFFFF086  }
0x1c: {  	p1 =	slt.u32 s9, $0xF7A;
	s5 =	simm.s32 @!p2 $0x0  }
0x1d: {  	s5 =	simm.s32 @p1 $0x1;
	p0 =	seq.s32 s7, s2  }
0x1e: {  	s7 =	smul.u32 @!p0 $0xF7A, s2;
	p2 =	seq.s32 @!p0 s5, $0x0  }
0x1f: {  	s9 =	smul.u32 $0xF7A, s1;
	s8 =	simm.s32 @!p0 $0x1BF5;
	p2 =	por !p2, p0  }
0x20: {  	[sflag:s8] =	ssyncset.s32 @!p0 $0xFFFFF086;
	s6 =	sadd.s32 @!p0 s3, s7;
	s7 =	simm.s32 @!p0 $0x108  }
0x21: {  	s3 =	sadd.s32 s3, s9;
	s6 =	sadd.s32 @!p0 $0x88, s6;
	s7 =	simm.s32 @p2 $0x1082  }
0x22: {  	[simem:s7], [sflag:s8] =	dma.local @!p0 [hbm:s6], $0xF7A  }
0x23: {  	s9 =	sor.u32 $0xD0000000, s2;
	s6 =	simm.s32 $0x108;
	_ =	swait.ge @!p0 [sflag:s8], $0x0  }
0x24: {  	s3 =	sadd.s32 $0x88, s3;
	s6 =	simm.s32 @!p1 $0x1082;
	[sflag:s4] =	ssyncset.s32 $0xFFFFF086  }
0x25: {  	[simem:s6], [sflag:s4] =	dma.local [hbm:s3], $0xF7A  }
0x26: {  	[smem:$0x3F87] =	sst s1;
	(tag) =	ssettag s2;
	_ =	strace s9  }
0x27: {  	s1 =	sld [smem:$0x3F97]  }
0x28: {  	s2 =	sld [smem:$0x3F98]  }
0x29: {  	s4 =	sld [smem:$0x3F9A]  }
0x2a: {  	p0 =	seq.s32 s5, $0x0;
	s5 =	sld [smem:$0x3F9B]  }
0x2b: {  	s6 =	sld [smem:$0x3F9C]  }
0x2c: {  	s7 =	sld [smem:$0x3F9D]  }
0x2d: {  	s3 =	simm.s32 $0x108;
	s8 =	sld [smem:$0x3F9E]  }
0x2e: {  	s3 =	simm.s32 @!p0 $0x1082;
	s9 =	sld [smem:$0x3F9F]  }
0x2f: {  	lr =	sadd.s32 s0, s3;
	s0 =	sld [smem:$0x3F96]  }
0x30: {  	s3 =	sld [smem:$0x3F99]  }
0x31: {  	[smem:$0x3FA2] =	sst s10  }
0x32: {  	s10 =	sld [smem:$0x3FA0];
	_ =	sdelay $0x3  }
0x33: {  	p0 =	seq.s32 s10, $0x1;
	s10 =	sld [smem:$0x3FA2];
	_ =	sdelay $0x3  }
0x34: {  	[smem:$0x3FA2] =	sst s10  }
0x35: {  	s10 =	sld [smem:$0x3FA1];
	_ =	sdelay $0x3  }
0x36: {  	p1 =	seq.s32 s10, $0x1;
	s10 =	sld [smem:$0x3FA2];
	_ =	sdelay $0x3  }
0x37: {  	[smem:$0x3FA2] =	sst s10  }
0x38: {  	s10 =	sld [smem:$0x3FA3]  }
0x39: {  	_ = 	snop;
	(pc) =	sbr.ind lr, $3  }
0x3a: {  	_ = 	snop  }
0x3b: {  	_ = 	snop  }
0x3c: {  	p2 =	seq.s32 s10, $0x1;
	s10 =	sld [smem:$0x3FA2]  }
0x3d: {  	_ =	shalt  }
0x3e: {  	_ =	shalt  }
0x3f: {  	_ =	shalt  }
0x40: {  	_ =	shalt  }
0x41: {  	_ =	shalt  }
0x42: {  	_ =	shalt  }
0x43: {  	_ =	shalt  }
0x44: {  	_ =	shalt  }
0x45: {  	_ =	shalt  }
0x46: {  	_ =	shalt  }
0x47: {  	_ =	shalt  }
0x48: {  	_ =	shalt  }
0x49: {  	_ =	shalt  }
0x4a: {  	_ =	shalt  }
0x4b: {  	_ =	shalt  }
0x4c: {  	_ =	shalt  }
0x4d: {  	_ =	shalt  }
0x4e: {  	_ =	shalt  }
0x4f: {  	_ =	shalt  }
0x50: {  	_ =	shalt  }
0x51: {  	_ =	shalt  }
0x52: {  	_ =	shalt  }
0x53: {  	_ =	shalt  }
0x54: {  	_ =	shalt  }
0x55: {  	_ =	shalt  }
0x56: {  	_ =	shalt  }
0x57: {  	_ =	shalt  }
0x58: {  	_ =	shalt  }
0x59: {  	_ =	shalt  }
0x5a: {  	_ =	shalt  }
0x5b: {  	_ =	shalt  }
0x5c: {  	_ =	shalt  }
0x5d: {  	_ =	shalt  }
0x5e: {  	_ =	shalt  }
0x5f: {  	_ =	shalt  }
0x60: {  	_ =	shalt  }
0x61: {  	_ =	shalt  }
0x62: {  	_ =	shalt  }
0x63: {  	_ =	shalt  }
0x64: {  	_ =	shalt  }
0x65: {  	_ =	shalt  }
0x66: {  	_ =	shalt  }
0x67: {  	_ =	shalt  }
0x68: {  	_ =	shalt  }
0x69: {  	_ =	shalt  }
0x6a: {  	_ =	shalt  }
0x6b: {  	_ =	shalt  }
0x6c: {  	_ =	shalt  }
0x6d: {  	_ =	shalt  }
0x6e: {  	_ =	shalt  }
0x6f: {  	_ =	shalt  }
0x70: {  	_ =	shalt  }
0x71: {  	_ =	shalt  }
0x72: {  	_ =	shalt  }
0x73: {  	_ =	shalt  }
0x74: {  	_ =	shalt  }
0x75: {  	_ =	shalt  }
0x76: {  	_ =	shalt  }
0x77: {  	_ =	shalt  }
0x78: {  	_ =	shalt  }
0x79: {  	_ =	shalt  }
0x7a: {  	_ =	shalt  }
0x7b: {  	_ =	shalt  }
0x7c: {  	_ =	shalt  }
0x7d: {  	_ =	shalt  }
0x7e: {  	_ =	shalt  }
0x7f: {  	_ =	shalt  }
0x80: {  	_ =	shalt  }
0x81: {  	_ =	shalt  }
0x82: {  	_ =	shalt  }
0x83: {  	_ =	shalt  }
0x84: {  	_ =	shalt  }
0x85: {  	_ =	shalt  }
0x86: {  	_ =	shalt  }
0x87: {  	_ =	shalt  }
.Lfunc_end0:
.L_simem_size_0:
called_computation_lowered:
.L_overlay_start_0:
0x88: {  	s2 =	sld [smem:$0x3FD9]  }
0x89: {  	s3 =	sld [smem:$0x3FFE];
	_ =	sdelay $0x1  }
0x8a: {  	s1 =	srdreg.scid  }
0x8b: {  	s0 =	sand.u32 $0x1, s1  }
0x8c: {  	s17 =	sshll.u32 s0, $0xA;
	s2 =	sadd.s32 s3, s2  }
0x8d: {  	s2 =	sadd.s32 s2, s17  }
0x8e: {  	[smem:$0x3FAE] =	sst s2  }
0x8f: {  	_ = 	snop  }
0x90: {  	s2 =	sld [smem:$0x3FD0];
	(tm) =	ssettm $0x1  }
0x91: {  	s18 =	sld [smem:$0x3FFB];
	_ =	sdelay $0x3  }
0x92: {  	_ =	strace s18  }
0x93: {  	s3 =	sld [smem:$0x3FFC];
	_ =	sdelay $0x3  }
0x94: {  	_ =	strace s3  }
0x95: {  	s3 =	sld [smem:$0x3FFD];
	_ =	sdelay $0x3  }
0x96: {  	_ =	strace s3  }
0x97: {  	_ =	strace $0x8FFFFFFF  }
0x98: {  	s19 =	sld [smem:$0x3FDB];
	_ =	sdelay $0x1  }
0x99: {  	s4 =	simm.s32 $_scs_section_size  }
0x9a: {  	s5 =	simm.s32 $_size__tile_overlayer_lowered;
	s6 =	simm.s32 $_tile_overlayer_lowered  }
0x9b: {  	s22 =	simm.s32 $0x1BFF;
	s21 =	sshll.u32 s6, $0x1;
	s3 =	sadd.s32 s4, s19  }
0x9c: {  	s7 =	simm.s32 $0x0;
	s20 =	sshll.u32 s5, $0x1;
	s5 =	sadd.s32 s21, s3  }
0x9d: {  	[timem:s7], [sflag:s22] =	dma.local [hbm:s5], s20  }
0x9e: {  	_ =	swait.ge [sflag:s22], s20  }
0x9f: {  	s4 =	ssub.s32 $0x0, s20;
	[sflag:s22] =	ssyncset.done $0x0  }
0xa0: {  	[sflag:s22] =	ssyncadd.s32 s4;
	_ =	sdelay $0x1  }
0xa1: {  	s23 =	simm.s32 $0x1B8B  }
0xa2: {  	_ =	swait.ge [sflag:s23], $0x1  }
0xa3: {  	[sflag:s23] =	ssyncset.done $0x0  }
0xa4: {  	s25 =	simm.s32 $0x1B8E;
	s24 =	sld [smem:$0x3FFE];
	[sflag:s23] =	ssyncadd.s32 $0xFFFFFFFF  }
0xa5: {  	s26 =	simm.s32 $execute0_lowered;
	[smem:$0x3FD2] =	sst s25  }
0xa6: {  	s5 =	sshll.u32 s26, $0x1;
	_ =	strace $0x80000046;
	[dreg:$0x1] =	wrdreg $0xFFFFFFFF  }
0xa7: {  	s28 =	simm.s32 $_size_execute0_lowered;
	s3 =	sadd.s32 s3, s5;
	[dreg:$0x0] =	wrdreg $0x0  }
0xa8: {  	s5 =	sshll.u32 s28, $0x1;
	[dreg:$0x2] =	wrdreg s3  }
0xa9: {  	[dreg:$0x3] =	wrdreg s5  }
0xaa: {  	[dreg:$0x4] =	wrdreg $0xC0  }
0xab: {  	_ =	task [dreg:s7], $0x5FFFF  }
0xac: {  	[dreg:$0x1] =	wrdreg $0xFFFFFFFF  }
0xad: {  	[dreg:$0x0] =	wrdreg $0x60  }
0xae: {  	[dreg:$0x2] =	wrdreg s24  }
0xaf: {  	[dreg:$0x3] =	wrdreg s2  }
0xb0: {  	[dreg:$0x4] =	wrdreg $0x0  }
0xb1: {  	[dreg:$0x5] =	wrdreg $0x138800  }
0xb2: {  	[dreg:$0x6] =	wrdreg $0x9  }
0xb3: {  	_ =	task.clear_ibuf [dreg:s7], $0x7FFFF;
	_ =	strace $0x90000046  }
0xb4: {  	s29 =	simm.s32 $0x9;
	_ =	strace $0x80000048  }
0xb5: {  	_ =	swait.ge [sflag:s29], $0x1  }
0xb6: {  	[sflag:s29] =	ssyncadd.s32 $0xFFFFFFFF  }
0xb7: {  	_ =	strace $0x90000048  }
0xb8: {  	_ =	sfence  }
0xb9: {  	s30 =	sld [smem:$0x0];
	_ =	sdelay $0x2  }
0xba: {  	s31 =	sshll.u32 s1, $0xD;
	s1 =	sshrl.u32 s1, $0x2  }
0xbb: {  	s3 =	sand.u32 $0x4000, s31;
	s1 =	sadd.s32 s1, s30  }
0xbc: {  	s0 =	sor.u32 s3, s0;
	s1 =	sshll.u32 s1, $0x11  }
0xbd: {  	s0 =	sor.u32 s1, s0  }
0xbe: {  	s0 =	sadd.s32 $0x8F2B, s0  }
0xbf: {  	[sflag:s0] =	ssyncadd.remote.s32 $0x1  }
0xc0: {  	_ =	sfence.sel $0xFFFF  }
0xc1: {  	[dreg:$0x0] =	wrdreg $0xFFFFFFFF;
	(pc) =	sbr.abs _section_cstart, $3  }
0xc2: {  	[dreg:$0x1] =	wrdreg $0xFFFFFFFF  }
0xc3: {  	_ =	task.clear_ibuf [dreg:s7], $0x2FFFF;
	_ =	strace $0x9FFFFFFF  }
0xc4: {  	(tm) =	ssettm $0x7FFFFFFF  }
0xc5: {  	_ =	shalt  }
tec
execute0_lowered:
.L_overlay_start_1:
0x0: {  	(tag) =	ssettag $0x1  }
0x1: {  	s0 =	rddreg [dreg:$0x0]  }
0x2: {  	s1 =	rddreg [dreg:$0x1]  }
0x3: {  	s8 =	rddreg [dreg:$0x2]  }
0x4: {  	s11 =	rddreg [dreg:$0x3];
	s2 =	simm.s32 $0x0  }
0x5: {  	s16 =	srdreg.scid;
	s12 =	stileid.u32;
	s30 =	simm.s32 $0x2  }
0x6: {  	[smem:$0x7FF] =	sst s2;
	s14 =	sadd.s32 $0xF9600, s0;
	s15 =	sadd.s32 $0xF000, s0  }
0x7: {  	s3 =	sadd.s32 $0xA000, s0;
	s17 =	sadd.s32 $0x5000, s0;
	s7 =	smul.u32 $0x50000, s12  }
0x8: {  	s2 =	sand.u32 $0x1, s16;
	s18 =	sadd.s32 $0x5D200, s0;
	s10 =	smul.u32 $0x280, s12  }
0x9: {  	s23 =	smul.u32 $0xA000, s12;
	_ =	strace $0x80000047;
	[dreg:$0x5] =	wrdreg s14  }
0xa: {  	s25 =	sadd.s32 $0x11800, s11;
	s28 =	smul.u32 $0x2710, s12;
	[dreg:$0x6] =	wrdreg s15  }
0xb: {  	p0 =	sgt.u32 s12, $0x6;
	[dreg:$0x7] =	wrdreg s3;
	s4 =	smul.u32 $0x2710, s2  }
0xc: {  	p1 =	seq.s32 s12, $0xF;
	[dreg:$0x8] =	wrdreg s17;
	s21 =	smul.u32 $0x138800, s2  }
0xd: {  	s5 =	sshll.u32 s2, $0x4;
	s6 =	ssub.s32 $0x2, s2;
	s2 =	smul.u32 $0x2780, s2  }
0xe: {  	[dreg:$0xe] =	wrdreg s25;
	p2 =	sne.s32 @p0 s12, $0x7;
	p3 =	sne.s32 @!p1 s12, $0x0  }
0xf: {  	s25 =	simm.s32 $0x1;
	s14 =	simm.s32 $0x0;
	s5 =	sadd.s32 s5, s0  }
0x10: {  	s9 =	sshrl.u32 s6, $0x1;
	s0 =	sadd.s32 $0x16EA00, s0;
	s19 =	sshrl.u32 s7, $0x2  }
0x11: {  	s7 =	sshrl.u32 s23, $0x2;
	[dreg:$0x10] =	wrdreg s28;
	s5 =	sadd.s32 $0x4E00, s5  }
0x12: {  	p2 =	por p2, !p0;
	s26 =	sadd.s32 s7, s11;
	[dreg:$0x9] =	wrdreg s5  }
0x13: {  	s6 =	ssub.s32 s6, s9;
	s1 =	sadd.s32 s1, s2;
	[dreg:$0xf] =	wrdreg s26  }
0x14: {  	s20 =	sadd.s32 s10, s4;
	s5 =	sadd.s32 s19, s8;
	[dreg:$0x12] =	wrdreg s1  }
0x15: {  	s9 =	sshrl.u32 s21, $0x3;
	s8 =	sadd.s32 $0x12C000, s8;
	[dreg:$0xa] =	wrdreg s5  }
0x16: {  	s22 =	sshll.u32 s20, $0x4;
	s31 =	smax.u32 s6, $0x1;
	[dreg:$0xc] =	wrdreg s8  }
0x17: {  	s9 =	sadd.s32 $0x25800, s9;
	s24 =	sadd.s32 s18, s22;
	[dreg:$0x14] =	wrdreg s31  }
0x18: {  	p3 =	por p3, p1;
	s3 =	sadd.s32 s18, s9;
	[dreg:$0xb] =	wrdreg s24  }
0x19: {  	s21 =	simm.s32 $0x1C740;
	s29 =	sadd.s32 s0, s9;
	[dreg:$0xd] =	wrdreg s3  }
0x1a: {  	v0 =	vmov s4;
	s2 =	simm.s32 $0x0;
	s0 =	sadd.s32 s0, s22;
	[dreg:$0x11] =	wrdreg s29  }
0x1b: {  	s26 =	simm.s32 $0x50;
	[tilespmem:$0x1FFF0] =	vst v0;
	v0 =	vimm.f32 $0.0e+00;
	s22 =	simm.s32 $0x3;
	[dreg:$0x13] =	wrdreg s0  }
.LBB2_1:
0x1c: {  	[dreg:$0x15] =	wrdreg s2  }
0x1d: {  	s0 =	simm.s32 $0x0;
	s1 =	rddreg [dreg:$0x9];
	s31 =	simm.s32 $0x1EF40  }
0x1e: {  	[tilespmem:s31], [sflag:$0x3] =	stream.linear.gather [hbm4b:s1+s0], $0x80, $0x38;
	[tilespmem:$0x1EFC0] =	vst v63  }
0x1f: {  	_ =	swait.ge [sflag:s22], $0x80  }
0x20: {  	s0 =	rddreg [dreg:$0xc]  }
0x21: {  	[sflag:s22] =	ssyncset.done $0x0;
	s1 =	rddreg [dreg:$0xd];
	s2 =	sshrl.u32 @p1 s0, $0x3  }
0x22: {  	[sflag:s22] =	ssyncadd.s32 $0xFFFFFF80;
	s0 =	simm.s32 @p1 $0x1FC3;
	[dreg:$0x18] =	wrdreg s2  }
0x23: {  	[spmem:s2], [sflag:s0] =	dma.local @p1 [hbm:s1], $0x1900  }
0x24: {  	s0 =	simm.s32 @p1 $0x3  }
0x25: {  	s1 =	stileid.u32;
	_ =	swait.ge @p1 [sflag:s0], $0x1900  }
0x26: {  	s1 =	sshll.u32 @!p1 s1, $0x6;
	[sflag:s0] =	ssyncset.done @p1 $0x0  }
0x27: {  	s1 =	sor.u32 @!p1 $0x1C03, s1;
	[sflag:s0] =	ssyncadd.s32 @p1 $0xFFFFE700;
	s0 =	rddreg [dreg:$0xa]  }
0x28: {  	[dreg:$0x16] =	wrdreg s1  }
0x29: {  	s2 =	sshrl.u32 @!p1 s0, $0x3;
	s0 =	rddreg [dreg:$0xb]  }
0x2a: {  	[dreg:$0x17] =	wrdreg s2  }
0x2b: {  	[spmem:s2], [sflag:s1] =	dma.local @!p1 [hbm:s0], $0x2800  }
0x2c: {  	s0 =	simm.s32 @!p1 $0x3  }
0x2d: {  	_ =	swait.ge @!p1 [sflag:s0], $0x2800  }
0x2e: {  	[sflag:s0] =	ssyncset.done @!p1 $0x0  }
0x2f: {  	s1 =	simm.s32 $0x200;
	[sflag:s0] =	ssyncadd.s32 @!p1 $0xFFFFD800;
	s0 =	simm.s32 $0x0  }
.LBB2_2:
0x30: {  	p4 =	sne.s32 s1, $0x9E00;
	[tilespmem:s0+$0x19FB0] =	vst v0  }
0x31: {  	[tilespmem:s0+$0x19F40] =	vst v0  }
0x32: {  	[tilespmem:s0+$0x19F50] =	vst v0  }
.Ltmp0:
0x33: {  	[tilespmem:s0+$0x19F60] =	vst v0;
	(pc) =	sbr.rel @p4 .LBB2_2-.Ltmp0, $4  }
0x34: {  	[tilespmem:s0+$0x19F70] =	vst v0  }
0x35: {  	[tilespmem:s0+$0x19F80] =	vst v0  }
0x36: {  	[tilespmem:s0+$0x19F90] =	vst v0  }
0x37: {  	[tilespmem:s0+$0x19FA0] =	vst v0;
	s0 =	sshra.s32 s1, $0x2;
	s1 =	sadd.s32 $0x200, s1  }
0x38: {  	[tilespmem:s0+$0x19FB0] =	vst v0  }
0x39: {  	[tilespmem:s0+$0x19F40] =	vst v0  }
0x3a: {  	[tilespmem:s0+$0x19F50] =	vst v0  }
0x3b: {  	[tilespmem:s0+$0x19F60] =	vst v0  }
0x3c: {  	[tilespmem:s0+$0x19F70] =	vst v0  }
0x3d: {  	[tilespmem:s0+$0x19F80] =	vst v0  }
0x3e: {  	[tilespmem:s0+$0x19F90] =	vst v0  }
0x3f: {  	[tilespmem:s0+$0x19FA0] =	vst v0;
	s0 =	simm.s32 $0x0;
	s1 =	simm.s32 $0x200  }
.LBB2_4:
0x40: {  	p4 =	sne.s32 s1, $0x9E00;
	[tilespmem:s0+$0x1C7B0] =	vst v0  }
0x41: {  	[tilespmem:s0+$0x1C740] =	vst v0  }
0x42: {  	[tilespmem:s0+$0x1C750] =	vst v0  }
.Ltmp1:
0x43: {  	[tilespmem:s0+$0x1C760] =	vst v0;
	(pc) =	sbr.rel @p4 .LBB2_4-.Ltmp1, $4  }
0x44: {  	[tilespmem:s0+$0x1C770] =	vst v0  }
0x45: {  	[tilespmem:s0+$0x1C780] =	vst v0  }
0x46: {  	[tilespmem:s0+$0x1C790] =	vst v0  }
0x47: {  	[tilespmem:s0+$0x1C7A0] =	vst v0;
	s0 =	sshra.s32 s1, $0x2;
	s1 =	sadd.s32 $0x200, s1  }
0x48: {  	[tilespmem:s0+$0x1C7B0] =	vst v0  }
0x49: {  	[tilespmem:s0+$0x1C740] =	vst v0  }
0x4a: {  	[tilespmem:s0+$0x1C750] =	vst v0  }
0x4b: {  	[tilespmem:s0+$0x1C760] =	vst v0  }
0x4c: {  	[tilespmem:s0+$0x1C770] =	vst v0  }
0x4d: {  	[tilespmem:s0+$0x1C780] =	vst v0  }
0x4e: {  	[tilespmem:s0+$0x1C790] =	vst v0  }
0x4f: {  	[tilespmem:s0+$0x1C7A0] =	vst v0;
	s0 =	simm.s32 @!p2 $0x19F40;
	s1 =	rddreg [dreg:$0xe]  }
0x50: {  	[spmem:s1] =	stream.linear.scatter @!p2 [tilespmem:s0], [sflag:$0x3], $0x2400, $0x38;
	[tilespmem:$0x1EFC0] =	vst v63  }
0x51: {  	s0 =	simm.s32 @!p2 $0x3  }
0x52: {  	_ =	swait.ge @!p2 [sflag:s0], $0x2400  }
0x53: {  	[sflag:s0] =	ssyncset.done @!p2 $0x0  }
0x54: {  	s1 =	rddreg [dreg:$0xf];
	[sflag:s0] =	ssyncadd.s32 @!p2 $0xFFFFDC00;
	s0 =	simm.s32 @!p0 $0x19F40  }
0x55: {  	[spmem:s1] =	stream.linear.scatter @!p0 [tilespmem:s0], [sflag:$0x3], $0x2800, $0x38;
	[tilespmem:$0x1EFC0] =	vst v63  }
0x56: {  	s0 =	simm.s32 @!p0 $0x3  }
0x57: {  	_ =	swait.ge @!p0 [sflag:s0], $0x2800  }
0x58: {  	[sflag:s0] =	ssyncset.done @!p0 $0x0  }
0x59: {  	[sflag:s0] =	ssyncadd.s32 @!p0 $0xFFFFD800  }
0x5a: {  	[bflag:$0x0] =	sbarrier.arrive $0xFFFF  }
0x5b: {  	v2 =	vld [tilespmem:$0x1EF70]  }
0x5c: {  	v3 =	vld [tilespmem:$0x1EF80]  }
0x5d: {  	v4 =	vld [tilespmem:$0x1EF90]  }
0x5e: {  	v6 =	vld [tilespmem:$0x1EFA0]  }
0x5f: {  	v5 =	vld [tilespmem:$0x1EF50]  }
0x60: {  	v9 =	vld [tilespmem:$0x1EFB0];
	[tilespmem:$0x1FF80] =	vst v2  }
0x61: {  	v7 =	vld [tilespmem:$0x1EF60];
	[tilespmem:$0x1FF90] =	vst v3  }
0x62: {  	[tilespmem:$0x1FFA0] =	vst v4  }
0x63: {  	[tilespmem:$0x1FFB0] =	vst v6  }
0x64: {  	[tilespmem:$0x1FFC0] =	vst v5  }
0x65: {  	[tilespmem:$0x1FFD0] =	vst v9  }
0x66: {  	s15 =	simm.s32 $0x0;
	v63 =	vld [tilespmem:$0x1EF40];
	[tilespmem:$0x1FFE0] =	vst v7  }
.LBB2_6:
0x67: {  	s0 =	smul.u32 $0x50, s15  }
0x68: {  	s1 =	rddreg [dreg:$0x10]  }
0x69: {  	s0 =	sadd.s32 s1, s0  }
0x6a: {  	s7 =	rddreg [dreg:$0x7];
	s0 =	sshrl.u32 s0, $0x3  }
0x6b: {  	s2 =	simm.s32 $0x14C40;
	s8 =	rddreg [dreg:$0x8];
	s1 =	sadd.s32 s7, s0  }
0x6c: {  	[tilespmem:s2], [sflag:$0x1] =	stream.linear.gather [hbm4b:s1+s14], $0x50, $0x38;
	[tilespmem:$0x1EFC0] =	vst v63  }
0x6d: {  	s9 =	simm.s32 $0x14E40;
	s0 =	sadd.s32 s8, s0  }
0x6e: {  	[tilespmem:s9], [sflag:$0x2] =	stream.linear.gather [hbm4b:s0+s14], $0x50, $0x38;
	[tilespmem:$0x1EFC0] =	vst v63  }
0x6f: {  	_ =	swait.ge [sflag:s25], $0x50  }
0x70: {  	[sflag:s25] =	ssyncset.done $0x0  }
0x71: {  	v0 =	vld [tilespmem:$0x1FFF0];
	[sflag:s25] =	ssyncadd.s32 $0xFFFFFFB0  }
0x72: {  	v10 =	vld [tilespmem:$0x14C40]  }
0x73: {  	v11 =	vld [tilespmem:$0x14C50]  }
0x74: {  	v12 =	vld [tilespmem:$0x14C60]  }
0x75: {  	v13 =	vld [tilespmem:$0x14C70]  }
0x76: {  	v14 =	vld [tilespmem:$0x14C80]  }
0x77: {  	v10 =	vadd.s32 v0, v10  }
0x78: {  	[tilespmem:$0x14D40] =	vst v10;
	v10 =	vadd.s32 v0, v11  }
0x79: {  	[tilespmem:$0x14D50] =	vst v10;
	v10 =	vadd.s32 v0, v12  }
0x7a: {  	[tilespmem:$0x14D60] =	vst v10;
	v10 =	vadd.s32 v0, v13  }
0x7b: {  	[tilespmem:$0x14D70] =	vst v10;
	v10 =	vadd.s32 v0, v14  }
0x7c: {  	s11 =	simm.s32 $0x14D40;
	s12 =	simm.s32 $0x14F40;
	s10 =	rddreg [dreg:$0x5];
	[tilespmem:$0x14D80] =	vst v10  }
0x7d: {  	[tilespmem:s12], [sflag:$0x1] =	stream.indirect.gather [hbm4b:s10+s26], $0x80, s11, s26, $0xb8;
	[tilespmem:$0x1EFC0] =	vst v63  }
0x7e: {  	_ =	swait.ge [sflag:s30], $0x50  }
0x7f: {  	[sflag:s30] =	ssyncset.done $0x0  }
0x80: {  	[sflag:s30] =	ssyncadd.s32 $0xFFFFFFB0  }
0x81: {  	v10 =	vld [tilespmem:$0x14E40]  }
0x82: {  	v11 =	vld [tilespmem:$0x14E50];
	_ =	sdelay $0x3  }
0x83: {  	[tilespmem:$0x14CC0] =	vst v10  }
0x84: {  	v12 =	vadd.s32 v0, v10;
	[tilespmem:$0x14CD0] =	vst v11  }
0x85: {  	v10 =	vshrl.u32 v10, $0x4;
	[tilespmem:$0x14DC0] =	vst v12;
	v12 =	vld [tilespmem:$0x14E60]  }
0x86: {  	[tilespmem:$0x14EC0] =	vst v10;
	v10 =	vadd.s32 v0, v11  }
0x87: {  	[tilespmem:$0x14DD0] =	vst v10;
	v10 =	vshrl.u32 v11, $0x4;
	v11 =	vld [tilespmem:$0x14E70];
	_ =	sdelay $0x1  }
0x88: {  	[tilespmem:$0x14ED0] =	vst v10  }
0x89: {  	[tilespmem:$0x14CE0] =	vst v12;
	v10 =	vadd.s32 v0, v12  }
0x8a: {  	[tilespmem:$0x14DE0] =	vst v10;
	v10 =	vshrl.u32 v12, $0x4;
	v12 =	vld [tilespmem:$0x14E80]  }
0x8b: {  	[tilespmem:$0x14CF0] =	vst v11  }
0x8c: {  	[tilespmem:$0x14EE0] =	vst v10;
	v10 =	vadd.s32 v0, v11  }
0x8d: {  	[tilespmem:$0x14DF0] =	vst v10;
	v10 =	vshrl.u32 v11, $0x4  }
0x8e: {  	[tilespmem:$0x14EF0] =	vst v10  }
0x8f: {  	[tilespmem:$0x14D00] =	vst v12;
	v10 =	vadd.s32 v0, v12  }
0x90: {  	[tilespmem:$0x14E00] =	vst v10;
	v10 =	vshrl.u32 v12, $0x4  }
0x91: {  	s16 =	simm.s32 $0x14DC0;
	s17 =	simm.s32 $0x17740;
	s13 =	rddreg [dreg:$0x6];
	[tilespmem:$0x14F00] =	vst v10  }
0x92: {  	[tilespmem:s17], [sflag:$0x2] =	stream.indirect.gather [hbm4b:s13+s26], $0x80, s16, s26, $0xb8;
	[tilespmem:$0x1EFC0] =	vst v63  }
0x93: {  	_ =	swait.ge [sflag:s25], $0x2800  }
0x94: {  	[sflag:s25] =	ssyncset.done $0x0  }
0x95: {  	[sflag:s25] =	ssyncadd.s32 $0xFFFFD800  }
0x96: {  	_ =	swait.ge [sflag:s30], $0x2800  }
0x97: {  	[sflag:s30] =	ssyncset.done $0x0  }
0x98: {  	s12 =	simm.s32 $0x15040;
	[sflag:s30] =	ssyncadd.s32 $0xFFFFD800  }
0x99: {  	v10 =	vld [tilespmem:s12+$0x80]  }
0x9a: {  	s11 =	simm.s32 $0x17840;
	v11 =	vld [tilespmem:s12+$0x90]  }
0x9b: {  	v12 =	vld [tilespmem:s11+$0x80]  }
0x9c: {  	v13 =	vld [tilespmem:s11+$0x90];
	_ =	sdelay $0x4  }
0x9d: {  	v12 =	vadd.f32 v12, v10;
	v13 =	vadd.f32 v13, v11;
	_ =	sdelay $0x1  }
0x9e: {  	v14 =	vmul.f32 $2.000000030e-01, v12;
	v15 =	vmul.f32 $2.000000030e-01, v13;
	_ =	sdelay $0x1  }
0x9f: {  	v12 =	vmax.f32 v12, v14;
	v13 =	vmax.f32 v13, v15  }
0xa0: {  	v12 =	vmul.f32 v12, v63;
	v13 =	vmul.f32 v13, v5  }
0xa1: {  	v16 =	vld [tilespmem:s11+$0xFFFFFF10]  }
0xa2: {  	s18 =	simm.s32 $0x14E42;
	v14 =	vld [tilespmem:s12+$0xFFFFFF00];
	v12 =	vadd.f32 v13, v12  }
0xa3: {  	v13 =	vld [tilespmem:s18+$0x1]  }
0xa4: {  	v15 =	vld [tilespmem:s12+$0xFFFFFF10];
	(xrf2) =	vadd.scan.msk.f32 $0xffff, v12  }
0xa5: {  	v12 =	vld [tilespmem:s11+$0xFFFFFF00];
	_ =	sdelay $0x1  }
0xa6: {  	v17 =	vld [tilespmem:s12+$0xFFFFFF80]  }
0xa7: {  	v18 =	vld [tilespmem:s12+$0xFFFFFF90];
	(v2sf) =	vpush v13, $0x0  }
0xa8: {  	v19 =	vld [tilespmem:s11+$0xFFFFFF90];
	v16 =	vadd.f32 v16, v15  }
0xa9: {  	v13 =	vld [tilespmem:s11+$0xFFFFFF80];
	v12 =	vadd.f32 v12, v14  }
0xaa: {  	v20 =	vld [tilespmem:s12+$0x0];
	v23 =	vmul.f32 $2.000000030e-01, v16  }
0xab: {  	v22 =	vld [tilespmem:s12+$0x10];
	v21 =	vmul.f32 $2.000000030e-01, v12  }
0xac: {  	v24 =	vld [tilespmem:s11+$0x0];
	v16 =	vmax.f32 v16, v23  }
0xad: {  	v16 =	vmul.f32 v16, v5;
	v12 =	vmax.f32 v12, v21;
	v21 =	vld [tilespmem:s11+$0x10];
	v25, _, _ =	vpop (xrf2)  }
0xae: {  	v13 =	vadd.f32 v13, v17;
	v12 =	vmul.f32 v12, v63;
	v23 =	vmul.f32 $1.442695020e+00, v25  }
0xaf: {  	v19 =	vadd.f32 v19, v18  }
0xb0: {  	v26 =	vmul.f32 $2.000000030e-01, v13;
	v12 =	vadd.f32 v16, v12;
	v23 =	vbroadcast v23, $0xF  }
0xb1: {  	v24 =	vadd.f32 v24, v20;
	v16 =	vmul.f32 $2.000000030e-01, v19  }
0xb2: {  	v25 =	vld [tilespmem:s18+$0xFFFFFFFF];
	v13 =	vmax.f32 v13, v26;
	v21 =	vadd.f32 v21, v22;
	(xrf2) =	vadd.scan.msk.f32 $0xffff, v12;
	(erf) = vpow2.f32 v23  }
0xb3: {  	v27 =	vld [tilespmem:s18+$0x0];
	v13 =	vmul.f32 v13, v63;
	v16 =	vmax.f32 v19, v16;
	v12 =	vmul.f32 $2.000000030e-01, v24  }
0xb4: {  	v23 =	vld [tilespmem:s18+$0xFFFFFFFE];
	v16 =	vmul.f32 v16, v5;
	v19 =	vmul.f32 $2.000000030e-01, v21;
	_ =	sdelay $0x1  }
0xb5: {  	v12 =	vmax.f32 v24, v12;
	v13 =	vadd.f32 v16, v13;
	v16 =	vmax.f32 v21, v19;
	s19 =	spop (v2sf)  }
0xb6: {  	(v2sf) =	vpush v25, $0x0;
	v12 =	vmul.f32 v12, v63;
	v16 =	vmul.f32 v16, v5;
	s20 =	sshll.u32 s19, $0x3  }
0xb7: {  	s23 =	simm.s32 $0x100;
	(v2sf) =	vpush v27, $0x0;
	s1 =	sand.u32 $0x78, s20  }
0xb8: {  	(xrf2) =	vadd.scan.msk.f32 $0xffff, v13;
	(v2sf) =	vpush v23, $0x0;
	v12 =	vadd.f32 v16, v12;
	s29 =	sor.u32 s1, s23  }
0xb9: {  	s1 =	sadd.s32 $0x80, s29  }
0xba: {  	(xrf2) =	vadd.scan.msk.f32 $0xffff, v12;
	v12 =	vmov s1;
	v13 =	vpop (erf)  }
0xbb: {  	v16, _, _ =	vpop (xrf2);
	v10 =	vmul.f32 v13, v10  }
0xbc: {  	s10 =	simm.s32 $0x1A040;
	v11 =	vmul.f32 v13, v11;
	v16 =	vmul.f32 $1.442695020e+00, v16  }
0xbd: {  	[tilespmem:s10+$0x80] =	vst v10  }
0xbe: {  	[tilespmem:s10+$0x90] =	vst v11;
	v10 =	vbroadcast v16, $0xF  }
0xbf: {  	[tilespmem:v12+s21+$0x0] =	vst.idx.add.f32.msk $0x1, v13  }
0xc0: {  	v11 =	vld [tilespmem:s12+$0xA0]  }
0xc1: {  	v16 =	vld [tilespmem:s12+$0xB0]  }
0xc2: {  	(erf) = vpow2.f32 v10;
	v12 =	vld [tilespmem:s11+$0xA0];
	v10, _, _ =	vpop (xrf2)  }
0xc3: {  	v13 =	vld [tilespmem:s11+$0xB0];
	v10 =	vmul.f32 $1.442695020e+00, v10;
	_ =	sdelay $0x1  }
0xc4: {  	s24 =	spop (v2sf);
	v10 =	vbroadcast v10, $0xF  }
0xc5: {  	s31 =	spop (v2sf);
	v19, _, _ =	vpop (xrf2)  }
0xc6: {  	v19 =	vmul.f32 $1.442695020e+00, v19;
	v12 =	vadd.f32 v12, v11;
	s3 =	spop (v2sf);
	(erf) = vpow2.f32 v10  }
0xc7: {  	v13 =	vadd.f32 v13, v16;
	s3 =	sshll.u32 s3, $0x3  }
0xc8: {  	s4 =	simm.s32 $0x0;
	v10 =	vbroadcast v19, $0xF;
	v21 =	vmul.f32 $2.000000030e-01, v12;
	s3 =	sand.u32 $0x78, s3  }
0xc9: {  	v23 =	vmul.f32 $2.000000030e-01, v13;
	s28 =	sor.u32 s3, s4  }
0xca: {  	(erf) = vpow2.f32 v10;
	v19 =	vpop (erf);
	v12 =	vmax.f32 v12, v21;
	v10 =	vmov s28  }
0xcb: {  	s1 =	sshll.u32 s24, $0x3;
	v13 =	vmax.f32 v13, v23;
	v14 =	vmul.f32 v19, v14;
	v15 =	vmul.f32 v19, v15  }
0xcc: {  	s1 =	sand.u32 $0x78, s1;
	v12 =	vmul.f32 v12, v7;
	v13 =	vmul.f32 v13, v2  }
0xcd: {  	s13 =	sor.u32 s1, s4;
	[tilespmem:s10+$0xFFFFFF00] =	vst v14  }
0xce: {  	s1 =	sadd.s32 $0x80, s13;
	[tilespmem:s10+$0xFFFFFF10] =	vst v15;
	v12 =	vadd.f32 v13, v12  }
0xcf: {  	v14 =	vmov s1;
	[tilespmem:v10+s21+$0x0] =	vst.idx.add.f32.msk $0x1, v19;
	v10 =	vpop (erf)  }
0xd0: {  	(xrf2) =	vadd.scan.msk.f32 $0xffff, v12;
	v21 =	vld [tilespmem:s12+$0xFFFFFF20];
	v13 =	vmul.f32 v10, v17  }
0xd1: {  	s2 =	sshll.u32 s31, $0x3;
	v19 =	vld [tilespmem:s11+$0xFFFFFF30];
	v15 =	vmul.f32 v10, v18  }
0xd2: {  	s5 =	sand.u32 $0x78, s2;
	v18 =	vld [tilespmem:s11+$0xFFFFFF20];
	[tilespmem:s10+$0xFFFFFF80] =	vst v13  }
0xd3: {  	s24 =	sor.u32 s5, s23;
	v17 =	vld [tilespmem:s12+$0xFFFFFF30];
	[tilespmem:s10+$0xFFFFFF90] =	vst v15  }
0xd4: {  	v12 =	vmov s24;
	[tilespmem:v14+s21+$0x0] =	vst.idx.add.f32.msk $0x1, v10;
	v13 =	vpop (erf)  }
0xd5: {  	v25 =	vld [tilespmem:s12+$0xFFFFFFA0];
	v15 =	vmul.f32 v13, v20  }
0xd6: {  	v14 =	vld [tilespmem:s12+$0xFFFFFFB0];
	v20 =	vmul.f32 v13, v22  }
0xd7: {  	v10 =	vld [tilespmem:s11+$0xFFFFFFA0];
	[tilespmem:s10+$0x0] =	vst v15;
	v15 =	vadd.f32 v18, v21  }
0xd8: {  	[tilespmem:s10+$0x10] =	vst v20;
	v18 =	vld [tilespmem:s11+$0xFFFFFFB0]  }
0xd9: {  	v19 =	vadd.f32 v19, v17;
	[tilespmem:v12+s21+$0x0] =	vst.idx.add.f32.msk $0x1, v13;
	v20 =	vmul.f32 $2.000000030e-01, v15  }
0xda: {  	v22, _, _ =	vpop (xrf2);
	v12 =	vld [tilespmem:s12+$0x30]  }
0xdb: {  	v23 =	vmul.f32 $2.000000030e-01, v19;
	v22 =	vmul.f32 $1.442695020e+00, v22;
	v15 =	vmax.f32 v15, v20;
	v20 =	vld [tilespmem:s11+$0x30]  }
0xdc: {  	v13 =	vld [tilespmem:s12+$0x20]  }
0xdd: {  	v24 =	vld [tilespmem:s11+$0x20];
	v19 =	vmax.f32 v19, v23;
	v22 =	vbroadcast v22, $0xF  }
0xde: {  	v19 =	vmul.f32 v19, v2;
	v15 =	vmul.f32 v15, v7;
	v18 =	vadd.f32 v18, v14  }
0xdf: {  	v10 =	vadd.f32 v10, v25;
	(erf) = vpow2.f32 v22  }
0xe0: {  	v15 =	vadd.f32 v19, v15;
	v19 =	vmul.f32 $2.000000030e-01, v18;
	v20 =	vadd.f32 v20, v12  }
0xe1: {  	v23 =	vmul.f32 $2.000000030e-01, v10  }
0xe2: {  	v22 =	vadd.f32 v24, v13;
	(xrf2) =	vadd.scan.msk.f32 $0xffff, v15;
	v15 =	vmax.f32 v18, v19;
	v19 =	vmul.f32 $2.000000030e-01, v20  }
0xe3: {  	v10 =	vmax.f32 v10, v23  }
0xe4: {  	v10 =	vmul.f32 v10, v7;
	v18 =	vmul.f32 $2.000000030e-01, v22;
	v19 =	vmax.f32 v20, v19  }
0xe5: {  	v15 =	vmul.f32 v15, v2;
	v19 =	vmul.f32 v19, v2  }
0xe6: {  	v18 =	vmax.f32 v22, v18  }
0xe7: {  	s23 =	simm.s32 $0x15240;
	v10 =	vadd.f32 v15, v10;
	v18 =	vmul.f32 v18, v7  }
0xe8: {  	v24 =	vld [tilespmem:s23+$0x90]  }
0xe9: {  	s6 =	sadd.s32 $0x81, s29;
	s1 =	simm.s32 $0x17A40;
	v15 =	vld [tilespmem:s23+$0x80];
	(xrf2) =	vadd.scan.msk.f32 $0xffff, v10;
	v10 =	vadd.f32 v19, v18;
	v19 =	vpop (erf)  }
0xea: {  	v20 =	vld [tilespmem:s1+$0x80];
	v18 =	vmov s6;
	v11 =	vmul.f32 v19, v11  }
0xeb: {  	v22 =	vld [tilespmem:s1+$0x90]  }
0xec: {  	(xrf2) =	vadd.scan.msk.f32 $0xffff, v10;
	v10 =	vmul.f32 v19, v16  }
0xed: {  	[tilespmem:s10+$0xA0] =	vst v11  }
0xee: {  	v28 =	vld [tilespmem:s1+$0xFFFFFF00];
	[tilespmem:s10+$0xB0] =	vst v10;
	v11, _, _ =	vpop (xrf2)  }
0xef: {  	v16 =	vadd.f32 v20, v15;
	[tilespmem:v18+s21+$0x0] =	vst.idx.add.f32.msk $0x1, v19;
	v10 =	vmul.f32 $1.442695020e+00, v11  }
0xf0: {  	v18 =	vadd.f32 v22, v24;
	v20 =	vld [tilespmem:s11+$0xC0]  }
0xf1: {  	v22 =	vmul.f32 $2.000000030e-01, v16;
	v27 =	vld [tilespmem:s11+$0xD0];
	v19 =	vbroadcast v10, $0xF  }
0xf2: {  	v11 =	vld [tilespmem:s12+$0xC0];
	v26 =	vmul.f32 $2.000000030e-01, v18  }
0xf3: {  	v16 =	vmax.f32 v16, v22;
	v10 =	vld [tilespmem:s12+$0xD0]  }
0xf4: {  	v23 =	vld [tilespmem:s23+$0xFFFFFF00];
	v16 =	vmul.f32 v16, v63;
	v18 =	vmax.f32 v18, v26  }
0xf5: {  	v18 =	vmul.f32 v18, v5;
	(erf) = vpow2.f32 v19;
	v19, _, _ =	vpop (xrf2)  }
0xf6: {  	v29 =	vld [tilespmem:s1+$0xFFFFFF10];
	v19 =	vmul.f32 $1.442695020e+00, v19;
	v26, _, _ =	vpop (xrf2)  }
0xf7: {  	s7 =	simm.s32 $0x14E46;
	v22 =	vld [tilespmem:s23+$0xFFFFFF10];
	v16 =	vadd.f32 v18, v16;
	v20 =	vadd.f32 v20, v11;
	v26 =	vmul.f32 $1.442695020e+00, v26  }
0xf8: {  	v30 =	vld [tilespmem:s7+$0x1];
	v27 =	vadd.f32 v27, v10;
	v19 =	vbroadcast v19, $0xF  }
0xf9: {  	v28 =	vadd.f32 v28, v23;
	(xrf2) =	vadd.scan.msk.f32 $0xffff, v16;
	v16 =	vmul.f32 $2.000000030e-01, v20;
	v18 =	vbroadcast v26, $0xF  }
0xfa: {  	v26 =	vmul.f32 $2.000000030e-01, v27;
	(erf) = vpow2.f32 v19  }
0xfb: {  	v32 =	vmul.f32 $2.000000030e-01, v28  }
0xfc: {  	v31 =	vld [tilespmem:s1+$0xFFFFFF90];
	v16 =	vmax.f32 v20, v16;
	v20 =	vmax.f32 v27, v26;
	v26 =	vadd.f32 v29, v22  }
0xfd: {  	(v2sf) =	vpush v30, $0x0;
	v16 =	vmul.f32 v16, v3;
	v19 =	vld [tilespmem:s23+$0xFFFFFF80];
	(erf) = vpow2.f32 v18  }
0xfe: {  	v28 =	vmax.f32 v28, v32;
	v18 =	vld [tilespmem:s23+$0xFFFFFF90];
	v29 =	vmul.f32 v20, v4;
	v30 =	vpop (erf);
	v33 =	vmul.f32 $2.000000030e-01, v26  }
0xff: {  	s8 =	sor.u32 $0x1, s28;
	v28 =	vmul.f32 v28, v63;
	v27 =	vld [tilespmem:s1+$0xFFFFFF80];
	v34 =	vmul.f32 v30, v21  }
0x100: {  	v47 =	vld [tilespmem:s1+$0x10];
	v16 =	vadd.f32 v29, v16;
	v29 =	vmov s8;
	v26 =	vmax.f32 v26, v33  }
0x101: {  	v17 =	vmul.f32 v30, v17;
	v21 =	vld [tilespmem:s23+$0x10];
	v26 =	vmul.f32 v26, v5  }
0x102: {  	s9 =	sadd.s32 $0x81, s13;
	v46 =	vld [tilespmem:s1+$0x0];
	[tilespmem:s10+$0xFFFFFF20] =	vst v34  }
0x103: {  	v20 =	vld [tilespmem:s23+$0x0];
	[tilespmem:s10+$0xFFFFFF30] =	vst v17;
	v31 =	vadd.f32 v31, v18;
	v17 =	vadd.f32 v26, v28;
	v28 =	vmov s9;
	v45 =	vpop (erf)  }
0x104: {  	v27 =	vadd.f32 v27, v19;
	(xrf2) =	vadd.scan.msk.f32 $0xffff, v16;
	v16 =	vld [tilespmem:s7+$0xFFFFFFFF];
	v25 =	vmul.f32 v45, v25;
	v14 =	vmul.f32 v45, v14  }
0x105: {  	v38 =	vmul.f32 $2.000000030e-01, v31;
	[tilespmem:v29+s21+$0x0] =	vst.idx.add.f32.msk $0x1, v30;
	v26, _, _ =	vpop (xrf2)  }
0x106: {  	v35 =	vld [tilespmem:s7+$0x0];
	s16 =	sor.u32 $0x1, s24;
	v29 =	vadd.f32 v47, v21;
	v26 =	vmul.f32 $1.442695020e+00, v26;
	[tilespmem:s10+$0xFFFFFFA0] =	vst v25;
	v25 =	vmul.f32 $2.000000030e-01, v27  }
0x107: {  	v37 =	vld [tilespmem:s7+$0xFFFFFFFE];
	v36 =	vmov s16;
	(xrf2) =	vadd.scan.msk.f32 $0xffff, v17;
	v30 =	vmax.f32 v31, v38;
	[tilespmem:s10+$0xFFFFFFB0] =	vst v14  }
0x108: {  	v26 =	vbroadcast v26, $0xF;
	[tilespmem:v28+s21+$0x0] =	vst.idx.add.f32.msk $0x1, v45;
	v28 =	vmul.f32 $2.000000030e-01, v29;
	v14 =	vpop (erf);
	v17 =	vmax.f32 v27, v25  }
0x109: {  	v25 =	vadd.f32 v46, v20;
	v13 =	vmul.f32 v14, v13;
	v27 =	vmul.f32 v17, v63  }
0x10a: {  	(v2sf) =	vpush v16, $0x0;
	(erf) = vpow2.f32 v26;
	v26 =	vmul.f32 v30, v5  }
0x10b: {  	v16 =	vld [tilespmem:s12+$0xFFFFFF50];
	(v2sf) =	vpush v35, $0x0;
	v12 =	vmul.f32 v14, v12;
	v31 =	vmul.f32 $2.000000030e-01, v25  }
0x10c: {  	(v2sf) =	vpush v37, $0x0;
	v17 =	vld [tilespmem:s12+$0xFFFFFF40];
	[tilespmem:s10+$0x20] =	vst v13;
	v13 =	vadd.f32 v26, v27  }
0x10d: {  	v30 =	vld [tilespmem:s11+$0xFFFFFF40];
	v26 =	vmax.f32 v29, v28;
	[tilespmem:s10+$0x30] =	vst v12;
	v25 =	vmax.f32 v25, v31  }
0x10e: {  	v26 =	vmul.f32 v26, v5;
	v12 =	vmul.f32 v25, v63;
	v25 =	vld [tilespmem:s11+$0xFFFFFF50];
	v27, _, _ =	vpop (xrf2);
	s17 =	spop (v2sf);
	(xrf2) =	vadd.scan.msk.f32 $0xffff, v13  }
0x10f: {  	[tilespmem:v36+s21+$0x0] =	vst.idx.add.f32.msk $0x1, v14;
	v13 =	vmul.f32 $1.442695020e+00, v27;
	s0 =	sshll.u32 s17, $0x3  }
0x110: {  	s18 =	simm.s32 $0x300;
	v14 =	vld [tilespmem:s12+$0xFFFFFFC0];
	v26 =	vadd.f32 v26, v12;
	s0 =	sand.u32 $0x78, s0  }
0x111: {  	v28 =	vld [tilespmem:s11+$0xFFFFFFC0];
	v27, _, _ =	vpop (xrf2);
	v13 =	vbroadcast v13, $0xF;
	s0 =	sor.u32 s0, s18  }
0x112: {  	v12 =	vld [tilespmem:s12+$0xFFFFFFD0];
	(xrf2) =	vadd.scan.msk.f32 $0xffff, v26;
	v26 =	vmul.f32 $1.442695020e+00, v27;
	s19 =	sadd.s32 $0x80, s0  }
0x113: {  	v27 =	vld [tilespmem:s11+$0xFFFFFFD0];
	(erf) = vpow2.f32 v13;
	v29 =	vmov s19;
	v31 =	vpop (erf)  }
0x114: {  	v30 =	vadd.f32 v30, v17;
	v49 =	vld [tilespmem:s11+$0x40];
	v26 =	vbroadcast v26, $0xF;
	v48 =	vmul.f32 v31, v15  }
0x115: {  	s17 =	simm.s32 $0x1A240;
	v13 =	vld [tilespmem:s12+$0x40];
	v25 =	vadd.f32 v25, v16;
	v24 =	vmul.f32 v31, v24  }
0x116: {  	v50 =	vld [tilespmem:s11+$0x50];
	(erf) = vpow2.f32 v26;
	[tilespmem:s17+$0x80] =	vst v48;
	v26 =	vmul.f32 $2.000000030e-01, v30  }
0x117: {  	v28 =	vadd.f32 v28, v14;
	v15 =	vld [tilespmem:s12+$0x50];
	v51 =	vmul.f32 $2.000000030e-01, v25;
	[tilespmem:s17+$0x90] =	vst v24  }
0x118: {  	v27 =	vadd.f32 v27, v12;
	[tilespmem:v29+s21+$0x0] =	vst.idx.add.f32.msk $0x1, v31;
	v26 =	vmax.f32 v30, v26;
	v29, _, _ =	vpop (xrf2)  }
0x119: {  	s20 =	spop (v2sf);
	v30 =	vmax.f32 v25, v51;
	v31 =	vmul.f32 $2.000000030e-01, v28;
	v29 =	vmul.f32 $1.442695020e+00, v29  }
0x11a: {  	s5 =	spop (v2sf);
	v33 =	vadd.f32 v49, v13;
	v24 =	vld [tilespmem:s23+$0xA0];
	v26 =	vmul.f32 v26, v3;
	v52 =	vmul.f32 $2.000000030e-01, v27  }
0x11b: {  	s31 =	spop (v2sf);
	v25 =	vld [tilespmem:s23+$0xB0];
	v30 =	vmul.f32 v30, v4;
	v29 =	vbroadcast v29, $0xF  }
0x11c: {  	s3 =	sshll.u32 s31, $0x3;
	v53 =	vld [tilespmem:s1+$0xA0];
	v32 =	vadd.f32 v50, v15;
	v28 =	vmax.f32 v28, v31;
	v31 =	vmul.f32 $2.000000030e-01, v33;
	v54, _, _ =	vpop (xrf2)  }
0x11d: {  	s6 =	sadd.s32 $0x82, s29;
	s7 =	simm.s32 $0x200;
	v55 =	vld [tilespmem:s1+$0xB0];
	s3 =	sand.u32 $0x78, s3;
	v56 =	vpop (erf);
	v36 =	vmul.f32 $1.442695020e+00, v54;
	(erf) = vpow2.f32 v29  }
0x11e: {  	v39 =	vmov s6;
	s3 =	sor.u32 s3, s7;
	v40 =	vmul.f32 $2.000000030e-01, v32;
	v11 =	vmul.f32 v56, v11  }
0x11f: {  	v27 =	vmax.f32 v27, v52;
	v58 =	vmov s3;
	v29 =	vbroadcast v36, $0xF  }
0x120: {  	v28 =	vmul.f32 v28, v3;
	v10 =	vmul.f32 v56, v10;
	[tilespmem:s10+$0xC0] =	vst v11;
	v11 =	vmax.f32 v33, v31  }
0x121: {  	v31 =	vmax.f32 v32, v40;
	(erf) = vpow2.f32 v29;
	v29 =	vadd.f32 v53, v24  }
0x122: {  	v27 =	vmul.f32 v27, v4;
	v59 =	vadd.f32 v55, v25;
	v57 =	vpop (erf);
	[tilespmem:s10+$0xD0] =	vst v10;
	v31 =	vmul.f32 v31, v4  }
0x123: {  	v26 =	vadd.f32 v30, v26;
	v23 =	vmul.f32 v57, v23;
	[tilespmem:v39+s21+$0x0] =	vst.idx.add.f32.msk $0x1, v56;
	v60 =	vmul.f32 $2.000000030e-01, v29  }
0x124: {  	s4 =	sshll.u32 s20, $0x3;
	v61 =	vmul.f32 $2.000000030e-01, v59;
	v30 =	vmul.f32 v11, v3;
	v10 =	vld [tilespmem:s12+$0xE0]  }
0x125: {  	s4 =	sand.u32 $0x78, s4;
	(xrf2) =	vadd.scan.msk.f32 $0xffff, v26;
	v27 =	vadd.f32 v27, v28;
	v22 =	vmul.f32 v57, v22;
	v11 =	vld [tilespmem:s12+$0xF0];
	v29 =	vmax.f32 v29, v60  }
0x126: {  	s7 =	sor.u32 s4, s7;
	v62 =	vmax.f32 v59, v61;
	[tilespmem:s17+$0xFFFFFF00] =	vst v23;
	v23 =	vld [tilespmem:s11+$0xE0];
	v26 =	vadd.f32 v31, v30;
	v28 =	vmul.f32 v29, v7;
	v31 =	vpop (erf)  }
0x127: {  	s4 =	sadd.s32 $0x80, s7;
	[tilespmem:s17+$0xFFFFFF10] =	vst v22;
	v22 =	vld [tilespmem:s11+$0xF0];
	v29 =	vmul.f32 v62, v2;
	v19 =	vmul.f32 v31, v19  }
0x128: {  	s5 =	sshll.u32 s5, $0x3;
	v30 =	vmov s4;
	[tilespmem:v58+s21+$0x0] =	vst.idx.add.f32.msk $0x1, v57  }
0x129: {  	s5 =	sand.u32 $0x78, s5;
	(xrf2) =	vadd.scan.msk.f32 $0xffff, v27;
	v27 =	vld [tilespmem:s23+$0xFFFFFF20];
	v28 =	vadd.f32 v29, v28  }
0x12a: {  	s9 =	sor.u32 s5, s18;
	(xrf2) =	vadd.scan.msk.f32 $0xffff, v26;
	v26 =	vld [tilespmem:s23+$0xFFFFFF30];
	v18 =	vmul.f32 v31, v18  }
0x12b: {  	v0 =	vld [tilespmem:s1+$0xFFFFFF30];
	[tilespmem:s17+$0xFFFFFF80] =	vst v19;
	(xrf2) =	vadd.scan.msk.f32 $0xffff, v28;
	v28 =	vmov s9;
	v19 =	vpop (erf)  }
0x12c: {  	v23 =	vadd.f32 v23, v10;
	v29 =	vld [tilespmem:s1+$0xFFFFFF20];
	[tilespmem:s17+$0xFFFFFF90] =	vst v18;
	v18 =	vmul.f32 v19, v20  }
0x12d: {  	v22 =	vadd.f32 v22, v11;
	[tilespmem:v30+s21+$0x0] =	vst.idx.add.f32.msk $0x1, v31;
	v21 =	vmul.f32 v19, v21  }
0x12e: {  	v1 =	vld [tilespmem:s23+$0xFFFFFFB0];
	[tilespmem:s17+$0x0] =	vst v18;
	v18 =	vmul.f32 $2.000000030e-01, v23  }
0x12f: {  	v30 =	vmul.f32 $2.000000030e-01, v22;
	v20 =	vld [tilespmem:s23+$0xFFFFFFA0];
	[tilespmem:s17+$0x10] =	vst v21  }
0x130: {  	[tilespmem:v28+s21+$0x0] =	vst.idx.add.f32.msk $0x1, v19;
	v18 =	vmax.f32 v23, v18  }
0x131: {  	v21 =	vadd.f32 v29, v27;
	v19 =	vmax.f32 v22, v30;
	v22, _, _ =	vpop (xrf2);
	v30 =	vld [tilespmem:s1+$0xFFFFFFB0]  }
0x132: {  	v29 =	vadd.f32 v0, v26;
	v23 =	vld [tilespmem:s1+$0xFFFFFFA0];
	v22 =	vmul.f32 $1.442695020e+00, v22  }
0x133: {  	v31 =	vmul.f32 $2.000000030e-01, v21;
	v36 =	vld [tilespmem:s23+$0x20];
	v28 =	vmul.f32 v18, v6;
	v18, _, _ =	vpop (xrf2)  }
0x134: {  	v19 =	vmul.f32 v19, v9;
	v43 =	vmul.f32 $2.000000030e-01, v29;
	v46 =	vld [tilespmem:s1+$0x30];
	v42, _, _ =	vpop (xrf2)  }
0x135: {  	v22 =	vbroadcast v22, $0xF;
	v21 =	vmax.f32 v21, v31;
	v44 =	vmul.f32 $1.442695020e+00, v18;
	v18 =	vld [tilespmem:s23+$0x30];
	v45, _, _ =	vpop (xrf2)  }
0x136: {  	v31 =	vld [tilespmem:s1+$0x20];
	v29 =	vmax.f32 v29, v43;
	v21 =	vmul.f32 v21, v7;
	v37 =	vmul.f32 $1.442695020e+00, v45  }
0x137: {  	v29 =	vmul.f32 v29, v2;
	v34 =	vbroadcast v44, $0xF  }
0x138: {  	(erf) = vpow2.f32 v22;
	v23 =	vadd.f32 v23, v20;
	v22 =	vbroadcast v37, $0xF  }
0x139: {  	v19 =	vadd.f32 v19, v28;
	v28 =	vadd.f32 v30, v1;
	(erf) = vpow2.f32 v34  }
0x13a: {  	v30 =	vadd.f32 v46, v18;
	(erf) = vpow2.f32 v22;
	v22 =	vmul.f32 $2.000000030e-01, v23  }
0x13b: {  	v21 =	vadd.f32 v29, v21;
	(xrf2) =	vadd.scan.msk.f32 $0xffff, v19;
	v19 =	vmul.f32 $2.000000030e-01, v28;
	v29 =	vadd.f32 v31, v36  }
0x13c: {  	v22 =	vmax.f32 v23, v22;
	v23 =	vmul.f32 $2.000000030e-01, v30  }
0x13d: {  	(xrf2) =	vadd.scan.msk.f32 $0xffff, v21;
	v19 =	vmax.f32 v28, v19;
	v21 =	vmul.f32 $2.000000030e-01, v29  }
0x13e: {  	v19 =	vmul.f32 v19, v2;
	v23 =	vmax.f32 v30, v23  }
0x13f: {  	v21 =	vmax.f32 v29, v21;
	v22 =	vmul.f32 v22, v7;
	v23 =	vmul.f32 v23, v2  }
0x140: {  	v21 =	vmul.f32 v21, v7  }
0x141: {  	s19 =	simm.s32 $0x17C40;
	v28 =	vpop (erf);
	v22 =	vadd.f32 v19, v22  }
0x142: {  	v47 =	vld [tilespmem:s19+$0x80];
	s20 =	simm.s32 $0x15440;
	v19 =	vpop (erf);
	v21 =	vadd.f32 v23, v21  }
0x143: {  	s6 =	sadd.s32 $0x81, s0;
	v31 =	vld [tilespmem:s20+$0x90];
	(xrf2) =	vadd.scan.msk.f32 $0xffff, v22;
	v23 =	vpop (erf)  }
0x144: {  	v30 =	vld [tilespmem:s20+$0x80];
	v22 =	vmov s6;
	(xrf2) =	vadd.scan.msk.f32 $0xffff, v21;
	v21 =	vmul.f32 v23, v25  }
0x145: {  	v24 =	vmul.f32 v23, v24;
	v25 =	vld [tilespmem:s19+$0x90];
	_ =	sdelay $0x1  }
0x146: {  	v54 =	vld [tilespmem:s19+$0xFFFFFF00];
	v29 =	vmul.f32 $1.442695020e+00, v42;
	v48, _, _ =	vpop (xrf2);
	[tilespmem:s17+$0xA0] =	vst v24  }
0x147: {  	v33 =	vld [tilespmem:s20+$0xFFFFFF10];
	v24 =	vmul.f32 $1.442695020e+00, v48;
	[tilespmem:s17+$0xB0] =	vst v21;
	v21, _, _ =	vpop (xrf2)  }
0x148: {  	v29 =	vbroadcast v29, $0xF;
	[tilespmem:v22+s21+$0x0] =	vst.idx.add.f32.msk $0x1, v23;
	v23 =	vadd.f32 v47, v30;
	v21 =	vmul.f32 $1.442695020e+00, v21  }
0x149: {  	v17 =	vmul.f32 v28, v17;
	v22 =	vbroadcast v24, $0xF;
	v34 =	vld [tilespmem:s23+$0xC0];
	v25 =	vadd.f32 v25, v31  }
0x14a: {  	v24 =	vld [tilespmem:s23+$0xD0];
	v50 =	vmul.f32 $2.000000030e-01, v23;
	v21 =	vbroadcast v21, $0xF  }
0x14b: {  	s8 =	sor.u32 $0x2, s28;
	(erf) = vpow2.f32 v29;
	v49 =	vld [tilespmem:s1+$0xD0];
	v51 =	vmul.f32 $2.000000030e-01, v25  }
0x14c: {  	v52 =	vmov s8;
	(erf) = vpow2.f32 v22;
	v22 =	vld [tilespmem:s1+$0xC0];
	v23 =	vmax.f32 v23, v50  }
0x14d: {  	s16 =	simm.s32 $0x14E4A;
	v16 =	vmul.f32 v28, v16;
	[tilespmem:s10+$0xFFFFFF40] =	vst v17;
	v17 =	vld [tilespmem:s19+$0xFFFFFF10];
	v23 =	vmul.f32 v23, v63;
	v25 =	vmax.f32 v25, v51  }
0x14e: {  	v55 =	vld [tilespmem:s16+$0x1];
	(erf) = vpow2.f32 v21;
	v25 =	vmul.f32 v25, v5;
	v21, _, _ =	vpop (xrf2)  }
0x14f: {  	v56 =	vld [tilespmem:s19+$0xFFFFFF80];
	v21 =	vmul.f32 $1.442695020e+00, v21;
	v53, _, _ =	vpop (xrf2)  }
0x150: {  	v29 =	vld [tilespmem:s20+$0xFFFFFF00];
	[tilespmem:s10+$0xFFFFFF50] =	vst v16;
	v32 =	vadd.f32 v49, v24;
	v23 =	vadd.f32 v25, v23;
	v37 =	vmul.f32 $1.442695020e+00, v53  }
0x151: {  	[tilespmem:v52+s21+$0x0] =	vst.idx.add.f32.msk $0x1, v28;
	v22 =	vadd.f32 v22, v34;
	v21 =	vbroadcast v21, $0xF  }
0x152: {  	v17 =	vadd.f32 v17, v33;
	v28 =	vmul.f32 $2.000000030e-01, v32;
	v25 =	vld [tilespmem:s20+$0xFFFFFF80];
	(xrf2) =	vadd.scan.msk.f32 $0xffff, v23;
	v16 =	vbroadcast v37, $0xF  }
0x153: {  	(erf) = vpow2.f32 v21;
	v21 =	vmul.f32 $2.000000030e-01, v22  }
0x154: {  	v42 =	vmul.f32 $2.000000030e-01, v17;
	v23 =	vmax.f32 v32, v28  }
0x155: {  	v59 =	vld [tilespmem:s19+$0xFFFFFF90];
	(erf) = vpow2.f32 v16;
	v16 =	vadd.f32 v54, v29;
	v22 =	vmax.f32 v22, v21  }
0x156: {  	(v2sf) =	vpush v55, $0x0;
	v28 =	vld [tilespmem:s20+$0xFFFFFF90];
	v58 =	vmul.f32 v23, v4;
	v57 =	vmul.f32 v22, v3  }
0x157: {  	v61 =	vld [tilespmem:s19+$0x0];
	v17 =	vmax.f32 v17, v42;
	v38 =	vadd.f32 v56, v25;
	v41 =	vmul.f32 $2.000000030e-01, v16  }
0x158: {  	v17 =	vmul.f32 v17, v5;
	v23 =	vld [tilespmem:s20+$0x0];
	v21 =	vpop (erf);
	v39 =	vadd.f32 v58, v57  }
0x159: {  	s31 =	sor.u32 $0x1, s3;
	v47 =	vmul.f32 $2.000000030e-01, v38;
	v22 =	vpop (erf);
	v16 =	vmax.f32 v16, v41  }
0x15a: {  	v0 =	vld [tilespmem:s19+$0x10];
	v43 =	vmov s31;
	v60 =	vpop (erf);
	v16 =	vmul.f32 v16, v63;
	(xrf2) =	vadd.scan.msk.f32 $0xffff, v39  }
0x15b: {  	v32 =	vld [tilespmem:s20+$0x10];
	v40 =	vadd.f32 v59, v28;
	v38 =	vmax.f32 v38, v47;
	v26 =	vmul.f32 v60, v26  }
0x15c: {  	s18 =	sadd.s32 $0x81, s7;
	v46 =	vld [tilespmem:s16+$0xFFFFFFFF];
	v38 =	vmul.f32 v38, v63;
	v27 =	vmul.f32 v60, v27;
	v16 =	vadd.f32 v17, v16;
	v17, _, _ =	vpop (xrf2)  }
0x15d: {  	v49 =	vld [tilespmem:s16+$0xFFFFFFFE];
	v41 =	vadd.f32 v61, v23;
	v45 =	vpop (erf);
	[tilespmem:s17+$0xFFFFFF30] =	vst v26;
	v26 =	vmul.f32 $2.000000030e-01, v40;
	v17 =	vmul.f32 $1.442695020e+00, v17  }
0x15e: {  	v44 =	vmov s18;
	[tilespmem:s17+$0xFFFFFF20] =	vst v27;
	v20 =	vmul.f32 v45, v20;
	v27 =	vmul.f32 v45, v1;
	v1 =	vld [tilespmem:s16+$0x0]  }
0x15f: {  	v47 =	vmul.f32 $2.000000030e-01, v41;
	v48 =	vpop (erf);
	(xrf2) =	vadd.scan.msk.f32 $0xffff, v16;
	[tilespmem:v43+s21+$0x0] =	vst.idx.add.f32.msk $0x1, v60;
	v17 =	vbroadcast v17, $0xF  }
0x160: {  	s5 =	sor.u32 $0x1, s9;
	v36 =	vmul.f32 v48, v36;
	v16 =	vmax.f32 v40, v26;
	[tilespmem:s17+$0xFFFFFFA0] =	vst v20;
	v20 =	vadd.f32 v0, v32  }
0x161: {  	v62 =	vmov s5;
	v26 =	vld [tilespmem:s23+$0xFFFFFF40];
	v16 =	vmul.f32 v16, v5;
	(erf) = vpow2.f32 v17  }
0x162: {  	(v2sf) =	vpush v46, $0x0;
	v52 =	vld [tilespmem:s1+$0xFFFFFF40];
	v17 =	vmul.f32 v48, v18;
	v50 =	vmul.f32 $2.000000030e-01, v20  }
0x163: {  	v53 =	vld [tilespmem:s1+$0xFFFFFF50];
	v18 =	vmax.f32 v41, v47;
	v16 =	vadd.f32 v16, v38;
	(v2sf) =	vpush v1, $0x0  }
0x164: {  	[tilespmem:s17+$0xFFFFFFB0] =	vst v27;
	v27 =	vld [tilespmem:s23+$0xFFFFFF50];
	v18 =	vmul.f32 v18, v63;
	(v2sf) =	vpush v49, $0x0;
	v20 =	vmax.f32 v20, v50;
	v51, _, _ =	vpop (xrf2)  }
0x165: {  	s6 =	spop (v2sf);
	[tilespmem:v44+s21+$0x0] =	vst.idx.add.f32.msk $0x1, v45;
	v20 =	vmul.f32 v20, v5;
	v35 =	vmul.f32 $1.442695020e+00, v51  }
0x166: {  	s2 =	sshll.u32 s6, $0x3;
	v55 =	vld [tilespmem:s1+$0xFFFFFFC0];
	(xrf2) =	vadd.scan.msk.f32 $0xffff, v16  }
0x167: {  	s5 =	simm.s32 $0x500;
	s2 =	sand.u32 $0x78, s2;
	[tilespmem:s17+$0x20] =	vst v36;
	v56 =	vld [tilespmem:s1+$0xFFFFFFD0];
	v18 =	vadd.f32 v20, v18;
	v20 =	vbroadcast v35, $0xF  }
0x168: {  	s31 =	sor.u32 s2, s5;
	[tilespmem:s17+$0x30] =	vst v17;
	v17 =	vld [tilespmem:s23+$0xFFFFFFC0]  }
0x169: {  	s2 =	sadd.s32 $0x80, s31;
	v37 =	vmul.f32 v19, v14;
	[tilespmem:v62+s21+$0x0] =	vst.idx.add.f32.msk $0x1, v48;
	v54, _, _ =	vpop (xrf2);
	(xrf2) =	vadd.scan.msk.f32 $0xffff, v18;
	(erf) = vpow2.f32 v20  }
0x16a: {  	v57 =	vmov s2;
	v38 =	vmul.f32 v19, v12;
	v16 =	vld [tilespmem:s23+$0xFFFFFFD0];
	v18 =	vmul.f32 $1.442695020e+00, v54;
	v58 =	vpop (erf)  }
0x16b: {  	v12 =	vadd.f32 v53, v27;
	v60 =	vld [tilespmem:s1+$0x40];
	v35 =	vmul.f32 v21, v15;
	v30 =	vmul.f32 v58, v30  }
0x16c: {  	s18 =	simm.s32 $0x1A440;
	v15 =	vld [tilespmem:s1+$0x50];
	v14 =	vbroadcast v18, $0xF;
	v31 =	vmul.f32 v58, v31  }
0x16d: {  	v36 =	vadd.f32 v52, v26;
	v61 =	vmul.f32 $2.000000030e-01, v12;
	v20 =	vld [tilespmem:s23+$0x40];
	[tilespmem:s18+$0x80] =	vst v30  }
0x16e: {  	v39 =	vadd.f32 v55, v17;
	v18 =	vld [tilespmem:s23+$0x50];
	(erf) = vpow2.f32 v14;
	[tilespmem:s18+$0x90] =	vst v31  }
0x16f: {  	v44 =	vmul.f32 v22, v11;
	v59 =	vmul.f32 $2.000000030e-01, v36;
	v12 =	vmax.f32 v12, v61;
	[tilespmem:v57+s21+$0x0] =	vst.idx.add.f32.msk $0x1, v58  }
0x170: {  	v41 =	vadd.f32 v56, v16;
	v0 =	vmul.f32 $2.000000030e-01, v39;
	v50 =	vmul.f32 v12, v4;
	v30, _, _ =	vpop (xrf2);
	v56 =	vld [tilespmem:s19+$0xA0]  }
0x171: {  	s8 =	sadd.s32 $0x82, s0;
	s4 =	spop (v2sf);
	v14 =	vmul.f32 v21, v13;
	v13 =	vmax.f32 v36, v59;
	v62 =	vmul.f32 $1.442695020e+00, v30;
	v30 =	vld [tilespmem:s20+$0xA0]  }
0x172: {  	v45 =	vmov s8;
	v1 =	vmul.f32 $2.000000030e-01, v41;
	v13 =	vmul.f32 v13, v3;
	v31 =	vld [tilespmem:s20+$0xB0];
	s6 =	spop (v2sf);
	v54 =	vpop (erf)  }
0x173: {  	v59 =	vld [tilespmem:s19+$0xB0];
	v42 =	vbroadcast v62, $0xF;
	s16 =	spop (v2sf);
	v55, _, _ =	vpop (xrf2);
	v34 =	vmul.f32 v54, v34  }
0x174: {  	v61 =	vmax.f32 v41, v1;
	s2 =	sshll.u32 s16, $0x3;
	v57 =	vmul.f32 $1.442695020e+00, v55;
	v58 =	vmul.f32 v54, v24  }
0x175: {  	s8 =	simm.s32 $0x400;
	v40 =	vadd.f32 v60, v20;
	v60 =	vmax.f32 v39, v0;
	v51 =	vadd.f32 v15, v18;
	v24 =	vld [tilespmem:s12+$0xFFFFFF60];
	s2 =	sand.u32 $0x78, s2;
	[tilespmem:s17+$0xC0] =	vst v34  }
0x176: {  	(erf) = vpow2.f32 v42;
	v48 =	vadd.f32 v56, v30;
	v56 =	vld [tilespmem:s11+$0xFFFFFF60];
	s2 =	sor.u32 s2, s8;
	v15 =	vbroadcast v57, $0xF;
	[tilespmem:s17+$0xD0] =	vst v58  }
0x177: {  	v13 =	vadd.f32 v50, v13;
	v12 =	vmul.f32 $2.000000030e-01, v40;
	v1 =	vpop (erf);
	v0 =	vmov s2;
	[tilespmem:v45+s21+$0x0] =	vst.idx.add.f32.msk $0x1, v54  }
0x178: {  	v49 =	vadd.f32 v59, v31;
	v29 =	vmul.f32 v1, v29;
	(erf) = vpow2.f32 v15;
	v15 =	vld [tilespmem:s23+$0xE0]  }
0x179: {  	v62 =	vmul.f32 $2.000000030e-01, v51;
	v40 =	vmax.f32 v40, v12;
	v33 =	vmul.f32 v1, v33;
	v12 =	vld [tilespmem:s23+$0xF0]  }
0x17a: {  	(xrf2) =	vadd.scan.msk.f32 $0xffff, v13;
	v34 =	vmul.f32 v60, v3;
	v55 =	vmul.f32 $2.000000030e-01, v49;
	v52 =	vld [tilespmem:s1+$0xE0];
	[tilespmem:s18+$0xFFFFFF00] =	vst v29  }
0x17b: {  	s4 =	sshll.u32 s4, $0x3;
	v39 =	vmax.f32 v51, v62;
	s16 =	sor.u32 $0x2, s24;
	v54 =	vmul.f32 $2.000000030e-01, v48;
	v53 =	vld [tilespmem:s1+$0xF0];
	v29 =	vmul.f32 v61, v4;
	[tilespmem:s18+$0xFFFFFF10] =	vst v33  }
0x17c: {  	s4 =	sand.u32 $0x78, s4;
	v40 =	vmul.f32 v40, v3;
	v58 =	vmax.f32 v49, v55;
	v49 =	vmov s16;
	[tilespmem:v0+s21+$0x0] =	vst.idx.add.f32.msk $0x1, v1  }
0x17d: {  	s4 =	sor.u32 s4, s8;
	v39 =	vmul.f32 v39, v4;
	v57 =	vmax.f32 v48, v54;
	v29 =	vadd.f32 v29, v34;
	v13 =	vld [tilespmem:s20+$0xFFFFFF20]  }
0x17e: {  	s8 =	sadd.s32 $0x80, s4;
	v42 =	vmul.f32 v58, v2;
	v34 =	vmul.f32 v57, v7;
	v11 =	vld [tilespmem:s20+$0xFFFFFF30]  }
0x17f: {  	[tilespmem:s10+$0x50] =	vst v35;
	v59 =	vmov s8;
	v39 =	vadd.f32 v39, v40;
	v60 =	vpop (erf);
	(xrf2) =	vadd.scan.msk.f32 $0xffff, v29;
	v61 =	vld [tilespmem:s19+$0xFFFFFF20]  }
0x180: {  	[tilespmem:s10+$0x40] =	vst v14;
	v36 =	vadd.f32 v52, v15;
	v34 =	vadd.f32 v42, v34;
	v0 =	vld [tilespmem:s19+$0xFFFFFF30];
	v25 =	vmul.f32 v60, v25  }
0x181: {  	s6 =	sshll.u32 s6, $0x3;
	v33 =	vadd.f32 v53, v12;
	[tilespmem:v49+s21+$0x0] =	vst.idx.add.f32.msk $0x1, v21;
	v28 =	vmul.f32 v60, v28  }
0x182: {  	s6 =	sand.u32 $0x78, s6;
	v1 =	vadd.f32 v56, v24;
	v29 =	vld [tilespmem:s12+$0xFFFFFF70];
	(xrf2) =	vadd.scan.msk.f32 $0xffff, v39;
	[tilespmem:s18+$0xFFFFFF80] =	vst v25  }
0x183: {  	s5 =	sor.u32 s6, s5;
	v53 =	vld [tilespmem:s11+$0xFFFFFF70];
	v52 =	vmul.f32 $2.000000030e-01, v36;
	(xrf2) =	vadd.scan.msk.f32 $0xffff, v34;
	v54 =	vmul.f32 $2.000000030e-01, v33;
	[tilespmem:s18+$0xFFFFFF90] =	vst v28  }
0x184: {  	v62 =	vmov s5;
	v55 =	vmul.f32 $2.000000030e-01, v1;
	[tilespmem:v59+s21+$0x0] =	vst.idx.add.f32.msk $0x1, v60;
	v25 =	vpop (erf)  }
0x185: {  	v57, _, _ =	vpop (xrf2);
	v28 =	vmax.f32 v36, v52;
	v33 =	vmax.f32 v33, v54;
	v36 =	vld [tilespmem:s20+$0xFFFFFFA0];
	v23 =	vmul.f32 v25, v23  }
0x186: {  	v60 =	vmul.f32 $1.442695020e+00, v57;
	v58 =	vadd.f32 v0, v11;
	v0 =	vld [tilespmem:s19+$0xFFFFFFA0];
	v32 =	vmul.f32 v25, v32  }
0x187: {  	v10 =	vmul.f32 v22, v10;
	v56 =	vadd.f32 v61, v13;
	v33 =	vmul.f32 v33, v9;
	v50 =	vld [tilespmem:s19+$0xFFFFFFB0];
	[tilespmem:s18+$0x0] =	vst v23  }
0x188: {  	s8 =	sadd.s32 $0x82, s13;
	v59 =	vmax.f32 v1, v55;
	v1 =	vbroadcast v60, $0xF;
	v23 =	vmul.f32 v28, v6;
	v28 =	vld [tilespmem:s20+$0xFFFFFFB0];
	[tilespmem:s18+$0x10] =	vst v32  }
0x189: {  	v34 =	vmov s8;
	v61 =	vmul.f32 $2.000000030e-01, v56;
	v32 =	vmul.f32 v59, v6;
	[tilespmem:v62+s21+$0x0] =	vst.idx.add.f32.msk $0x1, v25;
	v48, _, _ =	vpop (xrf2)  }
0x18a: {  	(erf) = vpow2.f32 v1;
	v25 =	vadd.f32 v53, v29;
	v39 =	vld [tilespmem:s20+$0x20];
	v51 =	vmul.f32 $1.442695020e+00, v48  }
0x18b: {  	v62 =	vmul.f32 $2.000000030e-01, v58;
	v40 =	vmax.f32 v56, v61;
	v23 =	vadd.f32 v33, v23;
	v54 =	vld [tilespmem:s19+$0x20]  }
0x18c: {  	v52 =	vmul.f32 v40, v7;
	v14 =	vld [tilespmem:s20+$0x30];
	v53, _, _ =	vpop (xrf2);
	v45 =	vbroadcast v51, $0xF  }
0x18d: {  	s29 =	sadd.s32 $0x83, s29;
	v57 =	vld [tilespmem:s19+$0x30];
	v33 =	vmax.f32 v58, v62;
	v58 =	vadd.f32 v0, v36;
	(xrf2) =	vadd.scan.msk.f32 $0xffff, v23;
	v23 =	vmul.f32 $2.000000030e-01, v25;
	v56, _, _ =	vpop (xrf2)  }
0x18e: {  	[tilespmem:s10+$0xFFFFFFC0] =	vst v37;
	v55 =	vmov s29;
	v37 =	vmul.f32 $1.442695020e+00, v56;
	(erf) = vpow2.f32 v45;
	v45 =	vld [tilespmem:s12+$0x60]  }
0x18f: {  	[tilespmem:s10+$0xFFFFFFD0] =	vst v38;
	v33 =	vmul.f32 v33, v2;
	v47 =	vadd.f32 v50, v28;
	v60 =	vmul.f32 $2.000000030e-01, v58  }
0x190: {  	[tilespmem:v34+s21+$0x0] =	vst.idx.add.f32.msk $0x1, v19;
	v23 =	vmax.f32 v25, v23;
	v25 =	vmul.f32 $1.442695020e+00, v53;
	v21 =	vbroadcast v37, $0xF  }
0x191: {  	v19 =	vadd.f32 v33, v52;
	v59 =	vmul.f32 v23, v9;
	v61 =	vadd.f32 v54, v39  }
0x192: {  	[tilespmem:s10+$0xE0] =	vst v10;
	v23 =	vld [tilespmem:s12+$0xFFFFFFF0];
	v62 =	vmul.f32 $2.000000030e-01, v47;
	v10 =	vmax.f32 v58, v60;
	(erf) = vpow2.f32 v21  }
0x193: {  	s8 =	sor.u32 $0x2, s3;
	v49 =	vadd.f32 v57, v14;
	v48 =	vbroadcast v25, $0xF;
	v25 =	vld [tilespmem:s12+$0xFFFFFFE0];
	v10 =	vmul.f32 v10, v7;
	v54 =	vpop (erf);
	[tilespmem:$0x1FF40] =	vst v45  }
0x194: {  	v52 =	vmov s8;
	(xrf2) =	vadd.scan.msk.f32 $0xffff, v19;
	v50 =	vmul.f32 $2.000000030e-01, v61;
	v26 =	vmul.f32 v54, v26;
	v1 =	vld [tilespmem:s12+$0x70]  }
0x195: {  	v34 =	vmax.f32 v47, v62;
	v51 =	vmul.f32 $2.000000030e-01, v49;
	v27 =	vmul.f32 v54, v27;
	[tilespmem:s10+$0xF0] =	vst v44;
	v53 =	vld [tilespmem:s11+$0xFFFFFFE0]  }
0x196: {  	v32 =	vadd.f32 v59, v32;
	v34 =	vmul.f32 v34, v2;
	v35 =	vmax.f32 v61, v50;
	v57 =	vld [tilespmem:s11+$0x60];
	[tilespmem:s17+$0xFFFFFF40] =	vst v26  }
0x197: {  	v56 =	vmax.f32 v49, v51;
	v35 =	vmul.f32 v35, v7;
	v59 =	vld [tilespmem:s11+$0x70];
	s12 =	sor.u32 $0x3, s28;
	[tilespmem:s17+$0xFFFFFF50] =	vst v27  }
0x198: {  	v10 =	vadd.f32 v34, v10;
	v58 =	vmul.f32 v56, v2;
	[tilespmem:v55+s21+$0x0] =	vst.idx.add.f32.msk $0x1, v22;
	v8 =	vmov s12  }
0x199: {  	(xrf2) =	vadd.scan.msk.f32 $0xffff, v32;
	v22, _, _ =	vpop (xrf2);
	v55 =	vld [tilespmem:s11+$0xFFFFFFF0];
	[tilespmem:$0x1FF50] =	vst v8  }
0x19a: {  	s16 =	sadd.s32 $0x81, s31;
	(xrf2) =	vadd.scan.msk.f32 $0xffff, v10;
	v10 =	vadd.f32 v58, v35;
	s12 =	simm.s32 $0x15640;
	v22 =	vmul.f32 $1.442695020e+00, v22;
	v32 =	vpop (erf);
	[tilespmem:v52+s21+$0x0] =	vst.idx.add.f32.msk $0x1, v54  }
0x19b: {  	v26 =	vmov s16;
	v50 =	vld [tilespmem:s12+$0x80];
	v27 =	vpop (erf)  }
0x19c: {  	s11 =	simm.s32 $0x17E40;
	(xrf2) =	vadd.scan.msk.f32 $0xffff, v10;
	v49 =	vld [tilespmem:s12+$0x90];
	v60 =	vbroadcast v22, $0xF;
	v10 =	vmul.f32 v27, v30  }
0x19d: {  	(erf) = vpow2.f32 v48;
	v58 =	vld [tilespmem:s11+$0x90];
	v61 =	vadd.f32 v53, v25;
	v53 =	vmul.f32 v27, v31  }
0x19e: {  	v56 =	vld [tilespmem:s11+$0x80];
	v47, _, _ =	vpop (xrf2);
	v37 =	vadd.f32 v59, v1;
	(erf) = vpow2.f32 v60;
	v62 =	vadd.f32 v55, v23;
	[tilespmem:s18+$0xA0] =	vst v10  }
0x19f: {  	v38 =	vld [tilespmem:s12+$0xFFFFFF10];
	v30 =	vadd.f32 v57, v45;
	v52 =	vmul.f32 $1.442695020e+00, v47;
	v54 =	vmul.f32 $2.000000030e-01, v61;
	[tilespmem:s18+$0xB0] =	vst v53  }
0x1a0: {  	v59 =	vmul.f32 $2.000000030e-01, v37;
	v55 =	vmul.f32 $2.000000030e-01, v62;
	[tilespmem:v26+s21+$0x0] =	vst.idx.add.f32.msk $0x1, v27  }
0x1a1: {  	v57 =	vmul.f32 $2.000000030e-01, v30;
	v33 =	vbroadcast v52, $0xF;
	v42 =	vld [tilespmem:s20+$0xC0]  }
0x1a2: {  	v45 =	vadd.f32 v58, v49;
	v34 =	vmax.f32 v61, v54;
	v61 =	vmax.f32 v37, v59;
	v43 =	vld [tilespmem:s20+$0xD0]  }
0x1a3: {  	(erf) = vpow2.f32 v33;
	v60 =	vmax.f32 v62, v55;
	v30 =	vmax.f32 v30, v57;
	v0 =	vld [tilespmem:s19+$0xC0]  }
0x1a4: {  	v34 =	vmul.f32 v34, v6;
	v62 =	vadd.f32 v56, v50;
	v56 =	vld [tilespmem:s19+$0xD0];
	v33 =	vmul.f32 v60, v9  }
0x1a5: {  	v35 =	vmul.f32 v61, v9;
	v37 =	vmul.f32 v30, v6;
	v60 =	vld [tilespmem:s11+$0xFFFFFF00]  }
0x1a6: {  	v27, _, _ =	vpop (xrf2);
	v52 =	vmul.f32 $2.000000030e-01, v45;
	v57 =	vmul.f32 $2.000000030e-01, v62;
	v33 =	vadd.f32 v33, v34;
	v34 =	vld [tilespmem:s12+$0xFFFFFF00]  }
0x1a7: {  	s28 =	sadd.s32 $0x83, s13;
	v17 =	vmul.f32 v32, v17;
	v26 =	vpop (erf);
	v27 =	vmul.f32 $1.442695020e+00, v27;
	v37 =	vadd.f32 v35, v37;
	v35 =	vld [tilespmem:s12+$0xFFFFFF80]  }
0x1a8: {  	s29 =	sor.u32 $0x3, s24;
	v31 =	vmov s28;
	v61 =	vmax.f32 v45, v52;
	v30, _, _ =	vpop (xrf2);
	v40 =	vmax.f32 v62, v57;
	v62 =	vld [tilespmem:s11+$0xFFFFFF10]  }
0x1a9: {  	s24 =	simm.s32 $0x14E4E;
	v10 =	vmov s29;
	v27 =	vbroadcast v27, $0xF;
	v52 =	vmul.f32 v61, v5;
	v59, _, _ =	vpop (xrf2);
	(xrf2) =	vadd.scan.msk.f32 $0xffff, v33;
	v33 =	vld [tilespmem:s12+$0xFFFFFF90]  }
0x1aa: {  	s0 =	sadd.s32 $0x83, s0;
	v55 =	vmul.f32 $1.442695020e+00, v30;
	v44 =	vpop (erf);
	v48 =	vmul.f32 $1.442695020e+00, v59;
	v41 =	vadd.f32 v0, v42;
	v0 =	vld [tilespmem:s24+$0x1]  }
0x1ab: {  	v57 =	vmov s0;
	v40 =	vmul.f32 v40, v63;
	v59 =	vld [tilespmem:s24+$0xFFFFFFFF];
	v15 =	vmul.f32 v44, v15  }
0x1ac: {  	v46 =	vadd.f32 v56, v43;
	v58 =	vbroadcast v55, $0xF;
	v12 =	vmul.f32 v44, v12;
	v55 =	vld [tilespmem:s11+$0xFFFFFF80]  }
0x1ad: {  	s29 =	sadd.s32 $0x81, s4;
	(xrf2) =	vadd.scan.msk.f32 $0xffff, v37;
	v37 =	vld [tilespmem:s12+$0x0];
	v48 =	vbroadcast v48, $0xF;
	v40 =	vadd.f32 v52, v40;
	v61 =	vmul.f32 $2.000000030e-01, v41  }
0x1ae: {  	v56 =	vmov s29;
	v54 =	vmul.f32 $2.000000030e-01, v46;
	(erf) = vpow2.f32 v58;
	[tilespmem:s17+$0xE0] =	vst v15;
	v15 =	vld [tilespmem:s11+$0x10]  }
0x1af: {  	v47 =	vadd.f32 v60, v34;
	(erf) = vpow2.f32 v48;
	v53 =	vpop (erf);
	(xrf2) =	vadd.scan.msk.f32 $0xffff, v40;
	v40 =	vld [tilespmem:s11+$0xFFFFFF90];
	v41 =	vmax.f32 v41, v61  }
0x1b0: {  	v46 =	vmax.f32 v46, v54;
	v54 =	vld [tilespmem:s11+$0x0];
	v13 =	vmul.f32 v53, v13;
	v11 =	vmul.f32 v53, v11  }
0x1b1: {  	s28 =	sor.u32 $0x1, s2;
	v45 =	vadd.f32 v62, v38;
	v61 =	vld [tilespmem:s24+$0x0];
	v41 =	vmul.f32 v41, v3;
	v46 =	vmul.f32 v46, v4  }
0x1b2: {  	v52 =	vmov s28;
	v48 =	vld [tilespmem:s12+$0x10];
	(erf) = vpow2.f32 v27;
	v58 =	vmul.f32 $2.000000030e-01, v47  }
0x1b3: {  	(v2sf) =	vpush v0, $0x0;
	v60 =	vmul.f32 $2.000000030e-01, v45;
	v55 =	vadd.f32 v55, v35  }
0x1b4: {  	v62 =	vld [tilespmem:s24+$0xFFFFFFFE];
	(v2sf) =	vpush v59, $0x0;
	v41 =	vadd.f32 v46, v41;
	v47 =	vmax.f32 v47, v58  }
0x1b5: {  	[tilespmem:s17+$0xF0] =	vst v12;
	v47 =	vmul.f32 v47, v63;
	v45 =	vmax.f32 v45, v60;
	v12 =	vmul.f32 $2.000000030e-01, v55  }
0x1b6: {  	[tilespmem:s18+$0xFFFFFF20] =	vst v13;
	v0 =	vmul.f32 v45, v5;
	v40 =	vadd.f32 v40, v33;
	(v2sf) =	vpush v61, $0x0  }
0x1b7: {  	v13 =	vadd.f32 v54, v37;
	v15 =	vadd.f32 v15, v48;
	v27, _, _ =	vpop (xrf2);
	(xrf2) =	vadd.scan.msk.f32 $0xffff, v41;
	v12 =	vmax.f32 v55, v12  }
0x1b8: {  	[tilespmem:v57+s21+$0x0] =	vst.idx.add.f32.msk $0x1, v44;
	v27 =	vmul.f32 $1.442695020e+00, v27;
	v41 =	vadd.f32 v0, v47;
	v57 =	vmul.f32 $2.000000030e-01, v40;
	v46 =	vpop (erf)  }
0x1b9: {  	[tilespmem:s18+$0xFFFFFF30] =	vst v11;
	(v2sf) =	vpush v62, $0x0;
	v44, _, _ =	vpop (xrf2);
	v11 =	vmul.f32 v12, v63;
	v36 =	vmul.f32 v46, v36  }
0x1ba: {  	s3 =	sor.u32 $0x3, s3;
	v62 =	vmul.f32 $2.000000030e-01, v13;
	v58 =	vmul.f32 $2.000000030e-01, v15;
	(xrf2) =	vadd.scan.msk.f32 $0xffff, v41;
	v61 =	vmax.f32 v40, v57;
	v59, _, _ =	vpop (xrf2)  }
0x1bb: {  	v55 =	vmov s3;
	v47 =	vmul.f32 v61, v5;
	v60 =	vmul.f32 $1.442695020e+00, v59;
	[tilespmem:s18+$0xFFFFFFA0] =	vst v36  }
0x1bc: {  	v28 =	vmul.f32 v46, v28;
	v45 =	vpop (erf);
	v13 =	vmax.f32 v13, v62;
	v15 =	vmax.f32 v15, v58;
	[tilespmem:$0x1FF00] =	vst v55  }
0x1bd: {  	s6 =	sor.u32 $0x1, s5;
	v39 =	vmul.f32 v45, v39;
	v11 =	vadd.f32 v47, v11;
	[tilespmem:v52+s21+$0x0] =	vst.idx.add.f32.msk $0x1, v53;
	v41 =	vbroadcast v60, $0xF  }
0x1be: {  	s8 =	sadd.s32 $0x83, s7;
	v57 =	vmov s6;
	v13 =	vmul.f32 v13, v63;
	v15 =	vmul.f32 v15, v5;
	[tilespmem:s18+$0xFFFFFFB0] =	vst v28  }
0x1bf: {  	s13 =	sadd.s32 $0x82, s7;
	v59 =	vmov s8;
	[tilespmem:v56+s21+$0x0] =	vst.idx.add.f32.msk $0x1, v46;
	(xrf2) =	vadd.scan.msk.f32 $0xffff, v11;
	(erf) = vpow2.f32 v41  }
0x1c0: {  	v51 =	vmov s13;
	s13 =	sor.u32 $0x3, s9;
	v27 =	vbroadcast v27, $0xF;
	v60 =	vmul.f32 $1.442695020e+00, v44;
	v36 =	vld [tilespmem:s20+$0xFFFFFF40];
	[tilespmem:$0x1FF10] =	vst v59  }
0x1c1: {  	s16 =	sor.u32 $0x2, s9;
	v58 =	vadd.f32 v15, v13;
	v28 =	vmul.f32 v45, v14;
	v56 =	vmov s13;
	[tilespmem:s18+$0x20] =	vst v39;
	v61, _, _ =	vpop (xrf2);
	v46 =	vld [tilespmem:s19+$0xFFFFFF40]  }
0x1c2: {  	v30 =	vmov s16;
	v41 =	vbroadcast v60, $0xF;
	v40 =	vld [tilespmem:s20+$0xFFFFFF50];
	v62 =	vmul.f32 $1.442695020e+00, v61;
	[tilespmem:$0x1FF20] =	vst v56  }
0x1c3: {  	s16 =	sor.u32 $0x2, s2;
	s2 =	sor.u32 $0x3, s2;
	v47 =	vpop (erf);
	(xrf2) =	vadd.scan.msk.f32 $0xffff, v58;
	v58 =	vmul.f32 v26, v18;
	(erf) = vpow2.f32 v27;
	[tilespmem:s18+$0x30] =	vst v28;
	v53 =	vld [tilespmem:s19+$0xFFFFFF50]  }
0x1c4: {  	v59 =	vmov s2;
	s28 =	spop (v2sf);
	(erf) = vpow2.f32 v41;
	[tilespmem:v57+s21+$0x0] =	vst.idx.add.f32.msk $0x1, v45;
	v57 =	vbroadcast v62, $0xF;
	v60, _, _ =	vpop (xrf2)  }
0x1c5: {  	s0 =	sshll.u32 s28, $0x3;
	v56 =	vmul.f32 v47, v24;
	v44 =	vld [tilespmem:s20+$0xFFFFFFC0];
	[tilespmem:$0x1FF30] =	vst v59;
	v61 =	vmul.f32 $1.442695020e+00, v60  }
0x1c6: {  	s3 =	simm.s32 $0x700;
	s0 =	sand.u32 $0x78, s0;
	v45 =	vld [tilespmem:s20+$0xFFFFFFD0];
	(erf) = vpow2.f32 v57;
	v57 =	vmul.f32 v26, v20;
	v20 =	vadd.f32 v46, v36  }
0x1c7: {  	v24 =	vmul.f32 v47, v29;
	s13 =	sor.u32 s0, s3;
	v54 =	vld [tilespmem:s19+$0xFFFFFFC0];
	[tilespmem:s17+$0xFFFFFFC0] =	vst v17;
	v17 =	vbroadcast v61, $0xF  }
0x1c8: {  	v62 =	vmul.f32 v32, v16;
	s0 =	sadd.s32 $0x80, s13;
	v59 =	vld [tilespmem:s19+$0xFFFFFFD0];
	v55 =	vmul.f32 $2.000000030e-01, v20;
	v52 =	vpop (erf)  }
0x1c9: {  	v41 =	vld [tilespmem:s20+$0x40];
	v18 =	vmov s0;
	(erf) = vpow2.f32 v17;
	v0, _, _ =	vpop (xrf2);
	v17 =	vmul.f32 v52, v49  }
0x1ca: {  	s24 =	sadd.s32 $0x82, s4;
	[tilespmem:s17+$0xFFFFFFD0] =	vst v62;
	v29 =	vld [tilespmem:s19+$0x40];
	v53 =	vadd.f32 v53, v40;
	v50 =	vmul.f32 v52, v50;
	v0 =	vmul.f32 $1.442695020e+00, v0  }
0x1cb: {  	v28 =	vmov s24;
	s24 =	simm.s32 $0x1A640;
	[tilespmem:v51+s21+$0x0] =	vst.idx.add.f32.msk $0x1, v32  }
0x1cc: {  	s28 =	sadd.s32 $0x82, s31;
	v46 =	vld [tilespmem:s20+$0x50];
	v61 =	vmul.f32 $2.000000030e-01, v53;
	v20 =	vmax.f32 v20, v55;
	v49 =	vpop (erf);
	v54 =	vadd.f32 v54, v44;
	[tilespmem:s24+$0x80] =	vst v50  }
0x1cd: {  	v51 =	vmov s28;
	v55 =	vld [tilespmem:s19+$0x50];
	v20 =	vmul.f32 v20, v3;
	[tilespmem:s24+$0x90] =	vst v17;
	v17 =	vpop (erf)  }
0x1ce: {  	v61 =	vmax.f32 v53, v61;
	[tilespmem:v18+s21+$0x0] =	vst.idx.add.f32.msk $0x1, v52;
	v18 =	vmul.f32 $2.000000030e-01, v54;
	v52 =	vbroadcast v0, $0xF;
	v0, _, _ =	vpop (xrf2)  }
0x1cf: {  	s6 =	spop (v2sf);
	v29 =	vadd.f32 v29, v41;
	v61 =	vmul.f32 v61, v4;
	v50 =	vld [tilespmem:s12+$0xA0];
	v60 =	vpop (erf);
	v0 =	vmul.f32 $1.442695020e+00, v0  }
0x1d0: {  	s8 =	spop (v2sf);
	v59 =	vadd.f32 v59, v45;
	v53 =	vld [tilespmem:s12+$0xB0];
	(erf) = vpow2.f32 v52;
	v42 =	vmul.f32 v60, v42  }
0x1d1: {  	v39 =	vmov s16;
	s16 =	spop (v2sf);
	v19 =	vld [tilespmem:s11+$0xA0];
	v52 =	vmul.f32 $2.000000030e-01, v29;
	v43 =	vmul.f32 v60, v43  }
0x1d2: {  	v8 =	vmov v63;
	s2 =	sshll.u32 s16, $0x3;
	v63 =	vmul.f32 $2.000000030e-01, v59;
	v55 =	vadd.f32 v55, v46;
	[tilespmem:s18+$0xC0] =	vst v42;
	v42 =	vld [tilespmem:s11+$0xB0]  }
0x1d3: {  	s7 =	simm.s32 $0x600;
	s2 =	sand.u32 $0x78, s2;
	v54 =	vmax.f32 v54, v18;
	v18 =	vld [tilespmem:s23+$0xFFFFFF60];
	v20 =	vadd.f32 v61, v20;
	v29 =	vmax.f32 v29, v52;
	[tilespmem:s18+$0xD0] =	vst v43  }
0x1d4: {  	s2 =	sor.u32 s2, s7;
	v52 =	vmul.f32 v54, v3;
	v43 =	vmax.f32 v59, v63;
	[tilespmem:v51+s21+$0x0] =	vst.idx.add.f32.msk $0x1, v60  }
0x1d5: {  	v63 =	vmul.f32 $2.000000030e-01, v55;
	v59 =	vbroadcast v0, $0xF;
	v0 =	vpop (erf);
	v51 =	vmov s2;
	v60 =	vld [tilespmem:s20+$0xE0]  }
0x1d6: {  	v29 =	vmul.f32 v29, v3;
	v19 =	vadd.f32 v19, v50;
	v34 =	vmul.f32 v0, v34;
	v54 =	vld [tilespmem:s19+$0xE0]  }
0x1d7: {  	v61 =	vld [tilespmem:s1+$0xFFFFFF60];
	(xrf2) =	vadd.scan.msk.f32 $0xffff, v20;
	(erf) = vpow2.f32 v59;
	v38 =	vmul.f32 v0, v38;
	v42 =	vadd.f32 v42, v53  }
0x1d8: {  	v59 =	vld [tilespmem:s20+$0xF0];
	v55 =	vmax.f32 v55, v63;
	v20 =	vmul.f32 $2.000000030e-01, v19;
	[tilespmem:s24+$0xFFFFFF00] =	vst v34;
	v34 =	vmul.f32 v43, v4  }
0x1d9: {  	s4 =	sadd.s32 $0x83, s4;
	s9 =	sshll.u32 s6, $0x3;
	v55 =	vmul.f32 v55, v4;
	v43 =	vld [tilespmem:s19+$0xF0];
	[tilespmem:s24+$0xFFFFFF10] =	vst v38;
	v38 =	vmul.f32 $2.000000030e-01, v42  }
0x1da: {  	v14 =	vmov s4;
	s0 =	sand.u32 $0x78, s9;
	v19 =	vmax.f32 v19, v20;
	[tilespmem:v51+s21+$0x0] =	vst.idx.add.f32.msk $0x1, v0;
	v0 =	vadd.f32 v34, v52  }
0x1db: {  	s29 =	sor.u32 $0x2, s5;
	s0 =	sor.u32 s0, s7;
	v29 =	vadd.f32 v55, v29;
	v51 =	vld [tilespmem:s12+$0xFFFFFF20];
	v54 =	vadd.f32 v54, v60;
	v20 =	vmax.f32 v42, v38  }
0x1dc: {  	v27 =	vmov s29;
	s4 =	sshll.u32 s8, $0x3;
	s29 =	sadd.s32 $0x80, s0;
	v52 =	vld [tilespmem:s12+$0xFFFFFF30];
	(xrf2) =	vadd.scan.msk.f32 $0xffff, v0;
	v0 =	vmul.f32 v19, v7;
	v19 =	vmul.f32 v20, v2  }
0x1dd: {  	s4 =	sand.u32 $0x78, s4;
	v62 =	vmov s29;
	v55 =	vadd.f32 v61, v18;
	v61 =	vld [tilespmem:s11+$0xFFFFFF30];
	(xrf2) =	vadd.scan.msk.f32 $0xffff, v29;
	v29 =	vmul.f32 $2.000000030e-01, v54;
	v38 =	vpop (erf)  }
0x1de: {  	s3 =	sor.u32 s4, s3;
	v42 =	vld [tilespmem:s11+$0xFFFFFF20];
	v43 =	vadd.f32 v43, v59;
	v35 =	vmul.f32 v38, v35;
	v0 =	vadd.f32 v19, v0  }
0x1df: {  	v63 =	vmov s3;
	v54 =	vmax.f32 v54, v29;
	v33 =	vmul.f32 v38, v33  }
0x1e0: {  	[tilespmem:s24+$0xFFFFFF80] =	vst v35;
	v19 =	vpop (erf);
	v35 =	vmul.f32 $2.000000030e-01, v43;
	(xrf2) =	vadd.scan.msk.f32 $0xffff, v0;
	v0 =	vmul.f32 v54, v6  }
0x1e1: {  	[tilespmem:s24+$0xFFFFFF90] =	vst v33;
	v54 =	vmul.f32 v49, v25;
	v37 =	vmul.f32 v19, v37  }
0x1e2: {  	v25 =	vmul.f32 $2.000000030e-01, v55;
	v48 =	vmul.f32 v19, v48;
	[tilespmem:v62+s21+$0x0] =	vst.idx.add.f32.msk $0x1, v38  }
0x1e3: {  	v21 =	vld [tilespmem:s1+$0xFFFFFF70];
	v29 =	vmax.f32 v43, v35;
	v35 =	vadd.f32 v42, v51;
	v43 =	vadd.f32 v61, v52;
	[tilespmem:s24+$0x0] =	vst v37  }
0x1e4: {  	v20 =	vld [tilespmem:s23+$0xFFFFFF70];
	[tilespmem:s24+$0x10] =	vst v48  }
0x1e5: {  	v62, _, _ =	vpop (xrf2);
	v48 =	vmul.f32 $2.000000030e-01, v35;
	[tilespmem:v63+s21+$0x0] =	vst.idx.add.f32.msk $0x1, v19;
	v19 =	vmax.f32 v55, v25;
	v25 =	vmul.f32 $2.000000030e-01, v43  }
0x1e6: {  	v42 =	vmul.f32 $1.442695020e+00, v62  }
0x1e7: {  	v29 =	vmul.f32 v29, v9;
	v37 =	vld [tilespmem:s12+$0xFFFFFFB0];
	v35 =	vmax.f32 v35, v48;
	v25 =	vmax.f32 v43, v25  }
0x1e8: {  	v48 =	vld [tilespmem:s11+$0xFFFFFFB0];
	v35 =	vmul.f32 v35, v7;
	v25 =	vmul.f32 v25, v2  }
0x1e9: {  	[tilespmem:s17+$0x50] =	vst v58;
	v21 =	vadd.f32 v21, v20;
	v61 =	vbroadcast v42, $0xF;
	v42 =	vld [tilespmem:s12+$0x30]  }
0x1ea: {  	[tilespmem:s17+$0x40] =	vst v57;
	v0 =	vadd.f32 v29, v0;
	v25 =	vadd.f32 v25, v35;
	v35 =	vld [tilespmem:s11+$0x30]  }
0x1eb: {  	[tilespmem:v30+s21+$0x0] =	vst.idx.add.f32.msk $0x1, v26  }
0x1ec: {  	v38 =	vld [tilespmem:s12+$0xFFFFFFA0];
	v62 =	vmul.f32 $2.000000030e-01, v21;
	v29, _, _ =	vpop (xrf2);
	(xrf2) =	vadd.scan.msk.f32 $0xffff, v0  }
0x1ed: {  	v57 =	vmul.f32 v49, v23;
	v55 =	vld [tilespmem:s11+$0xFFFFFFA0];
	v23, _, _ =	vpop (xrf2);
	v48 =	vadd.f32 v48, v37  }
0x1ee: {  	v21 =	vmax.f32 v21, v62;
	v62 =	vld [tilespmem:s11+$0x20];
	(erf) = vpow2.f32 v61;
	v0 =	vmul.f32 $1.442695020e+00, v29;
	v63, _, _ =	vpop (xrf2)  }
0x1ef: {  	v11 =	vld [tilespmem:$0x1FF40];
	[tilespmem:s10+$0xFFFFFF60] =	vst v56;
	v61 =	vmul.f32 $1.442695020e+00, v63;
	v63 =	vmul.f32 $2.000000030e-01, v48;
	v35 =	vadd.f32 v35, v42  }
0x1f0: {  	v19 =	vmul.f32 v19, v6;
	[tilespmem:s10+$0xFFFFFF70] =	vst v24;
	v43 =	vld [tilespmem:s12+$0x20];
	v23 =	vmul.f32 $1.442695020e+00, v23  }
0x1f1: {  	[tilespmem:s10+$0xFFFFFFE0] =	vst v54;
	v0 =	vbroadcast v0, $0xF;
	v48 =	vmax.f32 v48, v63;
	v63 =	vmul.f32 $2.000000030e-01, v35  }
0x1f2: {  	[tilespmem:s10+$0xFFFFFFF0] =	vst v57;
	v21 =	vmul.f32 v21, v9;
	v58 =	vbroadcast v23, $0xF  }
0x1f3: {  	v26 =	vld [tilespmem:s23+$0xFFFFFFE0];
	(xrf2) =	vadd.scan.msk.f32 $0xffff, v25;
	(erf) = vpow2.f32 v0;
	v0 =	vbroadcast v61, $0xF;
	v35 =	vmax.f32 v35, v63  }
0x1f4: {  	v55 =	vadd.f32 v55, v38;
	v63 =	vmul.f32 v35, v2;
	v35 =	vld [tilespmem:$0x1FF50]  }
0x1f5: {  	v22 =	vadd.f32 v21, v19;
	v21 =	vadd.f32 v62, v43;
	v61 =	vld [tilespmem:s1+$0xFFFFFFE0];
	(erf) = vpow2.f32 v0  }
0x1f6: {  	v24 =	vld [tilespmem:s23+$0x70];
	v25 =	vmul.f32 $2.000000030e-01, v55;
	(erf) = vpow2.f32 v58;
	v58, _, _ =	vpop (xrf2)  }
0x1f7: {  	v54 =	vld [tilespmem:s1+$0x60];
	v0 =	vmul.f32 $2.000000030e-01, v21;
	v58 =	vmul.f32 $1.442695020e+00, v58  }
0x1f8: {  	v55 =	vmax.f32 v55, v25;
	v25 =	vld [tilespmem:s23+$0x60];
	v48 =	vmul.f32 v48, v2  }
0x1f9: {  	s5 =	sor.u32 $0x3, s5;
	v19 =	vld [tilespmem:s1+$0xFFFFFFF0];
	v0 =	vmax.f32 v21, v0;
	v21 =	vmul.f32 v55, v7;
	v56 =	vbroadcast v58, $0xF  }
0x1fa: {  	v16 =	vmov s5;
	v23 =	vld [tilespmem:s23+$0xFFFFFFF0];
	v55 =	vadd.f32 v61, v26;
	v61 =	vpop (erf);
	v0 =	vmul.f32 v0, v7  }
0x1fb: {  	s16 =	sadd.s32 $0x82, s0;
	(xrf2) =	vadd.scan.msk.f32 $0xffff, v22;
	v21 =	vadd.f32 v48, v21;
	v22 =	vmul.f32 v61, v36;
	[tilespmem:v31+s21+$0x0] =	vst.idx.add.f32.msk $0x1, v49  }
0x1fc: {  	v30 =	vmov s16;
	v0 =	vadd.f32 v63, v0;
	[tilespmem:v35+s21+$0x0] =	vst.idx.add.f32.msk $0x1, v47;
	v35 =	vpop (erf);
	(erf) = vpow2.f32 v56  }
0x1fd: {  	s7 =	sadd.s32 $0x81, s0;
	s6 =	sor.u32 $0x1, s2;
	v57 =	vld [tilespmem:s1+$0x70];
	v31 =	vmul.f32 v61, v40;
	[tilespmem:s18+$0xFFFFFF40] =	vst v22;
	v22 =	vadd.f32 v54, v25;
	v56, _, _ =	vpop (xrf2);
	(xrf2) =	vadd.scan.msk.f32 $0xffff, v21  }
0x1fe: {  	v32 =	vmov s6;
	v34 =	vmov s7;
	s23 =	sadd.s32 $0x81, s13;
	v58 =	vmul.f32 $2.000000030e-01, v55  }
0x1ff: {  	s1 =	simm.s32 $0x15840;
	v19 =	vadd.f32 v19, v23;
	[tilespmem:s18+$0xFFFFFF50] =	vst v31;
	v54 =	vmul.f32 $2.000000030e-01, v22;
	v21 =	vmul.f32 $1.442695020e+00, v56  }
0x200: {  	s8 =	sor.u32 $0x1, s3;
	v49 =	vld [tilespmem:s1+$0x80];
	v47 =	vmov s23;
	v40 =	vmul.f32 v35, v44;
	v44 =	vmul.f32 v35, v45;
	(xrf2) =	vadd.scan.msk.f32 $0xffff, v0;
	v0 =	vpop (erf)  }
0x201: {  	v33 =	vmov s8;
	[tilespmem:v39+s21+$0x0] =	vst.idx.add.f32.msk $0x1, v61;
	v61 =	vmul.f32 v0, v50;
	v21 =	vbroadcast v21, $0xF  }
0x202: {  	v39 =	vadd.f32 v57, v24;
	s23 =	simm.s32 $0x18040;
	v45 =	vmul.f32 $2.000000030e-01, v19;
	v50 =	vld [tilespmem:s1+$0x90];
	v53 =	vmul.f32 v0, v53  }
0x203: {  	v62 =	vmul.f32 v17, v11;
	v55 =	vmax.f32 v55, v58;
	[tilespmem:s24+$0xA0] =	vst v61;
	(erf) = vpow2.f32 v21;
	v21 =	vld [tilespmem:s23+$0x80]  }
0x204: {  	s29 =	sadd.s32 $0x83, s31;
	v63 =	vmul.f32 $2.000000030e-01, v39;
	v22 =	vmax.f32 v22, v54;
	v36 =	vpop (erf);
	v19 =	vmax.f32 v19, v45;
	v45 =	vld [tilespmem:s23+$0x90];
	[tilespmem:s24+$0xB0] =	vst v53  }
0x205: {  	v48 =	vmov s29;
	v58 =	vmul.f32 v55, v6;
	v19 =	vmul.f32 v19, v9;
	[tilespmem:v47+s21+$0x0] =	vst.idx.add.f32.msk $0x1, v0;
	v0 =	vpop (erf)  }
0x206: {  	v39 =	vmax.f32 v39, v63;
	v55 =	vmul.f32 v22, v6;
	v61, _, _ =	vpop (xrf2);
	v47 =	vld [tilespmem:s12+$0xC0];
	v63 =	vmul.f32 v0, v60  }
0x207: {  	v57 =	vmul.f32 v36, v46;
	v19 =	vadd.f32 v19, v58;
	v46 =	vld [tilespmem:s12+$0xD0];
	v22, _, _ =	vpop (xrf2);
	v2 =	vmul.f32 v0, v59  }
0x208: {  	v39 =	vmul.f32 v39, v9;
	v58 =	vadd.f32 v21, v49;
	v59 =	vld [tilespmem:s11+$0xC0];
	v21 =	vmul.f32 $1.442695020e+00, v22;
	[tilespmem:s18+$0xE0] =	vst v63  }
0x209: {  	s9 =	sor.u32 $0x2, s2;
	s2 =	sor.u32 $0x3, s2;
	v41 =	vmul.f32 v36, v41;
	v54 =	vadd.f32 v45, v50;
	(xrf2) =	vadd.scan.msk.f32 $0xffff, v19;
	v19 =	vld [tilespmem:s11+$0xD0];
	[tilespmem:s18+$0xF0] =	vst v2  }
0x20a: {  	s0 =	sadd.s32 $0x83, s0;
	v22 =	vmul.f32 $1.442695020e+00, v61;
	v61, _, _ =	vpop (xrf2);
	v60 =	vbroadcast v21, $0xF;
	[tilespmem:v48+s21+$0x0] =	vst.idx.add.f32.msk $0x1, v0;
	v48 =	vmov s2  }
0x20b: {  	v29 =	vmov s9;
	v56 =	vmul.f32 $2.000000030e-01, v58;
	v61 =	vmul.f32 $1.442695020e+00, v61;
	[tilespmem:$0x1FF60] =	vst v48  }
0x20c: {  	v63 =	vmul.f32 $2.000000030e-01, v54;
	v45 =	vld [tilespmem:s1+$0xFFFFFF00];
	(erf) = vpow2.f32 v60;
	v60 =	vmov s0  }
0x20d: {  	v53 =	vmul.f32 v17, v1;
	v56 =	vmax.f32 v58, v56;
	v2 =	vbroadcast v61, $0xF;
	v48 =	vld [tilespmem:s1+$0xFFFFFF10];
	[tilespmem:$0x1FF70] =	vst v60  }
0x20e: {  	s28 =	sor.u32 $0x2, s3;
	v54 =	vmax.f32 v54, v63;
	v59 =	vadd.f32 v59, v47;
	[tilespmem:s10+$0x60] =	vst v62;
	v58 =	vld [tilespmem:s23+$0xFFFFFF00];
	v62 =	vadd.f32 v19, v46  }
0x20f: {  	s31 =	sor.u32 $0x3, s3;
	v31 =	vmov s28;
	v0 =	vbroadcast v22, $0xF;
	(erf) = vpow2.f32 v2;
	[tilespmem:s18+$0xFFFFFFC0] =	vst v40;
	v61 =	vld [tilespmem:s23+$0xFFFFFF10]  }
0x210: {  	v22 =	vmov s31;
	[tilespmem:s18+$0xFFFFFFD0] =	vst v44;
	v40 =	vld [tilespmem:s1+$0xFFFFFF80];
	v1 =	vmul.f32 $2.000000030e-01, v59;
	v2 =	vmul.f32 $2.000000030e-01, v62  }
0x211: {  	v56 =	vmul.f32 v56, v8;
	v44 =	vmul.f32 v54, v5;
	[tilespmem:s18+$0x40] =	vst v41;
	v41 =	vadd.f32 v39, v55;
	v54 =	vpop (erf);
	v39 =	vld [tilespmem:s1+$0xFFFFFF90]  }
0x212: {  	[tilespmem:s10+$0x70] =	vst v53;
	v53 =	vld [tilespmem:s23+$0xFFFFFF90];
	v5 =	vmul.f32 v54, v51;
	v52 =	vmul.f32 v54, v52;
	v55 =	vmax.f32 v59, v1  }
0x213: {  	s3 =	simm.s32 $0x14E52;
	[tilespmem:s18+$0x50] =	vst v57;
	v51 =	vld [tilespmem:s23+$0xFFFFFF80];
	v44 =	vadd.f32 v44, v56;
	v3 =	vmul.f32 v55, v3;
	v1 =	vmax.f32 v62, v2  }
0x214: {  	v56 =	vld [tilespmem:s3+$0x1];
	[tilespmem:s24+$0xFFFFFF20] =	vst v5;
	v57 =	vadd.f32 v58, v45;
	v58 =	vadd.f32 v61, v48;
	v5 =	vmul.f32 v1, v4;
	v2, _, _ =	vpop (xrf2)  }
0x215: {  	v63 =	vmovc v8;
	(erf) = vpow2.f32 v0;
	[tilespmem:s24+$0xFFFFFF30] =	vst v52;
	(xrf2) =	vadd.scan.msk.f32 $0xffff, v41;
	v41 =	vld [tilespmem:s1+$0x0];
	v55 =	vmul.f32 $1.442695020e+00, v2  }
0x216: {  	s7 =	simm.s32 $0x14;
	s0 =	simm.s32 $0x10;
	s10 =	simm.s32 $0x1A640;
	(xrf2) =	vadd.scan.msk.f32 $0xffff, v44;
	v61 =	vmul.f32 $2.000000030e-01, v57;
	v59 =	vmul.f32 $2.000000030e-01, v58;
	v44 =	vld [tilespmem:s1+$0x10];
	v60 =	vadd.f32 v5, v3;
	v52 =	vpop (erf)  }
.LBB2_7:
0x217: {  	v19 =	vld [tilespmem:$0x1FFC0]  }
0x218: {  	v2 =	vld [tilespmem:s3+$0xFFFFFFFE]  }
0x219: {  	[tilespmem:v32+s21+$0x0] =	vst.idx.add.f32.msk $0x1, v54  }
0x21a: {  	v13 =	vld [tilespmem:$0x1FF90]  }
0x21b: {  	v11 =	vld [tilespmem:$0x1FFA0]  }
0x21c: {  	v21 =	vmov v16;
	v16 =	vmov v14;
	v14 =	vld [tilespmem:$0x1FFE0]  }
0x21d: {  	v1 =	vmul.f32 v52, v38;
	v15 =	vld [tilespmem:$0x1FFB0]  }
0x21e: {  	v0 =	vmax.f32 v57, v61;
	v57 =	vld [tilespmem:s23+$0x0];
	(v2sf) =	vpush v56, $0x0;
	v51 =	vadd.f32 v51, v40  }
0x21f: {  	v37 =	vmul.f32 v52, v37;
	v58 =	vmax.f32 v58, v59;
	v59 =	vld [tilespmem:s23+$0x10];
	v0 =	vmul.f32 v0, v63;
	v56, _, _ =	vpop (xrf2);
	(xrf2) =	vadd.scan.msk.f32 $0xffff, v60  }
0x220: {  	v12 =	vmov v10;
	v10 =	vld [tilespmem:$0x1FF00];
	v58 =	vmul.f32 v58, v19;
	v62 =	vmul.f32 $2.000000030e-01, v51  }
0x221: {  	v60 =	vld [tilespmem:s3+$0xFFFFFFFF];
	v61 =	vadd.f32 v53, v39;
	[tilespmem:s24+$0xFFFFFFA0] =	vst v1;
	v38 =	vpop (erf)  }
0x222: {  	v63 =	vld [tilespmem:s3+$0x0];
	[tilespmem:s24+$0xFFFFFFB0] =	vst v37;
	v43 =	vmul.f32 v38, v43;
	v37 =	vmul.f32 v38, v42;
	v4 =	vadd.f32 v58, v0  }
0x223: {  	v53 =	vpop (erf);
	v32 =	vmul.f32 $1.442695020e+00, v56;
	[tilespmem:v34+s21+$0x0] =	vst.idx.add.f32.msk $0x1, v52;
	v5 =	vmul.f32 $2.000000030e-01, v61;
	v57 =	vadd.f32 v57, v41  }
0x224: {  	v54 =	vld [tilespmem:s12+$0xFFFFFF50];
	v56 =	vadd.f32 v59, v44;
	v18 =	vmul.f32 v53, v18;
	v51 =	vmax.f32 v51, v62;
	(xrf2) =	vadd.scan.msk.f32 $0xffff, v4;
	v62, _, _ =	vpop (xrf2)  }
0x225: {  	v61 =	vmax.f32 v61, v5;
	v42 =	vmul.f32 v51, v8;
	v51 =	vld [tilespmem:s12+$0xFFFFFF40];
	v0 =	vmul.f32 $1.442695020e+00, v62  }
0x226: {  	[tilespmem:s24+$0x20] =	vst v43;
	v4 =	vmul.f32 $2.000000030e-01, v57;
	v5 =	vmul.f32 v61, v19;
	v62 =	vld [tilespmem:s11+$0xFFFFFF40]  }
0x227: {  	v1 =	vld [tilespmem:$0x1FF80];
	[tilespmem:s24+$0x30] =	vst v37;
	v59 =	vmul.f32 $2.000000030e-01, v56;
	(v2sf) =	vpush v60, $0x0;
	v61 =	vbroadcast v0, $0xF  }
0x228: {  	[tilespmem:v33+s21+$0x0] =	vst.idx.add.f32.msk $0x1, v38;
	(v2sf) =	vpush v63, $0x0;
	v60 =	vmax.f32 v57, v4;
	v34 =	vadd.f32 v5, v42  }
0x229: {  	(v2sf) =	vpush v2, $0x0;
	v5 =	vld [tilespmem:s11+$0xFFFFFF50];
	v63 =	vmul.f32 v60, v8;
	v52, _, _ =	vpop (xrf2);
	(erf) = vpow2.f32 v61  }
0x22a: {  	v4 =	vmax.f32 v56, v59;
	v56 =	vld [tilespmem:s12+$0xFFFFFFC0];
	v60 =	vbroadcast v55, $0xF;
	(xrf2) =	vadd.scan.msk.f32 $0xffff, v34;
	v0 =	vmul.f32 $1.442695020e+00, v52  }
0x22b: {  	v32 =	vbroadcast v32, $0xF;
	v42 =	vmul.f32 v4, v19;
	v2 =	vadd.f32 v62, v51;
	v62 =	vld [tilespmem:s11+$0xFFFFFFC0]  }
0x22c: {  	v57 =	vld [tilespmem:s12+$0xFFFFFFD0];
	(erf) = vpow2.f32 v60;
	v0 =	vbroadcast v0, $0xF  }
0x22d: {  	v4 =	vld [tilespmem:s11+$0xFFFFFFD0];
	(erf) = vpow2.f32 v32;
	s2 =	spop (v2sf)  }
0x22e: {  	s4 =	sshll.u32 s0, $0x7;
	[tilespmem:s17+$0xFFFFFF60] =	vst v18;
	v18 =	vmul.f32 v53, v20;
	v55 =	vld [tilespmem:s12+$0x50];
	v61 =	vadd.f32 v42, v63;
	v20, _, _ =	vpop (xrf2);
	(erf) = vpow2.f32 v0;
	s2 =	sshll.u32 s2, $0x3  }
0x22f: {  	s5 =	sadd.s32 $0x100, s4;
	v52 =	vld [tilespmem:s12+$0x40];
	v63 =	vadd.f32 v5, v54;
	v59 =	vmul.f32 $1.442695020e+00, v20;
	s2 =	sand.u32 $0x78, s2  }
0x230: {  	v60 =	vld [tilespmem:s11+$0x40];
	(xrf2) =	vadd.scan.msk.f32 $0xffff, v61;
	v61 =	vadd.f32 v62, v56;
	s2 =	sor.u32 s2, s5  }
0x231: {  	[tilespmem:s17+$0xFFFFFF70] =	vst v18;
	v20 =	vmul.f32 $2.000000030e-01, v63;
	v62 =	vld [tilespmem:s11+$0x50];
	v0 =	vbroadcast v59, $0xF;
	s6 =	sadd.s32 $0x80, s2  }
0x232: {  	[tilespmem:v27+s21+$0x0] =	vst.idx.add.f32.msk $0x1, v36;
	v27 =	vmov v31;
	v31 =	vmul.f32 $2.000000030e-01, v61;
	v42 =	vmov s6;
	v5 =	vpop (erf)  }
0x233: {  	v18 =	vld [tilespmem:s20+$0xFFFFFF60];
	v33 =	vmax.f32 v63, v20;
	(erf) = vpow2.f32 v0;
	v20 =	vmul.f32 v5, v49  }
0x234: {  	s24 =	sadd.s32 $0x200, s24;
	[tilespmem:v28+s21+$0x0] =	vst.idx.add.f32.msk $0x1, v35;
	v28 =	vmov v30;
	v30, _, _ =	vpop (xrf2);
	v63 =	vmul.f32 v5, v50  }
0x235: {  	v38 =	vadd.f32 v4, v57;
	v35 =	vpop (erf);
	v31 =	vmax.f32 v61, v31;
	v61 =	vld [tilespmem:s19+$0xFFFFFF60];
	[tilespmem:s24+$0x80] =	vst v20  }
0x236: {  	s28 =	sadd.s32 $0x82, s13;
	v58 =	vmul.f32 $2.000000030e-01, v2;
	s29 =	spop (v2sf);
	v49 =	vpop (erf);
	v20 =	vld [tilespmem:s20+$0xFFFFFF70];
	[tilespmem:s24+$0x90] =	vst v63  }
0x237: {  	v43 =	vmov s28;
	v4 =	vmul.f32 $2.000000030e-01, v38;
	v0 =	vmul.f32 v33, v11;
	s8 =	spop (v2sf);
	v59 =	vpop (erf);
	[tilespmem:v42+s21+$0x0] =	vst.idx.add.f32.msk $0x1, v5  }
0x238: {  	v30 =	vmul.f32 $1.442695020e+00, v30;
	s9 =	spop (v2sf);
	v33 =	vmul.f32 v59, v47;
	v36 =	vld [tilespmem:s1+$0xA0]  }
0x239: {  	v2 =	vmax.f32 v2, v58;
	v58 =	vadd.f32 v60, v52;
	s6 =	sshll.u32 s29, $0x3;
	s9 =	sshll.u32 s9, $0x3;
	v46 =	vmul.f32 v59, v46;
	v47 =	vld [tilespmem:s1+$0xB0]  }
0x23a: {  	v38 =	vmax.f32 v38, v4;
	s6 =	sand.u32 $0x78, s6;
	v37 =	vadd.f32 v62, v55;
	v30 =	vbroadcast v30, $0xF;
	s9 =	sand.u32 $0x78, s9;
	v5, _, _ =	vpop (xrf2);
	v4 =	vld [tilespmem:s23+$0xA0];
	[tilespmem:s10+$0xC0] =	vst v33  }
0x23b: {  	s6 =	sor.u32 s6, s4;
	v42 =	vmul.f32 $2.000000030e-01, v58;
	s4 =	sor.u32 s9, s4;
	v60 =	vmul.f32 $1.442695020e+00, v5;
	v5 =	vld [tilespmem:s23+$0xB0];
	[tilespmem:s10+$0xD0] =	vst v46  }
0x23c: {  	v50 =	vmul.f32 $2.000000030e-01, v37;
	(erf) = vpow2.f32 v30;
	v63 =	vmov s4;
	v6 =	vpop (erf);
	[tilespmem:v43+s21+$0x0] =	vst.idx.add.f32.msk $0x1, v59  }
0x23d: {  	v42 =	vmax.f32 v58, v42;
	v30 =	vbroadcast v60, $0xF;
	v58 =	vmul.f32 v6, v45;
	v60 =	vld [tilespmem:s12+$0xE0]  }
0x23e: {  	v2 =	vmul.f32 v2, v13;
	v59 =	vmul.f32 v6, v48;
	v45 =	vld [tilespmem:s12+$0xF0]  }
0x23f: {  	v37 =	vmax.f32 v37, v50;
	v43 =	vld [tilespmem:s11+$0xE0];
	[tilespmem:s24+$0xFFFFFF00] =	vst v58  }
0x240: {  	v0 =	vadd.f32 v0, v2;
	[tilespmem:s24+$0xFFFFFF10] =	vst v59;
	v2 =	vadd.f32 v5, v47;
	v5 =	vmul.f32 v37, v11;
	v37 =	vld [tilespmem:s11+$0xF0]  }
0x241: {  	v38 =	vmul.f32 v38, v11;
	v4 =	vadd.f32 v4, v36;
	[tilespmem:v63+s21+$0x0] =	vst.idx.add.f32.msk $0x1, v6  }
0x242: {  	v31 =	vmul.f32 v31, v13;
	v42 =	vmul.f32 v42, v13;
	v59 =	vld [tilespmem:s1+$0xFFFFFF20]  }
0x243: {  	(erf) = vpow2.f32 v30;
	v48 =	vmul.f32 $2.000000030e-01, v4;
	v58 =	vld [tilespmem:s1+$0xFFFFFF30]  }
0x244: {  	v5 =	vadd.f32 v5, v42;
	v42 =	vld [tilespmem:s23+$0xFFFFFF20]  }
0x245: {  	v26 =	vmul.f32 v35, v26;
	s31 =	sadd.s32 $0x80, s6;
	(xrf2) =	vadd.scan.msk.f32 $0xffff, v0;
	v6 =	vadd.f32 v38, v31;
	v0 =	vmax.f32 v4, v48;
	v48 =	vld [tilespmem:s23+$0xFFFFFF30]  }
0x246: {  	v62 =	vmov s31;
	v50 =	vmul.f32 $2.000000030e-01, v2;
	v4 =	vpop (erf);
	v38 =	vadd.f32 v43, v60;
	v43 =	vld [tilespmem:s19+$0xFFFFFF70]  }
0x247: {  	(xrf2) =	vadd.scan.msk.f32 $0xffff, v6;
	v6 =	vadd.f32 v61, v18;
	[tilespmem:v10+s21+$0x0] =	vst.idx.add.f32.msk $0x1, v53;
	v7 =	vmul.f32 v4, v40  }
0x248: {  	s8 =	sshll.u32 s8, $0x3;
	[tilespmem:s17+$0xFFFFFFE0] =	vst v26;
	v10 =	vld [tilespmem:$0x1FF30];
	v0 =	vmul.f32 v0, v14;
	v39 =	vmul.f32 v4, v39;
	v2 =	vmax.f32 v2, v50  }
0x249: {  	v9 =	vld [tilespmem:$0x1FFD0];
	s8 =	sand.u32 $0x78, s8;
	(xrf2) =	vadd.scan.msk.f32 $0xffff, v5;
	v5 =	vmul.f32 $2.000000030e-01, v6;
	v2 =	vmul.f32 v2, v1;
	[tilespmem:s24+$0xFFFFFF80] =	vst v7  }
0x24a: {  	s8 =	sor.u32 s8, s5;
	v61 =	vmul.f32 $2.000000030e-01, v38;
	v37 =	vadd.f32 v37, v45;
	v26 =	vld [tilespmem:s20+$0xFFFFFFE0];
	[tilespmem:s24+$0xFFFFFF90] =	vst v39  }
0x24b: {  	v3 =	vmov s8;
	v5 =	vmax.f32 v6, v5;
	v0 =	vadd.f32 v2, v0;
	v6 =	vld [tilespmem:s20+$0xFFFFFFF0]  }
0x24c: {  	v40 =	vpop (erf);
	v61 =	vmax.f32 v38, v61;
	v63 =	vmul.f32 $2.000000030e-01, v37;
	[tilespmem:v62+s21+$0x0] =	vst.idx.add.f32.msk $0x1, v4;
	v4 =	vadd.f32 v42, v59  }
0x24d: {  	v7 =	vmul.f32 v40, v41;
	v41 =	vmul.f32 v40, v44;
	v10 =	vmovc v10;
	v38 =	vld [tilespmem:s1+$0xFFFFFFA0];
	(xrf2) =	vadd.scan.msk.f32 $0xffff, v0  }
0x24e: {  	v42 =	vadd.f32 v48, v58;
	v48 =	vld [tilespmem:s23+$0xFFFFFFB0];
	[tilespmem:$0x1FF00] =	vst v10;
	v62 =	vmax.f32 v37, v63;
	v50 =	vmul.f32 $2.000000030e-01, v4  }
0x24f: {  	v10 =	vld [tilespmem:$0x1FF10];
	v0 =	vmul.f32 v61, v15;
	[tilespmem:s24+$0x10] =	vst v41;
	v41 =	vadd.f32 v43, v20;
	v2 =	vmul.f32 v62, v9  }
0x250: {  	[tilespmem:s24+$0x0] =	vst v7;
	v37 =	vld [tilespmem:s1+$0xFFFFFFB0];
	v61 =	vmul.f32 $2.000000030e-01, v42;
	v63, _, _ =	vpop (xrf2);
	v4 =	vmax.f32 v4, v50;
	v50 =	vmul.f32 v35, v23  }
0x251: {  	[tilespmem:v3+s21+$0x0] =	vst.idx.add.f32.msk $0x1, v40;
	v39 =	vmul.f32 $1.442695020e+00, v63;
	v0 =	vadd.f32 v2, v0;
	v2 =	vmul.f32 v5, v15;
	v62, _, _ =	vpop (xrf2)  }
0x252: {  	v40 =	vld [tilespmem:s23+$0xFFFFFFA0];
	v63 =	vmul.f32 $2.000000030e-01, v41;
	v7 =	vmul.f32 $1.442695020e+00, v62  }
0x253: {  	v3 =	vmax.f32 v42, v61;
	v43 =	vld [tilespmem:s1+$0x20];
	v4 =	vmul.f32 v4, v14;
	v39 =	vbroadcast v39, $0xF;
	(xrf2) =	vadd.scan.msk.f32 $0xffff, v0  }
0x254: {  	v42 =	vld [tilespmem:s1+$0x30];
	v23 =	vmovc v6;
	v3 =	vmul.f32 v3, v1;
	v0 =	vmax.f32 v41, v63;
	v6 =	vbroadcast v7, $0xF  }
0x255: {  	v61 =	vld [tilespmem:s23+$0x20];
	v0 =	vmul.f32 v0, v9;
	(erf) = vpow2.f32 v39  }
0x256: {  	[tilespmem:s17+$0xFFFFFFF0] =	vst v50;
	v50 =	vld [tilespmem:s23+$0x30];
	v44, _, _ =	vpop (xrf2);
	v3 =	vadd.f32 v3, v4;
	(erf) = vpow2.f32 v6;
	v6 =	vadd.f32 v48, v37  }
0x257: {  	v4 =	vadd.f32 v40, v38;
	v48 =	vld [tilespmem:s19+$0xFFFFFFE0];
	v0 =	vadd.f32 v0, v2;
	v2 =	vmul.f32 v49, v25;
	v40, _, _ =	vpop (xrf2)  }
0x258: {  	s29 =	sor.u32 $0x2, s4;
	v25 =	vld [tilespmem:s20+$0x60];
	v63 =	vmul.f32 $2.000000030e-01, v6;
	v40 =	vmul.f32 $1.442695020e+00, v40  }
0x259: {  	v46 =	vmov s29;
	v44 =	vmul.f32 $1.442695020e+00, v44;
	v62 =	vmul.f32 $2.000000030e-01, v4;
	(xrf2) =	vadd.scan.msk.f32 $0xffff, v3;
	v3 =	vld [tilespmem:s19+$0xFFFFFFF0]  }
0x25a: {  	s9 =	sor.u32 $0x3, s4;
	v61 =	vadd.f32 v61, v43;
	v6 =	vmax.f32 v6, v63;
	v63 =	vld [tilespmem:s19+$0x60];
	v7 =	vbroadcast v40, $0xF  }
0x25b: {  	s28 =	sadd.s32 $0x81, s6;
	v5 =	vmov s9;
	v44 =	vbroadcast v44, $0xF;
	v50 =	vadd.f32 v50, v42;
	v40 =	vld [tilespmem:s20+$0x70];
	[tilespmem:s17+$0x60] =	vst v2  }
0x25c: {  	s5 =	sadd.s32 $0x82, s6;
	s6 =	sadd.s32 $0x83, s6;
	v4 =	vmax.f32 v4, v62;
	v2 =	vmul.f32 $2.000000030e-01, v61;
	(erf) = vpow2.f32 v7;
	v7 =	vld [tilespmem:s19+$0x70]  }
0x25d: {  	v41 =	vmov s6;
	v4 =	vmul.f32 v4, v14;
	v6 =	vmul.f32 v6, v1;
	v62, _, _ =	vpop (xrf2);
	[tilespmem:v12+s21+$0x0] =	vst.idx.add.f32.msk $0x1, v17  }
0x25e: {  	(xrf2) =	vadd.scan.msk.f32 $0xffff, v0;
	v0 =	vmul.f32 $2.000000030e-01, v50;
	v3 =	vadd.f32 v3, v23;
	v2 =	vmax.f32 v61, v2;
	v12 =	vld [tilespmem:$0x1FF60];
	v53 =	vpop (erf)  }
0x25f: {  	v4 =	vadd.f32 v6, v4;
	v62 =	vmul.f32 $1.442695020e+00, v62;
	v6 =	vmul.f32 v53, v51  }
0x260: {  	[tilespmem:v10+s21+$0x0] =	vst.idx.add.f32.msk $0x1, v35;
	(erf) = vpow2.f32 v44;
	v0 =	vmax.f32 v50, v0;
	v50 =	vmul.f32 v53, v54  }
0x261: {  	v48 =	vadd.f32 v48, v26;
	v61 =	vmul.f32 v2, v14;
	v14 =	vbroadcast v62, $0xF;
	[tilespmem:s10+$0xFFFFFF40] =	vst v6  }
0x262: {  	v35 =	vpop (erf);
	v44 =	vadd.f32 v63, v25;
	v0 =	vmul.f32 v0, v1;
	v62 =	vmul.f32 $2.000000030e-01, v3;
	[tilespmem:s10+$0xFFFFFF50] =	vst v50  }
0x263: {  	v17 =	vmovc v49;
	v6 =	vmul.f32 $2.000000030e-01, v48;
	(erf) = vpow2.f32 v14;
	v10 =	vmovc v12;
	v12 =	vmov v5;
	[tilespmem:v29+s21+$0x0] =	vst.idx.add.f32.msk $0x1, v53  }
0x264: {  	v49 =	vld [tilespmem:$0x1FF20];
	v54, _, _ =	vpop (xrf2);
	(xrf2) =	vadd.scan.msk.f32 $0xffff, v4;
	v4 =	vmul.f32 v35, v56;
	v7 =	vadd.f32 v7, v40;
	[tilespmem:$0x1FF30] =	vst v10  }
0x265: {  	s29 =	sadd.s32 $0x81, s2;
	v5 =	vmul.f32 v35, v57;
	v57 =	vmovc v16;
	[tilespmem:$0x1FF60] =	vst v12;
	v12 =	vadd.f32 v0, v61;
	v2 =	vmul.f32 $1.442695020e+00, v54;
	v61 =	vld [tilespmem:$0x1FF70]  }
0x266: {  	v16 =	vmov s29;
	[tilespmem:$0x1FF10] =	vst v57;
	v57 =	vmax.f32 v48, v6;
	v6 =	vmul.f32 $2.000000030e-01, v7  }
0x267: {  	s20 =	smov.u32 s12;
	s12 =	smov.u32 s1;
	s1 =	sadd.s32 $0x200, s1;
	v54 =	vmul.f32 $2.000000030e-01, v44;
	v50 =	vmov v21;
	v2 =	vbroadcast v2, $0xF;
	(xrf2) =	vadd.scan.msk.f32 $0xffff, v12;
	v56 =	vpop (erf)  }
0x268: {  	[tilespmem:$0x1FF20] =	vst v50;
	v50 =	vld [tilespmem:s1+$0x90];
	v6 =	vmax.f32 v7, v6;
	v29 =	vmul.f32 v56, v36;
	v47 =	vmul.f32 v56, v47  }
0x269: {  	s19 =	smov.u32 s11;
	s11 =	smov.u32 s23;
	s23 =	sadd.s32 $0x200, s23;
	[tilespmem:s10+$0xFFFFFFC0] =	vst v4;
	v10 =	vmov v49;
	v49 =	vld [tilespmem:s1+$0x80];
	(erf) = vpow2.f32 v2;
	v36 =	vpop (erf);
	v6 =	vmul.f32 v6, v9  }
0x26a: {  	v1 =	vmovc v41;
	v14 =	vmov v61;
	v61 =	vmax.f32 v3, v62;
	v62 =	vld [tilespmem:s23+$0x80];
	v52 =	vmul.f32 v36, v52;
	[tilespmem:s24+$0xA0] =	vst v29  }
0x26b: {  	[tilespmem:s10+$0xFFFFFFD0] =	vst v5;
	v41, _, _ =	vpop (xrf2);
	v53 =	vmul.f32 v36, v55;
	v55 =	vmul.f32 v57, v15;
	v29 =	vmax.f32 v44, v54;
	v54 =	vld [tilespmem:s23+$0x90]  }
0x26c: {  	s31 =	sor.u32 $0x1, s8;
	v41 =	vmul.f32 $1.442695020e+00, v41;
	v2 =	vmul.f32 v61, v9;
	[tilespmem:s24+$0xB0] =	vst v47;
	v7 =	vpop (erf)  }
0x26d: {  	v33 =	vmov s31;
	s31 =	sadd.s32 $0x83, s13;
	v61 =	vmul.f32 v17, v24;
	[tilespmem:v16+s21+$0x0] =	vst.idx.add.f32.msk $0x1, v56;
	v57 =	vmul.f32 v7, v60  }
0x26e: {  	v12 =	vmul.f32 v29, v15;
	[tilespmem:s10+$0x40] =	vst v52;
	v56 =	vmov s31;
	v2 =	vadd.f32 v2, v55;
	v47 =	vld [tilespmem:s12+$0xC0]  }
0x26f: {  	[tilespmem:s10+$0x50] =	vst v53;
	v29 =	vmov v46;
	v46 =	vld [tilespmem:s12+$0xD0];
	v60, _, _ =	vpop (xrf2);
	v45 =	vmul.f32 v7, v45;
	v3 =	vadd.f32 v62, v49  }
0x270: {  	v51 =	vld [tilespmem:s11+$0xC0];
	v4 =	vmul.f32 $1.442695020e+00, v60;
	(xrf2) =	vadd.scan.msk.f32 $0xffff, v2;
	[tilespmem:s10+$0xE0] =	vst v57;
	v2 =	vadd.f32 v54, v50  }
0x271: {  	v41 =	vbroadcast v41, $0xF;
	[tilespmem:s17+$0x70] =	vst v61;
	v5 =	vld [tilespmem:s11+$0xD0];
	v62 =	vmul.f32 $2.000000030e-01, v3;
	v57, _, _ =	vpop (xrf2)  }
0x272: {  	v48 =	vld [tilespmem:s1+$0xFFFFFF10];
	[tilespmem:s10+$0xF0] =	vst v45;
	v4 =	vbroadcast v4, $0xF;
	v54 =	vpop (erf);
	v60 =	vmul.f32 $2.000000030e-01, v2  }
0x273: {  	v6 =	vadd.f32 v6, v12;
	[tilespmem:v56+s21+$0x0] =	vst.idx.add.f32.msk $0x1, v7;
	v7 =	vmul.f32 $1.442695020e+00, v57;
	v61 =	vmul.f32 v54, v59  }
0x274: {  	s16 =	sor.u32 $0x1, s4;
	v45 =	vld [tilespmem:s1+$0xFFFFFF00];
	v3 =	vmax.f32 v3, v62;
	(erf) = vpow2.f32 v4;
	v53 =	vmul.f32 v54, v58  }
0x275: {  	v32 =	vmov s16;
	v62 =	vld [tilespmem:s23+$0xFFFFFF00];
	v3 =	vmul.f32 v3, v8;
	v52 =	vbroadcast v7, $0xF  }
0x276: {  	s16 =	sor.u32 $0x2, s8;
	s8 =	sor.u32 $0x3, s8;
	(xrf2) =	vadd.scan.msk.f32 $0xffff, v6;
	v6 =	vld [tilespmem:s23+$0xFFFFFF10];
	v0 =	vmax.f32 v2, v60;
	v7 =	vadd.f32 v51, v47;
	v5 =	vadd.f32 v5, v46  }
0x277: {  	v39 =	vmov s8;
	v24 =	vmovc v40;
	v40 =	vld [tilespmem:s1+$0xFFFFFF80];
	v0 =	vmul.f32 v0, v19;
	(erf) = vpow2.f32 v52  }
0x278: {  	p4 =	slt.u32 s7, $0x4C;
	s3 =	sadd.s32 $0x4, s3;
	v16 =	vmovc v22;
	v22 =	vmov v39;
	v39 =	vld [tilespmem:s1+$0xFFFFFF90];
	[tilespmem:s24+$0xFFFFFF20] =	vst v61;
	v60 =	vmul.f32 $2.000000030e-01, v7;
	v61 =	vmul.f32 $2.000000030e-01, v5  }
.Ltmp2:
0x279: {  	v34 =	vmov s28;
	v56 =	vld [tilespmem:s3+$0x1];
	v0 =	vadd.f32 v0, v3;
	(erf) = vpow2.f32 v41;
	(pc) =	sbr.rel @p4 .LBB2_7-.Ltmp2, $4  }
0x27a: {  	[tilespmem:s24+$0xFFFFFF30] =	vst v53;
	v51 =	vld [tilespmem:s23+$0xFFFFFF80];
	v57 =	vadd.f32 v62, v45;
	v62 =	vmax.f32 v7, v60;
	v41 =	vmax.f32 v5, v61  }
0x27b: {  	v53 =	vld [tilespmem:s23+$0xFFFFFF90];
	v58 =	vadd.f32 v6, v48;
	v44, _, _ =	vpop (xrf2);
	(xrf2) =	vadd.scan.msk.f32 $0xffff, v0;
	v0 =	vmul.f32 v62, v13;
	v2 =	vmul.f32 v41, v11  }
0x27c: {  	s0 =	smov.u32 s7;
	s7 =	sadd.s32 $0x4, s7;
	s13 =	smov.u32 s2;
	v30 =	vmov s5;
	v31 =	vmov s16;
	v63 =	vmovc v8;
	v55 =	vmul.f32 $1.442695020e+00, v44;
	v44 =	vld [tilespmem:s1+$0x10]  }
0x27d: {  	[tilespmem:$0x1FF70] =	vst v1;
	s17 =	smov.u32 s18;
	s18 =	smov.u32 s10;
	s10 =	smov.u32 s24;
	v59 =	vmul.f32 $2.000000030e-01, v58;
	v61 =	vmul.f32 $2.000000030e-01, v57;
	v41 =	vld [tilespmem:s1+$0x0];
	v52 =	vpop (erf);
	v60 =	vadd.f32 v2, v0  }
0x27e: {  	v13 =	vld [tilespmem:$0x1FFC0];
	_ =	sdelay $0x3  }
0x27f: {  	v0 =	vmax.f32 v57, v61;
	v3 =	vmax.f32 v58, v59  }
0x280: {  	v0 =	vmul.f32 v0, v63;
	v3 =	vmul.f32 v3, v13  }
0x281: {  	(v2sf) =	vpush v56, $0x0;
	v4 =	vadd.f32 v51, v40  }
0x282: {  	v7 =	vadd.f32 v53, v39;
	v0 =	vadd.f32 v3, v0  }
0x283: {  	v2 =	vld [tilespmem:s23+$0x0];
	(xrf2) =	vadd.scan.msk.f32 $0xffff, v60;
	v51 =	vmul.f32 $2.000000030e-01, v4  }
0x284: {  	v5 =	vld [tilespmem:s23+$0x10];
	v6 =	vmul.f32 v52, v38;
	v19 =	vmul.f32 $2.000000030e-01, v7  }
0x285: {  	v15 =	vld [tilespmem:s3+$0xFFFFFFFF];
	v4 =	vmax.f32 v4, v51;
	v3, _, _ =	vpop (xrf2)  }
0x286: {  	[tilespmem:s24+$0xFFFFFFA0] =	vst v6;
	v6 =	vld [tilespmem:s3+$0x0];
	v4 =	vmul.f32 v4, v63;
	v7 =	vmax.f32 v7, v19;
	(xrf2) =	vadd.scan.msk.f32 $0xffff, v0;
	v0, _, _ =	vpop (xrf2)  }
0x287: {  	v21 =	vld [tilespmem:s3+$0xFFFFFFFE];
	v7 =	vmul.f32 v7, v13;
	v0 =	vmul.f32 $1.442695020e+00, v0  }
0x288: {  	v37 =	vmul.f32 v52, v37  }
0x289: {  	v12 =	vpop (erf);
	v2 =	vadd.f32 v2, v41;
	v4 =	vadd.f32 v7, v4;
	v0 =	vbroadcast v0, $0xF  }
0x28a: {  	[tilespmem:v32+s21+$0x0] =	vst.idx.add.f32.msk $0x1, v54;
	v43 =	vmul.f32 v12, v43;
	v5 =	vadd.f32 v5, v44;
	(v2sf) =	vpush v15, $0x0  }
0x28b: {  	v38 =	vld [tilespmem:s20+$0xFFFFFF60];
	v42 =	vmul.f32 v12, v42;
	v59 =	vmul.f32 $2.000000030e-01, v2;
	(v2sf) =	vpush v6, $0x0;
	(xrf2) =	vadd.scan.msk.f32 $0xffff, v4  }
0x28c: {  	[tilespmem:s24+$0xFFFFFFB0] =	vst v37;
	v37 =	vld [tilespmem:s20+$0xFFFFFF70];
	v60 =	vmul.f32 $2.000000030e-01, v5;
	(v2sf) =	vpush v21, $0x0;
	v3 =	vmul.f32 $1.442695020e+00, v3  }
0x28d: {  	[tilespmem:v34+s21+$0x0] =	vst.idx.add.f32.msk $0x1, v52;
	v2 =	vmax.f32 v2, v59;
	v4 =	vbroadcast v55, $0xF;
	(erf) = vpow2.f32 v0;
	v0, _, _ =	vpop (xrf2)  }
0x28e: {  	v52 =	vld [tilespmem:s12+$0xFFFFFF50];
	v5 =	vmax.f32 v5, v60;
	v2 =	vmul.f32 v2, v63;
	v0 =	vmul.f32 $1.442695020e+00, v0  }
0x28f: {  	v53 =	vld [tilespmem:s12+$0xFFFFFFC0];
	v5 =	vmul.f32 v5, v13;
	v3 =	vbroadcast v3, $0xF  }
0x290: {  	v54 =	vld [tilespmem:s12+$0xFFFFFFD0];
	[tilespmem:s24+$0x20] =	vst v43;
	(erf) = vpow2.f32 v4;
	v0 =	vbroadcast v0, $0xF  }
0x291: {  	v51 =	vld [tilespmem:s12+$0xFFFFFF40];
	[tilespmem:s24+$0x30] =	vst v42;
	s2 =	spop (v2sf);
	(erf) = vpow2.f32 v3;
	v4, _, _ =	vpop (xrf2)  }
0x292: {  	s4 =	sshll.u32 s0, $0x7;
	[tilespmem:v33+s21+$0x0] =	vst.idx.add.f32.msk $0x1, v12;
	v2 =	vadd.f32 v5, v2;
	s7 =	sshll.u32 s2, $0x3;
	v4 =	vmul.f32 $1.442695020e+00, v4;
	(erf) = vpow2.f32 v0  }
0x293: {  	s8 =	sadd.s32 $0x100, s4;
	v6 =	vld [tilespmem:s11+$0xFFFFFF40];
	s0 =	sand.u32 $0x78, s7  }
0x294: {  	v33 =	vpop (erf);
	v56 =	vld [tilespmem:s12+$0x40];
	s3 =	sor.u32 s0, s8;
	(xrf2) =	vadd.scan.msk.f32 $0xffff, v2;
	v2 =	vbroadcast v4, $0xF  }
0x295: {  	v43 =	vld [tilespmem:s11+$0x50];
	s0 =	sadd.s32 $0x80, s3;
	v12, _, _ =	vpop (xrf2)  }
0x296: {  	v7 =	vld [tilespmem:s11+$0xFFFFFF50];
	v5 =	vmov s0;
	v61 =	vpop (erf);
	(erf) = vpow2.f32 v2  }
0x297: {  	v55 =	vld [tilespmem:s12+$0x50];
	v15 =	vmul.f32 $1.442695020e+00, v12;
	v62 =	vmul.f32 v61, v49  }
0x298: {  	v3 =	vld [tilespmem:s11+$0xFFFFFFC0];
	s0 =	sadd.s32 $0x200, s24;
	v2 =	vadd.f32 v6, v51;
	v6 =	vmul.f32 v61, v50  }
0x299: {  	s6 =	spop (v2sf);
	v4 =	vld [tilespmem:s11+$0x40];
	v34 =	vpop (erf);
	[tilespmem:s0+$0x80] =	vst v62;
	v62 =	vbroadcast v15, $0xF  }
0x29a: {  	s5 =	spop (v2sf);
	v0 =	vld [tilespmem:s11+$0xFFFFFFD0];
	v32 =	vpop (erf);
	[tilespmem:s0+$0x90] =	vst v6  }
0x29b: {  	s7 =	sadd.s32 $0x82, s13;
	s16 =	spop (v2sf);
	[tilespmem:v5+s21+$0x0] =	vst.idx.add.f32.msk $0x1, v61;
	(erf) = vpow2.f32 v62;
	v42 =	vpop (erf)  }
0x29c: {  	v7 =	vadd.f32 v7, v52;
	v5 =	vmov s7;
	s7 =	sshll.u32 s16, $0x3;
	v49 =	vld [tilespmem:s1+$0xA0];
	v12 =	vmul.f32 v42, v47  }
0x29d: {  	v19 =	vmul.f32 $2.000000030e-01, v2;
	v1 =	vld [tilespmem:$0x1FF90];
	s7 =	sand.u32 $0x78, s7;
	v46 =	vmul.f32 v42, v46  }
0x29e: {  	v21 =	vmul.f32 $2.000000030e-01, v7;
	v4 =	vadd.f32 v4, v56;
	v15, _, _ =	vpop (xrf2);
	v60 =	vld [tilespmem:s23+$0xA0];
	s7 =	sor.u32 s7, s4;
	[tilespmem:s10+$0xC0] =	vst v12  }
0x29f: {  	v2 =	vmax.f32 v2, v19;
	v19 =	vmul.f32 $1.442695020e+00, v15;
	v59 =	vld [tilespmem:s23+$0xB0];
	v15 =	vmov s7;
	v62 =	vpop (erf);
	[tilespmem:s10+$0xD0] =	vst v46  }
0x2a0: {  	v7 =	vmax.f32 v7, v21;
	v21 =	vmul.f32 $2.000000030e-01, v4;
	v45 =	vmul.f32 v62, v45;
	v12 =	vld [tilespmem:$0x1FFA0]  }
0x2a1: {  	v48 =	vmul.f32 v62, v48;
	[tilespmem:v5+s21+$0x0] =	vst.idx.add.f32.msk $0x1, v42;
	v5 =	vbroadcast v19, $0xF;
	v19 =	vadd.f32 v43, v55  }
0x2a2: {  	v47 =	vld [tilespmem:s1+$0xB0];
	[tilespmem:s0+$0xFFFFFF00] =	vst v45  }
0x2a3: {  	v3 =	vadd.f32 v3, v53;
	v4 =	vmax.f32 v4, v21;
	v42 =	vld [tilespmem:s12+$0xE0];
	[tilespmem:s0+$0xFFFFFF10] =	vst v48;
	v21 =	vmul.f32 $2.000000030e-01, v19  }
0x2a4: {  	v0 =	vadd.f32 v0, v54;
	[tilespmem:v15+s21+$0x0] =	vst.idx.add.f32.msk $0x1, v62;
	v15 =	vpop (erf)  }
0x2a5: {  	v58 =	vmul.f32 $2.000000030e-01, v3;
	v43 =	vld [tilespmem:s12+$0xF0];
	v57 =	vmax.f32 v19, v21;
	v19 =	vmul.f32 v15, v40  }
0x2a6: {  	s6 =	sshll.u32 s6, $0x3;
	v50 =	vmul.f32 $2.000000030e-01, v0;
	v2 =	vmul.f32 v2, v1;
	v48 =	vld [tilespmem:s11+$0xF0]  }
0x2a7: {  	s6 =	sand.u32 $0x78, s6;
	(erf) = vpow2.f32 v5;
	v5 =	vld [tilespmem:s11+$0xE0];
	v7 =	vmul.f32 v7, v12;
	[tilespmem:s0+$0xFFFFFF80] =	vst v19  }
0x2a8: {  	s9 =	sor.u32 s6, s4;
	v0 =	vmax.f32 v0, v50;
	v50 =	vadd.f32 v59, v47;
	v9 =	vld [tilespmem:$0x1FFE0]  }
0x2a9: {  	v3 =	vmax.f32 v3, v58;
	s4 =	sadd.s32 $0x80, s9;
	v2 =	vadd.f32 v7, v2;
	v7 =	vadd.f32 v60, v49;
	v8 =	vld [tilespmem:$0x1FF80]  }
0x2aa: {  	v6 =	vld [tilespmem:s19+$0xFFFFFF60];
	v58 =	vmov s4;
	v3 =	vmul.f32 v3, v1;
	v0 =	vmul.f32 v0, v12  }
0x2ab: {  	v45 =	vld [tilespmem:s1+$0xFFFFFF20];
	v59 =	vmul.f32 $2.000000030e-01, v7;
	(xrf2) =	vadd.scan.msk.f32 $0xffff, v2;
	v2 =	vmul.f32 $2.000000030e-01, v50  }
0x2ac: {  	v46 =	vld [tilespmem:s1+$0xFFFFFF30];
	v21 =	vmul.f32 v15, v39;
	v62 =	vadd.f32 v48, v43  }
0x2ad: {  	v61 =	vld [tilespmem:s23+$0xFFFFFF20];
	v0 =	vadd.f32 v0, v3;
	v3 =	vmax.f32 v7, v59;
	v2 =	vmax.f32 v50, v2  }
0x2ae: {  	v40 =	vld [tilespmem:s19+$0xFFFFFF70];
	[tilespmem:s0+$0xFFFFFF90] =	vst v21;
	v5 =	vadd.f32 v5, v42;
	v3 =	vmul.f32 v3, v9;
	v2 =	vmul.f32 v2, v8  }
0x2af: {  	[tilespmem:v58+s21+$0x0] =	vst.idx.add.f32.msk $0x1, v15  }
0x2b0: {  	v15 =	vmul.f32 $2.000000030e-01, v62;
	v11 =	vld [tilespmem:$0x1FFB0];
	v2 =	vadd.f32 v2, v3;
	v3 =	vmul.f32 $2.000000030e-01, v5  }
0x2b1: {  	v57 =	vmul.f32 v57, v12;
	v7 =	vld [tilespmem:s23+$0xFFFFFF30]  }
0x2b2: {  	s24 =	sshll.u32 s5, $0x3;
	v6 =	vadd.f32 v6, v38;
	v3 =	vmax.f32 v5, v3;
	v5 =	vmax.f32 v62, v15;
	v15 =	vld [tilespmem:$0x1FFD0]  }
0x2b3: {  	s4 =	sand.u32 $0x78, s24;
	v4 =	vmul.f32 v4, v1;
	v48 =	vld [tilespmem:s1+$0xFFFFFFA0]  }
0x2b4: {  	s24 =	sor.u32 s4, s8;
	v58 =	vld [tilespmem:s1+$0xFFFFFFB0];
	(xrf2) =	vadd.scan.msk.f32 $0xffff, v0;
	v0 =	vmul.f32 $2.000000030e-01, v6  }
0x2b5: {  	v4 =	vadd.f32 v57, v4;
	v60 =	vadd.f32 v61, v45;
	v61 =	vld [tilespmem:s23+$0xFFFFFFB0];
	v50 =	vmov s24;
	v57 =	vpop (erf)  }
0x2b6: {  	v19 =	vmul.f32 v57, v41;
	v21 =	vmul.f32 v57, v44;
	v0 =	vmax.f32 v6, v0;
	v6 =	vld [tilespmem:s23+$0xFFFFFFA0]  }
0x2b7: {  	(xrf2) =	vadd.scan.msk.f32 $0xffff, v4;
	v3 =	vmul.f32 v3, v11;
	v4 =	vmul.f32 v5, v15;
	v5 =	vadd.f32 v7, v46  }
0x2b8: {  	[tilespmem:s0+$0x0] =	vst v19;
	v62 =	vmul.f32 $2.000000030e-01, v60;
	v7 =	vadd.f32 v40, v37  }
0x2b9: {  	(xrf2) =	vadd.scan.msk.f32 $0xffff, v2;
	[tilespmem:s0+$0x10] =	vst v21;
	v3 =	vadd.f32 v4, v3;
	v4 =	vmul.f32 $2.000000030e-01, v5  }
0x2ba: {  	[tilespmem:v50+s21+$0x0] =	vst.idx.add.f32.msk $0x1, v57;
	v39 =	vmax.f32 v60, v62;
	v19 =	vmul.f32 $2.000000030e-01, v7  }
0x2bb: {  	v4 =	vmax.f32 v5, v4;
	v5 =	vadd.f32 v6, v48;
	v6 =	vadd.f32 v61, v58  }
0x2bc: {  	v41 =	vld [tilespmem:s1+$0x20];
	v39 =	vmul.f32 v39, v9;
	v4 =	vmul.f32 v4, v8  }
0x2bd: {  	v50 =	vld [tilespmem:s1+$0x30];
	(xrf2) =	vadd.scan.msk.f32 $0xffff, v3;
	v7 =	vmax.f32 v7, v19;
	v3 =	vmul.f32 $2.000000030e-01, v5;
	v60 =	vmul.f32 $2.000000030e-01, v6  }
0x2be: {  	v0 =	vmul.f32 v0, v11;
	v62 =	vld [tilespmem:s23+$0x30];
	v2, _, _ =	vpop (xrf2);
	v7 =	vmul.f32 v7, v15  }
0x2bf: {  	v21, _, _ =	vpop (xrf2);
	v61 =	vld [tilespmem:s23+$0x20];
	v4 =	vadd.f32 v4, v39;
	v3 =	vmax.f32 v5, v3;
	v5 =	vmax.f32 v6, v60  }
0x2c0: {  	v2 =	vmul.f32 $1.442695020e+00, v2;
	v44 =	vmul.f32 $1.442695020e+00, v21  }
0x2c1: {  	(xrf2) =	vadd.scan.msk.f32 $0xffff, v4;
	v3 =	vmul.f32 v3, v9;
	v4 =	vmul.f32 v5, v8  }
0x2c2: {  	v2 =	vbroadcast v2, $0xF;
	v0 =	vadd.f32 v7, v0;
	v5, _, _ =	vpop (xrf2)  }
0x2c3: {  	v6 =	vbroadcast v44, $0xF;
	v3 =	vadd.f32 v4, v3;
	v4 =	vadd.f32 v62, v50;
	v7, _, _ =	vpop (xrf2)  }
0x2c4: {  	(erf) = vpow2.f32 v2;
	(xrf2) =	vadd.scan.msk.f32 $0xffff, v0;
	v0 =	vadd.f32 v61, v41;
	v2 =	vmul.f32 $1.442695020e+00, v7  }
0x2c5: {  	(erf) = vpow2.f32 v6;
	v6 =	vmul.f32 $2.000000030e-01, v4  }
0x2c6: {  	(xrf2) =	vadd.scan.msk.f32 $0xffff, v3;
	v3 =	vmul.f32 $2.000000030e-01, v0;
	v2 =	vbroadcast v2, $0xF  }
0x2c7: {  	v5 =	vmul.f32 $1.442695020e+00, v5  }
0x2c8: {  	v0 =	vmax.f32 v0, v3;
	v3 =	vmax.f32 v4, v6;
	(erf) = vpow2.f32 v2  }
0x2c9: {  	v0 =	vmul.f32 v0, v9;
	v3 =	vmul.f32 v3, v8  }
0x2ca: {  	v2, _, _ =	vpop (xrf2)  }
0x2cb: {  	v0 =	vadd.f32 v3, v0;
	v2 =	vmul.f32 $1.442695020e+00, v2  }
0x2cc: {  	v4 =	vbroadcast v5, $0xF;
	v5, _, _ =	vpop (xrf2)  }
0x2cd: {  	[tilespmem:v28+s21+$0x0] =	vst.idx.add.f32.msk $0x1, v35;
	v3 =	vmul.f32 $1.442695020e+00, v5;
	(xrf2) =	vadd.scan.msk.f32 $0xffff, v0;
	v2 =	vbroadcast v2, $0xF  }
0x2ce: {  	[tilespmem:v27+s21+$0x0] =	vst.idx.add.f32.msk $0x1, v36;
	v40 =	vpop (erf);
	(erf) = vpow2.f32 v4  }
0x2cf: {  	v28 =	vld [tilespmem:s20+$0xFFFFFFF0];
	v44 =	vpop (erf);
	(erf) = vpow2.f32 v2;
	v2 =	vbroadcast v3, $0xF  }
0x2d0: {  	v35 =	vld [tilespmem:s20+$0x60];
	v0, _, _ =	vpop (xrf2)  }
0x2d1: {  	s28 =	sadd.s32 $0x81, s3;
	v36 =	vld [tilespmem:s20+$0x70];
	v3, _, _ =	vpop (xrf2);
	(erf) = vpow2.f32 v2  }
0x2d2: {  	v39 =	vld [tilespmem:s20+$0xFFFFFFE0];
	v2 =	vmul.f32 $1.442695020e+00, v3;
	v3 =	vmov s28;
	v4 =	vpop (erf)  }
0x2d3: {  	v5 =	vld [tilespmem:s19+$0xFFFFFFE0];
	v6 =	vmul.f32 v4, v49  }
0x2d4: {  	v59 =	vld [tilespmem:s19+$0x60];
	v19 =	vmul.f32 v4, v47;
	v2 =	vbroadcast v2, $0xF  }
0x2d5: {  	v7 =	vld [tilespmem:s19+$0xFFFFFFF0];
	[tilespmem:s0+$0xA0] =	vst v6  }
0x2d6: {  	[tilespmem:s0+$0xB0] =	vst v19;
	(erf) = vpow2.f32 v2;
	v2 =	vld [tilespmem:s19+$0x70]  }
0x2d7: {  	[tilespmem:v3+s21+$0x0] =	vst.idx.add.f32.msk $0x1, v4;
	v4, _, _ =	vpop (xrf2)  }
0x2d8: {  	v47 =	vpop (erf);
	v3 =	vadd.f32 v5, v39;
	v57 =	vld [tilespmem:s1+$0xC0];
	v4 =	vmul.f32 $1.442695020e+00, v4  }
0x2d9: {  	s29 =	sor.u32 $0x1, s7;
	v6 =	vld [tilespmem:s23+$0xC0];
	v27 =	vpop (erf)  }
0x2da: {  	v5 =	vmov s29;
	v49 =	vld [tilespmem:s1+$0xD0];
	v21 =	vmul.f32 $2.000000030e-01, v3;
	v4 =	vbroadcast v4, $0xF;
	v60 =	vpop (erf)  }
0x2db: {  	v7 =	vadd.f32 v7, v28;
	v19 =	vld [tilespmem:s23+$0xD0];
	v45 =	vmul.f32 v60, v45;
	v46 =	vmul.f32 v60, v46  }
0x2dc: {  	v59 =	vadd.f32 v59, v35;
	v2 =	vadd.f32 v2, v36  }
0x2dd: {  	v3 =	vmax.f32 v3, v21;
	v21 =	vmul.f32 $2.000000030e-01, v7;
	(erf) = vpow2.f32 v4;
	[tilespmem:s0+$0xFFFFFF20] =	vst v45  }
0x2de: {  	s31 =	sadd.s32 $0x81, s9;
	v4 =	vmul.f32 $2.000000030e-01, v59;
	v3 =	vmul.f32 v3, v11;
	v6 =	vadd.f32 v6, v57;
	[tilespmem:s0+$0xFFFFFF30] =	vst v46  }
0x2df: {  	v45 =	vmov s31;
	[tilespmem:v5+s21+$0x0] =	vst.idx.add.f32.msk $0x1, v60;
	v5 =	vmax.f32 v7, v21;
	v7 =	vmul.f32 $2.000000030e-01, v2;
	v46 =	vpop (erf)  }
0x2e0: {  	v19 =	vadd.f32 v19, v49;
	v5 =	vmul.f32 v5, v15;
	v48 =	vmul.f32 v46, v48  }
0x2e1: {  	v58 =	vmul.f32 v46, v58;
	v2 =	vmax.f32 v2, v7;
	v7 =	vmul.f32 $2.000000030e-01, v6  }
0x2e2: {  	v4 =	vmax.f32 v59, v4;
	v21 =	vmul.f32 $2.000000030e-01, v19;
	v61 =	vld [tilespmem:s1+$0xFFFFFF40];
	[tilespmem:s0+$0xFFFFFFA0] =	vst v48  }
0x2e3: {  	v4 =	vmul.f32 v4, v11;
	v3 =	vadd.f32 v5, v3;
	[tilespmem:s0+$0xFFFFFFB0] =	vst v58;
	v5 =	vmax.f32 v6, v7;
	v7 =	vld [tilespmem:s1+$0xFFFFFF50]  }
0x2e4: {  	v2 =	vmul.f32 v2, v15;
	v6 =	vmax.f32 v19, v21;
	[tilespmem:v45+s21+$0x0] =	vst.idx.add.f32.msk $0x1, v46  }
0x2e5: {  	(xrf2) =	vadd.scan.msk.f32 $0xffff, v3;
	v3 =	vmul.f32 v5, v1;
	v5 =	vmul.f32 v6, v12;
	v6 =	vld [tilespmem:s23+$0xFFFFFF40]  }
0x2e6: {  	v2 =	vadd.f32 v2, v4;
	v4 =	vld [tilespmem:s23+$0xFFFFFF50]  }
0x2e7: {  	v60 =	vld [tilespmem:s1+$0xFFFFFFD0]  }
0x2e8: {  	v3 =	vadd.f32 v5, v3;
	v5 =	vld [tilespmem:s1+$0xFFFFFFC0]  }
0x2e9: {  	s4 =	sor.u32 $0x1, s24;
	(xrf2) =	vadd.scan.msk.f32 $0xffff, v2;
	v2 =	vld [tilespmem:s23+$0xFFFFFFC0]  }
0x2ea: {  	v45 =	vmov s4;
	v58 =	vpop (erf);
	(xrf2) =	vadd.scan.msk.f32 $0xffff, v3;
	v3 =	vld [tilespmem:s23+$0xFFFFFFD0]  }
0x2eb: {  	v0 =	vmul.f32 $1.442695020e+00, v0;
	v41 =	vmul.f32 v58, v41  }
0x2ec: {  	v59 =	vmul.f32 v58, v50;
	v6 =	vadd.f32 v6, v61;
	v4 =	vadd.f32 v4, v7  }
0x2ed: {  	v0 =	vbroadcast v0, $0xF;
	[tilespmem:s0+$0x20] =	vst v41  }
0x2ee: {  	[tilespmem:s0+$0x30] =	vst v59;
	v62 =	vmul.f32 $2.000000030e-01, v6;
	v21 =	vmul.f32 $2.000000030e-01, v4;
	v2 =	vadd.f32 v2, v5  }
0x2ef: {  	(erf) = vpow2.f32 v0;
	[tilespmem:v45+s21+$0x0] =	vst.idx.add.f32.msk $0x1, v58;
	v3 =	vadd.f32 v3, v60  }
0x2f0: {  	v58 =	vld [tilespmem:s1+$0x40];
	v6 =	vmax.f32 v6, v62;
	v4 =	vmax.f32 v4, v21;
	v62 =	vmul.f32 $2.000000030e-01, v2  }
0x2f1: {  	v59 =	vld [tilespmem:s1+$0x50];
	v19, _, _ =	vpop (xrf2);
	v6 =	vmul.f32 v6, v1;
	v4 =	vmul.f32 v4, v12  }
0x2f2: {  	v50 =	vld [tilespmem:s23+$0x40];
	v0 =	vmul.f32 $1.442695020e+00, v19;
	v19 =	vmul.f32 $2.000000030e-01, v3  }
0x2f3: {  	v2 =	vmax.f32 v2, v62;
	v21, _, _ =	vpop (xrf2);
	v4 =	vadd.f32 v4, v6;
	v6 =	vld [tilespmem:s23+$0x50]  }
0x2f4: {  	v46 =	vmul.f32 $1.442695020e+00, v21;
	v3 =	vmax.f32 v3, v19;
	v0 =	vbroadcast v0, $0xF  }
0x2f5: {  	v2 =	vmul.f32 v2, v1;
	v3 =	vmul.f32 v3, v12  }
0x2f6: {  	v48, _, _ =	vpop (xrf2);
	(erf) = vpow2.f32 v0;
	v0 =	vbroadcast v46, $0xF  }
0x2f7: {  	(xrf2) =	vadd.scan.msk.f32 $0xffff, v4;
	v41 =	vmul.f32 $1.442695020e+00, v48;
	v2 =	vadd.f32 v3, v2;
	v3 =	vmul.f32 v40, v52  }
0x2f8: {  	(erf) = vpow2.f32 v0;
	v0 =	vadd.f32 v50, v58;
	v6 =	vadd.f32 v6, v59  }
0x2f9: {  	v41 =	vbroadcast v41, $0xF  }
0x2fa: {  	(xrf2) =	vadd.scan.msk.f32 $0xffff, v2;
	[tilespmem:s10+$0xFFFFFF50] =	vst v3;
	v2 =	vmul.f32 $2.000000030e-01, v0;
	v3 =	vmul.f32 $2.000000030e-01, v6;
	_ =	sdelay $0x1  }
0x2fb: {  	(erf) = vpow2.f32 v41;
	v0 =	vmax.f32 v0, v2;
	v2 =	vmax.f32 v6, v3  }
0x2fc: {  	v4 =	vmul.f32 v40, v51;
	v2 =	vmul.f32 v2, v12  }
0x2fd: {  	v54 =	vmul.f32 v44, v54  }
0x2fe: {  	[tilespmem:s10+$0xFFFFFF40] =	vst v4;
	v4 =	vmul.f32 v44, v53;
	v0 =	vmul.f32 v0, v1  }
0x2ff: {  	[tilespmem:s10+$0xFFFFFFD0] =	vst v54  }
0x300: {  	[tilespmem:s10+$0xFFFFFFC0] =	vst v4;
	v0 =	vadd.f32 v2, v0;
	v2, _, _ =	vpop (xrf2)  }
0x301: {  	[tilespmem:v29+s21+$0x0] =	vst.idx.add.f32.msk $0x1, v40;
	v40 =	vpop (erf);
	v2 =	vmul.f32 $1.442695020e+00, v2  }
0x302: {  	[tilespmem:v30+s21+$0x0] =	vst.idx.add.f32.msk $0x1, v44;
	v41 =	vpop (erf);
	(xrf2) =	vadd.scan.msk.f32 $0xffff, v0  }
0x303: {  	v44 =	vld [tilespmem:s12+$0xFFFFFF60];
	v3 =	vmul.f32 v47, v55;
	v29 =	vpop (erf);
	v2 =	vbroadcast v2, $0xF  }
0x304: {  	s5 =	sadd.s32 $0x82, s3;
	v56 =	vmul.f32 v47, v56;
	v45 =	vld [tilespmem:s12+$0xFFFFFF70];
	v4 =	vpop (erf)  }
0x305: {  	v46 =	vld [tilespmem:s12+$0xFFFFFFE0];
	[tilespmem:s10+$0x50] =	vst v3;
	v3 =	vmov s5;
	v6, _, _ =	vpop (xrf2);
	(erf) = vpow2.f32 v2  }
0x306: {  	[tilespmem:s10+$0x40] =	vst v56;
	v54 =	vld [tilespmem:s11+$0xFFFFFFE0];
	v0 =	vmul.f32 v4, v57;
	v6 =	vmul.f32 $1.442695020e+00, v6  }
0x307: {  	[tilespmem:v31+s21+$0x0] =	vst.idx.add.f32.msk $0x1, v47;
	v62 =	vmul.f32 v4, v49  }
0x308: {  	v47 =	vld [tilespmem:s12+$0xFFFFFFF0];
	[tilespmem:s0+$0xC0] =	vst v0;
	v2 =	vbroadcast v6, $0xF  }
0x309: {  	v0 =	vld [tilespmem:s11+$0xFFFFFF60];
	[tilespmem:s0+$0xD0] =	vst v62  }
0x30a: {  	[tilespmem:v3+s21+$0x0] =	vst.idx.add.f32.msk $0x1, v4;
	(erf) = vpow2.f32 v2  }
0x30b: {  	v48 =	vld [tilespmem:s1+$0xE0]  }
0x30c: {  	v49 =	vld [tilespmem:s1+$0xF0];
	v6, _, _ =	vpop (xrf2)  }
0x30d: {  	s6 =	sor.u32 $0x2, s7;
	v2 =	vld [tilespmem:s23+$0xE0];
	v6 =	vmul.f32 $1.442695020e+00, v6  }
0x30e: {  	v19 =	vmov s6;
	v3 =	vld [tilespmem:s23+$0xF0];
	v21 =	vpop (erf)  }
0x30f: {  	v4 =	vld [tilespmem:s11+$0xFFFFFF70];
	v6 =	vbroadcast v6, $0xF;
	v57 =	vmul.f32 v21, v61  }
0x310: {  	v31 =	vld [tilespmem:s12+$0x60];
	v7 =	vmul.f32 v21, v7  }
0x311: {  	s8 =	sadd.s32 $0x82, s9;
	v30 =	vld [tilespmem:s12+$0x70];
	v0 =	vadd.f32 v0, v44;
	[tilespmem:s0+$0xFFFFFF40] =	vst v57  }
0x312: {  	v26 =	vmul.f32 v34, v26;
	v53 =	vmov s8;
	v2 =	vadd.f32 v2, v48;
	v61 =	vld [tilespmem:s11+$0xFFFFFFF0];
	[tilespmem:s0+$0xFFFFFF50] =	vst v7  }
0x313: {  	v3 =	vadd.f32 v3, v49;
	v52 =	vmul.f32 $2.000000030e-01, v0;
	(erf) = vpow2.f32 v6;
	v6 =	vpop (erf);
	[tilespmem:v19+s21+$0x0] =	vst.idx.add.f32.msk $0x1, v21  }
0x314: {  	v4 =	vadd.f32 v4, v45;
	v7 =	vmul.f32 $2.000000030e-01, v2;
	v5 =	vmul.f32 v6, v5;
	v21 =	vld [tilespmem:s11+$0x60]  }
0x315: {  	v62 =	vmul.f32 v6, v60;
	v19 =	vmul.f32 $2.000000030e-01, v3;
	v50 =	vld [tilespmem:s1+$0xFFFFFF60]  }
0x316: {  	v0 =	vmax.f32 v0, v52;
	v2 =	vmax.f32 v2, v7;
	v7 =	vmul.f32 $2.000000030e-01, v4;
	[tilespmem:s0+$0xFFFFFFC0] =	vst v5;
	v5 =	vld [tilespmem:s11+$0x70]  }
0x317: {  	v25 =	vmul.f32 v32, v25;
	v0 =	vmul.f32 v0, v11;
	[tilespmem:s0+$0xFFFFFFD0] =	vst v62;
	v3 =	vmax.f32 v3, v19;
	v62 =	vld [tilespmem:s23+$0xFFFFFF70]  }
0x318: {  	v2 =	vmul.f32 v2, v11;
	[tilespmem:v53+s21+$0x0] =	vst.idx.add.f32.msk $0x1, v6;
	v4 =	vmax.f32 v4, v7  }
0x319: {  	s12 =	sor.u32 $0x2, s24;
	v3 =	vmul.f32 v3, v15;
	v6 =	vadd.f32 v54, v46;
	v53 =	vld [tilespmem:s23+$0xFFFFFF60];
	v4 =	vmul.f32 v4, v15  }
0x31a: {  	v56 =	vmov s12;
	v7 =	vadd.f32 v61, v47;
	v54 =	vmul.f32 v33, v18;
	v18 =	vld [tilespmem:s1+$0xFFFFFF70]  }
0x31b: {  	v2 =	vadd.f32 v3, v2;
	v3 =	vmul.f32 $2.000000030e-01, v6;
	v0 =	vadd.f32 v4, v0  }
0x31c: {  	v51 =	vld [tilespmem:s1+$0xFFFFFFE0];
	v60 =	vmul.f32 $2.000000030e-01, v7;
	v4 =	vadd.f32 v21, v31;
	v61 =	vpop (erf);
	v5 =	vadd.f32 v5, v30  }
0x31d: {  	v52 =	vld [tilespmem:s1+$0xFFFFFFF0];
	v3 =	vmax.f32 v6, v3;
	v6 =	vmul.f32 v61, v58;
	v21 =	vmul.f32 v61, v59  }
0x31e: {  	(xrf2) =	vadd.scan.msk.f32 $0xffff, v2;
	v7 =	vmax.f32 v7, v60;
	v60 =	vld [tilespmem:s23+$0xFFFFFFF0];
	v2 =	vmul.f32 $2.000000030e-01, v4;
	v3 =	vmul.f32 v3, v11  }
0x31f: {  	v7 =	vmul.f32 v7, v15;
	v62 =	vadd.f32 v62, v18;
	[tilespmem:s0+$0x40] =	vst v6;
	v6 =	vadd.f32 v53, v50;
	v53 =	vld [tilespmem:s23+$0xFFFFFFE0]  }
0x320: {  	v59 =	vmul.f32 v33, v20;
	[tilespmem:s0+$0x50] =	vst v21;
	v2 =	vmax.f32 v4, v2;
	v4 =	vmul.f32 $2.000000030e-01, v5  }
0x321: {  	[tilespmem:v56+s21+$0x0] =	vst.idx.add.f32.msk $0x1, v61;
	v3 =	vadd.f32 v7, v3;
	v7 =	vmul.f32 $2.000000030e-01, v62;
	v61 =	vmul.f32 $2.000000030e-01, v6  }
0x322: {  	(xrf2) =	vadd.scan.msk.f32 $0xffff, v0;
	v0 =	vmul.f32 v2, v11;
	v4 =	vmax.f32 v5, v4;
	v5 =	vmul.f32 v34, v23  }
0x323: {  	[tilespmem:s17+$0xFFFFFF70] =	vst v59;
	v59 =	vld [tilespmem:s23+$0x60];
	v7 =	vmax.f32 v62, v7;
	v60 =	vadd.f32 v60, v52;
	v6 =	vmax.f32 v6, v61  }
0x324: {  	[tilespmem:s17+$0xFFFFFFE0] =	vst v26;
	v23 =	vld [tilespmem:s1+$0x60];
	v2 =	vmul.f32 v4, v15;
	v7 =	vmul.f32 v7, v15;
	v4 =	vadd.f32 v53, v51  }
0x325: {  	v6 =	vmul.f32 v6, v11;
	[tilespmem:s17+$0xFFFFFFF0] =	vst v5;
	v5 =	vmul.f32 v32, v24  }
0x326: {  	[tilespmem:s17+$0x60] =	vst v25;
	(xrf2) =	vadd.scan.msk.f32 $0xffff, v3;
	v3 =	vmul.f32 $2.000000030e-01, v60;
	v62 =	vmul.f32 $2.000000030e-01, v4  }
0x327: {  	[tilespmem:s17+$0xFFFFFF60] =	vst v54;
	v0 =	vadd.f32 v2, v0;
	v2 =	vadd.f32 v7, v6  }
0x328: {  	[tilespmem:s17+$0x70] =	vst v5;
	v3 =	vmax.f32 v60, v3;
	v5 =	vmul.f32 v40, v38;
	v4 =	vmax.f32 v4, v62  }
0x329: {  	(xrf2) =	vadd.scan.msk.f32 $0xffff, v0;
	v0 =	vadd.f32 v59, v23;
	v3 =	vmul.f32 v3, v15;
	v6, _, _ =	vpop (xrf2);
	v4 =	vmul.f32 v4, v11  }
0x32a: {  	[tilespmem:s18+$0xFFFFFF60] =	vst v5;
	v5 =	vmul.f32 v41, v39;
	v6 =	vmul.f32 $1.442695020e+00, v6  }
0x32b: {  	(xrf2) =	vadd.scan.msk.f32 $0xffff, v2;
	v2 =	vmul.f32 v40, v37;
	v3 =	vadd.f32 v3, v4;
	v4 =	vmul.f32 $2.000000030e-01, v0  }
0x32c: {  	[tilespmem:s18+$0xFFFFFFE0] =	vst v5;
	v5 =	vmul.f32 v29, v36;
	v6 =	vbroadcast v6, $0xF  }
0x32d: {  	[tilespmem:s18+$0xFFFFFF70] =	vst v2;
	v0 =	vmax.f32 v0, v4;
	v4 =	vmul.f32 v41, v28  }
0x32e: {  	[tilespmem:s18+$0x70] =	vst v5;
	(erf) = vpow2.f32 v6;
	v6 =	vmul.f32 v29, v35  }
0x32f: {  	[tilespmem:s18+$0xFFFFFFF0] =	vst v4  }
0x330: {  	[tilespmem:s18+$0x60] =	vst v6  }
0x331: {  	v5 =	vld [tilespmem:$0x1FF00];
	_ =	sdelay $0x1  }
0x332: {  	v57 =	vld [tilespmem:s1+$0x70]  }
0x333: {  	v61 =	vld [tilespmem:s23+$0x70]  }
0x334: {  	(xrf2) =	vadd.scan.msk.f32 $0xffff, v3;
	v3, _, _ =	vpop (xrf2)  }
0x335: {  	v3 =	vmul.f32 $1.442695020e+00, v3;
	_ =	sdelay $0x1  }
0x336: {  	v3 =	vbroadcast v3, $0xF  }
0x337: {  	v7 =	vadd.f32 v61, v57;
	[tilespmem:v5+s21+$0x0] =	vst.idx.add.f32.msk $0x1, v33  }
0x338: {  	(erf) = vpow2.f32 v3;
	v3 =	vld [tilespmem:$0x1FF10]  }
0x339: {  	v2 =	vmul.f32 $2.000000030e-01, v7;
	_ =	sdelay $0x1  }
0x33a: {  	v2 =	vmax.f32 v7, v2  }
0x33b: {  	v2 =	vmul.f32 v2, v15;
	v0 =	vmul.f32 v0, v11  }
0x33c: {  	s16 =	sadd.s32 $0x83, s13  }
0x33d: {  	v0 =	vadd.f32 v2, v0;
	v2 =	vmov s16  }
0x33e: {  	v5 =	vmul.f32 v27, v43;
	[tilespmem:v10+s21+$0x0] =	vst.idx.add.f32.msk $0x1, v17  }
0x33f: {  	[tilespmem:v3+s21+$0x0] =	vst.idx.add.f32.msk $0x1, v34;
	v3 =	vmul.f32 v27, v42  }
0x340: {  	[tilespmem:s10+$0xF0] =	vst v5  }
0x341: {  	[tilespmem:s10+$0xE0] =	vst v3  }
0x342: {  	[tilespmem:v2+s21+$0x0] =	vst.idx.add.f32.msk $0x1, v27  }
0x343: {  	v5 =	vld [tilespmem:$0x1FF30];
	_ =	sdelay $0x4  }
0x344: {  	v4, _, _ =	vpop (xrf2)  }
0x345: {  	(xrf2) =	vadd.scan.msk.f32 $0xffff, v0;
	v0, _, _ =	vpop (xrf2)  }
0x346: {  	v0 =	vmul.f32 $1.442695020e+00, v0;
	[tilespmem:v14+s21+$0x0] =	vst.idx.add.f32.msk $0x1, v41  }
0x347: {  	v4 =	vmul.f32 $1.442695020e+00, v4;
	[tilespmem:v5+s21+$0x0] =	vst.idx.add.f32.msk $0x1, v40  }
0x348: {  	v6, _, _ =	vpop (xrf2);
	v0 =	vbroadcast v0, $0xF;
	v5 =	vld [tilespmem:$0x1FF20]  }
0x349: {  	v4 =	vbroadcast v4, $0xF;
	v3 =	vmul.f32 $1.442695020e+00, v6;
	_ =	sdelay $0x1  }
0x34a: {  	(erf) = vpow2.f32 v4;
	v2 =	vbroadcast v3, $0xF  }
0x34b: {  	(erf) = vpow2.f32 v0;
	v0 =	vpop (erf)  }
0x34c: {  	s17 =	sadd.s32 $0x83, s3;
	v3, _, _ =	vpop (xrf2);
	(erf) = vpow2.f32 v2;
	v2 =	vmul.f32 v0, v48  }
0x34d: {  	v4 =	vmov s17;
	v3 =	vmul.f32 $1.442695020e+00, v3;
	_ =	sdelay $0x1  }
0x34e: {  	v3 =	vbroadcast v3, $0xF;
	[tilespmem:v5+s21+$0x0] =	vst.idx.add.f32.msk $0x1, v32;
	v5 =	vmul.f32 v0, v49  }
0x34f: {  	[tilespmem:s0+$0xE0] =	vst v2;
	v2 =	vpop (erf)  }
0x350: {  	(erf) = vpow2.f32 v3;
	v3 =	vmul.f32 v2, v44;
	[tilespmem:s0+$0xF0] =	vst v5  }
0x351: {  	[tilespmem:v4+s21+$0x0] =	vst.idx.add.f32.msk $0x1, v0;
	v0 =	vmul.f32 v2, v45  }
0x352: {  	[tilespmem:s10+$0xFFFFFF60] =	vst v3  }
0x353: {  	[tilespmem:s10+$0xFFFFFF70] =	vst v0  }
0x354: {  	v5 =	vld [tilespmem:$0x1FF60];
	_ =	sdelay $0x4  }
0x355: {  	v3 =	vpop (erf)  }
0x356: {  	v4, _, _ =	vpop (xrf2)  }
0x357: {  	v4 =	vmul.f32 $1.442695020e+00, v4;
	v0 =	vmul.f32 v3, v46  }
0x358: {  	[tilespmem:v5+s21+$0x0] =	vst.idx.add.f32.msk $0x1, v2;
	v2 =	vmul.f32 v3, v47  }
0x359: {  	v4 =	vbroadcast v4, $0xF;
	[tilespmem:s10+$0xFFFFFFE0] =	vst v0  }
0x35a: {  	[tilespmem:s10+$0xFFFFFFF0] =	vst v2  }
0x35b: {  	(erf) = vpow2.f32 v4;
	v4 =	vld [tilespmem:$0x1FF70];
	_ =	sdelay $0x5  }
0x35c: {  	v5 =	vpop (erf)  }
0x35d: {  	s18 =	sor.u32 $0x3, s7;
	v2 =	vpop (erf)  }
0x35e: {  	v0 =	vmov s18;
	[tilespmem:v4+s21+$0x0] =	vst.idx.add.f32.msk $0x1, v3;
	v3 =	vmul.f32 v2, v50;
	_ =	sdelay $0x1  }
0x35f: {  	v4 =	vmul.f32 v2, v18  }
0x360: {  	[tilespmem:s0+$0xFFFFFF60] =	vst v3  }
0x361: {  	s19 =	sadd.s32 $0x83, s9;
	[tilespmem:s0+$0xFFFFFF70] =	vst v4;
	v3 =	vpop (erf)  }
0x362: {  	v6 =	vmov s19;
	[tilespmem:v0+s21+$0x0] =	vst.idx.add.f32.msk $0x1, v2;
	v0 =	vmul.f32 v3, v52;
	_ =	sdelay $0x1  }
0x363: {  	v4 =	vmul.f32 v3, v51;
	[tilespmem:s0+$0xFFFFFFF0] =	vst v0;
	v0 =	vmul.f32 v5, v31  }
0x364: {  	[tilespmem:v16+s21+$0x0] =	vst.idx.add.f32.msk $0x1, v29  }
0x365: {  	[tilespmem:s0+$0xFFFFFFE0] =	vst v4  }
0x366: {  	s20 =	sor.u32 $0x3, s24;
	v2 =	vmul.f32 v5, v30;
	[tilespmem:v6+s21+$0x0] =	vst.idx.add.f32.msk $0x1, v3  }
0x367: {  	v3 =	vmov s20;
	[tilespmem:s10+$0x60] =	vst v0;
	v0 =	vpop (erf)  }
0x368: {  	[tilespmem:s10+$0x70] =	vst v2;
	v2 =	vmul.f32 v0, v23  }
0x369: {  	[tilespmem:v22+s21+$0x0] =	vst.idx.add.f32.msk $0x1, v5;
	v4 =	vmul.f32 v0, v57  }
0x36a: {  	[tilespmem:s0+$0x60] =	vst v2  }
0x36b: {  	[tilespmem:s0+$0x70] =	vst v4  }
0x36c: {  	s28 =	simm.s32 $0x19F40;
	s24 =	simm.s32 $0x14CC0;
	s23 =	rddreg [dreg:$0x2];
	[tilespmem:v3+s21+$0x0] =	vst.idx.add.f32.msk $0x1, v0  }
0x36d: {  	[spmem:s23] =	stream.indirect.scatter.add.f32 [tilespmem:s28], [sflag:$0x3], $0x80, s24, s26, $0xb8;
	[tilespmem:$0x1EFC0] =	vst v63  }
0x36e: {  	_ =	swait.ge [sflag:s22], $0x2800  }
0x36f: {  	[sflag:s22] =	ssyncset.done $0x0  }
0x370: {  	[sflag:s22] =	ssyncadd.s32 $0xFFFFD800  }
0x371: {  	s31 =	simm.s32 $0x14EC0;
	s29 =	rddreg [dreg:$0x3]  }
0x372: {  	[spmem:s29] =	stream.indirect.scatter.add.f32 [tilespmem:s21], [sflag:$0x3], $0x80, s31, s26, $0xb8;
	[tilespmem:$0x1EFC0] =	vst v63  }
0x373: {  	_ =	swait.ge [sflag:s22], $0x2800  }
0x374: {  	v7 =	vmov v9;
	v9 =	vmov v15;
	v6 =	vmov v11;
	[sflag:s22] =	ssyncset.done $0x0  }
0x375: {  	s1 =	simm.s32 $0x200;
	v5 =	vmovc v13;
	s0 =	simm.s32 $0x0;
	v0 =	vimm.f32 $0.0e+00;
	v3 =	vmovc v1;
	v2 =	vmov v8;
	v4 =	vmov v12;
	[sflag:s22] =	ssyncadd.s32 $0xFFFFD800  }
.LBB2_9:
0x376: {  	p4 =	sne.s32 s1, $0x9E00;
	[tilespmem:s0+$0x1C7B0] =	vst v0  }
0x377: {  	[tilespmem:s0+$0x1C740] =	vst v0  }
0x378: {  	[tilespmem:s0+$0x1C750] =	vst v0  }
.Ltmp3:
0x379: {  	[tilespmem:s0+$0x1C760] =	vst v0;
	(pc) =	sbr.rel @p4 .LBB2_9-.Ltmp3, $4  }
0x37a: {  	[tilespmem:s0+$0x1C770] =	vst v0  }
0x37b: {  	[tilespmem:s0+$0x1C780] =	vst v0  }
0x37c: {  	[tilespmem:s0+$0x1C790] =	vst v0  }
0x37d: {  	[tilespmem:s0+$0x1C7A0] =	vst v0;
	s0 =	sshra.s32 s1, $0x2;
	s1 =	sadd.s32 $0x200, s1  }
0x37e: {  	[tilespmem:s0+$0x1C7B0] =	vst v0  }
0x37f: {  	[tilespmem:s0+$0x1C740] =	vst v0;
	s15 =	sadd.s32 $0x1, s15  }
0x380: {  	[tilespmem:s0+$0x1C750] =	vst v0;
	p4 =	sne.s32 s15, $0x7D  }
.Ltmp4:
0x381: {  	[tilespmem:s0+$0x1C760] =	vst v0;
	(pc) =	sbr.rel @p4 .LBB2_6-.Ltmp4, $4  }
0x382: {  	[tilespmem:s0+$0x1C770] =	vst v0  }
0x383: {  	[tilespmem:s0+$0x1C780] =	vst v0  }
0x384: {  	[tilespmem:s0+$0x1C790] =	vst v0  }
0x385: {  	[tilespmem:s0+$0x1C7A0] =	vst v0  }
0x386: {  	[bflag:$0x0] =	sbarrier.arrive $0xFFFF  }
0x387: {  	s1 =	rddreg [dreg:$0x11]  }
0x388: {  	s0 =	simm.s32 @p1 $0x1FC3;
	s2 =	rddreg [dreg:$0x18]  }
0x389: {  	[hbm:s1], [sflag:s0] =	dma.local @p1 [spmem:s2], $0x1900  }
0x38a: {  	s0 =	simm.s32 @p1 $0x3  }
0x38b: {  	_ =	swait.ge @p1 [sflag:s0], $0x1900  }
0x38c: {  	[sflag:s0] =	ssyncset.done @p1 $0x0  }
0x38d: {  	[sflag:s0] =	ssyncadd.s32 @p1 $0xFFFFE700  }
0x38e: {  	s0 =	rddreg [dreg:$0x3]  }
0x38f: {  	s1 =	simm.s32 @!p3 $0x1C03;
	s2 =	rddreg [dreg:$0x12];
	s0 =	sshrl.u32 @!p3 s0, $0x3  }
0x390: {  	[hbm:s2], [sflag:s1] =	dma.local @!p3 [spmem:s0], $0x2780  }
0x391: {  	s0 =	simm.s32 @!p3 $0x3  }
0x392: {  	_ =	swait.ge @!p3 [sflag:s0], $0x2780  }
0x393: {  	s1 =	rddreg [dreg:$0x16]  }
0x394: {  	[sflag:s0] =	ssyncset.done @!p3 $0x0;
	s2 =	rddreg [dreg:$0x17]  }
0x395: {  	[sflag:s0] =	ssyncadd.s32 @!p3 $0xFFFFD880;
	s0 =	rddreg [dreg:$0x13]  }
0x396: {  	[hbm:s0], [sflag:s1] =	dma.local @!p1 [spmem:s2], $0x2800  }
0x397: {  	s0 =	simm.s32 @!p1 $0x3  }
0x398: {  	_ =	swait.ge @!p1 [sflag:s0], $0x2800  }
0x399: {  	s29 =	rddreg [dreg:$0x15]  }
0x39a: {  	s31 =	rddreg [dreg:$0x14];
	s2 =	sadd.s32 $0x1, s29  }
0x39b: {  	p4 =	sne.s32 s2, s31  }
.Ltmp5:
0x39c: {  	_ = 	snop;
	(pc) =	sbr.rel @p4 .LBB2_1-.Ltmp5, $3  }
0x39d: {  	_ =	sdelay $0x1  }
0x39e: {  	[sflag:s0] =	ssyncset.done @!p1 $0x0  }
0x39f: {  	[sflag:s0] =	ssyncadd.s32 @!p1 $0xFFFFD800  }
0x3a0: {  	_ =	sfence.sel $0x180000  }
0x3a1: {  	[bflag:$0x0] =	sbarrier.arrive $0xFFFF  }
0x3a2: {  	_ =	strace $0x90000047  }
0x3a3: {  	s0 =	stileid.u32;
	[bflag:$0x2] =	sbarrier.arrive $0xFFFF  }
0x3a4: {  	p0 =	sne.s32 s0, $0x0;
	s0 =	rddreg [dreg:$0x4]  }
0x3a5: {  	s0 =	sadd.s32 @!p0 $0x100000, s0  }
0x3a6: {  	[sflag:s0] =	ssyncadd.tile.s32 @!p0 $0x1;
	_ =	shalt  }
.Lfunc_end2:
_tile_overlayer_lowered:
.L_overlay_start_2:
0x3a7: {  	(tag) =	ssettag $0x2  }
0x3a8: {  	s0 =	rddreg [dreg:$0x0];
	s2 =	stileid.u32  }
0x3a9: {  	s1 =	rddreg [dreg:$0x1];
	p0 =	sne.s32 s2, $0x0  }
0x3aa: {  	s3 =	rddreg [dreg:$0x2];
	[bflag:$0x3] =	sbarrier.arrive $0xFFFF;
	s2 =	simm.s32 @!p0 $0x1C03  }
0x3ab: {  	[timem:s3], [sflag:s2] =	dma.local @!p0 [hbm:s0], s1  }
0x3ac: {  	s0 =	simm.s32 @!p0 $0x3  }
0x3ad: {  	_ =	swait.ge @!p0 [sflag:s0], s1  }
0x3ae: {  	s1 =	ssub.s32 @!p0 $0x0, s1;
	[sflag:s0] =	ssyncset.done @!p0 $0x0  }
0x3af: {  	[sflag:s0] =	ssyncadd.s32 @!p0 s1  }
0x3b0: {  	[bflag:$0x3] =	sbarrier.arrive $0xFFFF  }
0x3b1: {  	_ =	shalt  }

</sc_bundles>
